<compile_context>
chip_gen: v7x
topology: tpu7x:2x2x1
jax: 0.10.2.dev20260603
libtpu: 0.0.44.dev20260713+nightly
codegen_flags: <defaults>
</compile_context>

<pallas_src>
import jax
import jax.numpy as jnp
from jax import lax
from jax.experimental import pallas as pl
from jax.experimental.pallas import tpu as pltpu
from jax.experimental.pallas import tpu_sc as plsc

NC = 2
NS = 16
L = 16

CH = 512
F32 = jnp.float32
BN = 2048


def _mesh():
    return plsc.VectorSubcoreMesh(
        core_axis_name="c", subcore_axis_name="s", num_cores=NC, num_subcores=NS
    )



def _make_deg_kernel(n_pad, e_pad):
    e_half = e_pad // NC
    rows_per_tile_e = e_half // NS // CH
    n_groups = rows_per_tile_e
    rpt = n_pad // NS

    def body(dst2d, out, idx_v, ones_v, buf, acc, sem):
        c = lax.axis_index("c")
        s = lax.axis_index("s")
        row0 = s * rpt

        @pl.loop(0, CH // L)
        def _ones(j):
            ones_v[pl.ds(j * L, L)] = jnp.ones((L,), F32)

        @pl.loop(0, rpt // L)
        def _zero(i):
            buf[pl.ds(i * L, L)] = jnp.zeros((L,), F32)

        pltpu.sync_copy(buf, acc.at[pl.ds(row0, rpt)])
        plsc.subcore_barrier()

        tile_erow0 = c * (e_half // CH) + s * rows_per_tile_e

        @pl.loop(0, n_groups)
        def _grp(g):
            pltpu.sync_copy(dst2d.at[tile_erow0 + g], idx_v)
            pltpu.async_copy(ones_v, acc.at[idx_v], sem, add=True).wait()

        plsc.subcore_barrier()
        pltpu.sync_copy(acc.at[pl.ds(row0, rpt)], buf)
        pltpu.sync_copy(buf, out.at[c, pl.ds(row0, rpt)])

    return pl.kernel(
        body,
        out_type=jax.ShapeDtypeStruct((NC, n_pad), F32),
        mesh=_mesh(),
        compiler_params=pltpu.CompilerParams(use_tc_tiling_on_sc=False),
        scratch_types=[
            pltpu.VMEM((CH,), jnp.int32),
            pltpu.VMEM((CH,), F32),
            pltpu.VMEM((rpt,), F32),
            pltpu.VMEM_SHARED((n_pad,), F32),
            pltpu.SemaphoreType.DMA,
        ],
    )


def _make_agg_kernel(n_pad, e_pad, n_tables, w):
    split_edges = n_tables == 1
    e_per_sc = e_pad // NC if split_edges else e_pad
    rows_per_tile_e = e_per_sc // NS // CH
    n_groups = rows_per_tile_e
    rpt = n_pad // NS
    assert n_groups % 2 == 0

    bufr = rpt // 14

    def body(table, src2d, dst2d, *rest):
        if w == L:
            (out, idxs0, idxd0, idxs1, idxd1, rows0, rows1, buf, acc,
             semg0, semg1, sems0, sems1) = rest
        else:
            (zer, out, idxs0, idxd0, idxs1, idxd1, rows0, rows1, buf, acc,
             semg0, semg1, sems0, sems1) = rest
        c = lax.axis_index("c")
        s = lax.axis_index("s")
        row0 = s * rpt

        if w == L:
            @pl.loop(0, bufr)
            def _zf(i):
                buf[i, :] = jnp.zeros((L,), F32)

            @pl.loop(0, rpt // bufr)
            def _zacc(i):
                pltpu.sync_copy(buf, acc.at[pl.ds(row0 + i * bufr, bufr)])
        else:
            @pl.loop(0, rpt // bufr)
            def _zacc(i):
                pltpu.sync_copy(zer.at[pl.ds(row0 + i * bufr, bufr)], buf)
                pltpu.sync_copy(buf, acc.at[pl.ds(row0 + i * bufr, bufr)])

        plsc.subcore_barrier()

        if split_edges:
            tile_erow0 = c * (e_per_sc // CH) + s * rows_per_tile_e
        else:
            tile_erow0 = s * rows_per_tile_e
        off = None if split_edges else c * n_pad

        def load_idx(er, ixs, ixd):
            pltpu.sync_copy(src2d.at[er], ixs)
            pltpu.sync_copy(dst2d.at[er], ixd)
            if off is not None:
                for t in range(CH // L):
                    ixs[pl.ds(t * L, L)] = ixs[pl.ds(t * L, L)] + off

        load_idx(tile_erow0, idxs0, idxd0)
        pltpu.async_copy(table.at[idxs0], rows0, semg0)

        @pl.loop(0, n_groups // 2)
        def _grp(i):
            g = 2 * i
            load_idx(tile_erow0 + g + 1, idxs1, idxd1)

            @pl.when(i > 0)
            def _():
                pltpu.make_async_copy(rows1, acc.at[idxd1], sems1).wait()

            pltpu.make_async_copy(table.at[idxs0], rows0, semg0).wait()
            pltpu.async_copy(rows0, acc.at[idxd0], sems0, add=True)
            pltpu.async_copy(table.at[idxs1], rows1, semg1)

            pltpu.make_async_copy(rows0, acc.at[idxd0], sems0).wait()

            @pl.when(g + 2 < n_groups)
            def _():
                load_idx(tile_erow0 + g + 2, idxs0, idxd0)
                pltpu.async_copy(table.at[idxs0], rows0, semg0)

            pltpu.make_async_copy(table.at[idxs1], rows1, semg1).wait()
            pltpu.async_copy(rows1, acc.at[idxd1], sems1, add=True)

        pltpu.make_async_copy(rows1, acc.at[idxd1], sems1).wait()
        plsc.subcore_barrier()

        @pl.loop(0, rpt // bufr)
        def _wr(i):
            pltpu.sync_copy(acc.at[pl.ds(row0 + i * bufr, bufr)], buf)
            pltpu.sync_copy(buf, out.at[c, pl.ds(row0 + i * bufr, bufr)])

    return pl.kernel(
        body,
        out_type=jax.ShapeDtypeStruct((NC, n_pad, w), F32),
        mesh=_mesh(),
        compiler_params=pltpu.CompilerParams(use_tc_tiling_on_sc=False),
        scratch_types=[
            pltpu.VMEM((CH,), jnp.int32),
            pltpu.VMEM((CH,), jnp.int32),
            pltpu.VMEM((CH,), jnp.int32),
            pltpu.VMEM((CH,), jnp.int32),
            pltpu.VMEM((CH, w), F32),
            pltpu.VMEM((CH, w), F32),
            pltpu.VMEM((rpt // 14, w), F32),
            pltpu.VMEM_SHARED((n_pad, w), F32),
            pltpu.SemaphoreType.DMA,
            pltpu.SemaphoreType.DMA,
            pltpu.SemaphoreType.DMA,
            pltpu.SemaphoreType.DMA,
        ],
    )



def _tc_dinv(d_parts):

    def body(d_ref, o_ref):
        o_ref[...] = lax.rsqrt(d_ref[0] + d_ref[1] + 1.0)

    r = d_parts.shape[1]
    return pl.pallas_call(
        body,
        out_shape=jax.ShapeDtypeStruct((r, 128), F32),
    )(d_parts)


def _bc(d, w):
    return jnp.broadcast_to(d, (d.shape[0], w))


def _tc_scale(h_pad, dinv_col):
    n_pad, w = h_pad.shape

    def body(h_ref, d_ref, o_ref):
        o_ref[...] = h_ref[...] * _bc(d_ref[...], w)

    return pl.pallas_call(
        body,
        grid=(n_pad // BN,),
        in_specs=[
            pl.BlockSpec((BN, w), lambda i: (i, 0)),
            pl.BlockSpec((BN, 1), lambda i: (i, 0)),
        ],
        out_specs=pl.BlockSpec((BN, w), lambda i: (i, 0)),
        out_shape=jax.ShapeDtypeStruct((n_pad, w), F32),
    )(h_pad, dinv_col)


def _tc_layer1(agg1, g1, dinv_col, w1p, b1):
    n_pad, w = g1.shape

    def body(a_ref, g_ref, d_ref, w_ref, b_ref, g2_ref):
        d = d_ref[...]
        ah = _bc(d, w) * (a_ref[0] + a_ref[1] + g_ref[...])
        h1 = jnp.dot(ah, w_ref[...], preferred_element_type=F32) + b_ref[...]
        g2 = jnp.maximum(h1, 0.0) * _bc(d, 32)
        g2_ref[0] = g2[:, :L]
        g2_ref[1] = g2[:, L:]

    return pl.pallas_call(
        body,
        grid=(n_pad // BN,),
        in_specs=[
            pl.BlockSpec((NC, BN, w), lambda i: (0, i, 0)),
            pl.BlockSpec((BN, w), lambda i: (i, 0)),
            pl.BlockSpec((BN, 1), lambda i: (i, 0)),
            pl.BlockSpec((w, 32), lambda i: (0, 0)),
            pl.BlockSpec((1, 32), lambda i: (0, 0)),
        ],
        out_specs=pl.BlockSpec((NC, BN, L), lambda i: (0, i, 0)),
        out_shape=jax.ShapeDtypeStruct((NC, n_pad, L), F32),
    )(agg1, g1, dinv_col, w1p, b1)


def _tc_layer23(agg2, g2s, dinv_col, w2, b2, w3, w_out):
    n_pad = agg2.shape[1]

    def body(a_ref, g2_ref, d_ref, w2_ref, b2_ref, w3_ref, g3_ref):
        d = d_ref[...]
        s2 = jnp.concatenate([a_ref[0], a_ref[1]], axis=1)
        g2 = jnp.concatenate([g2_ref[0], g2_ref[1]], axis=1)
        ah2 = _bc(d, 32) * (s2 + g2)
        h2 = jnp.dot(ah2, w2_ref[...], preferred_element_type=F32) + b2_ref[...]
        h2 = jnp.maximum(h2, 0.0)
        z = jnp.dot(h2, w3_ref[...], preferred_element_type=F32)
        col = lax.broadcasted_iota(jnp.int32, (BN, w_out), 1)
        g3_ref[...] = jnp.where(col == 0, z * d, 0.0)

    return pl.pallas_call(
        body,
        grid=(n_pad // BN,),
        in_specs=[
            pl.BlockSpec((NC, BN, L), lambda i: (0, i, 0)),
            pl.BlockSpec((NC, BN, L), lambda i: (0, i, 0)),
            pl.BlockSpec((BN, 1), lambda i: (i, 0)),
            pl.BlockSpec((32, 32), lambda i: (0, 0)),
            pl.BlockSpec((1, 32), lambda i: (0, 0)),
            pl.BlockSpec((32, 1), lambda i: (0, 0)),
        ],
        out_specs=pl.BlockSpec((BN, w_out), lambda i: (i, 0)),
        out_shape=jax.ShapeDtypeStruct((n_pad, w_out), F32),
    )(agg2, g2s, dinv_col, w2, b2, w3)


def _tc_final(agg3, g3, dinv_col, b3):
    n_pad, w = g3.shape

    def body(a_ref, g_ref, d_ref, b_ref, o_ref):
        f = d_ref[...] * (a_ref[0, :, :1] + a_ref[1, :, :1] + g_ref[:, :1])
        o_ref[...] = f + b_ref[0, 0]

    return pl.pallas_call(
        body,
        grid=(n_pad // BN,),
        in_specs=[
            pl.BlockSpec((NC, BN, w), lambda i: (0, i, 0)),
            pl.BlockSpec((BN, w), lambda i: (i, 0)),
            pl.BlockSpec((BN, 1), lambda i: (i, 0)),
            pl.BlockSpec((1, 1), lambda i: (0, 0)),
        ],
        out_specs=pl.BlockSpec((BN, 1), lambda i: (i, 0)),
        out_shape=jax.ShapeDtypeStruct((n_pad, 1), F32),
    )(agg3, g3, dinv_col, b3)



def kernel(x, y1, edge_index, W1, b1, W2, b2, W3, b3):
    n = x.shape[0]
    e = edge_index.shape[1]
    w_small = 8

    e_align = NC * NS * CH * 2
    e_pad = ((e + e_align - 1) // e_align) * e_align
    n_align = BN
    n_pad = ((n + 1 + n_align - 1) // n_align) * n_align

    src = edge_index[0].astype(jnp.int32)
    dst = edge_index[1].astype(jnp.int32)
    src2d = jnp.pad(src, (0, e_pad - e), constant_values=n).reshape(e_pad // CH, CH)
    dst2d = jnp.pad(dst, (0, e_pad - e), constant_values=n).reshape(e_pad // CH, CH)

    zeros_w = jnp.zeros((n_pad, w_small), F32)

    deg_parts = _make_deg_kernel(n_pad, e_pad)(dst2d)
    dinv = _tc_dinv(deg_parts.reshape(NC, n_pad // 128, 128))
    dinv_col = dinv.reshape(n_pad, 1)

    h = jnp.concatenate([x, y1.reshape(-1, 1)], axis=1)
    h_pad = jnp.pad(h, ((0, n_pad - n), (0, w_small - h.shape[1])))
    g1 = _tc_scale(h_pad, dinv_col)
    agg1 = _make_agg_kernel(n_pad, e_pad, 1, w_small)(g1, src2d, dst2d, zeros_w)

    w1p = jnp.pad(W1, ((0, w_small - W1.shape[0]), (0, 0)))
    g2s = _tc_layer1(agg1, g1, dinv_col, w1p, b1.reshape(1, 32))

    agg2 = _make_agg_kernel(n_pad, e_pad, 2, L)(
        g2s.reshape(NC * n_pad, L), src2d, dst2d
    )
    g3 = _tc_layer23(agg2, g2s, dinv_col, W2, b2.reshape(1, 32), W3, w_small)

    agg3 = _make_agg_kernel(n_pad, e_pad, 1, w_small)(g3, src2d, dst2d, zeros_w)
    f = _tc_final(agg3, g3, dinv_col, b3.reshape(1, 1))
    return f[:n, 0]

# --- scband reference (transcript-rebuilt; emitter-appended) ---
"""Pipeline reference for scband-net-11390253269708 (READ-ONLY COPY).

The authoritative reference and input builder live on the scoring server;
editing this copy changes nothing except your own understanding.
"""

import jax, jax.numpy as jnp
import numpy as np

N_NODES = 100000
N_EDGES = 1600000


def glorot(key, shape):
    fan_in, fan_out = shape[0], shape[1]
    limit = float(np.sqrt(6.0 / (fan_in + fan_out)))
    return jax.random.uniform(key, shape, dtype=jnp.float32, minval=-limit, maxval=limit)


def setup_inputs(seed: int = 0) -> dict:
    key = jax.random.key(seed)
    ks = jax.random.split(key, 10)
    x = jax.random.normal(ks[0], (N_NODES, 2), dtype=jnp.float32)
    y1 = jax.random.normal(ks[1], (N_NODES,), dtype=jnp.float32)
    edge_index = jax.random.randint(ks[2], (2, N_EDGES), 0, N_NODES, dtype=jnp.int64) if jax.config.jax_enable_x64 else jax.random.randint(ks[2], (2, N_EDGES), 0, N_NODES, dtype=jnp.int32)
    W1 = glorot(ks[3], (3, 32))
    b1 = jnp.zeros((32,), dtype=jnp.float32)
    W2 = glorot(ks[4], (32, 32))
    b2 = jnp.zeros((32,), dtype=jnp.float32)
    W3 = glorot(ks[5], (32, 1))
    b3 = jnp.zeros((1,), dtype=jnp.float32)
    return {"x": x, "y1": y1, "edge_index": edge_index,
            "W1": W1, "b1": b1, "W2": W2, "b2": b2, "W3": W3, "b3": b3}


def _gcn_conv(h, W, b, src, dst, norm, n_nodes):
    # h' = D^{-1/2} (A + I) D^{-1/2} (h W) + b   (PyG GCNConv semantics)
    hw = h @ W
    msg = jnp.take(hw, src, axis=0) * norm[:, None]
    out = jax.ops.segment_sum(msg, dst, num_segments=n_nodes)
    return out + b


def reference(x, y1, edge_index, W1, b1, W2, b2, W3, b3):
    n_nodes = x.shape[0]
    # concat node features with y1
    h = jnp.concatenate([x, y1.reshape(-1, 1)], axis=1)
    # add self loops once; same normalized adjacency reused for all three convs
    loop = jnp.arange(n_nodes, dtype=edge_index.dtype)
    src = jnp.concatenate([edge_index[0], loop])
    dst = jnp.concatenate([edge_index[1], loop])
    deg = jax.ops.segment_sum(jnp.ones_like(dst, dtype=jnp.float32), dst, num_segments=n_nodes)
    deg_inv_sqrt = jnp.where(deg > 0, jax.lax.rsqrt(jnp.maximum(deg, 1e-12)), 0.0)
    norm = jnp.take(deg_inv_sqrt, src) * jnp.take(deg_inv_sqrt, dst)
    h = _gcn_conv(h, W1, b1, src, dst, norm, n_nodes)
    h = jax.nn.relu(h)
    h = _gcn_conv(h, W2, b2, src, dst, norm, n_nodes)
    h = jax.nn.relu(h)
    h = _gcn_conv(h, W3, b3, src, dst, norm, n_nodes)
    return h.reshape(-1)

if __name__ == "__main__":
    import jax
    _d = setup_inputs()
    print(jax.jit(kernel)(*tuple(_d.values())))

</pallas_src>

<mosaic_0001>
#map = affine_map<(d0, d1) -> (0, 0)>
module attributes {stable_mosaic.version = 14 : i64} {
  func.func @body(%arg0: i32, %arg1: i32, %arg2: memref<3136x512xi32, #tpu.memory_space<hbm>>, %arg3: memref<2x100352xf32, #tpu.memory_space<hbm>>, %arg4: memref<512xi32, #tpu.memory_space<vmem>>, %arg5: memref<512xf32, #tpu.memory_space<vmem>>, %arg6: memref<6272xf32, #tpu.memory_space<vmem>>, %arg7: memref<100352xf32, #tpu.memory_space<vmem_shared>>, %arg8: memref<!tpu.dma_semaphore, #tpu.memory_space<semaphore_mem>>) attributes {dimension_semantics = [#tpu.dimension_semantics<core_parallel>, #tpu.dimension_semantics<subcore_parallel>], iteration_bounds = array<i64: 2, 16>, scalar_prefetch = 0 : i64, scratch_operands = 5 : i64, tpu.core_type = #tpu.core_type<sc_vector_subcore>, window_params = [{transform_indices = #map}, {transform_indices = #map}]} {
    %mul3A = arith.constant 6272 : i32
    %mul3A_0 = arith.muli %arg1, %mul3A : i32
    %scan3A = arith.constant 0 : i32
    %scan3A_1 = arith.constant 32 : i32
    %scan3A_2 = arith.addi %scan3A, %scan3A_1 : i32
    %scan3A_3 = arith.constant 1 : i32
    scf.for %scan3A_20 = %scan3A to %scan3A_2 step %scan3A_3  : i32 {
      %mul3A_21 = arith.constant 1 : i32
      %mul3A_22 = arith.muli %scan3A_20, %mul3A_21 : i32
      %add3A_23 = arith.constant 0 : i32
      %add3A_24 = arith.addi %add3A_23, %mul3A_22 : i32
      %broadcast_in_dim3A = arith.constant 1.000000e+00 : f32
      %broadcast_in_dim3A_25 = vector.broadcast %broadcast_in_dim3A : f32 to vector<16xf32>
      %mul3A_26 = arith.constant 16 : i32
      %mul3A_27 = arith.muli %add3A_24, %mul3A_26 : i32
      %swap3A = arith.index_cast %mul3A_27 : i32 to index
      %swap3A_28 = tpu.vector_load %arg5[%swap3A] {strides = array<i32>} : memref<512xf32, #tpu.memory_space<vmem>>, vector<16xf32>,
      %swap3A_29 = vector.shape_cast %swap3A_28 : vector<16xf32> to vector<16xf32>
      %swap3A_30 = vector.shape_cast %broadcast_in_dim3A_25 : vector<16xf32> to vector<16xf32>
      tpu.vector_store %arg5[%swap3A], %swap3A_30 {strides = array<i32>} : memref<512xf32, #tpu.memory_space<vmem>>, vector<16xf32>,
    }
    %scan3A_4 = arith.constant 32 : i32
    %scan3A_5 = arith.constant 0 : i32
    %scan3A_6 = arith.constant 392 : i32
    %scan3A_7 = arith.addi %scan3A_5, %scan3A_6 : i32
    %scan3A_8 = arith.constant 1 : i32
    scf.for %scan3A_20 = %scan3A_5 to %scan3A_7 step %scan3A_8  : i32 {
      %mul3A_21 = arith.constant 1 : i32
      %mul3A_22 = arith.muli %scan3A_20, %mul3A_21 : i32
      %add3A_23 = arith.constant 0 : i32
      %add3A_24 = arith.addi %add3A_23, %mul3A_22 : i32
      %broadcast_in_dim3A = arith.constant 0.000000e+00 : f32
      %broadcast_in_dim3A_25 = vector.broadcast %broadcast_in_dim3A : f32 to vector<16xf32>
      %mul3A_26 = arith.constant 16 : i32
      %mul3A_27 = arith.muli %add3A_24, %mul3A_26 : i32
      %swap3A = arith.index_cast %mul3A_27 : i32 to index
      %swap3A_28 = tpu.vector_load %arg6[%swap3A] {strides = array<i32>} : memref<6272xf32, #tpu.memory_space<vmem>>, vector<16xf32>,
      %swap3A_29 = vector.shape_cast %swap3A_28 : vector<16xf32> to vector<16xf32>
      %swap3A_30 = vector.shape_cast %broadcast_in_dim3A_25 : vector<16xf32> to vector<16xf32>
      tpu.vector_store %arg6[%swap3A], %swap3A_30 {strides = array<i32>} : memref<6272xf32, #tpu.memory_space<vmem>>, vector<16xf32>,
    }
    %scan3A_9 = arith.constant 392 : i32
    "tpu.region"() ({
      %run_scoped3A = tpu.sem_alloc : memref<!tpu.dma_semaphore, #tpu.memory_space<semaphore_mem>>
      %dma_start3A = tpu.memref_slice %arg7[%mul3A_0] : memref<100352xf32, #tpu.memory_space<vmem_shared>> -> memref<6272xf32, #tpu.memory_space<vmem_shared>>
      %dma_start3A_20 = tpu.memref_slice %arg7[%mul3A_0] : memref<100352xf32, #tpu.memory_space<vmem_shared>> -> memref<6272xf32, #tpu.memory_space<vmem_shared>>
      tpu.enqueue_dma source(%arg6 : memref<6272xf32, #tpu.memory_space<vmem>>) target(%dma_start3A_20 : memref<6272xf32, #tpu.memory_space<vmem_shared>>) target_semaphore(%run_scoped3A : memref<!tpu.dma_semaphore, #tpu.memory_space<semaphore_mem>>)
      %dma_wait3A = tpu.memref_slice %arg7[%mul3A_0] : memref<100352xf32, #tpu.memory_space<vmem_shared>> -> memref<6272xf32, #tpu.memory_space<vmem_shared>>
      %dma_wait3A_21 = tpu.memref_slice %arg7[%mul3A_0] : memref<100352xf32, #tpu.memory_space<vmem_shared>> -> memref<6272xf32, #tpu.memory_space<vmem_shared>>
      tpu.wait_dma2 semaphore(%run_scoped3A : memref<!tpu.dma_semaphore, #tpu.memory_space<semaphore_mem>>) src(%arg6 : memref<6272xf32, #tpu.memory_space<vmem>>) dst(%dma_wait3A_21 : memref<6272xf32, #tpu.memory_space<vmem_shared>>)
      tpu.yield
    }) : () -> ()
    %barrier3A = arith.constant 0 : index
    tpu.barrier barrier_id(%barrier3A)
    %mul3A_10 = arith.constant 1568 : i32
    %mul3A_11 = arith.muli %arg0, %mul3A_10 : i32
    %mul3A_12 = arith.constant 98 : i32
    %mul3A_13 = arith.muli %arg1, %mul3A_12 : i32
    %add3A = arith.addi %mul3A_11, %mul3A_13 : i32
    %scan3A_14 = arith.constant 0 : i32
    %scan3A_15 = arith.constant 98 : i32
    %scan3A_16 = arith.addi %scan3A_14, %scan3A_15 : i32
    %scan3A_17 = arith.constant 1 : i32
    scf.for %scan3A_20 = %scan3A_14 to %scan3A_16 step %scan3A_17  : i32 {
      %mul3A_21 = arith.constant 1 : i32
      %mul3A_22 = arith.muli %scan3A_20, %mul3A_21 : i32
      %add3A_23 = arith.constant 0 : i32
      %add3A_24 = arith.addi %add3A_23, %mul3A_22 : i32
      %add3A_25 = arith.addi %add3A, %add3A_24 : i32
      "tpu.region"() ({
        %run_scoped3A = tpu.sem_alloc : memref<!tpu.dma_semaphore, #tpu.memory_space<semaphore_mem>>
        %dma_start3A_28 = arith.constant 0 : i32
        %dma_start3A_29 = tpu.memref_slice %arg2[%add3A_25, %dma_start3A_28] : memref<3136x512xi32, #tpu.memory_space<hbm>> -> memref<1x512xi32, #tpu.memory_space<hbm>>
        %dma_start3A_30 = tpu.memref_squeeze %dma_start3A_29 : memref<1x512xi32, #tpu.memory_space<hbm>> -> memref<512xi32, #tpu.memory_space<hbm>>
        %dma_start3A_31 = arith.constant 0 : i32
        %dma_start3A_32 = tpu.memref_slice %arg2[%add3A_25, %dma_start3A_31] : memref<3136x512xi32, #tpu.memory_space<hbm>> -> memref<1x512xi32, #tpu.memory_space<hbm>>
        %dma_start3A_33 = tpu.memref_squeeze %dma_start3A_32 : memref<1x512xi32, #tpu.memory_space<hbm>> -> memref<512xi32, #tpu.memory_space<hbm>>
        tpu.enqueue_dma source(%dma_start3A_33 : memref<512xi32, #tpu.memory_space<hbm>>) target(%arg4 : memref<512xi32, #tpu.memory_space<vmem>>) target_semaphore(%run_scoped3A : memref<!tpu.dma_semaphore, #tpu.memory_space<semaphore_mem>>)
        %dma_wait3A_34 = arith.constant 0 : i32
        %dma_wait3A_35 = tpu.memref_slice %arg2[%add3A_25, %dma_wait3A_34] : memref<3136x512xi32, #tpu.memory_space<hbm>> -> memref<1x512xi32, #tpu.memory_space<hbm>>
        %dma_wait3A_36 = tpu.memref_squeeze %dma_wait3A_35 : memref<1x512xi32, #tpu.memory_space<hbm>> -> memref<512xi32, #tpu.memory_space<hbm>>
        %dma_wait3A_37 = arith.constant 0 : i32
        %dma_wait3A_38 = tpu.memref_slice %arg2[%add3A_25, %dma_wait3A_37] : memref<3136x512xi32, #tpu.memory_space<hbm>> -> memref<1x512xi32, #tpu.memory_space<hbm>>
        %dma_wait3A_39 = tpu.memref_squeeze %dma_wait3A_38 : memref<1x512xi32, #tpu.memory_space<hbm>> -> memref<512xi32, #tpu.memory_space<hbm>>
        tpu.wait_dma2 semaphore(%run_scoped3A : memref<!tpu.dma_semaphore, #tpu.memory_space<semaphore_mem>>) src(%dma_wait3A_39 : memref<512xi32, #tpu.memory_space<hbm>>) dst(%arg4 : memref<512xi32, #tpu.memory_space<vmem>>)
        tpu.yield
      }) : () -> ()
      %dma_start3A = arith.constant 0 : i32
      %dma_start3A_26 = tpu.memref_slice %arg7[%dma_start3A] : memref<100352xf32, #tpu.memory_space<vmem_shared>> -> memref<100352xf32, #tpu.memory_space<vmem_shared>>
      tpu.enqueue_indirect_dma source(%arg5 : memref<512xf32, #tpu.memory_space<vmem>>) target(%dma_start3A_26 : memref<100352xf32, #tpu.memory_space<vmem_shared>>) offsets(%arg4 : memref<512xi32, #tpu.memory_space<vmem>>) semaphore(%arg8 : memref<!tpu.dma_semaphore, #tpu.memory_space<semaphore_mem>>) {add = true}
      %dma_wait3A = arith.constant 0 : i32
      %dma_wait3A_27 = tpu.memref_slice %arg7[%dma_wait3A] : memref<100352xf32, #tpu.memory_space<vmem_shared>> -> memref<100352xf32, #tpu.memory_space<vmem_shared>>
      tpu.wait_indirect_dma semaphore(%arg8 : memref<!tpu.dma_semaphore, #tpu.memory_space<semaphore_mem>>) src(%arg5 : memref<512xf32, #tpu.memory_space<vmem>>) dst(%dma_wait3A_27 : memref<100352xf32, #tpu.memory_space<vmem_shared>>)
    }
    %scan3A_18 = arith.constant 98 : i32
    %barrier3A_19 = arith.constant 0 : index
    tpu.barrier barrier_id(%barrier3A_19)
    "tpu.region"() ({
      %run_scoped3A = tpu.sem_alloc : memref<!tpu.dma_semaphore, #tpu.memory_space<semaphore_mem>>
      %dma_start3A = tpu.memref_slice %arg7[%mul3A_0] : memref<100352xf32, #tpu.memory_space<vmem_shared>> -> memref<6272xf32, #tpu.memory_space<vmem_shared>>
      %dma_start3A_20 = tpu.memref_slice %arg7[%mul3A_0] : memref<100352xf32, #tpu.memory_space<vmem_shared>> -> memref<6272xf32, #tpu.memory_space<vmem_shared>>
      tpu.enqueue_dma source(%dma_start3A_20 : memref<6272xf32, #tpu.memory_space<vmem_shared>>) target(%arg6 : memref<6272xf32, #tpu.memory_space<vmem>>) target_semaphore(%run_scoped3A : memref<!tpu.dma_semaphore, #tpu.memory_space<semaphore_mem>>)
      %dma_wait3A = tpu.memref_slice %arg7[%mul3A_0] : memref<100352xf32, #tpu.memory_space<vmem_shared>> -> memref<6272xf32, #tpu.memory_space<vmem_shared>>
      %dma_wait3A_21 = tpu.memref_slice %arg7[%mul3A_0] : memref<100352xf32, #tpu.memory_space<vmem_shared>> -> memref<6272xf32, #tpu.memory_space<vmem_shared>>
      tpu.wait_dma2 semaphore(%run_scoped3A : memref<!tpu.dma_semaphore, #tpu.memory_space<semaphore_mem>>) src(%dma_wait3A_21 : memref<6272xf32, #tpu.memory_space<vmem_shared>>) dst(%arg6 : memref<6272xf32, #tpu.memory_space<vmem>>)
      tpu.yield
    }) : () -> ()
    "tpu.region"() ({
      %run_scoped3A = tpu.sem_alloc : memref<!tpu.dma_semaphore, #tpu.memory_space<semaphore_mem>>
      %dma_start3A = tpu.memref_slice %arg3[%arg0, %mul3A_0] : memref<2x100352xf32, #tpu.memory_space<hbm>> -> memref<1x6272xf32, #tpu.memory_space<hbm>>
      %dma_start3A_20 = tpu.memref_squeeze %dma_start3A : memref<1x6272xf32, #tpu.memory_space<hbm>> -> memref<6272xf32, #tpu.memory_space<hbm>>
      %dma_start3A_21 = tpu.memref_slice %arg3[%arg0, %mul3A_0] : memref<2x100352xf32, #tpu.memory_space<hbm>> -> memref<1x6272xf32, #tpu.memory_space<hbm>>
      %dma_start3A_22 = tpu.memref_squeeze %dma_start3A_21 : memref<1x6272xf32, #tpu.memory_space<hbm>> -> memref<6272xf32, #tpu.memory_space<hbm>>
      tpu.enqueue_dma source(%arg6 : memref<6272xf32, #tpu.memory_space<vmem>>) target(%dma_start3A_22 : memref<6272xf32, #tpu.memory_space<hbm>>) target_semaphore(%run_scoped3A : memref<!tpu.dma_semaphore, #tpu.memory_space<semaphore_mem>>)
      %dma_wait3A = tpu.memref_slice %arg3[%arg0, %mul3A_0] : memref<2x100352xf32, #tpu.memory_space<hbm>> -> memref<1x6272xf32, #tpu.memory_space<hbm>>
      %dma_wait3A_23 = tpu.memref_squeeze %dma_wait3A : memref<1x6272xf32, #tpu.memory_space<hbm>> -> memref<6272xf32, #tpu.memory_space<hbm>>
      %dma_wait3A_24 = tpu.memref_slice %arg3[%arg0, %mul3A_0] : memref<2x100352xf32, #tpu.memory_space<hbm>> -> memref<1x6272xf32, #tpu.memory_space<hbm>>
      %dma_wait3A_25 = tpu.memref_squeeze %dma_wait3A_24 : memref<1x6272xf32, #tpu.memory_space<hbm>> -> memref<6272xf32, #tpu.memory_space<hbm>>
      tpu.wait_dma2 semaphore(%run_scoped3A : memref<!tpu.dma_semaphore, #tpu.memory_space<semaphore_mem>>) src(%arg6 : memref<6272xf32, #tpu.memory_space<vmem>>) dst(%dma_wait3A_25 : memref<6272xf32, #tpu.memory_space<hbm>>)
      tpu.yield
    }) : () -> ()
    return
  }
}

#map = affine_map<(d0, d1) -> (0, 0)>
#map1 = affine_map<(d0, d1) -> (0, 0, 0)>
module attributes {stable_mosaic.version = 14 : i64} {
  func.func @body(%arg0: i32, %arg1: i32, %arg2: memref<100352x8xf32, #tpu.memory_space<hbm>>, %arg3: memref<3136x512xi32, #tpu.memory_space<hbm>>, %arg4: memref<3136x512xi32, #tpu.memory_space<hbm>>, %arg5: memref<100352x8xf32, #tpu.memory_space<hbm>>, %arg6: memref<2x100352x8xf32, #tpu.memory_space<hbm>>, %arg7: memref<512xi32, #tpu.memory_space<vmem>>, %arg8: memref<512xi32, #tpu.memory_space<vmem>>, %arg9: memref<512xi32, #tpu.memory_space<vmem>>, %arg10: memref<512xi32, #tpu.memory_space<vmem>>, %arg11: memref<512x8xf32, #tpu.memory_space<vmem>>, %arg12: memref<512x8xf32, #tpu.memory_space<vmem>>, %arg13: memref<448x8xf32, #tpu.memory_space<vmem>>, %arg14: memref<100352x8xf32, #tpu.memory_space<vmem_shared>>, %arg15: memref<!tpu.dma_semaphore, #tpu.memory_space<semaphore_mem>>, %arg16: memref<!tpu.dma_semaphore, #tpu.memory_space<semaphore_mem>>, %arg17: memref<!tpu.dma_semaphore, #tpu.memory_space<semaphore_mem>>, %arg18: memref<!tpu.dma_semaphore, #tpu.memory_space<semaphore_mem>>) attributes {dimension_semantics = [#tpu.dimension_semantics<core_parallel>, #tpu.dimension_semantics<subcore_parallel>], iteration_bounds = array<i64: 2, 16>, scalar_prefetch = 0 : i64, scratch_operands = 12 : i64, tpu.core_type = #tpu.core_type<sc_vector_subcore>, window_params = [{transform_indices = #map}, {transform_indices = #map}, {transform_indices = #map}, {transform_indices = #map}, {transform_indices = #map1}]} {
    %mul3A = arith.constant 6272 : i32
    %mul3A_0 = arith.muli %arg1, %mul3A : i32
    %scan3A = arith.constant 0 : i32
    %scan3A_1 = arith.constant 14 : i32
    %scan3A_2 = arith.addi %scan3A, %scan3A_1 : i32
    %scan3A_3 = arith.constant 1 : i32
    scf.for %scan3A_24 = %scan3A to %scan3A_2 step %scan3A_3  : i32 {
      %mul3A_25 = arith.constant 1 : i32
      %mul3A_26 = arith.muli %scan3A_24, %mul3A_25 : i32
      %add3A_27 = arith.constant 0 : i32
      %add3A_28 = arith.addi %add3A_27, %mul3A_26 : i32
      %mul3A_29 = arith.constant 448 : i32
      %mul3A_30 = arith.muli %add3A_28, %mul3A_29 : i32
      %add3A_31 = arith.addi %mul3A_0, %mul3A_30 : i32
      "tpu.region"() ({
        %run_scoped3A = tpu.sem_alloc : memref<!tpu.dma_semaphore, #tpu.memory_space<semaphore_mem>>
        %dma_start3A_35 = arith.constant 0 : i32
        %dma_start3A_36 = tpu.memref_slice %arg5[%add3A_31, %dma_start3A_35] : memref<100352x8xf32, #tpu.memory_space<hbm>> -> memref<448x8xf32, #tpu.memory_space<hbm>>
        %dma_start3A_37 = arith.constant 0 : i32
        %dma_start3A_38 = tpu.memref_slice %arg5[%add3A_31, %dma_start3A_37] : memref<100352x8xf32, #tpu.memory_space<hbm>> -> memref<448x8xf32, #tpu.memory_space<hbm>>
        tpu.enqueue_dma source(%dma_start3A_38 : memref<448x8xf32, #tpu.memory_space<hbm>>) target(%arg13 : memref<448x8xf32, #tpu.memory_space<vmem>>) target_semaphore(%run_scoped3A : memref<!tpu.dma_semaphore, #tpu.memory_space<semaphore_mem>>)
        %dma_wait3A_39 = arith.constant 0 : i32
        %dma_wait3A_40 = tpu.memref_slice %arg5[%add3A_31, %dma_wait3A_39] : memref<100352x8xf32, #tpu.memory_space<hbm>> -> memref<448x8xf32, #tpu.memory_space<hbm>>
        %dma_wait3A_41 = arith.constant 0 : i32
        %dma_wait3A_42 = tpu.memref_slice %arg5[%add3A_31, %dma_wait3A_41] : memref<100352x8xf32, #tpu.memory_space<hbm>> -> memref<448x8xf32, #tpu.memory_space<hbm>>
        tpu.wait_dma2 semaphore(%run_scoped3A : memref<!tpu.dma_semaphore, #tpu.memory_space<semaphore_mem>>) src(%dma_wait3A_42 : memref<448x8xf32, #tpu.memory_space<hbm>>) dst(%arg13 : memref<448x8xf32, #tpu.memory_space<vmem>>)
        tpu.yield
      }) : () -> ()
      %mul3A_32 = arith.constant 448 : i32
      %mul3A_33 = arith.muli %add3A_28, %mul3A_32 : i32
      %add3A_34 = arith.addi %mul3A_0, %mul3A_33 : i32
      "tpu.region"() ({
        %run_scoped3A = tpu.sem_alloc : memref<!tpu.dma_semaphore, #tpu.memory_space<semaphore_mem>>
        %dma_start3A_35 = arith.constant 0 : i32
        %dma_start3A_36 = tpu.memref_slice %arg14[%add3A_34, %dma_start3A_35] : memref<100352x8xf32, #tpu.memory_space<vmem_shared>> -> memref<448x8xf32, #tpu.memory_space<vmem_shared>>
        %dma_start3A_37 = arith.constant 0 : i32
        %dma_start3A_38 = tpu.memref_slice %arg14[%add3A_34, %dma_start3A_37] : memref<100352x8xf32, #tpu.memory_space<vmem_shared>> -> memref<448x8xf32, #tpu.memory_space<vmem_shared>>
        tpu.enqueue_dma source(%arg13 : memref<448x8xf32, #tpu.memory_space<vmem>>) target(%dma_start3A_38 : memref<448x8xf32, #tpu.memory_space<vmem_shared>>) target_semaphore(%run_scoped3A : memref<!tpu.dma_semaphore, #tpu.memory_space<semaphore_mem>>)
        %dma_wait3A_39 = arith.constant 0 : i32
        %dma_wait3A_40 = tpu.memref_slice %arg14[%add3A_34, %dma_wait3A_39] : memref<100352x8xf32, #tpu.memory_space<vmem_shared>> -> memref<448x8xf32, #tpu.memory_space<vmem_shared>>
        %dma_wait3A_41 = arith.constant 0 : i32
        %dma_wait3A_42 = tpu.memref_slice %arg14[%add3A_34, %dma_wait3A_41] : memref<100352x8xf32, #tpu.memory_space<vmem_shared>> -> memref<448x8xf32, #tpu.memory_space<vmem_shared>>
        tpu.wait_dma2 semaphore(%run_scoped3A : memref<!tpu.dma_semaphore, #tpu.memory_space<semaphore_mem>>) src(%arg13 : memref<448x8xf32, #tpu.memory_space<vmem>>) dst(%dma_wait3A_42 : memref<448x8xf32, #tpu.memory_space<vmem_shared>>)
        tpu.yield
      }) : () -> ()
    }
    %scan3A_4 = arith.constant 14 : i32
    %barrier3A = arith.constant 0 : index
    tpu.barrier barrier_id(%barrier3A)
    %mul3A_5 = arith.constant 1568 : i32
    %mul3A_6 = arith.muli %arg0, %mul3A_5 : i32
    %mul3A_7 = arith.constant 98 : i32
    %mul3A_8 = arith.muli %arg1, %mul3A_7 : i32
    %add3A = arith.addi %mul3A_6, %mul3A_8 : i32
    "tpu.region"() ({
      %run_scoped3A = tpu.sem_alloc : memref<!tpu.dma_semaphore, #tpu.memory_space<semaphore_mem>>
      %dma_start3A_24 = arith.constant 0 : i32
      %dma_start3A_25 = tpu.memref_slice %arg3[%add3A, %dma_start3A_24] : memref<3136x512xi32, #tpu.memory_space<hbm>> -> memref<1x512xi32, #tpu.memory_space<hbm>>
      %dma_start3A_26 = tpu.memref_squeeze %dma_start3A_25 : memref<1x512xi32, #tpu.memory_space<hbm>> -> memref<512xi32, #tpu.memory_space<hbm>>
      %dma_start3A_27 = arith.constant 0 : i32
      %dma_start3A_28 = tpu.memref_slice %arg3[%add3A, %dma_start3A_27] : memref<3136x512xi32, #tpu.memory_space<hbm>> -> memref<1x512xi32, #tpu.memory_space<hbm>>
      %dma_start3A_29 = tpu.memref_squeeze %dma_start3A_28 : memref<1x512xi32, #tpu.memory_space<hbm>> -> memref<512xi32, #tpu.memory_space<hbm>>
      tpu.enqueue_dma source(%dma_start3A_29 : memref<512xi32, #tpu.memory_space<hbm>>) target(%arg7 : memref<512xi32, #tpu.memory_space<vmem>>) target_semaphore(%run_scoped3A : memref<!tpu.dma_semaphore, #tpu.memory_space<semaphore_mem>>)
      %dma_wait3A_30 = arith.constant 0 : i32
      %dma_wait3A_31 = tpu.memref_slice %arg3[%add3A, %dma_wait3A_30] : memref<3136x512xi32, #tpu.memory_space<hbm>> -> memref<1x512xi32, #tpu.memory_space<hbm>>
      %dma_wait3A_32 = tpu.memref_squeeze %dma_wait3A_31 : memref<1x512xi32, #tpu.memory_space<hbm>> -> memref<512xi32, #tpu.memory_space<hbm>>
      %dma_wait3A_33 = arith.constant 0 : i32
      %dma_wait3A_34 = tpu.memref_slice %arg3[%add3A, %dma_wait3A_33] : memref<3136x512xi32, #tpu.memory_space<hbm>> -> memref<1x512xi32, #tpu.memory_space<hbm>>
      %dma_wait3A_35 = tpu.memref_squeeze %dma_wait3A_34 : memref<1x512xi32, #tpu.memory_space<hbm>> -> memref<512xi32, #tpu.memory_space<hbm>>
      tpu.wait_dma2 semaphore(%run_scoped3A : memref<!tpu.dma_semaphore, #tpu.memory_space<semaphore_mem>>) src(%dma_wait3A_35 : memref<512xi32, #tpu.memory_space<hbm>>) dst(%arg7 : memref<512xi32, #tpu.memory_space<vmem>>)
      tpu.yield
    }) : () -> ()
    "tpu.region"() ({
      %run_scoped3A = tpu.sem_alloc : memref<!tpu.dma_semaphore, #tpu.memory_space<semaphore_mem>>
      %dma_start3A_24 = arith.constant 0 : i32
      %dma_start3A_25 = tpu.memref_slice %arg4[%add3A, %dma_start3A_24] : memref<3136x512xi32, #tpu.memory_space<hbm>> -> memref<1x512xi32, #tpu.memory_space<hbm>>
      %dma_start3A_26 = tpu.memref_squeeze %dma_start3A_25 : memref<1x512xi32, #tpu.memory_space<hbm>> -> memref<512xi32, #tpu.memory_space<hbm>>
      %dma_start3A_27 = arith.constant 0 : i32
      %dma_start3A_28 = tpu.memref_slice %arg4[%add3A, %dma_start3A_27] : memref<3136x512xi32, #tpu.memory_space<hbm>> -> memref<1x512xi32, #tpu.memory_space<hbm>>
      %dma_start3A_29 = tpu.memref_squeeze %dma_start3A_28 : memref<1x512xi32, #tpu.memory_space<hbm>> -> memref<512xi32, #tpu.memory_space<hbm>>
      tpu.enqueue_dma source(%dma_start3A_29 : memref<512xi32, #tpu.memory_space<hbm>>) target(%arg8 : memref<512xi32, #tpu.memory_space<vmem>>) target_semaphore(%run_scoped3A : memref<!tpu.dma_semaphore, #tpu.memory_space<semaphore_mem>>)
      %dma_wait3A_30 = arith.constant 0 : i32
      %dma_wait3A_31 = tpu.memref_slice %arg4[%add3A, %dma_wait3A_30] : memref<3136x512xi32, #tpu.memory_space<hbm>> -> memref<1x512xi32, #tpu.memory_space<hbm>>
      %dma_wait3A_32 = tpu.memref_squeeze %dma_wait3A_31 : memref<1x512xi32, #tpu.memory_space<hbm>> -> memref<512xi32, #tpu.memory_space<hbm>>
      %dma_wait3A_33 = arith.constant 0 : i32
      %dma_wait3A_34 = tpu.memref_slice %arg4[%add3A, %dma_wait3A_33] : memref<3136x512xi32, #tpu.memory_space<hbm>> -> memref<1x512xi32, #tpu.memory_space<hbm>>
      %dma_wait3A_35 = tpu.memref_squeeze %dma_wait3A_34 : memref<1x512xi32, #tpu.memory_space<hbm>> -> memref<512xi32, #tpu.memory_space<hbm>>
      tpu.wait_dma2 semaphore(%run_scoped3A : memref<!tpu.dma_semaphore, #tpu.memory_space<semaphore_mem>>) src(%dma_wait3A_35 : memref<512xi32, #tpu.memory_space<hbm>>) dst(%arg8 : memref<512xi32, #tpu.memory_space<vmem>>)
      tpu.yield
    }) : () -> ()
    %dma_start3A = arith.constant 0 : i32
    %dma_start3A_9 = arith.constant 0 : i32
    %dma_start3A_10 = tpu.memref_slice %arg2[%dma_start3A, %dma_start3A_9] : memref<100352x8xf32, #tpu.memory_space<hbm>> -> memref<100352x8xf32, #tpu.memory_space<hbm>>
    tpu.enqueue_indirect_dma source(%dma_start3A_10 : memref<100352x8xf32, #tpu.memory_space<hbm>>) target(%arg11 : memref<512x8xf32, #tpu.memory_space<vmem>>) offsets(%arg7 : memref<512xi32, #tpu.memory_space<vmem>>) semaphore(%arg15 : memref<!tpu.dma_semaphore, #tpu.memory_space<semaphore_mem>>)
    %scan3A_11 = arith.constant 0 : i32
    %scan3A_12 = arith.constant 49 : i32
    %scan3A_13 = arith.addi %scan3A_11, %scan3A_12 : i32
    %scan3A_14 = arith.constant 1 : i32
    scf.for %scan3A_24 = %scan3A_11 to %scan3A_13 step %scan3A_14  : i32 {
      %mul3A_25 = arith.constant 1 : i32
      %mul3A_26 = arith.muli %scan3A_24, %mul3A_25 : i32
      %add3A_27 = arith.constant 0 : i32
      %add3A_28 = arith.addi %add3A_27, %mul3A_26 : i32
      %mul3A_29 = arith.constant 2 : i32
      %mul3A_30 = arith.muli %mul3A_29, %add3A_28 : i32
      %add3A_31 = arith.addi %add3A, %mul3A_30 : i32
      %add3A_32 = arith.constant 1 : i32
      %add3A_33 = arith.addi %add3A_31, %add3A_32 : i32
      "tpu.region"() ({
        %run_scoped3A = tpu.sem_alloc : memref<!tpu.dma_semaphore, #tpu.memory_space<semaphore_mem>>
        %dma_start3A_60 = arith.constant 0 : i32
        %dma_start3A_61 = tpu.memref_slice %arg3[%add3A_33, %dma_start3A_60] : memref<3136x512xi32, #tpu.memory_space<hbm>> -> memref<1x512xi32, #tpu.memory_space<hbm>>
        %dma_start3A_62 = tpu.memref_squeeze %dma_start3A_61 : memref<1x512xi32, #tpu.memory_space<hbm>> -> memref<512xi32, #tpu.memory_space<hbm>>
        %dma_start3A_63 = arith.constant 0 : i32
        %dma_start3A_64 = tpu.memref_slice %arg3[%add3A_33, %dma_start3A_63] : memref<3136x512xi32, #tpu.memory_space<hbm>> -> memref<1x512xi32, #tpu.memory_space<hbm>>
        %dma_start3A_65 = tpu.memref_squeeze %dma_start3A_64 : memref<1x512xi32, #tpu.memory_space<hbm>> -> memref<512xi32, #tpu.memory_space<hbm>>
        tpu.enqueue_dma source(%dma_start3A_65 : memref<512xi32, #tpu.memory_space<hbm>>) target(%arg9 : memref<512xi32, #tpu.memory_space<vmem>>) target_semaphore(%run_scoped3A : memref<!tpu.dma_semaphore, #tpu.memory_space<semaphore_mem>>)
        %dma_wait3A_66 = arith.constant 0 : i32
        %dma_wait3A_67 = tpu.memref_slice %arg3[%add3A_33, %dma_wait3A_66] : memref<3136x512xi32, #tpu.memory_space<hbm>> -> memref<1x512xi32, #tpu.memory_space<hbm>>
        %dma_wait3A_68 = tpu.memref_squeeze %dma_wait3A_67 : memref<1x512xi32, #tpu.memory_space<hbm>> -> memref<512xi32, #tpu.memory_space<hbm>>
        %dma_wait3A_69 = arith.constant 0 : i32
        %dma_wait3A_70 = tpu.memref_slice %arg3[%add3A_33, %dma_wait3A_69] : memref<3136x512xi32, #tpu.memory_space<hbm>> -> memref<1x512xi32, #tpu.memory_space<hbm>>
        %dma_wait3A_71 = tpu.memref_squeeze %dma_wait3A_70 : memref<1x512xi32, #tpu.memory_space<hbm>> -> memref<512xi32, #tpu.memory_space<hbm>>
        tpu.wait_dma2 semaphore(%run_scoped3A : memref<!tpu.dma_semaphore, #tpu.memory_space<semaphore_mem>>) src(%dma_wait3A_71 : memref<512xi32, #tpu.memory_space<hbm>>) dst(%arg9 : memref<512xi32, #tpu.memory_space<vmem>>)
        tpu.yield
      }) : () -> ()
      "tpu.region"() ({
        %run_scoped3A = tpu.sem_alloc : memref<!tpu.dma_semaphore, #tpu.memory_space<semaphore_mem>>
        %dma_start3A_60 = arith.constant 0 : i32
        %dma_start3A_61 = tpu.memref_slice %arg4[%add3A_33, %dma_start3A_60] : memref<3136x512xi32, #tpu.memory_space<hbm>> -> memref<1x512xi32, #tpu.memory_space<hbm>>
        %dma_start3A_62 = tpu.memref_squeeze %dma_start3A_61 : memref<1x512xi32, #tpu.memory_space<hbm>> -> memref<512xi32, #tpu.memory_space<hbm>>
        %dma_start3A_63 = arith.constant 0 : i32
        %dma_start3A_64 = tpu.memref_slice %arg4[%add3A_33, %dma_start3A_63] : memref<3136x512xi32, #tpu.memory_space<hbm>> -> memref<1x512xi32, #tpu.memory_space<hbm>>
        %dma_start3A_65 = tpu.memref_squeeze %dma_start3A_64 : memref<1x512xi32, #tpu.memory_space<hbm>> -> memref<512xi32, #tpu.memory_space<hbm>>
        tpu.enqueue_dma source(%dma_start3A_65 : memref<512xi32, #tpu.memory_space<hbm>>) target(%arg10 : memref<512xi32, #tpu.memory_space<vmem>>) target_semaphore(%run_scoped3A : memref<!tpu.dma_semaphore, #tpu.memory_space<semaphore_mem>>)
        %dma_wait3A_66 = arith.constant 0 : i32
        %dma_wait3A_67 = tpu.memref_slice %arg4[%add3A_33, %dma_wait3A_66] : memref<3136x512xi32, #tpu.memory_space<hbm>> -> memref<1x512xi32, #tpu.memory_space<hbm>>
        %dma_wait3A_68 = tpu.memref_squeeze %dma_wait3A_67 : memref<1x512xi32, #tpu.memory_space<hbm>> -> memref<512xi32, #tpu.memory_space<hbm>>
        %dma_wait3A_69 = arith.constant 0 : i32
        %dma_wait3A_70 = tpu.memref_slice %arg4[%add3A_33, %dma_wait3A_69] : memref<3136x512xi32, #tpu.memory_space<hbm>> -> memref<1x512xi32, #tpu.memory_space<hbm>>
        %dma_wait3A_71 = tpu.memref_squeeze %dma_wait3A_70 : memref<1x512xi32, #tpu.memory_space<hbm>> -> memref<512xi32, #tpu.memory_space<hbm>>
        tpu.wait_dma2 semaphore(%run_scoped3A : memref<!tpu.dma_semaphore, #tpu.memory_space<semaphore_mem>>) src(%dma_wait3A_71 : memref<512xi32, #tpu.memory_space<hbm>>) dst(%arg10 : memref<512xi32, #tpu.memory_space<vmem>>)
        tpu.yield
      }) : () -> ()
      %gt3A = arith.constant 0 : i32
      %gt3A_34 = arith.cmpi sgt, %add3A_28, %gt3A : i32
      %convert_element_type3A = arith.extui %gt3A_34 : i1 to i32
      %cond3A = arith.constant 0 : i32
      %cond3A_35 = arith.cmpi ne, %convert_element_type3A, %cond3A : i32
      scf.if %cond3A_35 {
        %dma_wait3A_60 = arith.constant 0 : i32
        %dma_wait3A_61 = arith.constant 0 : i32
        %dma_wait3A_62 = tpu.memref_slice %arg14[%dma_wait3A_60, %dma_wait3A_61] : memref<100352x8xf32, #tpu.memory_space<vmem_shared>> -> memref<100352x8xf32, #tpu.memory_space<vmem_shared>>
        tpu.wait_indirect_dma semaphore(%arg18 : memref<!tpu.dma_semaphore, #tpu.memory_space<semaphore_mem>>) src(%arg12 : memref<512x8xf32, #tpu.memory_space<vmem>>) dst(%dma_wait3A_62 : memref<100352x8xf32, #tpu.memory_space<vmem_shared>>)
      } else {
      }
      %dma_wait3A_36 = arith.constant 0 : i32
      %dma_wait3A_37 = arith.constant 0 : i32
      %dma_wait3A_38 = tpu.memref_slice %arg2[%dma_wait3A_36, %dma_wait3A_37] : memref<100352x8xf32, #tpu.memory_space<hbm>> -> memref<100352x8xf32, #tpu.memory_space<hbm>>
      tpu.wait_indirect_dma semaphore(%arg15 : memref<!tpu.dma_semaphore, #tpu.memory_space<semaphore_mem>>) src(%dma_wait3A_38 : memref<100352x8xf32, #tpu.memory_space<hbm>>) dst(%arg11 : memref<512x8xf32, #tpu.memory_space<vmem>>)
      %dma_start3A_39 = arith.constant 0 : i32
      %dma_start3A_40 = arith.constant 0 : i32
      %dma_start3A_41 = tpu.memref_slice %arg14[%dma_start3A_39, %dma_start3A_40] : memref<100352x8xf32, #tpu.memory_space<vmem_shared>> -> memref<100352x8xf32, #tpu.memory_space<vmem_shared>>
      tpu.enqueue_indirect_dma source(%arg11 : memref<512x8xf32, #tpu.memory_space<vmem>>) target(%dma_start3A_41 : memref<100352x8xf32, #tpu.memory_space<vmem_shared>>) offsets(%arg8 : memref<512xi32, #tpu.memory_space<vmem>>) semaphore(%arg17 : memref<!tpu.dma_semaphore, #tpu.memory_space<semaphore_mem>>) {add = true}
      %dma_start3A_42 = arith.constant 0 : i32
      %dma_start3A_43 = arith.constant 0 : i32
      %dma_start3A_44 = tpu.memref_slice %arg2[%dma_start3A_42, %dma_start3A_43] : memref<100352x8xf32, #tpu.memory_space<hbm>> -> memref<100352x8xf32, #tpu.memory_space<hbm>>
      tpu.enqueue_indirect_dma source(%dma_start3A_44 : memref<100352x8xf32, #tpu.memory_space<hbm>>) target(%arg12 : memref<512x8xf32, #tpu.memory_space<vmem>>) offsets(%arg9 : memref<512xi32, #tpu.memory_space<vmem>>) semaphore(%arg16 : memref<!tpu.dma_semaphore, #tpu.memory_space<semaphore_mem>>)
      %dma_wait3A_45 = arith.constant 0 : i32
      %dma_wait3A_46 = arith.constant 0 : i32
      %dma_wait3A_47 = tpu.memref_slice %arg14[%dma_wait3A_45, %dma_wait3A_46] : memref<100352x8xf32, #tpu.memory_space<vmem_shared>> -> memref<100352x8xf32, #tpu.memory_space<vmem_shared>>
      tpu.wait_indirect_dma semaphore(%arg17 : memref<!tpu.dma_semaphore, #tpu.memory_space<semaphore_mem>>) src(%arg11 : memref<512x8xf32, #tpu.memory_space<vmem>>) dst(%dma_wait3A_47 : memref<100352x8xf32, #tpu.memory_space<vmem_shared>>)
      %add3A_48 = arith.constant 2 : i32
      %add3A_49 = arith.addi %mul3A_30, %add3A_48 : i32
      %lt3A = arith.constant 98 : i32
      %lt3A_50 = arith.cmpi slt, %add3A_49, %lt3A : i32
      %convert_element_type3A_51 = arith.extui %lt3A_50 : i1 to i32
      %cond3A_52 = arith.constant 0 : i32
      %cond3A_53 = arith.cmpi ne, %convert_element_type3A_51, %cond3A_52 : i32
      scf.if %cond3A_53 {
        %add3A_60 = arith.addi %add3A, %mul3A_30 : i32
        %add3A_61 = arith.constant 2 : i32
        %add3A_62 = arith.addi %add3A_60, %add3A_61 : i32
        "tpu.region"() ({
          %run_scoped3A = tpu.sem_alloc : memref<!tpu.dma_semaphore, #tpu.memory_space<semaphore_mem>>
          %dma_start3A_66 = arith.constant 0 : i32
          %dma_start3A_67 = tpu.memref_slice %arg3[%add3A_62, %dma_start3A_66] : memref<3136x512xi32, #tpu.memory_space<hbm>> -> memref<1x512xi32, #tpu.memory_space<hbm>>
          %dma_start3A_68 = tpu.memref_squeeze %dma_start3A_67 : memref<1x512xi32, #tpu.memory_space<hbm>> -> memref<512xi32, #tpu.memory_space<hbm>>
          %dma_start3A_69 = arith.constant 0 : i32
          %dma_start3A_70 = tpu.memref_slice %arg3[%add3A_62, %dma_start3A_69] : memref<3136x512xi32, #tpu.memory_space<hbm>> -> memref<1x512xi32, #tpu.memory_space<hbm>>
          %dma_start3A_71 = tpu.memref_squeeze %dma_start3A_70 : memref<1x512xi32, #tpu.memory_space<hbm>> -> memref<512xi32, #tpu.memory_space<hbm>>
          tpu.enqueue_dma source(%dma_start3A_71 : memref<512xi32, #tpu.memory_space<hbm>>) target(%arg7 : memref<512xi32, #tpu.memory_space<vmem>>) target_semaphore(%run_scoped3A : memref<!tpu.dma_semaphore, #tpu.memory_space<semaphore_mem>>)
          %dma_wait3A_72 = arith.constant 0 : i32
          %dma_wait3A_73 = tpu.memref_slice %arg3[%add3A_62, %dma_wait3A_72] : memref<3136x512xi32, #tpu.memory_space<hbm>> -> memref<1x512xi32, #tpu.memory_space<hbm>>
          %dma_wait3A_74 = tpu.memref_squeeze %dma_wait3A_73 : memref<1x512xi32, #tpu.memory_space<hbm>> -> memref<512xi32, #tpu.memory_space<hbm>>
          %dma_wait3A_75 = arith.constant 0 : i32
          %dma_wait3A_76 = tpu.memref_slice %arg3[%add3A_62, %dma_wait3A_75] : memref<3136x512xi32, #tpu.memory_space<hbm>> -> memref<1x512xi32, #tpu.memory_space<hbm>>
          %dma_wait3A_77 = tpu.memref_squeeze %dma_wait3A_76 : memref<1x512xi32, #tpu.memory_space<hbm>> -> memref<512xi32, #tpu.memory_space<hbm>>
          tpu.wait_dma2 semaphore(%run_scoped3A : memref<!tpu.dma_semaphore, #tpu.memory_space<semaphore_mem>>) src(%dma_wait3A_77 : memref<512xi32, #tpu.memory_space<hbm>>) dst(%arg7 : memref<512xi32, #tpu.memory_space<vmem>>)
          tpu.yield
        }) : () -> ()
        "tpu.region"() ({
          %run_scoped3A = tpu.sem_alloc : memref<!tpu.dma_semaphore, #tpu.memory_space<semaphore_mem>>
          %dma_start3A_66 = arith.constant 0 : i32
          %dma_start3A_67 = tpu.memref_slice %arg4[%add3A_62, %dma_start3A_66] : memref<3136x512xi32, #tpu.memory_space<hbm>> -> memref<1x512xi32, #tpu.memory_space<hbm>>
          %dma_start3A_68 = tpu.memref_squeeze %dma_start3A_67 : memref<1x512xi32, #tpu.memory_space<hbm>> -> memref<512xi32, #tpu.memory_space<hbm>>
          %dma_start3A_69 = arith.constant 0 : i32
          %dma_start3A_70 = tpu.memref_slice %arg4[%add3A_62, %dma_start3A_69] : memref<3136x512xi32, #tpu.memory_space<hbm>> -> memref<1x512xi32, #tpu.memory_space<hbm>>
          %dma_start3A_71 = tpu.memref_squeeze %dma_start3A_70 : memref<1x512xi32, #tpu.memory_space<hbm>> -> memref<512xi32, #tpu.memory_space<hbm>>
          tpu.enqueue_dma source(%dma_start3A_71 : memref<512xi32, #tpu.memory_space<hbm>>) target(%arg8 : memref<512xi32, #tpu.memory_space<vmem>>) target_semaphore(%run_scoped3A : memref<!tpu.dma_semaphore, #tpu.memory_space<semaphore_mem>>)
          %dma_wait3A_72 = arith.constant 0 : i32
          %dma_wait3A_73 = tpu.memref_slice %arg4[%add3A_62, %dma_wait3A_72] : memref<3136x512xi32, #tpu.memory_space<hbm>> -> memref<1x512xi32, #tpu.memory_space<hbm>>
          %dma_wait3A_74 = tpu.memref_squeeze %dma_wait3A_73 : memref<1x512xi32, #tpu.memory_space<hbm>> -> memref<512xi32, #tpu.memory_space<hbm>>
          %dma_wait3A_75 = arith.constant 0 : i32
          %dma_wait3A_76 = tpu.memref_slice %arg4[%add3A_62, %dma_wait3A_75] : memref<3136x512xi32, #tpu.memory_space<hbm>> -> memref<1x512xi32, #tpu.memory_space<hbm>>
          %dma_wait3A_77 = tpu.memref_squeeze %dma_wait3A_76 : memref<1x512xi32, #tpu.memory_space<hbm>> -> memref<512xi32, #tpu.memory_space<hbm>>
          tpu.wait_dma2 semaphore(%run_scoped3A : memref<!tpu.dma_semaphore, #tpu.memory_space<semaphore_mem>>) src(%dma_wait3A_77 : memref<512xi32, #tpu.memory_space<hbm>>) dst(%arg8 : memref<512xi32, #tpu.memory_space<vmem>>)
          tpu.yield
        }) : () -> ()
        %dma_start3A_63 = arith.constant 0 : i32
        %dma_start3A_64 = arith.constant 0 : i32
        %dma_start3A_65 = tpu.memref_slice %arg2[%dma_start3A_63, %dma_start3A_64] : memref<100352x8xf32, #tpu.memory_space<hbm>> -> memref<100352x8xf32, #tpu.memory_space<hbm>>
        tpu.enqueue_indirect_dma source(%dma_start3A_65 : memref<100352x8xf32, #tpu.memory_space<hbm>>) target(%arg11 : memref<512x8xf32, #tpu.memory_space<vmem>>) offsets(%arg7 : memref<512xi32, #tpu.memory_space<vmem>>) semaphore(%arg15 : memref<!tpu.dma_semaphore, #tpu.memory_space<semaphore_mem>>)
      } else {
      }
      %dma_wait3A_54 = arith.constant 0 : i32
      %dma_wait3A_55 = arith.constant 0 : i32
      %dma_wait3A_56 = tpu.memref_slice %arg2[%dma_wait3A_54, %dma_wait3A_55] : memref<100352x8xf32, #tpu.memory_space<hbm>> -> memref<100352x8xf32, #tpu.memory_space<hbm>>
      tpu.wait_indirect_dma semaphore(%arg16 : memref<!tpu.dma_semaphore, #tpu.memory_space<semaphore_mem>>) src(%dma_wait3A_56 : memref<100352x8xf32, #tpu.memory_space<hbm>>) dst(%arg12 : memref<512x8xf32, #tpu.memory_space<vmem>>)
      %dma_start3A_57 = arith.constant 0 : i32
      %dma_start3A_58 = arith.constant 0 : i32
      %dma_start3A_59 = tpu.memref_slice %arg14[%dma_start3A_57, %dma_start3A_58] : memref<100352x8xf32, #tpu.memory_space<vmem_shared>> -> memref<100352x8xf32, #tpu.memory_space<vmem_shared>>
      tpu.enqueue_indirect_dma source(%arg12 : memref<512x8xf32, #tpu.memory_space<vmem>>) target(%dma_start3A_59 : memref<100352x8xf32, #tpu.memory_space<vmem_shared>>) offsets(%arg10 : memref<512xi32, #tpu.memory_space<vmem>>) semaphore(%arg18 : memref<!tpu.dma_semaphore, #tpu.memory_space<semaphore_mem>>) {add = true}
    }
    %scan3A_15 = arith.constant 49 : i32
    %dma_wait3A = arith.constant 0 : i32
    %dma_wait3A_16 = arith.constant 0 : i32
    %dma_wait3A_17 = tpu.memref_slice %arg14[%dma_wait3A, %dma_wait3A_16] : memref<100352x8xf32, #tpu.memory_space<vmem_shared>> -> memref<100352x8xf32, #tpu.memory_space<vmem_shared>>
    tpu.wait_indirect_dma semaphore(%arg18 : memref<!tpu.dma_semaphore, #tpu.memory_space<semaphore_mem>>) src(%arg12 : memref<512x8xf32, #tpu.memory_space<vmem>>) dst(%dma_wait3A_17 : memref<100352x8xf32, #tpu.memory_space<vmem_shared>>)
    %barrier3A_18 = arith.constant 0 : index
    tpu.barrier barrier_id(%barrier3A_18)
    %scan3A_19 = arith.constant 0 : i32
    %scan3A_20 = arith.constant 14 : i32
    %scan3A_21 = arith.addi %scan3A_19, %scan3A_20 : i32
    %scan3A_22 = arith.constant 1 : i32
    scf.for %scan3A_24 = %scan3A_19 to %scan3A_21 step %scan3A_22  : i32 {
      %mul3A_25 = arith.constant 1 : i32
      %mul3A_26 = arith.muli %scan3A_24, %mul3A_25 : i32
      %add3A_27 = arith.constant 0 : i32
      %add3A_28 = arith.addi %add3A_27, %mul3A_26 : i32
      %mul3A_29 = arith.constant 448 : i32
      %mul3A_30 = arith.muli %add3A_28, %mul3A_29 : i32
      %add3A_31 = arith.addi %mul3A_0, %mul3A_30 : i32
      "tpu.region"() ({
        %run_scoped3A = tpu.sem_alloc : memref<!tpu.dma_semaphore, #tpu.memory_space<semaphore_mem>>
        %dma_start3A_35 = arith.constant 0 : i32
        %dma_start3A_36 = tpu.memref_slice %arg14[%add3A_31, %dma_start3A_35] : memref<100352x8xf32, #tpu.memory_space<vmem_shared>> -> memref<448x8xf32, #tpu.memory_space<vmem_shared>>
        %dma_start3A_37 = arith.constant 0 : i32
        %dma_start3A_38 = tpu.memref_slice %arg14[%add3A_31, %dma_start3A_37] : memref<100352x8xf32, #tpu.memory_space<vmem_shared>> -> memref<448x8xf32, #tpu.memory_space<vmem_shared>>
        tpu.enqueue_dma source(%dma_start3A_38 : memref<448x8xf32, #tpu.memory_space<vmem_shared>>) target(%arg13 : memref<448x8xf32, #tpu.memory_space<vmem>>) target_semaphore(%run_scoped3A : memref<!tpu.dma_semaphore, #tpu.memory_space<semaphore_mem>>)
        %dma_wait3A_39 = arith.constant 0 : i32
        %dma_wait3A_40 = tpu.memref_slice %arg14[%add3A_31, %dma_wait3A_39] : memref<100352x8xf32, #tpu.memory_space<vmem_shared>> -> memref<448x8xf32, #tpu.memory_space<vmem_shared>>
        %dma_wait3A_41 = arith.constant 0 : i32
        %dma_wait3A_42 = tpu.memref_slice %arg14[%add3A_31, %dma_wait3A_41] : memref<100352x8xf32, #tpu.memory_space<vmem_shared>> -> memref<448x8xf32, #tpu.memory_space<vmem_shared>>
        tpu.wait_dma2 semaphore(%run_scoped3A : memref<!tpu.dma_semaphore, #tpu.memory_space<semaphore_mem>>) src(%dma_wait3A_42 : memref<448x8xf32, #tpu.memory_space<vmem_shared>>) dst(%arg13 : memref<448x8xf32, #tpu.memory_space<vmem>>)
        tpu.yield
      }) : () -> ()
      %mul3A_32 = arith.constant 448 : i32
      %mul3A_33 = arith.muli %add3A_28, %mul3A_32 : i32
      %add3A_34 = arith.addi %mul3A_0, %mul3A_33 : i32
      "tpu.region"() ({
        %run_scoped3A = tpu.sem_alloc : memref<!tpu.dma_semaphore, #tpu.memory_space<semaphore_mem>>
        %dma_start3A_35 = arith.constant 0 : i32
        %dma_start3A_36 = tpu.memref_slice %arg6[%arg0, %add3A_34, %dma_start3A_35] : memref<2x100352x8xf32, #tpu.memory_space<hbm>> -> memref<1x448x8xf32, #tpu.memory_space<hbm>>
        %dma_start3A_37 = tpu.memref_squeeze %dma_start3A_36 : memref<1x448x8xf32, #tpu.memory_space<hbm>> -> memref<448x8xf32, #tpu.memory_space<hbm>>
        %dma_start3A_38 = arith.constant 0 : i32
        %dma_start3A_39 = tpu.memref_slice %arg6[%arg0, %add3A_34, %dma_start3A_38] : memref<2x100352x8xf32, #tpu.memory_space<hbm>> -> memref<1x448x8xf32, #tpu.memory_space<hbm>>
        %dma_start3A_40 = tpu.memref_squeeze %dma_start3A_39 : memref<1x448x8xf32, #tpu.memory_space<hbm>> -> memref<448x8xf32, #tpu.memory_space<hbm>>
        tpu.enqueue_dma source(%arg13 : memref<448x8xf32, #tpu.memory_space<vmem>>) target(%dma_start3A_40 : memref<448x8xf32, #tpu.memory_space<hbm>>) target_semaphore(%run_scoped3A : memref<!tpu.dma_semaphore, #tpu.memory_space<semaphore_mem>>)
        %dma_wait3A_41 = arith.constant 0 : i32
        %dma_wait3A_42 = tpu.memref_slice %arg6[%arg0, %add3A_34, %dma_wait3A_41] : memref<2x100352x8xf32, #tpu.memory_space<hbm>> -> memref<1x448x8xf32, #tpu.memory_space<hbm>>
        %dma_wait3A_43 = tpu.memref_squeeze %dma_wait3A_42 : memref<1x448x8xf32, #tpu.memory_space<hbm>> -> memref<448x8xf32, #tpu.memory_space<hbm>>
        %dma_wait3A_44 = arith.constant 0 : i32
        %dma_wait3A_45 = tpu.memref_slice %arg6[%arg0, %add3A_34, %dma_wait3A_44] : memref<2x100352x8xf32, #tpu.memory_space<hbm>> -> memref<1x448x8xf32, #tpu.memory_space<hbm>>
        %dma_wait3A_46 = tpu.memref_squeeze %dma_wait3A_45 : memref<1x448x8xf32, #tpu.memory_space<hbm>> -> memref<448x8xf32, #tpu.memory_space<hbm>>
        tpu.wait_dma2 semaphore(%run_scoped3A : memref<!tpu.dma_semaphore, #tpu.memory_space<semaphore_mem>>) src(%arg13 : memref<448x8xf32, #tpu.memory_space<vmem>>) dst(%dma_wait3A_46 : memref<448x8xf32, #tpu.memory_space<hbm>>)
        tpu.yield
      }) : () -> ()
    }
    %scan3A_23 = arith.constant 14 : i32
    return
  }
}

#map = affine_map<(d0, d1) -> (0, 0)>
#map1 = affine_map<(d0, d1) -> (0, 0, 0)>
module attributes {stable_mosaic.version = 14 : i64} {
  func.func @body(%arg0: i32, %arg1: i32, %arg2: memref<200704x16xf32, #tpu.memory_space<hbm>>, %arg3: memref<3136x512xi32, #tpu.memory_space<hbm>>, %arg4: memref<3136x512xi32, #tpu.memory_space<hbm>>, %arg5: memref<2x100352x16xf32, #tpu.memory_space<hbm>>, %arg6: memref<512xi32, #tpu.memory_space<vmem>>, %arg7: memref<512xi32, #tpu.memory_space<vmem>>, %arg8: memref<512xi32, #tpu.memory_space<vmem>>, %arg9: memref<512xi32, #tpu.memory_space<vmem>>, %arg10: memref<512x16xf32, #tpu.memory_space<vmem>>, %arg11: memref<512x16xf32, #tpu.memory_space<vmem>>, %arg12: memref<448x16xf32, #tpu.memory_space<vmem>>, %arg13: memref<100352x16xf32, #tpu.memory_space<vmem_shared>>, %arg14: memref<!tpu.dma_semaphore, #tpu.memory_space<semaphore_mem>>, %arg15: memref<!tpu.dma_semaphore, #tpu.memory_space<semaphore_mem>>, %arg16: memref<!tpu.dma_semaphore, #tpu.memory_space<semaphore_mem>>, %arg17: memref<!tpu.dma_semaphore, #tpu.memory_space<semaphore_mem>>) attributes {dimension_semantics = [#tpu.dimension_semantics<core_parallel>, #tpu.dimension_semantics<subcore_parallel>], iteration_bounds = array<i64: 2, 16>, scalar_prefetch = 0 : i64, scratch_operands = 12 : i64, tpu.core_type = #tpu.core_type<sc_vector_subcore>, window_params = [{transform_indices = #map}, {transform_indices = #map}, {transform_indices = #map}, {transform_indices = #map1}]} {
    %mul3A = arith.constant 6272 : i32
    %mul3A_0 = arith.muli %arg1, %mul3A : i32
    %scan3A = arith.constant 0 : i32
    %scan3A_1 = arith.constant 448 : i32
    %scan3A_2 = arith.addi %scan3A, %scan3A_1 : i32
    %scan3A_3 = arith.constant 1 : i32
    scf.for %scan3A_314 = %scan3A to %scan3A_2 step %scan3A_3  : i32 {
      %mul3A_315 = arith.constant 1 : i32
      %mul3A_316 = arith.muli %scan3A_314, %mul3A_315 : i32
      %add3A_317 = arith.constant 0 : i32
      %add3A_318 = arith.addi %add3A_317, %mul3A_316 : i32
      %broadcast_in_dim3A = arith.constant 0.000000e+00 : f32
      %broadcast_in_dim3A_319 = vector.broadcast %broadcast_in_dim3A : f32 to vector<16xf32>
      %swap3A_320 = arith.index_cast %add3A_318 : i32 to index
      %swap3A_321 = arith.constant 0 : index
      %swap3A_322 = tpu.vector_load %arg12[%swap3A_320, %swap3A_321] {strides = array<i32>} : memref<448x16xf32, #tpu.memory_space<vmem>>, vector<1x16xf32>,
      %swap3A_323 = vector.shape_cast %swap3A_322 : vector<1x16xf32> to vector<16xf32>
      %swap3A_324 = vector.shape_cast %broadcast_in_dim3A_319 : vector<16xf32> to vector<1x16xf32>
      tpu.vector_store %arg12[%swap3A_320, %swap3A_321], %swap3A_324 {strides = array<i32>} : memref<448x16xf32, #tpu.memory_space<vmem>>, vector<1x16xf32>,
    }
    %scan3A_4 = arith.constant 448 : i32
    %scan3A_5 = arith.constant 0 : i32
    %scan3A_6 = arith.constant 14 : i32
    %scan3A_7 = arith.addi %scan3A_5, %scan3A_6 : i32
    %scan3A_8 = arith.constant 1 : i32
    scf.for %scan3A_314 = %scan3A_5 to %scan3A_7 step %scan3A_8  : i32 {
      %mul3A_315 = arith.constant 1 : i32
      %mul3A_316 = arith.muli %scan3A_314, %mul3A_315 : i32
      %add3A_317 = arith.constant 0 : i32
      %add3A_318 = arith.addi %add3A_317, %mul3A_316 : i32
      %mul3A_319 = arith.constant 448 : i32
      %mul3A_320 = arith.muli %add3A_318, %mul3A_319 : i32
      %add3A_321 = arith.addi %mul3A_0, %mul3A_320 : i32
      "tpu.region"() ({
        %run_scoped3A = tpu.sem_alloc : memref<!tpu.dma_semaphore, #tpu.memory_space<semaphore_mem>>
        %dma_start3A_322 = arith.constant 0 : i32
        %dma_start3A_323 = tpu.memref_slice %arg13[%add3A_321, %dma_start3A_322] : memref<100352x16xf32, #tpu.memory_space<vmem_shared>> -> memref<448x16xf32, #tpu.memory_space<vmem_shared>>
        %dma_start3A_324 = arith.constant 0 : i32
        %dma_start3A_325 = tpu.memref_slice %arg13[%add3A_321, %dma_start3A_324] : memref<100352x16xf32, #tpu.memory_space<vmem_shared>> -> memref<448x16xf32, #tpu.memory_space<vmem_shared>>
        tpu.enqueue_dma source(%arg12 : memref<448x16xf32, #tpu.memory_space<vmem>>) target(%dma_start3A_325 : memref<448x16xf32, #tpu.memory_space<vmem_shared>>) target_semaphore(%run_scoped3A : memref<!tpu.dma_semaphore, #tpu.memory_space<semaphore_mem>>)
        %dma_wait3A_326 = arith.constant 0 : i32
        %dma_wait3A_327 = tpu.memref_slice %arg13[%add3A_321, %dma_wait3A_326] : memref<100352x16xf32, #tpu.memory_space<vmem_shared>> -> memref<448x16xf32, #tpu.memory_space<vmem_shared>>
        %dma_wait3A_328 = arith.constant 0 : i32
        %dma_wait3A_329 = tpu.memref_slice %arg13[%add3A_321, %dma_wait3A_328] : memref<100352x16xf32, #tpu.memory_space<vmem_shared>> -> memref<448x16xf32, #tpu.memory_space<vmem_shared>>
        tpu.wait_dma2 semaphore(%run_scoped3A : memref<!tpu.dma_semaphore, #tpu.memory_space<semaphore_mem>>) src(%arg12 : memref<448x16xf32, #tpu.memory_space<vmem>>) dst(%dma_wait3A_329 : memref<448x16xf32, #tpu.memory_space<vmem_shared>>)
        tpu.yield
      }) : () -> ()
    }
    %scan3A_9 = arith.constant 14 : i32
    %barrier3A = arith.constant 0 : index
    tpu.barrier barrier_id(%barrier3A)
    %mul3A_10 = arith.constant 196 : i32
    %mul3A_11 = arith.muli %arg1, %mul3A_10 : i32
    %mul3A_12 = arith.constant 100352 : i32
    %mul3A_13 = arith.muli %arg0, %mul3A_12 : i32
    "tpu.region"() ({
      %run_scoped3A = tpu.sem_alloc : memref<!tpu.dma_semaphore, #tpu.memory_space<semaphore_mem>>
      %dma_start3A_314 = arith.constant 0 : i32
      %dma_start3A_315 = tpu.memref_slice %arg3[%mul3A_11, %dma_start3A_314] : memref<3136x512xi32, #tpu.memory_space<hbm>> -> memref<1x512xi32, #tpu.memory_space<hbm>>
      %dma_start3A_316 = tpu.memref_squeeze %dma_start3A_315 : memref<1x512xi32, #tpu.memory_space<hbm>> -> memref<512xi32, #tpu.memory_space<hbm>>
      %dma_start3A_317 = arith.constant 0 : i32
      %dma_start3A_318 = tpu.memref_slice %arg3[%mul3A_11, %dma_start3A_317] : memref<3136x512xi32, #tpu.memory_space<hbm>> -> memref<1x512xi32, #tpu.memory_space<hbm>>
      %dma_start3A_319 = tpu.memref_squeeze %dma_start3A_318 : memref<1x512xi32, #tpu.memory_space<hbm>> -> memref<512xi32, #tpu.memory_space<hbm>>
      tpu.enqueue_dma source(%dma_start3A_319 : memref<512xi32, #tpu.memory_space<hbm>>) target(%arg6 : memref<512xi32, #tpu.memory_space<vmem>>) target_semaphore(%run_scoped3A : memref<!tpu.dma_semaphore, #tpu.memory_space<semaphore_mem>>)
      %dma_wait3A_320 = arith.constant 0 : i32
      %dma_wait3A_321 = tpu.memref_slice %arg3[%mul3A_11, %dma_wait3A_320] : memref<3136x512xi32, #tpu.memory_space<hbm>> -> memref<1x512xi32, #tpu.memory_space<hbm>>
      %dma_wait3A_322 = tpu.memref_squeeze %dma_wait3A_321 : memref<1x512xi32, #tpu.memory_space<hbm>> -> memref<512xi32, #tpu.memory_space<hbm>>
      %dma_wait3A_323 = arith.constant 0 : i32
      %dma_wait3A_324 = tpu.memref_slice %arg3[%mul3A_11, %dma_wait3A_323] : memref<3136x512xi32, #tpu.memory_space<hbm>> -> memref<1x512xi32, #tpu.memory_space<hbm>>
      %dma_wait3A_325 = tpu.memref_squeeze %dma_wait3A_324 : memref<1x512xi32, #tpu.memory_space<hbm>> -> memref<512xi32, #tpu.memory_space<hbm>>
      tpu.wait_dma2 semaphore(%run_scoped3A : memref<!tpu.dma_semaphore, #tpu.memory_space<semaphore_mem>>) src(%dma_wait3A_325 : memref<512xi32, #tpu.memory_space<hbm>>) dst(%arg6 : memref<512xi32, #tpu.memory_space<vmem>>)
      tpu.yield
    }) : () -> ()
    "tpu.region"() ({
      %run_scoped3A = tpu.sem_alloc : memref<!tpu.dma_semaphore, #tpu.memory_space<semaphore_mem>>
      %dma_start3A_314 = arith.constant 0 : i32
      %dma_start3A_315 = tpu.memref_slice %arg4[%mul3A_11, %dma_start3A_314] : memref<3136x512xi32, #tpu.memory_space<hbm>> -> memref<1x512xi32, #tpu.memory_space<hbm>>
      %dma_start3A_316 = tpu.memref_squeeze %dma_start3A_315 : memref<1x512xi32, #tpu.memory_space<hbm>> -> memref<512xi32, #tpu.memory_space<hbm>>
      %dma_start3A_317 = arith.constant 0 : i32
      %dma_start3A_318 = tpu.memref_slice %arg4[%mul3A_11, %dma_start3A_317] : memref<3136x512xi32, #tpu.memory_space<hbm>> -> memref<1x512xi32, #tpu.memory_space<hbm>>
      %dma_start3A_319 = tpu.memref_squeeze %dma_start3A_318 : memref<1x512xi32, #tpu.memory_space<hbm>> -> memref<512xi32, #tpu.memory_space<hbm>>
      tpu.enqueue_dma source(%dma_start3A_319 : memref<512xi32, #tpu.memory_space<hbm>>) target(%arg7 : memref<512xi32, #tpu.memory_space<vmem>>) target_semaphore(%run_scoped3A : memref<!tpu.dma_semaphore, #tpu.memory_space<semaphore_mem>>)
      %dma_wait3A_320 = arith.constant 0 : i32
      %dma_wait3A_321 = tpu.memref_slice %arg4[%mul3A_11, %dma_wait3A_320] : memref<3136x512xi32, #tpu.memory_space<hbm>> -> memref<1x512xi32, #tpu.memory_space<hbm>>
      %dma_wait3A_322 = tpu.memref_squeeze %dma_wait3A_321 : memref<1x512xi32, #tpu.memory_space<hbm>> -> memref<512xi32, #tpu.memory_space<hbm>>
      %dma_wait3A_323 = arith.constant 0 : i32
      %dma_wait3A_324 = tpu.memref_slice %arg4[%mul3A_11, %dma_wait3A_323] : memref<3136x512xi32, #tpu.memory_space<hbm>> -> memref<1x512xi32, #tpu.memory_space<hbm>>
      %dma_wait3A_325 = tpu.memref_squeeze %dma_wait3A_324 : memref<1x512xi32, #tpu.memory_space<hbm>> -> memref<512xi32, #tpu.memory_space<hbm>>
      tpu.wait_dma2 semaphore(%run_scoped3A : memref<!tpu.dma_semaphore, #tpu.memory_space<semaphore_mem>>) src(%dma_wait3A_325 : memref<512xi32, #tpu.memory_space<hbm>>) dst(%arg7 : memref<512xi32, #tpu.memory_space<vmem>>)
      tpu.yield
    }) : () -> ()
    %get3A = arith.constant 0 : index
    %get3A_14 = tpu.vector_load %arg6[%get3A] {strides = array<i32>} : memref<512xi32, #tpu.memory_space<vmem>>, vector<16xi32>,
    %get3A_15 = vector.shape_cast %get3A_14 : vector<16xi32> to vector<16xi32>
    %add3A = vector.broadcast %mul3A_13 : i32 to vector<16xi32>
    %add3A_16 = arith.addi %get3A_15, %add3A : vector<16xi32>
    %swap3A = arith.constant 0 : index
    %swap3A_17 = tpu.vector_load %arg6[%swap3A] {strides = array<i32>} : memref<512xi32, #tpu.memory_space<vmem>>, vector<16xi32>,
    %swap3A_18 = vector.shape_cast %swap3A_17 : vector<16xi32> to vector<16xi32>
    %swap3A_19 = vector.shape_cast %add3A_16 : vector<16xi32> to vector<16xi32>
    tpu.vector_store %arg6[%swap3A], %swap3A_19 {strides = array<i32>} : memref<512xi32, #tpu.memory_space<vmem>>, vector<16xi32>,
    %get3A_20 = arith.constant 16 : index
    %get3A_21 = tpu.vector_load %arg6[%get3A_20] {strides = array<i32>} : memref<512xi32, #tpu.memory_space<vmem>>, vector<16xi32>,
    %get3A_22 = vector.shape_cast %get3A_21 : vector<16xi32> to vector<16xi32>
    %add3A_23 = vector.broadcast %mul3A_13 : i32 to vector<16xi32>
    %add3A_24 = arith.addi %get3A_22, %add3A_23 : vector<16xi32>
    %swap3A_25 = arith.constant 16 : index
    %swap3A_26 = tpu.vector_load %arg6[%swap3A_25] {strides = array<i32>} : memref<512xi32, #tpu.memory_space<vmem>>, vector<16xi32>,
    %swap3A_27 = vector.shape_cast %swap3A_26 : vector<16xi32> to vector<16xi32>
    %swap3A_28 = vector.shape_cast %add3A_24 : vector<16xi32> to vector<16xi32>
    tpu.vector_store %arg6[%swap3A_25], %swap3A_28 {strides = array<i32>} : memref<512xi32, #tpu.memory_space<vmem>>, vector<16xi32>,
    %get3A_29 = arith.constant 32 : index
    %get3A_30 = tpu.vector_load %arg6[%get3A_29] {strides = array<i32>} : memref<512xi32, #tpu.memory_space<vmem>>, vector<16xi32>,
    %get3A_31 = vector.shape_cast %get3A_30 : vector<16xi32> to vector<16xi32>
    %add3A_32 = vector.broadcast %mul3A_13 : i32 to vector<16xi32>
    %add3A_33 = arith.addi %get3A_31, %add3A_32 : vector<16xi32>
    %swap3A_34 = arith.constant 32 : index
    %swap3A_35 = tpu.vector_load %arg6[%swap3A_34] {strides = array<i32>} : memref<512xi32, #tpu.memory_space<vmem>>, vector<16xi32>,
    %swap3A_36 = vector.shape_cast %swap3A_35 : vector<16xi32> to vector<16xi32>
    %swap3A_37 = vector.shape_cast %add3A_33 : vector<16xi32> to vector<16xi32>
    tpu.vector_store %arg6[%swap3A_34], %swap3A_37 {strides = array<i32>} : memref<512xi32, #tpu.memory_space<vmem>>, vector<16xi32>,
    %get3A_38 = arith.constant 48 : index
    %get3A_39 = tpu.vector_load %arg6[%get3A_38] {strides = array<i32>} : memref<512xi32, #tpu.memory_space<vmem>>, vector<16xi32>,
    %get3A_40 = vector.shape_cast %get3A_39 : vector<16xi32> to vector<16xi32>
    %add3A_41 = vector.broadcast %mul3A_13 : i32 to vector<16xi32>
    %add3A_42 = arith.addi %get3A_40, %add3A_41 : vector<16xi32>
    %swap3A_43 = arith.constant 48 : index
    %swap3A_44 = tpu.vector_load %arg6[%swap3A_43] {strides = array<i32>} : memref<512xi32, #tpu.memory_space<vmem>>, vector<16xi32>,
    %swap3A_45 = vector.shape_cast %swap3A_44 : vector<16xi32> to vector<16xi32>
    %swap3A_46 = vector.shape_cast %add3A_42 : vector<16xi32> to vector<16xi32>
    tpu.vector_store %arg6[%swap3A_43], %swap3A_46 {strides = array<i32>} : memref<512xi32, #tpu.memory_space<vmem>>, vector<16xi32>,
    %get3A_47 = arith.constant 64 : index
    %get3A_48 = tpu.vector_load %arg6[%get3A_47] {strides = array<i32>} : memref<512xi32, #tpu.memory_space<vmem>>, vector<16xi32>,
    %get3A_49 = vector.shape_cast %get3A_48 : vector<16xi32> to vector<16xi32>
    %add3A_50 = vector.broadcast %mul3A_13 : i32 to vector<16xi32>
    %add3A_51 = arith.addi %get3A_49, %add3A_50 : vector<16xi32>
    %swap3A_52 = arith.constant 64 : index
    %swap3A_53 = tpu.vector_load %arg6[%swap3A_52] {strides = array<i32>} : memref<512xi32, #tpu.memory_space<vmem>>, vector<16xi32>,
    %swap3A_54 = vector.shape_cast %swap3A_53 : vector<16xi32> to vector<16xi32>
    %swap3A_55 = vector.shape_cast %add3A_51 : vector<16xi32> to vector<16xi32>
    tpu.vector_store %arg6[%swap3A_52], %swap3A_55 {strides = array<i32>} : memref<512xi32, #tpu.memory_space<vmem>>, vector<16xi32>,
    %get3A_56 = arith.constant 80 : index
    %get3A_57 = tpu.vector_load %arg6[%get3A_56] {strides = array<i32>} : memref<512xi32, #tpu.memory_space<vmem>>, vector<16xi32>,
    %get3A_58 = vector.shape_cast %get3A_57 : vector<16xi32> to vector<16xi32>
    %add3A_59 = vector.broadcast %mul3A_13 : i32 to vector<16xi32>
    %add3A_60 = arith.addi %get3A_58, %add3A_59 : vector<16xi32>
    %swap3A_61 = arith.constant 80 : index
    %swap3A_62 = tpu.vector_load %arg6[%swap3A_61] {strides = array<i32>} : memref<512xi32, #tpu.memory_space<vmem>>, vector<16xi32>,
    %swap3A_63 = vector.shape_cast %swap3A_62 : vector<16xi32> to vector<16xi32>
    %swap3A_64 = vector.shape_cast %add3A_60 : vector<16xi32> to vector<16xi32>
    tpu.vector_store %arg6[%swap3A_61], %swap3A_64 {strides = array<i32>} : memref<512xi32, #tpu.memory_space<vmem>>, vector<16xi32>,
    %get3A_65 = arith.constant 96 : index
    %get3A_66 = tpu.vector_load %arg6[%get3A_65] {strides = array<i32>} : memref<512xi32, #tpu.memory_space<vmem>>, vector<16xi32>,
    %get3A_67 = vector.shape_cast %get3A_66 : vector<16xi32> to vector<16xi32>
    %add3A_68 = vector.broadcast %mul3A_13 : i32 to vector<16xi32>
    %add3A_69 = arith.addi %get3A_67, %add3A_68 : vector<16xi32>
    %swap3A_70 = arith.constant 96 : index
    %swap3A_71 = tpu.vector_load %arg6[%swap3A_70] {strides = array<i32>} : memref<512xi32, #tpu.memory_space<vmem>>, vector<16xi32>,
    %swap3A_72 = vector.shape_cast %swap3A_71 : vector<16xi32> to vector<16xi32>
    %swap3A_73 = vector.shape_cast %add3A_69 : vector<16xi32> to vector<16xi32>
    tpu.vector_store %arg6[%swap3A_70], %swap3A_73 {strides = array<i32>} : memref<512xi32, #tpu.memory_space<vmem>>, vector<16xi32>,
    %get3A_74 = arith.constant 112 : index
    %get3A_75 = tpu.vector_load %arg6[%get3A_74] {strides = array<i32>} : memref<512xi32, #tpu.memory_space<vmem>>, vector<16xi32>,
    %get3A_76 = vector.shape_cast %get3A_75 : vector<16xi32> to vector<16xi32>
    %add3A_77 = vector.broadcast %mul3A_13 : i32 to vector<16xi32>
    %add3A_78 = arith.addi %get3A_76, %add3A_77 : vector<16xi32>
    %swap3A_79 = arith.constant 112 : index
    %swap3A_80 = tpu.vector_load %arg6[%swap3A_79] {strides = array<i32>} : memref<512xi32, #tpu.memory_space<vmem>>, vector<16xi32>,
    %swap3A_81 = vector.shape_cast %swap3A_80 : vector<16xi32> to vector<16xi32>
    %swap3A_82 = vector.shape_cast %add3A_78 : vector<16xi32> to vector<16xi32>
    tpu.vector_store %arg6[%swap3A_79], %swap3A_82 {strides = array<i32>} : memref<512xi32, #tpu.memory_space<vmem>>, vector<16xi32>,
    %get3A_83 = arith.constant 128 : index
    %get3A_84 = tpu.vector_load %arg6[%get3A_83] {strides = array<i32>} : memref<512xi32, #tpu.memory_space<vmem>>, vector<16xi32>,
    %get3A_85 = vector.shape_cast %get3A_84 : vector<16xi32> to vector<16xi32>
    %add3A_86 = vector.broadcast %mul3A_13 : i32 to vector<16xi32>
    %add3A_87 = arith.addi %get3A_85, %add3A_86 : vector<16xi32>
    %swap3A_88 = arith.constant 128 : index
    %swap3A_89 = tpu.vector_load %arg6[%swap3A_88] {strides = array<i32>} : memref<512xi32, #tpu.memory_space<vmem>>, vector<16xi32>,
    %swap3A_90 = vector.shape_cast %swap3A_89 : vector<16xi32> to vector<16xi32>
    %swap3A_91 = vector.shape_cast %add3A_87 : vector<16xi32> to vector<16xi32>
    tpu.vector_store %arg6[%swap3A_88], %swap3A_91 {strides = array<i32>} : memref<512xi32, #tpu.memory_space<vmem>>, vector<16xi32>,
    %get3A_92 = arith.constant 144 : index
    %get3A_93 = tpu.vector_load %arg6[%get3A_92] {strides = array<i32>} : memref<512xi32, #tpu.memory_space<vmem>>, vector<16xi32>,
    %get3A_94 = vector.shape_cast %get3A_93 : vector<16xi32> to vector<16xi32>
    %add3A_95 = vector.broadcast %mul3A_13 : i32 to vector<16xi32>
    %add3A_96 = arith.addi %get3A_94, %add3A_95 : vector<16xi32>
    %swap3A_97 = arith.constant 144 : index
    %swap3A_98 = tpu.vector_load %arg6[%swap3A_97] {strides = array<i32>} : memref<512xi32, #tpu.memory_space<vmem>>, vector<16xi32>,
    %swap3A_99 = vector.shape_cast %swap3A_98 : vector<16xi32> to vector<16xi32>
    %swap3A_100 = vector.shape_cast %add3A_96 : vector<16xi32> to vector<16xi32>
    tpu.vector_store %arg6[%swap3A_97], %swap3A_100 {strides = array<i32>} : memref<512xi32, #tpu.memory_space<vmem>>, vector<16xi32>,
    %get3A_101 = arith.constant 160 : index
    %get3A_102 = tpu.vector_load %arg6[%get3A_101] {strides = array<i32>} : memref<512xi32, #tpu.memory_space<vmem>>, vector<16xi32>,
    %get3A_103 = vector.shape_cast %get3A_102 : vector<16xi32> to vector<16xi32>
    %add3A_104 = vector.broadcast %mul3A_13 : i32 to vector<16xi32>
    %add3A_105 = arith.addi %get3A_103, %add3A_104 : vector<16xi32>
    %swap3A_106 = arith.constant 160 : index
    %swap3A_107 = tpu.vector_load %arg6[%swap3A_106] {strides = array<i32>} : memref<512xi32, #tpu.memory_space<vmem>>, vector<16xi32>,
    %swap3A_108 = vector.shape_cast %swap3A_107 : vector<16xi32> to vector<16xi32>
    %swap3A_109 = vector.shape_cast %add3A_105 : vector<16xi32> to vector<16xi32>
    tpu.vector_store %arg6[%swap3A_106], %swap3A_109 {strides = array<i32>} : memref<512xi32, #tpu.memory_space<vmem>>, vector<16xi32>,
    %get3A_110 = arith.constant 176 : index
    %get3A_111 = tpu.vector_load %arg6[%get3A_110] {strides = array<i32>} : memref<512xi32, #tpu.memory_space<vmem>>, vector<16xi32>,
    %get3A_112 = vector.shape_cast %get3A_111 : vector<16xi32> to vector<16xi32>
    %add3A_113 = vector.broadcast %mul3A_13 : i32 to vector<16xi32>
    %add3A_114 = arith.addi %get3A_112, %add3A_113 : vector<16xi32>
    %swap3A_115 = arith.constant 176 : index
    %swap3A_116 = tpu.vector_load %arg6[%swap3A_115] {strides = array<i32>} : memref<512xi32, #tpu.memory_space<vmem>>, vector<16xi32>,
    %swap3A_117 = vector.shape_cast %swap3A_116 : vector<16xi32> to vector<16xi32>
    %swap3A_118 = vector.shape_cast %add3A_114 : vector<16xi32> to vector<16xi32>
    tpu.vector_store %arg6[%swap3A_115], %swap3A_118 {strides = array<i32>} : memref<512xi32, #tpu.memory_space<vmem>>, vector<16xi32>,
    %get3A_119 = arith.constant 192 : index
    %get3A_120 = tpu.vector_load %arg6[%get3A_119] {strides = array<i32>} : memref<512xi32, #tpu.memory_space<vmem>>, vector<16xi32>,
    %get3A_121 = vector.shape_cast %get3A_120 : vector<16xi32> to vector<16xi32>
    %add3A_122 = vector.broadcast %mul3A_13 : i32 to vector<16xi32>
    %add3A_123 = arith.addi %get3A_121, %add3A_122 : vector<16xi32>
    %swap3A_124 = arith.constant 192 : index
    %swap3A_125 = tpu.vector_load %arg6[%swap3A_124] {strides = array<i32>} : memref<512xi32, #tpu.memory_space<vmem>>, vector<16xi32>,
    %swap3A_126 = vector.shape_cast %swap3A_125 : vector<16xi32> to vector<16xi32>
    %swap3A_127 = vector.shape_cast %add3A_123 : vector<16xi32> to vector<16xi32>
    tpu.vector_store %arg6[%swap3A_124], %swap3A_127 {strides = array<i32>} : memref<512xi32, #tpu.memory_space<vmem>>, vector<16xi32>,
    %get3A_128 = arith.constant 208 : index
    %get3A_129 = tpu.vector_load %arg6[%get3A_128] {strides = array<i32>} : memref<512xi32, #tpu.memory_space<vmem>>, vector<16xi32>,
    %get3A_130 = vector.shape_cast %get3A_129 : vector<16xi32> to vector<16xi32>
    %add3A_131 = vector.broadcast %mul3A_13 : i32 to vector<16xi32>
    %add3A_132 = arith.addi %get3A_130, %add3A_131 : vector<16xi32>
    %swap3A_133 = arith.constant 208 : index
    %swap3A_134 = tpu.vector_load %arg6[%swap3A_133] {strides = array<i32>} : memref<512xi32, #tpu.memory_space<vmem>>, vector<16xi32>,
    %swap3A_135 = vector.shape_cast %swap3A_134 : vector<16xi32> to vector<16xi32>
    %swap3A_136 = vector.shape_cast %add3A_132 : vector<16xi32> to vector<16xi32>
    tpu.vector_store %arg6[%swap3A_133], %swap3A_136 {strides = array<i32>} : memref<512xi32, #tpu.memory_space<vmem>>, vector<16xi32>,
    %get3A_137 = arith.constant 224 : index
    %get3A_138 = tpu.vector_load %arg6[%get3A_137] {strides = array<i32>} : memref<512xi32, #tpu.memory_space<vmem>>, vector<16xi32>,
    %get3A_139 = vector.shape_cast %get3A_138 : vector<16xi32> to vector<16xi32>
    %add3A_140 = vector.broadcast %mul3A_13 : i32 to vector<16xi32>
    %add3A_141 = arith.addi %get3A_139, %add3A_140 : vector<16xi32>
    %swap3A_142 = arith.constant 224 : index
    %swap3A_143 = tpu.vector_load %arg6[%swap3A_142] {strides = array<i32>} : memref<512xi32, #tpu.memory_space<vmem>>, vector<16xi32>,
    %swap3A_144 = vector.shape_cast %swap3A_143 : vector<16xi32> to vector<16xi32>
    %swap3A_145 = vector.shape_cast %add3A_141 : vector<16xi32> to vector<16xi32>
    tpu.vector_store %arg6[%swap3A_142], %swap3A_145 {strides = array<i32>} : memref<512xi32, #tpu.memory_space<vmem>>, vector<16xi32>,
    %get3A_146 = arith.constant 240 : index
    %get3A_147 = tpu.vector_load %arg6[%get3A_146] {strides = array<i32>} : memref<512xi32, #tpu.memory_space<vmem>>, vector<16xi32>,
    %get3A_148 = vector.shape_cast %get3A_147 : vector<16xi32> to vector<16xi32>
    %add3A_149 = vector.broadcast %mul3A_13 : i32 to vector<16xi32>
    %add3A_150 = arith.addi %get3A_148, %add3A_149 : vector<16xi32>
    %swap3A_151 = arith.constant 240 : index
    %swap3A_152 = tpu.vector_load %arg6[%swap3A_151] {strides = array<i32>} : memref<512xi32, #tpu.memory_space<vmem>>, vector<16xi32>,
    %swap3A_153 = vector.shape_cast %swap3A_152 : vector<16xi32> to vector<16xi32>
    %swap3A_154 = vector.shape_cast %add3A_150 : vector<16xi32> to vector<16xi32>
    tpu.vector_store %arg6[%swap3A_151], %swap3A_154 {strides = array<i32>} : memref<512xi32, #tpu.memory_space<vmem>>, vector<16xi32>,
    %get3A_155 = arith.constant 256 : index
    %get3A_156 = tpu.vector_load %arg6[%get3A_155] {strides = array<i32>} : memref<512xi32, #tpu.memory_space<vmem>>, vector<16xi32>,
    %get3A_157 = vector.shape_cast %get3A_156 : vector<16xi32> to vector<16xi32>
    %add3A_158 = vector.broadcast %mul3A_13 : i32 to vector<16xi32>
    %add3A_159 = arith.addi %get3A_157, %add3A_158 : vector<16xi32>
    %swap3A_160 = arith.constant 256 : index
    %swap3A_161 = tpu.vector_load %arg6[%swap3A_160] {strides = array<i32>} : memref<512xi32, #tpu.memory_space<vmem>>, vector<16xi32>,
    %swap3A_162 = vector.shape_cast %swap3A_161 : vector<16xi32> to vector<16xi32>
    %swap3A_163 = vector.shape_cast %add3A_159 : vector<16xi32> to vector<16xi32>
    tpu.vector_store %arg6[%swap3A_160], %swap3A_163 {strides = array<i32>} : memref<512xi32, #tpu.memory_space<vmem>>, vector<16xi32>,
    %get3A_164 = arith.constant 272 : index
    %get3A_165 = tpu.vector_load %arg6[%get3A_164] {strides = array<i32>} : memref<512xi32, #tpu.memory_space<vmem>>, vector<16xi32>,
    %get3A_166 = vector.shape_cast %get3A_165 : vector<16xi32> to vector<16xi32>
    %add3A_167 = vector.broadcast %mul3A_13 : i32 to vector<16xi32>
    %add3A_168 = arith.addi %get3A_166, %add3A_167 : vector<16xi32>
    %swap3A_169 = arith.constant 272 : index
    %swap3A_170 = tpu.vector_load %arg6[%swap3A_169] {strides = array<i32>} : memref<512xi32, #tpu.memory_space<vmem>>, vector<16xi32>,
    %swap3A_171 = vector.shape_cast %swap3A_170 : vector<16xi32> to vector<16xi32>
    %swap3A_172 = vector.shape_cast %add3A_168 : vector<16xi32> to vector<16xi32>
    tpu.vector_store %arg6[%swap3A_169], %swap3A_172 {strides = array<i32>} : memref<512xi32, #tpu.memory_space<vmem>>, vector<16xi32>,
    %get3A_173 = arith.constant 288 : index
    %get3A_174 = tpu.vector_load %arg6[%get3A_173] {strides = array<i32>} : memref<512xi32, #tpu.memory_space<vmem>>, vector<16xi32>,
    %get3A_175 = vector.shape_cast %get3A_174 : vector<16xi32> to vector<16xi32>
    %add3A_176 = vector.broadcast %mul3A_13 : i32 to vector<16xi32>
    %add3A_177 = arith.addi %get3A_175, %add3A_176 : vector<16xi32>
    %swap3A_178 = arith.constant 288 : index
    %swap3A_179 = tpu.vector_load %arg6[%swap3A_178] {strides = array<i32>} : memref<512xi32, #tpu.memory_space<vmem>>, vector<16xi32>,
    %swap3A_180 = vector.shape_cast %swap3A_179 : vector<16xi32> to vector<16xi32>
    %swap3A_181 = vector.shape_cast %add3A_177 : vector<16xi32> to vector<16xi32>
    tpu.vector_store %arg6[%swap3A_178], %swap3A_181 {strides = array<i32>} : memref<512xi32, #tpu.memory_space<vmem>>, vector<16xi32>,
    %get3A_182 = arith.constant 304 : index
    %get3A_183 = tpu.vector_load %arg6[%get3A_182] {strides = array<i32>} : memref<512xi32, #tpu.memory_space<vmem>>, vector<16xi32>,
    %get3A_184 = vector.shape_cast %get3A_183 : vector<16xi32> to vector<16xi32>
    %add3A_185 = vector.broadcast %mul3A_13 : i32 to vector<16xi32>
    %add3A_186 = arith.addi %get3A_184, %add3A_185 : vector<16xi32>
    %swap3A_187 = arith.constant 304 : index
    %swap3A_188 = tpu.vector_load %arg6[%swap3A_187] {strides = array<i32>} : memref<512xi32, #tpu.memory_space<vmem>>, vector<16xi32>,
    %swap3A_189 = vector.shape_cast %swap3A_188 : vector<16xi32> to vector<16xi32>
    %swap3A_190 = vector.shape_cast %add3A_186 : vector<16xi32> to vector<16xi32>
    tpu.vector_store %arg6[%swap3A_187], %swap3A_190 {strides = array<i32>} : memref<512xi32, #tpu.memory_space<vmem>>, vector<16xi32>,
    %get3A_191 = arith.constant 320 : index
    %get3A_192 = tpu.vector_load %arg6[%get3A_191] {strides = array<i32>} : memref<512xi32, #tpu.memory_space<vmem>>, vector<16xi32>,
    %get3A_193 = vector.shape_cast %get3A_192 : vector<16xi32> to vector<16xi32>
    %add3A_194 = vector.broadcast %mul3A_13 : i32 to vector<16xi32>
    %add3A_195 = arith.addi %get3A_193, %add3A_194 : vector<16xi32>
    %swap3A_196 = arith.constant 320 : index
    %swap3A_197 = tpu.vector_load %arg6[%swap3A_196] {strides = array<i32>} : memref<512xi32, #tpu.memory_space<vmem>>, vector<16xi32>,
    %swap3A_198 = vector.shape_cast %swap3A_197 : vector<16xi32> to vector<16xi32>
    %swap3A_199 = vector.shape_cast %add3A_195 : vector<16xi32> to vector<16xi32>
    tpu.vector_store %arg6[%swap3A_196], %swap3A_199 {strides = array<i32>} : memref<512xi32, #tpu.memory_space<vmem>>, vector<16xi32>,
    %get3A_200 = arith.constant 336 : index
    %get3A_201 = tpu.vector_load %arg6[%get3A_200] {strides = array<i32>} : memref<512xi32, #tpu.memory_space<vmem>>, vector<16xi32>,
    %get3A_202 = vector.shape_cast %get3A_201 : vector<16xi32> to vector<16xi32>
    %add3A_203 = vector.broadcast %mul3A_13 : i32 to vector<16xi32>
    %add3A_204 = arith.addi %get3A_202, %add3A_203 : vector<16xi32>
    %swap3A_205 = arith.constant 336 : index
    %swap3A_206 = tpu.vector_load %arg6[%swap3A_205] {strides = array<i32>} : memref<512xi32, #tpu.memory_space<vmem>>, vector<16xi32>,
    %swap3A_207 = vector.shape_cast %swap3A_206 : vector<16xi32> to vector<16xi32>
    %swap3A_208 = vector.shape_cast %add3A_204 : vector<16xi32> to vector<16xi32>
    tpu.vector_store %arg6[%swap3A_205], %swap3A_208 {strides = array<i32>} : memref<512xi32, #tpu.memory_space<vmem>>, vector<16xi32>,
    %get3A_209 = arith.constant 352 : index
    %get3A_210 = tpu.vector_load %arg6[%get3A_209] {strides = array<i32>} : memref<512xi32, #tpu.memory_space<vmem>>, vector<16xi32>,
    %get3A_211 = vector.shape_cast %get3A_210 : vector<16xi32> to vector<16xi32>
    %add3A_212 = vector.broadcast %mul3A_13 : i32 to vector<16xi32>
    %add3A_213 = arith.addi %get3A_211, %add3A_212 : vector<16xi32>
    %swap3A_214 = arith.constant 352 : index
    %swap3A_215 = tpu.vector_load %arg6[%swap3A_214] {strides = array<i32>} : memref<512xi32, #tpu.memory_space<vmem>>, vector<16xi32>,
    %swap3A_216 = vector.shape_cast %swap3A_215 : vector<16xi32> to vector<16xi32>
    %swap3A_217 = vector.shape_cast %add3A_213 : vector<16xi32> to vector<16xi32>
    tpu.vector_store %arg6[%swap3A_214], %swap3A_217 {strides = array<i32>} : memref<512xi32, #tpu.memory_space<vmem>>, vector<16xi32>,
    %get3A_218 = arith.constant 368 : index
    %get3A_219 = tpu.vector_load %arg6[%get3A_218] {strides = array<i32>} : memref<512xi32, #tpu.memory_space<vmem>>, vector<16xi32>,
    %get3A_220 = vector.shape_cast %get3A_219 : vector<16xi32> to vector<16xi32>
    %add3A_221 = vector.broadcast %mul3A_13 : i32 to vector<16xi32>
    %add3A_222 = arith.addi %get3A_220, %add3A_221 : vector<16xi32>
    %swap3A_223 = arith.constant 368 : index
    %swap3A_224 = tpu.vector_load %arg6[%swap3A_223] {strides = array<i32>} : memref<512xi32, #tpu.memory_space<vmem>>, vector<16xi32>,
    %swap3A_225 = vector.shape_cast %swap3A_224 : vector<16xi32> to vector<16xi32>
    %swap3A_226 = vector.shape_cast %add3A_222 : vector<16xi32> to vector<16xi32>
    tpu.vector_store %arg6[%swap3A_223], %swap3A_226 {strides = array<i32>} : memref<512xi32, #tpu.memory_space<vmem>>, vector<16xi32>,
    %get3A_227 = arith.constant 384 : index
    %get3A_228 = tpu.vector_load %arg6[%get3A_227] {strides = array<i32>} : memref<512xi32, #tpu.memory_space<vmem>>, vector<16xi32>,
    %get3A_229 = vector.shape_cast %get3A_228 : vector<16xi32> to vector<16xi32>
    %add3A_230 = vector.broadcast %mul3A_13 : i32 to vector<16xi32>
    %add3A_231 = arith.addi %get3A_229, %add3A_230 : vector<16xi32>
    %swap3A_232 = arith.constant 384 : index
    %swap3A_233 = tpu.vector_load %arg6[%swap3A_232] {strides = array<i32>} : memref<512xi32, #tpu.memory_space<vmem>>, vector<16xi32>,
    %swap3A_234 = vector.shape_cast %swap3A_233 : vector<16xi32> to vector<16xi32>
    %swap3A_235 = vector.shape_cast %add3A_231 : vector<16xi32> to vector<16xi32>
    tpu.vector_store %arg6[%swap3A_232], %swap3A_235 {strides = array<i32>} : memref<512xi32, #tpu.memory_space<vmem>>, vector<16xi32>,
    %get3A_236 = arith.constant 400 : index
    %get3A_237 = tpu.vector_load %arg6[%get3A_236] {strides = array<i32>} : memref<512xi32, #tpu.memory_space<vmem>>, vector<16xi32>,
    %get3A_238 = vector.shape_cast %get3A_237 : vector<16xi32> to vector<16xi32>
    %add3A_239 = vector.broadcast %mul3A_13 : i32 to vector<16xi32>
    %add3A_240 = arith.addi %get3A_238, %add3A_239 : vector<16xi32>
    %swap3A_241 = arith.constant 400 : index
    %swap3A_242 = tpu.vector_load %arg6[%swap3A_241] {strides = array<i32>} : memref<512xi32, #tpu.memory_space<vmem>>, vector<16xi32>,
    %swap3A_243 = vector.shape_cast %swap3A_242 : vector<16xi32> to vector<16xi32>
    %swap3A_244 = vector.shape_cast %add3A_240 : vector<16xi32> to vector<16xi32>
    tpu.vector_store %arg6[%swap3A_241], %swap3A_244 {strides = array<i32>} : memref<512xi32, #tpu.memory_space<vmem>>, vector<16xi32>,
    %get3A_245 = arith.constant 416 : index
    %get3A_246 = tpu.vector_load %arg6[%get3A_245] {strides = array<i32>} : memref<512xi32, #tpu.memory_space<vmem>>, vector<16xi32>,
    %get3A_247 = vector.shape_cast %get3A_246 : vector<16xi32> to vector<16xi32>
    %add3A_248 = vector.broadcast %mul3A_13 : i32 to vector<16xi32>
    %add3A_249 = arith.addi %get3A_247, %add3A_248 : vector<16xi32>
    %swap3A_250 = arith.constant 416 : index
    %swap3A_251 = tpu.vector_load %arg6[%swap3A_250] {strides = array<i32>} : memref<512xi32, #tpu.memory_space<vmem>>, vector<16xi32>,
    %swap3A_252 = vector.shape_cast %swap3A_251 : vector<16xi32> to vector<16xi32>
    %swap3A_253 = vector.shape_cast %add3A_249 : vector<16xi32> to vector<16xi32>
    tpu.vector_store %arg6[%swap3A_250], %swap3A_253 {strides = array<i32>} : memref<512xi32, #tpu.memory_space<vmem>>, vector<16xi32>,
    %get3A_254 = arith.constant 432 : index
    %get3A_255 = tpu.vector_load %arg6[%get3A_254] {strides = array<i32>} : memref<512xi32, #tpu.memory_space<vmem>>, vector<16xi32>,
    %get3A_256 = vector.shape_cast %get3A_255 : vector<16xi32> to vector<16xi32>
    %add3A_257 = vector.broadcast %mul3A_13 : i32 to vector<16xi32>
    %add3A_258 = arith.addi %get3A_256, %add3A_257 : vector<16xi32>
    %swap3A_259 = arith.constant 432 : index
    %swap3A_260 = tpu.vector_load %arg6[%swap3A_259] {strides = array<i32>} : memref<512xi32, #tpu.memory_space<vmem>>, vector<16xi32>,
    %swap3A_261 = vector.shape_cast %swap3A_260 : vector<16xi32> to vector<16xi32>
    %swap3A_262 = vector.shape_cast %add3A_258 : vector<16xi32> to vector<16xi32>
    tpu.vector_store %arg6[%swap3A_259], %swap3A_262 {strides = array<i32>} : memref<512xi32, #tpu.memory_space<vmem>>, vector<16xi32>,
    %get3A_263 = arith.constant 448 : index
    %get3A_264 = tpu.vector_load %arg6[%get3A_263] {strides = array<i32>} : memref<512xi32, #tpu.memory_space<vmem>>, vector<16xi32>,
    %get3A_265 = vector.shape_cast %get3A_264 : vector<16xi32> to vector<16xi32>
    %add3A_266 = vector.broadcast %mul3A_13 : i32 to vector<16xi32>
    %add3A_267 = arith.addi %get3A_265, %add3A_266 : vector<16xi32>
    %swap3A_268 = arith.constant 448 : index
    %swap3A_269 = tpu.vector_load %arg6[%swap3A_268] {strides = array<i32>} : memref<512xi32, #tpu.memory_space<vmem>>, vector<16xi32>,
    %swap3A_270 = vector.shape_cast %swap3A_269 : vector<16xi32> to vector<16xi32>
    %swap3A_271 = vector.shape_cast %add3A_267 : vector<16xi32> to vector<16xi32>
    tpu.vector_store %arg6[%swap3A_268], %swap3A_271 {strides = array<i32>} : memref<512xi32, #tpu.memory_space<vmem>>, vector<16xi32>,
    %get3A_272 = arith.constant 464 : index
    %get3A_273 = tpu.vector_load %arg6[%get3A_272] {strides = array<i32>} : memref<512xi32, #tpu.memory_space<vmem>>, vector<16xi32>,
    %get3A_274 = vector.shape_cast %get3A_273 : vector<16xi32> to vector<16xi32>
    %add3A_275 = vector.broadcast %mul3A_13 : i32 to vector<16xi32>
    %add3A_276 = arith.addi %get3A_274, %add3A_275 : vector<16xi32>
    %swap3A_277 = arith.constant 464 : index
    %swap3A_278 = tpu.vector_load %arg6[%swap3A_277] {strides = array<i32>} : memref<512xi32, #tpu.memory_space<vmem>>, vector<16xi32>,
    %swap3A_279 = vector.shape_cast %swap3A_278 : vector<16xi32> to vector<16xi32>
    %swap3A_280 = vector.shape_cast %add3A_276 : vector<16xi32> to vector<16xi32>
    tpu.vector_store %arg6[%swap3A_277], %swap3A_280 {strides = array<i32>} : memref<512xi32, #tpu.memory_space<vmem>>, vector<16xi32>,
    %get3A_281 = arith.constant 480 : index
    %get3A_282 = tpu.vector_load %arg6[%get3A_281] {strides = array<i32>} : memref<512xi32, #tpu.memory_space<vmem>>, vector<16xi32>,
    %get3A_283 = vector.shape_cast %get3A_282 : vector<16xi32> to vector<16xi32>
    %add3A_284 = vector.broadcast %mul3A_13 : i32 to vector<16xi32>
    %add3A_285 = arith.addi %get3A_283, %add3A_284 : vector<16xi32>
    %swap3A_286 = arith.constant 480 : index
    %swap3A_287 = tpu.vector_load %arg6[%swap3A_286] {strides = array<i32>} : memref<512xi32, #tpu.memory_space<vmem>>, vector<16xi32>,
    %swap3A_288 = vector.shape_cast %swap3A_287 : vector<16xi32> to vector<16xi32>
    %swap3A_289 = vector.shape_cast %add3A_285 : vector<16xi32> to vector<16xi32>
    tpu.vector_store %arg6[%swap3A_286], %swap3A_289 {strides = array<i32>} : memref<512xi32, #tpu.memory_space<vmem>>, vector<16xi32>,
    %get3A_290 = arith.constant 496 : index
    %get3A_291 = tpu.vector_load %arg6[%get3A_290] {strides = array<i32>} : memref<512xi32, #tpu.memory_space<vmem>>, vector<16xi32>,
    %get3A_292 = vector.shape_cast %get3A_291 : vector<16xi32> to vector<16xi32>
    %add3A_293 = vector.broadcast %mul3A_13 : i32 to vector<16xi32>
    %add3A_294 = arith.addi %get3A_292, %add3A_293 : vector<16xi32>
    %swap3A_295 = arith.constant 496 : index
    %swap3A_296 = tpu.vector_load %arg6[%swap3A_295] {strides = array<i32>} : memref<512xi32, #tpu.memory_space<vmem>>, vector<16xi32>,
    %swap3A_297 = vector.shape_cast %swap3A_296 : vector<16xi32> to vector<16xi32>
    %swap3A_298 = vector.shape_cast %add3A_294 : vector<16xi32> to vector<16xi32>
    tpu.vector_store %arg6[%swap3A_295], %swap3A_298 {strides = array<i32>} : memref<512xi32, #tpu.memory_space<vmem>>, vector<16xi32>,
    %dma_start3A = arith.constant 0 : i32
    %dma_start3A_299 = arith.constant 0 : i32
    %dma_start3A_300 = tpu.memref_slice %arg2[%dma_start3A, %dma_start3A_299] : memref<200704x16xf32, #tpu.memory_space<hbm>> -> memref<200704x16xf32, #tpu.memory_space<hbm>>
    tpu.enqueue_indirect_dma source(%dma_start3A_300 : memref<200704x16xf32, #tpu.memory_space<hbm>>) target(%arg10 : memref<512x16xf32, #tpu.memory_space<vmem>>) offsets(%arg6 : memref<512xi32, #tpu.memory_space<vmem>>) semaphore(%arg14 : memref<!tpu.dma_semaphore, #tpu.memory_space<semaphore_mem>>)
    %scan3A_301 = arith.constant 0 : i32
    %scan3A_302 = arith.constant 98 : i32
    %scan3A_303 = arith.addi %scan3A_301, %scan3A_302 : i32
    %scan3A_304 = arith.constant 1 : i32
    scf.for %scan3A_314 = %scan3A_301 to %scan3A_303 step %scan3A_304  : i32 {
      %mul3A_315 = arith.constant 1 : i32
      %mul3A_316 = arith.muli %scan3A_314, %mul3A_315 : i32
      %add3A_317 = arith.constant 0 : i32
      %add3A_318 = arith.addi %add3A_317, %mul3A_316 : i32
      %mul3A_319 = arith.constant 2 : i32
      %mul3A_320 = arith.muli %mul3A_319, %add3A_318 : i32
      %add3A_321 = arith.addi %mul3A_11, %mul3A_320 : i32
      %add3A_322 = arith.constant 1 : i32
      %add3A_323 = arith.addi %add3A_321, %add3A_322 : i32
      "tpu.region"() ({
        %run_scoped3A = tpu.sem_alloc : memref<!tpu.dma_semaphore, #tpu.memory_space<semaphore_mem>>
        %dma_start3A_638 = arith.constant 0 : i32
        %dma_start3A_639 = tpu.memref_slice %arg3[%add3A_323, %dma_start3A_638] : memref<3136x512xi32, #tpu.memory_space<hbm>> -> memref<1x512xi32, #tpu.memory_space<hbm>>
        %dma_start3A_640 = tpu.memref_squeeze %dma_start3A_639 : memref<1x512xi32, #tpu.memory_space<hbm>> -> memref<512xi32, #tpu.memory_space<hbm>>
        %dma_start3A_641 = arith.constant 0 : i32
        %dma_start3A_642 = tpu.memref_slice %arg3[%add3A_323, %dma_start3A_641] : memref<3136x512xi32, #tpu.memory_space<hbm>> -> memref<1x512xi32, #tpu.memory_space<hbm>>
        %dma_start3A_643 = tpu.memref_squeeze %dma_start3A_642 : memref<1x512xi32, #tpu.memory_space<hbm>> -> memref<512xi32, #tpu.memory_space<hbm>>
        tpu.enqueue_dma source(%dma_start3A_643 : memref<512xi32, #tpu.memory_space<hbm>>) target(%arg8 : memref<512xi32, #tpu.memory_space<vmem>>) target_semaphore(%run_scoped3A : memref<!tpu.dma_semaphore, #tpu.memory_space<semaphore_mem>>)
        %dma_wait3A_644 = arith.constant 0 : i32
        %dma_wait3A_645 = tpu.memref_slice %arg3[%add3A_323, %dma_wait3A_644] : memref<3136x512xi32, #tpu.memory_space<hbm>> -> memref<1x512xi32, #tpu.memory_space<hbm>>
        %dma_wait3A_646 = tpu.memref_squeeze %dma_wait3A_645 : memref<1x512xi32, #tpu.memory_space<hbm>> -> memref<512xi32, #tpu.memory_space<hbm>>
        %dma_wait3A_647 = arith.constant 0 : i32
        %dma_wait3A_648 = tpu.memref_slice %arg3[%add3A_323, %dma_wait3A_647] : memref<3136x512xi32, #tpu.memory_space<hbm>> -> memref<1x512xi32, #tpu.memory_space<hbm>>
        %dma_wait3A_649 = tpu.memref_squeeze %dma_wait3A_648 : memref<1x512xi32, #tpu.memory_space<hbm>> -> memref<512xi32, #tpu.memory_space<hbm>>
        tpu.wait_dma2 semaphore(%run_scoped3A : memref<!tpu.dma_semaphore, #tpu.memory_space<semaphore_mem>>) src(%dma_wait3A_649 : memref<512xi32, #tpu.memory_space<hbm>>) dst(%arg8 : memref<512xi32, #tpu.memory_space<vmem>>)
        tpu.yield
      }) : () -> ()
      "tpu.region"() ({
        %run_scoped3A = tpu.sem_alloc : memref<!tpu.dma_semaphore, #tpu.memory_space<semaphore_mem>>
        %dma_start3A_638 = arith.constant 0 : i32
        %dma_start3A_639 = tpu.memref_slice %arg4[%add3A_323, %dma_start3A_638] : memref<3136x512xi32, #tpu.memory_space<hbm>> -> memref<1x512xi32, #tpu.memory_space<hbm>>
        %dma_start3A_640 = tpu.memref_squeeze %dma_start3A_639 : memref<1x512xi32, #tpu.memory_space<hbm>> -> memref<512xi32, #tpu.memory_space<hbm>>
        %dma_start3A_641 = arith.constant 0 : i32
        %dma_start3A_642 = tpu.memref_slice %arg4[%add3A_323, %dma_start3A_641] : memref<3136x512xi32, #tpu.memory_space<hbm>> -> memref<1x512xi32, #tpu.memory_space<hbm>>
        %dma_start3A_643 = tpu.memref_squeeze %dma_start3A_642 : memref<1x512xi32, #tpu.memory_space<hbm>> -> memref<512xi32, #tpu.memory_space<hbm>>
        tpu.enqueue_dma source(%dma_start3A_643 : memref<512xi32, #tpu.memory_space<hbm>>) target(%arg9 : memref<512xi32, #tpu.memory_space<vmem>>) target_semaphore(%run_scoped3A : memref<!tpu.dma_semaphore, #tpu.memory_space<semaphore_mem>>)
        %dma_wait3A_644 = arith.constant 0 : i32
        %dma_wait3A_645 = tpu.memref_slice %arg4[%add3A_323, %dma_wait3A_644] : memref<3136x512xi32, #tpu.memory_space<hbm>> -> memref<1x512xi32, #tpu.memory_space<hbm>>
        %dma_wait3A_646 = tpu.memref_squeeze %dma_wait3A_645 : memref<1x512xi32, #tpu.memory_space<hbm>> -> memref<512xi32, #tpu.memory_space<hbm>>
        %dma_wait3A_647 = arith.constant 0 : i32
        %dma_wait3A_648 = tpu.memref_slice %arg4[%add3A_323, %dma_wait3A_647] : memref<3136x512xi32, #tpu.memory_space<hbm>> -> memref<1x512xi32, #tpu.memory_space<hbm>>
        %dma_wait3A_649 = tpu.memref_squeeze %dma_wait3A_648 : memref<1x512xi32, #tpu.memory_space<hbm>> -> memref<512xi32, #tpu.memory_space<hbm>>
        tpu.wait_dma2 semaphore(%run_scoped3A : memref<!tpu.dma_semaphore, #tpu.memory_space<semaphore_mem>>) src(%dma_wait3A_649 : memref<512xi32, #tpu.memory_space<hbm>>) dst(%arg9 : memref<512xi32, #tpu.memory_space<vmem>>)
        tpu.yield
      }) : () -> ()
      %get3A_324 = arith.constant 0 : index
      %get3A_325 = tpu.vector_load %arg8[%get3A_324] {strides = array<i32>} : memref<512xi32, #tpu.memory_space<vmem>>, vector<16xi32>,
      %get3A_326 = vector.shape_cast %get3A_325 : vector<16xi32> to vector<16xi32>
      %add3A_327 = vector.broadcast %mul3A_13 : i32 to vector<16xi32>
      %add3A_328 = arith.addi %get3A_326, %add3A_327 : vector<16xi32>
      %swap3A_329 = arith.constant 0 : index
      %swap3A_330 = tpu.vector_load %arg8[%swap3A_329] {strides = array<i32>} : memref<512xi32, #tpu.memory_space<vmem>>, vector<16xi32>,
      %swap3A_331 = vector.shape_cast %swap3A_330 : vector<16xi32> to vector<16xi32>
      %swap3A_332 = vector.shape_cast %add3A_328 : vector<16xi32> to vector<16xi32>
      tpu.vector_store %arg8[%swap3A_329], %swap3A_332 {strides = array<i32>} : memref<512xi32, #tpu.memory_space<vmem>>, vector<16xi32>,
      %get3A_333 = arith.constant 16 : index
      %get3A_334 = tpu.vector_load %arg8[%get3A_333] {strides = array<i32>} : memref<512xi32, #tpu.memory_space<vmem>>, vector<16xi32>,
      %get3A_335 = vector.shape_cast %get3A_334 : vector<16xi32> to vector<16xi32>
      %add3A_336 = vector.broadcast %mul3A_13 : i32 to vector<16xi32>
      %add3A_337 = arith.addi %get3A_335, %add3A_336 : vector<16xi32>
      %swap3A_338 = arith.constant 16 : index
      %swap3A_339 = tpu.vector_load %arg8[%swap3A_338] {strides = array<i32>} : memref<512xi32, #tpu.memory_space<vmem>>, vector<16xi32>,
      %swap3A_340 = vector.shape_cast %swap3A_339 : vector<16xi32> to vector<16xi32>
      %swap3A_341 = vector.shape_cast %add3A_337 : vector<16xi32> to vector<16xi32>
      tpu.vector_store %arg8[%swap3A_338], %swap3A_341 {strides = array<i32>} : memref<512xi32, #tpu.memory_space<vmem>>, vector<16xi32>,
      %get3A_342 = arith.constant 32 : index
      %get3A_343 = tpu.vector_load %arg8[%get3A_342] {strides = array<i32>} : memref<512xi32, #tpu.memory_space<vmem>>, vector<16xi32>,
      %get3A_344 = vector.shape_cast %get3A_343 : vector<16xi32> to vector<16xi32>
      %add3A_345 = vector.broadcast %mul3A_13 : i32 to vector<16xi32>
      %add3A_346 = arith.addi %get3A_344, %add3A_345 : vector<16xi32>
      %swap3A_347 = arith.constant 32 : index
      %swap3A_348 = tpu.vector_load %arg8[%swap3A_347] {strides = array<i32>} : memref<512xi32, #tpu.memory_space<vmem>>, vector<16xi32>,
      %swap3A_349 = vector.shape_cast %swap3A_348 : vector<16xi32> to vector<16xi32>
      %swap3A_350 = vector.shape_cast %add3A_346 : vector<16xi32> to vector<16xi32>
      tpu.vector_store %arg8[%swap3A_347], %swap3A_350 {strides = array<i32>} : memref<512xi32, #tpu.memory_space<vmem>>, vector<16xi32>,
      %get3A_351 = arith.constant 48 : index
      %get3A_352 = tpu.vector_load %arg8[%get3A_351] {strides = array<i32>} : memref<512xi32, #tpu.memory_space<vmem>>, vector<16xi32>,
      %get3A_353 = vector.shape_cast %get3A_352 : vector<16xi32> to vector<16xi32>
      %add3A_354 = vector.broadcast %mul3A_13 : i32 to vector<16xi32>
      %add3A_355 = arith.addi %get3A_353, %add3A_354 : vector<16xi32>
      %swap3A_356 = arith.constant 48 : index
      %swap3A_357 = tpu.vector_load %arg8[%swap3A_356] {strides = array<i32>} : memref<512xi32, #tpu.memory_space<vmem>>, vector<16xi32>,
      %swap3A_358 = vector.shape_cast %swap3A_357 : vector<16xi32> to vector<16xi32>
      %swap3A_359 = vector.shape_cast %add3A_355 : vector<16xi32> to vector<16xi32>
      tpu.vector_store %arg8[%swap3A_356], %swap3A_359 {strides = array<i32>} : memref<512xi32, #tpu.memory_space<vmem>>, vector<16xi32>,
      %get3A_360 = arith.constant 64 : index
      %get3A_361 = tpu.vector_load %arg8[%get3A_360] {strides = array<i32>} : memref<512xi32, #tpu.memory_space<vmem>>, vector<16xi32>,
      %get3A_362 = vector.shape_cast %get3A_361 : vector<16xi32> to vector<16xi32>
      %add3A_363 = vector.broadcast %mul3A_13 : i32 to vector<16xi32>
      %add3A_364 = arith.addi %get3A_362, %add3A_363 : vector<16xi32>
      %swap3A_365 = arith.constant 64 : index
      %swap3A_366 = tpu.vector_load %arg8[%swap3A_365] {strides = array<i32>} : memref<512xi32, #tpu.memory_space<vmem>>, vector<16xi32>,
      %swap3A_367 = vector.shape_cast %swap3A_366 : vector<16xi32> to vector<16xi32>
      %swap3A_368 = vector.shape_cast %add3A_364 : vector<16xi32> to vector<16xi32>
      tpu.vector_store %arg8[%swap3A_365], %swap3A_368 {strides = array<i32>} : memref<512xi32, #tpu.memory_space<vmem>>, vector<16xi32>,
      %get3A_369 = arith.constant 80 : index
      %get3A_370 = tpu.vector_load %arg8[%get3A_369] {strides = array<i32>} : memref<512xi32, #tpu.memory_space<vmem>>, vector<16xi32>,
      %get3A_371 = vector.shape_cast %get3A_370 : vector<16xi32> to vector<16xi32>
      %add3A_372 = vector.broadcast %mul3A_13 : i32 to vector<16xi32>
      %add3A_373 = arith.addi %get3A_371, %add3A_372 : vector<16xi32>
      %swap3A_374 = arith.constant 80 : index
      %swap3A_375 = tpu.vector_load %arg8[%swap3A_374] {strides = array<i32>} : memref<512xi32, #tpu.memory_space<vmem>>, vector<16xi32>,
      %swap3A_376 = vector.shape_cast %swap3A_375 : vector<16xi32> to vector<16xi32>
      %swap3A_377 = vector.shape_cast %add3A_373 : vector<16xi32> to vector<16xi32>
      tpu.vector_store %arg8[%swap3A_374], %swap3A_377 {strides = array<i32>} : memref<512xi32, #tpu.memory_space<vmem>>, vector<16xi32>,
      %get3A_378 = arith.constant 96 : index
      %get3A_379 = tpu.vector_load %arg8[%get3A_378] {strides = array<i32>} : memref<512xi32, #tpu.memory_space<vmem>>, vector<16xi32>,
      %get3A_380 = vector.shape_cast %get3A_379 : vector<16xi32> to vector<16xi32>
      %add3A_381 = vector.broadcast %mul3A_13 : i32 to vector<16xi32>
      %add3A_382 = arith.addi %get3A_380, %add3A_381 : vector<16xi32>
      %swap3A_383 = arith.constant 96 : index
      %swap3A_384 = tpu.vector_load %arg8[%swap3A_383] {strides = array<i32>} : memref<512xi32, #tpu.memory_space<vmem>>, vector<16xi32>,
      %swap3A_385 = vector.shape_cast %swap3A_384 : vector<16xi32> to vector<16xi32>
      %swap3A_386 = vector.shape_cast %add3A_382 : vector<16xi32> to vector<16xi32>
      tpu.vector_store %arg8[%swap3A_383], %swap3A_386 {strides = array<i32>} : memref<512xi32, #tpu.memory_space<vmem>>, vector<16xi32>,
      %get3A_387 = arith.constant 112 : index
      %get3A_388 = tpu.vector_load %arg8[%get3A_387] {strides = array<i32>} : memref<512xi32, #tpu.memory_space<vmem>>, vector<16xi32>,
      %get3A_389 = vector.shape_cast %get3A_388 : vector<16xi32> to vector<16xi32>
      %add3A_390 = vector.broadcast %mul3A_13 : i32 to vector<16xi32>
      %add3A_391 = arith.addi %get3A_389, %add3A_390 : vector<16xi32>
      %swap3A_392 = arith.constant 112 : index
      %swap3A_393 = tpu.vector_load %arg8[%swap3A_392] {strides = array<i32>} : memref<512xi32, #tpu.memory_space<vmem>>, vector<16xi32>,
      %swap3A_394 = vector.shape_cast %swap3A_393 : vector<16xi32> to vector<16xi32>
      %swap3A_395 = vector.shape_cast %add3A_391 : vector<16xi32> to vector<16xi32>
      tpu.vector_store %arg8[%swap3A_392], %swap3A_395 {strides = array<i32>} : memref<512xi32, #tpu.memory_space<vmem>>, vector<16xi32>,
      %get3A_396 = arith.constant 128 : index
      %get3A_397 = tpu.vector_load %arg8[%get3A_396] {strides = array<i32>} : memref<512xi32, #tpu.memory_space<vmem>>, vector<16xi32>,
      %get3A_398 = vector.shape_cast %get3A_397 : vector<16xi32> to vector<16xi32>
      %add3A_399 = vector.broadcast %mul3A_13 : i32 to vector<16xi32>
      %add3A_400 = arith.addi %get3A_398, %add3A_399 : vector<16xi32>
      %swap3A_401 = arith.constant 128 : index
      %swap3A_402 = tpu.vector_load %arg8[%swap3A_401] {strides = array<i32>} : memref<512xi32, #tpu.memory_space<vmem>>, vector<16xi32>,
      %swap3A_403 = vector.shape_cast %swap3A_402 : vector<16xi32> to vector<16xi32>
      %swap3A_404 = vector.shape_cast %add3A_400 : vector<16xi32> to vector<16xi32>
      tpu.vector_store %arg8[%swap3A_401], %swap3A_404 {strides = array<i32>} : memref<512xi32, #tpu.memory_space<vmem>>, vector<16xi32>,
      %get3A_405 = arith.constant 144 : index
      %get3A_406 = tpu.vector_load %arg8[%get3A_405] {strides = array<i32>} : memref<512xi32, #tpu.memory_space<vmem>>, vector<16xi32>,
      %get3A_407 = vector.shape_cast %get3A_406 : vector<16xi32> to vector<16xi32>
      %add3A_408 = vector.broadcast %mul3A_13 : i32 to vector<16xi32>
      %add3A_409 = arith.addi %get3A_407, %add3A_408 : vector<16xi32>
      %swap3A_410 = arith.constant 144 : index
      %swap3A_411 = tpu.vector_load %arg8[%swap3A_410] {strides = array<i32>} : memref<512xi32, #tpu.memory_space<vmem>>, vector<16xi32>,
      %swap3A_412 = vector.shape_cast %swap3A_411 : vector<16xi32> to vector<16xi32>
      %swap3A_413 = vector.shape_cast %add3A_409 : vector<16xi32> to vector<16xi32>
      tpu.vector_store %arg8[%swap3A_410], %swap3A_413 {strides = array<i32>} : memref<512xi32, #tpu.memory_space<vmem>>, vector<16xi32>,
      %get3A_414 = arith.constant 160 : index
      %get3A_415 = tpu.vector_load %arg8[%get3A_414] {strides = array<i32>} : memref<512xi32, #tpu.memory_space<vmem>>, vector<16xi32>,
      %get3A_416 = vector.shape_cast %get3A_415 : vector<16xi32> to vector<16xi32>
      %add3A_417 = vector.broadcast %mul3A_13 : i32 to vector<16xi32>
      %add3A_418 = arith.addi %get3A_416, %add3A_417 : vector<16xi32>
      %swap3A_419 = arith.constant 160 : index
      %swap3A_420 = tpu.vector_load %arg8[%swap3A_419] {strides = array<i32>} : memref<512xi32, #tpu.memory_space<vmem>>, vector<16xi32>,
      %swap3A_421 = vector.shape_cast %swap3A_420 : vector<16xi32> to vector<16xi32>
      %swap3A_422 = vector.shape_cast %add3A_418 : vector<16xi32> to vector<16xi32>
      tpu.vector_store %arg8[%swap3A_419], %swap3A_422 {strides = array<i32>} : memref<512xi32, #tpu.memory_space<vmem>>, vector<16xi32>,
      %get3A_423 = arith.constant 176 : index
      %get3A_424 = tpu.vector_load %arg8[%get3A_423] {strides = array<i32>} : memref<512xi32, #tpu.memory_space<vmem>>, vector<16xi32>,
      %get3A_425 = vector.shape_cast %get3A_424 : vector<16xi32> to vector<16xi32>
      %add3A_426 = vector.broadcast %mul3A_13 : i32 to vector<16xi32>
      %add3A_427 = arith.addi %get3A_425, %add3A_426 : vector<16xi32>
      %swap3A_428 = arith.constant 176 : index
      %swap3A_429 = tpu.vector_load %arg8[%swap3A_428] {strides = array<i32>} : memref<512xi32, #tpu.memory_space<vmem>>, vector<16xi32>,
      %swap3A_430 = vector.shape_cast %swap3A_429 : vector<16xi32> to vector<16xi32>
      %swap3A_431 = vector.shape_cast %add3A_427 : vector<16xi32> to vector<16xi32>
      tpu.vector_store %arg8[%swap3A_428], %swap3A_431 {strides = array<i32>} : memref<512xi32, #tpu.memory_space<vmem>>, vector<16xi32>,
      %get3A_432 = arith.constant 192 : index
      %get3A_433 = tpu.vector_load %arg8[%get3A_432] {strides = array<i32>} : memref<512xi32, #tpu.memory_space<vmem>>, vector<16xi32>,
      %get3A_434 = vector.shape_cast %get3A_433 : vector<16xi32> to vector<16xi32>
      %add3A_435 = vector.broadcast %mul3A_13 : i32 to vector<16xi32>
      %add3A_436 = arith.addi %get3A_434, %add3A_435 : vector<16xi32>
      %swap3A_437 = arith.constant 192 : index
      %swap3A_438 = tpu.vector_load %arg8[%swap3A_437] {strides = array<i32>} : memref<512xi32, #tpu.memory_space<vmem>>, vector<16xi32>,
      %swap3A_439 = vector.shape_cast %swap3A_438 : vector<16xi32> to vector<16xi32>
      %swap3A_440 = vector.shape_cast %add3A_436 : vector<16xi32> to vector<16xi32>
      tpu.vector_store %arg8[%swap3A_437], %swap3A_440 {strides = array<i32>} : memref<512xi32, #tpu.memory_space<vmem>>, vector<16xi32>,
      %get3A_441 = arith.constant 208 : index
      %get3A_442 = tpu.vector_load %arg8[%get3A_441] {strides = array<i32>} : memref<512xi32, #tpu.memory_space<vmem>>, vector<16xi32>,
      %get3A_443 = vector.shape_cast %get3A_442 : vector<16xi32> to vector<16xi32>
      %add3A_444 = vector.broadcast %mul3A_13 : i32 to vector<16xi32>
      %add3A_445 = arith.addi %get3A_443, %add3A_444 : vector<16xi32>
      %swap3A_446 = arith.constant 208 : index
      %swap3A_447 = tpu.vector_load %arg8[%swap3A_446] {strides = array<i32>} : memref<512xi32, #tpu.memory_space<vmem>>, vector<16xi32>,
      %swap3A_448 = vector.shape_cast %swap3A_447 : vector<16xi32> to vector<16xi32>
      %swap3A_449 = vector.shape_cast %add3A_445 : vector<16xi32> to vector<16xi32>
      tpu.vector_store %arg8[%swap3A_446], %swap3A_449 {strides = array<i32>} : memref<512xi32, #tpu.memory_space<vmem>>, vector<16xi32>,
      %get3A_450 = arith.constant 224 : index
      %get3A_451 = tpu.vector_load %arg8[%get3A_450] {strides = array<i32>} : memref<512xi32, #tpu.memory_space<vmem>>, vector<16xi32>,
      %get3A_452 = vector.shape_cast %get3A_451 : vector<16xi32> to vector<16xi32>
      %add3A_453 = vector.broadcast %mul3A_13 : i32 to vector<16xi32>
      %add3A_454 = arith.addi %get3A_452, %add3A_453 : vector<16xi32>
      %swap3A_455 = arith.constant 224 : index
      %swap3A_456 = tpu.vector_load %arg8[%swap3A_455] {strides = array<i32>} : memref<512xi32, #tpu.memory_space<vmem>>, vector<16xi32>,
      %swap3A_457 = vector.shape_cast %swap3A_456 : vector<16xi32> to vector<16xi32>
      %swap3A_458 = vector.shape_cast %add3A_454 : vector<16xi32> to vector<16xi32>
      tpu.vector_store %arg8[%swap3A_455], %swap3A_458 {strides = array<i32>} : memref<512xi32, #tpu.memory_space<vmem>>, vector<16xi32>,
      %get3A_459 = arith.constant 240 : index
      %get3A_460 = tpu.vector_load %arg8[%get3A_459] {strides = array<i32>} : memref<512xi32, #tpu.memory_space<vmem>>, vector<16xi32>,
      %get3A_461 = vector.shape_cast %get3A_460 : vector<16xi32> to vector<16xi32>
      %add3A_462 = vector.broadcast %mul3A_13 : i32 to vector<16xi32>
      %add3A_463 = arith.addi %get3A_461, %add3A_462 : vector<16xi32>
      %swap3A_464 = arith.constant 240 : index
      %swap3A_465 = tpu.vector_load %arg8[%swap3A_464] {strides = array<i32>} : memref<512xi32, #tpu.memory_space<vmem>>, vector<16xi32>,
      %swap3A_466 = vector.shape_cast %swap3A_465 : vector<16xi32> to vector<16xi32>
      %swap3A_467 = vector.shape_cast %add3A_463 : vector<16xi32> to vector<16xi32>
      tpu.vector_store %arg8[%swap3A_464], %swap3A_467 {strides = array<i32>} : memref<512xi32, #tpu.memory_space<vmem>>, vector<16xi32>,
      %get3A_468 = arith.constant 256 : index
      %get3A_469 = tpu.vector_load %arg8[%get3A_468] {strides = array<i32>} : memref<512xi32, #tpu.memory_space<vmem>>, vector<16xi32>,
      %get3A_470 = vector.shape_cast %get3A_469 : vector<16xi32> to vector<16xi32>
      %add3A_471 = vector.broadcast %mul3A_13 : i32 to vector<16xi32>
      %add3A_472 = arith.addi %get3A_470, %add3A_471 : vector<16xi32>
      %swap3A_473 = arith.constant 256 : index
      %swap3A_474 = tpu.vector_load %arg8[%swap3A_473] {strides = array<i32>} : memref<512xi32, #tpu.memory_space<vmem>>, vector<16xi32>,
      %swap3A_475 = vector.shape_cast %swap3A_474 : vector<16xi32> to vector<16xi32>
      %swap3A_476 = vector.shape_cast %add3A_472 : vector<16xi32> to vector<16xi32>
      tpu.vector_store %arg8[%swap3A_473], %swap3A_476 {strides = array<i32>} : memref<512xi32, #tpu.memory_space<vmem>>, vector<16xi32>,
      %get3A_477 = arith.constant 272 : index
      %get3A_478 = tpu.vector_load %arg8[%get3A_477] {strides = array<i32>} : memref<512xi32, #tpu.memory_space<vmem>>, vector<16xi32>,
      %get3A_479 = vector.shape_cast %get3A_478 : vector<16xi32> to vector<16xi32>
      %add3A_480 = vector.broadcast %mul3A_13 : i32 to vector<16xi32>
      %add3A_481 = arith.addi %get3A_479, %add3A_480 : vector<16xi32>
      %swap3A_482 = arith.constant 272 : index
      %swap3A_483 = tpu.vector_load %arg8[%swap3A_482] {strides = array<i32>} : memref<512xi32, #tpu.memory_space<vmem>>, vector<16xi32>,
      %swap3A_484 = vector.shape_cast %swap3A_483 : vector<16xi32> to vector<16xi32>
      %swap3A_485 = vector.shape_cast %add3A_481 : vector<16xi32> to vector<16xi32>
      tpu.vector_store %arg8[%swap3A_482], %swap3A_485 {strides = array<i32>} : memref<512xi32, #tpu.memory_space<vmem>>, vector<16xi32>,
      %get3A_486 = arith.constant 288 : index
      %get3A_487 = tpu.vector_load %arg8[%get3A_486] {strides = array<i32>} : memref<512xi32, #tpu.memory_space<vmem>>, vector<16xi32>,
      %get3A_488 = vector.shape_cast %get3A_487 : vector<16xi32> to vector<16xi32>
      %add3A_489 = vector.broadcast %mul3A_13 : i32 to vector<16xi32>
      %add3A_490 = arith.addi %get3A_488, %add3A_489 : vector<16xi32>
      %swap3A_491 = arith.constant 288 : index
      %swap3A_492 = tpu.vector_load %arg8[%swap3A_491] {strides = array<i32>} : memref<512xi32, #tpu.memory_space<vmem>>, vector<16xi32>,
      %swap3A_493 = vector.shape_cast %swap3A_492 : vector<16xi32> to vector<16xi32>
      %swap3A_494 = vector.shape_cast %add3A_490 : vector<16xi32> to vector<16xi32>
      tpu.vector_store %arg8[%swap3A_491], %swap3A_494 {strides = array<i32>} : memref<512xi32, #tpu.memory_space<vmem>>, vector<16xi32>,
      %get3A_495 = arith.constant 304 : index
      %get3A_496 = tpu.vector_load %arg8[%get3A_495] {strides = array<i32>} : memref<512xi32, #tpu.memory_space<vmem>>, vector<16xi32>,
      %get3A_497 = vector.shape_cast %get3A_496 : vector<16xi32> to vector<16xi32>
      %add3A_498 = vector.broadcast %mul3A_13 : i32 to vector<16xi32>
      %add3A_499 = arith.addi %get3A_497, %add3A_498 : vector<16xi32>
      %swap3A_500 = arith.constant 304 : index
      %swap3A_501 = tpu.vector_load %arg8[%swap3A_500] {strides = array<i32>} : memref<512xi32, #tpu.memory_space<vmem>>, vector<16xi32>,
      %swap3A_502 = vector.shape_cast %swap3A_501 : vector<16xi32> to vector<16xi32>
      %swap3A_503 = vector.shape_cast %add3A_499 : vector<16xi32> to vector<16xi32>
      tpu.vector_store %arg8[%swap3A_500], %swap3A_503 {strides = array<i32>} : memref<512xi32, #tpu.memory_space<vmem>>, vector<16xi32>,
      %get3A_504 = arith.constant 320 : index
      %get3A_505 = tpu.vector_load %arg8[%get3A_504] {strides = array<i32>} : memref<512xi32, #tpu.memory_space<vmem>>, vector<16xi32>,
      %get3A_506 = vector.shape_cast %get3A_505 : vector<16xi32> to vector<16xi32>
      %add3A_507 = vector.broadcast %mul3A_13 : i32 to vector<16xi32>
      %add3A_508 = arith.addi %get3A_506, %add3A_507 : vector<16xi32>
      %swap3A_509 = arith.constant 320 : index
      %swap3A_510 = tpu.vector_load %arg8[%swap3A_509] {strides = array<i32>} : memref<512xi32, #tpu.memory_space<vmem>>, vector<16xi32>,
      %swap3A_511 = vector.shape_cast %swap3A_510 : vector<16xi32> to vector<16xi32>
      %swap3A_512 = vector.shape_cast %add3A_508 : vector<16xi32> to vector<16xi32>
      tpu.vector_store %arg8[%swap3A_509], %swap3A_512 {strides = array<i32>} : memref<512xi32, #tpu.memory_space<vmem>>, vector<16xi32>,
      %get3A_513 = arith.constant 336 : index
      %get3A_514 = tpu.vector_load %arg8[%get3A_513] {strides = array<i32>} : memref<512xi32, #tpu.memory_space<vmem>>, vector<16xi32>,
      %get3A_515 = vector.shape_cast %get3A_514 : vector<16xi32> to vector<16xi32>
      %add3A_516 = vector.broadcast %mul3A_13 : i32 to vector<16xi32>
      %add3A_517 = arith.addi %get3A_515, %add3A_516 : vector<16xi32>
      %swap3A_518 = arith.constant 336 : index
      %swap3A_519 = tpu.vector_load %arg8[%swap3A_518] {strides = array<i32>} : memref<512xi32, #tpu.memory_space<vmem>>, vector<16xi32>,
      %swap3A_520 = vector.shape_cast %swap3A_519 : vector<16xi32> to vector<16xi32>
      %swap3A_521 = vector.shape_cast %add3A_517 : vector<16xi32> to vector<16xi32>
      tpu.vector_store %arg8[%swap3A_518], %swap3A_521 {strides = array<i32>} : memref<512xi32, #tpu.memory_space<vmem>>, vector<16xi32>,
      %get3A_522 = arith.constant 352 : index
      %get3A_523 = tpu.vector_load %arg8[%get3A_522] {strides = array<i32>} : memref<512xi32, #tpu.memory_space<vmem>>, vector<16xi32>,
      %get3A_524 = vector.shape_cast %get3A_523 : vector<16xi32> to vector<16xi32>
      %add3A_525 = vector.broadcast %mul3A_13 : i32 to vector<16xi32>
      %add3A_526 = arith.addi %get3A_524, %add3A_525 : vector<16xi32>
      %swap3A_527 = arith.constant 352 : index
      %swap3A_528 = tpu.vector_load %arg8[%swap3A_527] {strides = array<i32>} : memref<512xi32, #tpu.memory_space<vmem>>, vector<16xi32>,
      %swap3A_529 = vector.shape_cast %swap3A_528 : vector<16xi32> to vector<16xi32>
      %swap3A_530 = vector.shape_cast %add3A_526 : vector<16xi32> to vector<16xi32>
      tpu.vector_store %arg8[%swap3A_527], %swap3A_530 {strides = array<i32>} : memref<512xi32, #tpu.memory_space<vmem>>, vector<16xi32>,
      %get3A_531 = arith.constant 368 : index
      %get3A_532 = tpu.vector_load %arg8[%get3A_531] {strides = array<i32>} : memref<512xi32, #tpu.memory_space<vmem>>, vector<16xi32>,
      %get3A_533 = vector.shape_cast %get3A_532 : vector<16xi32> to vector<16xi32>
      %add3A_534 = vector.broadcast %mul3A_13 : i32 to vector<16xi32>
      %add3A_535 = arith.addi %get3A_533, %add3A_534 : vector<16xi32>
      %swap3A_536 = arith.constant 368 : index
      %swap3A_537 = tpu.vector_load %arg8[%swap3A_536] {strides = array<i32>} : memref<512xi32, #tpu.memory_space<vmem>>, vector<16xi32>,
      %swap3A_538 = vector.shape_cast %swap3A_537 : vector<16xi32> to vector<16xi32>
      %swap3A_539 = vector.shape_cast %add3A_535 : vector<16xi32> to vector<16xi32>
      tpu.vector_store %arg8[%swap3A_536], %swap3A_539 {strides = array<i32>} : memref<512xi32, #tpu.memory_space<vmem>>, vector<16xi32>,
      %get3A_540 = arith.constant 384 : index
      %get3A_541 = tpu.vector_load %arg8[%get3A_540] {strides = array<i32>} : memref<512xi32, #tpu.memory_space<vmem>>, vector<16xi32>,
      %get3A_542 = vector.shape_cast %get3A_541 : vector<16xi32> to vector<16xi32>
      %add3A_543 = vector.broadcast %mul3A_13 : i32 to vector<16xi32>
      %add3A_544 = arith.addi %get3A_542, %add3A_543 : vector<16xi32>
      %swap3A_545 = arith.constant 384 : index
      %swap3A_546 = tpu.vector_load %arg8[%swap3A_545] {strides = array<i32>} : memref<512xi32, #tpu.memory_space<vmem>>, vector<16xi32>,
      %swap3A_547 = vector.shape_cast %swap3A_546 : vector<16xi32> to vector<16xi32>
      %swap3A_548 = vector.shape_cast %add3A_544 : vector<16xi32> to vector<16xi32>
      tpu.vector_store %arg8[%swap3A_545], %swap3A_548 {strides = array<i32>} : memref<512xi32, #tpu.memory_space<vmem>>, vector<16xi32>,
      %get3A_549 = arith.constant 400 : index
      %get3A_550 = tpu.vector_load %arg8[%get3A_549] {strides = array<i32>} : memref<512xi32, #tpu.memory_space<vmem>>, vector<16xi32>,
      %get3A_551 = vector.shape_cast %get3A_550 : vector<16xi32> to vector<16xi32>
      %add3A_552 = vector.broadcast %mul3A_13 : i32 to vector<16xi32>
      %add3A_553 = arith.addi %get3A_551, %add3A_552 : vector<16xi32>
      %swap3A_554 = arith.constant 400 : index
      %swap3A_555 = tpu.vector_load %arg8[%swap3A_554] {strides = array<i32>} : memref<512xi32, #tpu.memory_space<vmem>>, vector<16xi32>,
      %swap3A_556 = vector.shape_cast %swap3A_555 : vector<16xi32> to vector<16xi32>
      %swap3A_557 = vector.shape_cast %add3A_553 : vector<16xi32> to vector<16xi32>
      tpu.vector_store %arg8[%swap3A_554], %swap3A_557 {strides = array<i32>} : memref<512xi32, #tpu.memory_space<vmem>>, vector<16xi32>,
      %get3A_558 = arith.constant 416 : index
      %get3A_559 = tpu.vector_load %arg8[%get3A_558] {strides = array<i32>} : memref<512xi32, #tpu.memory_space<vmem>>, vector<16xi32>,
      %get3A_560 = vector.shape_cast %get3A_559 : vector<16xi32> to vector<16xi32>
      %add3A_561 = vector.broadcast %mul3A_13 : i32 to vector<16xi32>
      %add3A_562 = arith.addi %get3A_560, %add3A_561 : vector<16xi32>
      %swap3A_563 = arith.constant 416 : index
      %swap3A_564 = tpu.vector_load %arg8[%swap3A_563] {strides = array<i32>} : memref<512xi32, #tpu.memory_space<vmem>>, vector<16xi32>,
      %swap3A_565 = vector.shape_cast %swap3A_564 : vector<16xi32> to vector<16xi32>
      %swap3A_566 = vector.shape_cast %add3A_562 : vector<16xi32> to vector<16xi32>
      tpu.vector_store %arg8[%swap3A_563], %swap3A_566 {strides = array<i32>} : memref<512xi32, #tpu.memory_space<vmem>>, vector<16xi32>,
      %get3A_567 = arith.constant 432 : index
      %get3A_568 = tpu.vector_load %arg8[%get3A_567] {strides = array<i32>} : memref<512xi32, #tpu.memory_space<vmem>>, vector<16xi32>,
      %get3A_569 = vector.shape_cast %get3A_568 : vector<16xi32> to vector<16xi32>
      %add3A_570 = vector.broadcast %mul3A_13 : i32 to vector<16xi32>
      %add3A_571 = arith.addi %get3A_569, %add3A_570 : vector<16xi32>
      %swap3A_572 = arith.constant 432 : index
      %swap3A_573 = tpu.vector_load %arg8[%swap3A_572] {strides = array<i32>} : memref<512xi32, #tpu.memory_space<vmem>>, vector<16xi32>,
      %swap3A_574 = vector.shape_cast %swap3A_573 : vector<16xi32> to vector<16xi32>
      %swap3A_575 = vector.shape_cast %add3A_571 : vector<16xi32> to vector<16xi32>
      tpu.vector_store %arg8[%swap3A_572], %swap3A_575 {strides = array<i32>} : memref<512xi32, #tpu.memory_space<vmem>>, vector<16xi32>,
      %get3A_576 = arith.constant 448 : index
      %get3A_577 = tpu.vector_load %arg8[%get3A_576] {strides = array<i32>} : memref<512xi32, #tpu.memory_space<vmem>>, vector<16xi32>,
      %get3A_578 = vector.shape_cast %get3A_577 : vector<16xi32> to vector<16xi32>
      %add3A_579 = vector.broadcast %mul3A_13 : i32 to vector<16xi32>
      %add3A_580 = arith.addi %get3A_578, %add3A_579 : vector<16xi32>
      %swap3A_581 = arith.constant 448 : index
      %swap3A_582 = tpu.vector_load %arg8[%swap3A_581] {strides = array<i32>} : memref<512xi32, #tpu.memory_space<vmem>>, vector<16xi32>,
      %swap3A_583 = vector.shape_cast %swap3A_582 : vector<16xi32> to vector<16xi32>
      %swap3A_584 = vector.shape_cast %add3A_580 : vector<16xi32> to vector<16xi32>
      tpu.vector_store %arg8[%swap3A_581], %swap3A_584 {strides = array<i32>} : memref<512xi32, #tpu.memory_space<vmem>>, vector<16xi32>,
      %get3A_585 = arith.constant 464 : index
      %get3A_586 = tpu.vector_load %arg8[%get3A_585] {strides = array<i32>} : memref<512xi32, #tpu.memory_space<vmem>>, vector<16xi32>,
      %get3A_587 = vector.shape_cast %get3A_586 : vector<16xi32> to vector<16xi32>
      %add3A_588 = vector.broadcast %mul3A_13 : i32 to vector<16xi32>
      %add3A_589 = arith.addi %get3A_587, %add3A_588 : vector<16xi32>
      %swap3A_590 = arith.constant 464 : index
      %swap3A_591 = tpu.vector_load %arg8[%swap3A_590] {strides = array<i32>} : memref<512xi32, #tpu.memory_space<vmem>>, vector<16xi32>,
      %swap3A_592 = vector.shape_cast %swap3A_591 : vector<16xi32> to vector<16xi32>
      %swap3A_593 = vector.shape_cast %add3A_589 : vector<16xi32> to vector<16xi32>
      tpu.vector_store %arg8[%swap3A_590], %swap3A_593 {strides = array<i32>} : memref<512xi32, #tpu.memory_space<vmem>>, vector<16xi32>,
      %get3A_594 = arith.constant 480 : index
      %get3A_595 = tpu.vector_load %arg8[%get3A_594] {strides = array<i32>} : memref<512xi32, #tpu.memory_space<vmem>>, vector<16xi32>,
      %get3A_596 = vector.shape_cast %get3A_595 : vector<16xi32> to vector<16xi32>
      %add3A_597 = vector.broadcast %mul3A_13 : i32 to vector<16xi32>
      %add3A_598 = arith.addi %get3A_596, %add3A_597 : vector<16xi32>
      %swap3A_599 = arith.constant 480 : index
      %swap3A_600 = tpu.vector_load %arg8[%swap3A_599] {strides = array<i32>} : memref<512xi32, #tpu.memory_space<vmem>>, vector<16xi32>,
      %swap3A_601 = vector.shape_cast %swap3A_600 : vector<16xi32> to vector<16xi32>
      %swap3A_602 = vector.shape_cast %add3A_598 : vector<16xi32> to vector<16xi32>
      tpu.vector_store %arg8[%swap3A_599], %swap3A_602 {strides = array<i32>} : memref<512xi32, #tpu.memory_space<vmem>>, vector<16xi32>,
      %get3A_603 = arith.constant 496 : index
      %get3A_604 = tpu.vector_load %arg8[%get3A_603] {strides = array<i32>} : memref<512xi32, #tpu.memory_space<vmem>>, vector<16xi32>,
      %get3A_605 = vector.shape_cast %get3A_604 : vector<16xi32> to vector<16xi32>
      %add3A_606 = vector.broadcast %mul3A_13 : i32 to vector<16xi32>
      %add3A_607 = arith.addi %get3A_605, %add3A_606 : vector<16xi32>
      %swap3A_608 = arith.constant 496 : index
      %swap3A_609 = tpu.vector_load %arg8[%swap3A_608] {strides = array<i32>} : memref<512xi32, #tpu.memory_space<vmem>>, vector<16xi32>,
      %swap3A_610 = vector.shape_cast %swap3A_609 : vector<16xi32> to vector<16xi32>
      %swap3A_611 = vector.shape_cast %add3A_607 : vector<16xi32> to vector<16xi32>
      tpu.vector_store %arg8[%swap3A_608], %swap3A_611 {strides = array<i32>} : memref<512xi32, #tpu.memory_space<vmem>>, vector<16xi32>,
      %gt3A = arith.constant 0 : i32
      %gt3A_612 = arith.cmpi sgt, %add3A_318, %gt3A : i32
      %convert_element_type3A = arith.extui %gt3A_612 : i1 to i32
      %cond3A = arith.constant 0 : i32
      %cond3A_613 = arith.cmpi ne, %convert_element_type3A, %cond3A : i32
      scf.if %cond3A_613 {
        %dma_wait3A_638 = arith.constant 0 : i32
        %dma_wait3A_639 = arith.constant 0 : i32
        %dma_wait3A_640 = tpu.memref_slice %arg13[%dma_wait3A_638, %dma_wait3A_639] : memref<100352x16xf32, #tpu.memory_space<vmem_shared>> -> memref<100352x16xf32, #tpu.memory_space<vmem_shared>>
        tpu.wait_indirect_dma semaphore(%arg17 : memref<!tpu.dma_semaphore, #tpu.memory_space<semaphore_mem>>) src(%arg11 : memref<512x16xf32, #tpu.memory_space<vmem>>) dst(%dma_wait3A_640 : memref<100352x16xf32, #tpu.memory_space<vmem_shared>>)
      } else {
      }
      %dma_wait3A_614 = arith.constant 0 : i32
      %dma_wait3A_615 = arith.constant 0 : i32
      %dma_wait3A_616 = tpu.memref_slice %arg2[%dma_wait3A_614, %dma_wait3A_615] : memref<200704x16xf32, #tpu.memory_space<hbm>> -> memref<200704x16xf32, #tpu.memory_space<hbm>>
      tpu.wait_indirect_dma semaphore(%arg14 : memref<!tpu.dma_semaphore, #tpu.memory_space<semaphore_mem>>) src(%dma_wait3A_616 : memref<200704x16xf32, #tpu.memory_space<hbm>>) dst(%arg10 : memref<512x16xf32, #tpu.memory_space<vmem>>)
      %dma_start3A_617 = arith.constant 0 : i32
      %dma_start3A_618 = arith.constant 0 : i32
      %dma_start3A_619 = tpu.memref_slice %arg13[%dma_start3A_617, %dma_start3A_618] : memref<100352x16xf32, #tpu.memory_space<vmem_shared>> -> memref<100352x16xf32, #tpu.memory_space<vmem_shared>>
      tpu.enqueue_indirect_dma source(%arg10 : memref<512x16xf32, #tpu.memory_space<vmem>>) target(%dma_start3A_619 : memref<100352x16xf32, #tpu.memory_space<vmem_shared>>) offsets(%arg7 : memref<512xi32, #tpu.memory_space<vmem>>) semaphore(%arg16 : memref<!tpu.dma_semaphore, #tpu.memory_space<semaphore_mem>>) {add = true}
      %dma_start3A_620 = arith.constant 0 : i32
      %dma_start3A_621 = arith.constant 0 : i32
      %dma_start3A_622 = tpu.memref_slice %arg2[%dma_start3A_620, %dma_start3A_621] : memref<200704x16xf32, #tpu.memory_space<hbm>> -> memref<200704x16xf32, #tpu.memory_space<hbm>>
      tpu.enqueue_indirect_dma source(%dma_start3A_622 : memref<200704x16xf32, #tpu.memory_space<hbm>>) target(%arg11 : memref<512x16xf32, #tpu.memory_space<vmem>>) offsets(%arg8 : memref<512xi32, #tpu.memory_space<vmem>>) semaphore(%arg15 : memref<!tpu.dma_semaphore, #tpu.memory_space<semaphore_mem>>)
      %dma_wait3A_623 = arith.constant 0 : i32
      %dma_wait3A_624 = arith.constant 0 : i32
      %dma_wait3A_625 = tpu.memref_slice %arg13[%dma_wait3A_623, %dma_wait3A_624] : memref<100352x16xf32, #tpu.memory_space<vmem_shared>> -> memref<100352x16xf32, #tpu.memory_space<vmem_shared>>
      tpu.wait_indirect_dma semaphore(%arg16 : memref<!tpu.dma_semaphore, #tpu.memory_space<semaphore_mem>>) src(%arg10 : memref<512x16xf32, #tpu.memory_space<vmem>>) dst(%dma_wait3A_625 : memref<100352x16xf32, #tpu.memory_space<vmem_shared>>)
      %add3A_626 = arith.constant 2 : i32
      %add3A_627 = arith.addi %mul3A_320, %add3A_626 : i32
      %lt3A = arith.constant 196 : i32
      %lt3A_628 = arith.cmpi slt, %add3A_627, %lt3A : i32
      %convert_element_type3A_629 = arith.extui %lt3A_628 : i1 to i32
      %cond3A_630 = arith.constant 0 : i32
      %cond3A_631 = arith.cmpi ne, %convert_element_type3A_629, %cond3A_630 : i32
      scf.if %cond3A_631 {
        %add3A_638 = arith.addi %mul3A_11, %mul3A_320 : i32
        %add3A_639 = arith.constant 2 : i32
        %add3A_640 = arith.addi %add3A_638, %add3A_639 : i32
        "tpu.region"() ({
          %run_scoped3A = tpu.sem_alloc : memref<!tpu.dma_semaphore, #tpu.memory_space<semaphore_mem>>
          %dma_start3A_932 = arith.constant 0 : i32
          %dma_start3A_933 = tpu.memref_slice %arg3[%add3A_640, %dma_start3A_932] : memref<3136x512xi32, #tpu.memory_space<hbm>> -> memref<1x512xi32, #tpu.memory_space<hbm>>
          %dma_start3A_934 = tpu.memref_squeeze %dma_start3A_933 : memref<1x512xi32, #tpu.memory_space<hbm>> -> memref<512xi32, #tpu.memory_space<hbm>>
          %dma_start3A_935 = arith.constant 0 : i32
          %dma_start3A_936 = tpu.memref_slice %arg3[%add3A_640, %dma_start3A_935] : memref<3136x512xi32, #tpu.memory_space<hbm>> -> memref<1x512xi32, #tpu.memory_space<hbm>>
          %dma_start3A_937 = tpu.memref_squeeze %dma_start3A_936 : memref<1x512xi32, #tpu.memory_space<hbm>> -> memref<512xi32, #tpu.memory_space<hbm>>
          tpu.enqueue_dma source(%dma_start3A_937 : memref<512xi32, #tpu.memory_space<hbm>>) target(%arg6 : memref<512xi32, #tpu.memory_space<vmem>>) target_semaphore(%run_scoped3A : memref<!tpu.dma_semaphore, #tpu.memory_space<semaphore_mem>>)
          %dma_wait3A_938 = arith.constant 0 : i32
          %dma_wait3A_939 = tpu.memref_slice %arg3[%add3A_640, %dma_wait3A_938] : memref<3136x512xi32, #tpu.memory_space<hbm>> -> memref<1x512xi32, #tpu.memory_space<hbm>>
          %dma_wait3A_940 = tpu.memref_squeeze %dma_wait3A_939 : memref<1x512xi32, #tpu.memory_space<hbm>> -> memref<512xi32, #tpu.memory_space<hbm>>
          %dma_wait3A_941 = arith.constant 0 : i32
          %dma_wait3A_942 = tpu.memref_slice %arg3[%add3A_640, %dma_wait3A_941] : memref<3136x512xi32, #tpu.memory_space<hbm>> -> memref<1x512xi32, #tpu.memory_space<hbm>>
          %dma_wait3A_943 = tpu.memref_squeeze %dma_wait3A_942 : memref<1x512xi32, #tpu.memory_space<hbm>> -> memref<512xi32, #tpu.memory_space<hbm>>
          tpu.wait_dma2 semaphore(%run_scoped3A : memref<!tpu.dma_semaphore, #tpu.memory_space<semaphore_mem>>) src(%dma_wait3A_943 : memref<512xi32, #tpu.memory_space<hbm>>) dst(%arg6 : memref<512xi32, #tpu.memory_space<vmem>>)
          tpu.yield
        }) : () -> ()
        "tpu.region"() ({
          %run_scoped3A = tpu.sem_alloc : memref<!tpu.dma_semaphore, #tpu.memory_space<semaphore_mem>>
          %dma_start3A_932 = arith.constant 0 : i32
          %dma_start3A_933 = tpu.memref_slice %arg4[%add3A_640, %dma_start3A_932] : memref<3136x512xi32, #tpu.memory_space<hbm>> -> memref<1x512xi32, #tpu.memory_space<hbm>>
          %dma_start3A_934 = tpu.memref_squeeze %dma_start3A_933 : memref<1x512xi32, #tpu.memory_space<hbm>> -> memref<512xi32, #tpu.memory_space<hbm>>
          %dma_start3A_935 = arith.constant 0 : i32
          %dma_start3A_936 = tpu.memref_slice %arg4[%add3A_640, %dma_start3A_935] : memref<3136x512xi32, #tpu.memory_space<hbm>> -> memref<1x512xi32, #tpu.memory_space<hbm>>
          %dma_start3A_937 = tpu.memref_squeeze %dma_start3A_936 : memref<1x512xi32, #tpu.memory_space<hbm>> -> memref<512xi32, #tpu.memory_space<hbm>>
          tpu.enqueue_dma source(%dma_start3A_937 : memref<512xi32, #tpu.memory_space<hbm>>) target(%arg7 : memref<512xi32, #tpu.memory_space<vmem>>) target_semaphore(%run_scoped3A : memref<!tpu.dma_semaphore, #tpu.memory_space<semaphore_mem>>)
          %dma_wait3A_938 = arith.constant 0 : i32
          %dma_wait3A_939 = tpu.memref_slice %arg4[%add3A_640, %dma_wait3A_938] : memref<3136x512xi32, #tpu.memory_space<hbm>> -> memref<1x512xi32, #tpu.memory_space<hbm>>
          %dma_wait3A_940 = tpu.memref_squeeze %dma_wait3A_939 : memref<1x512xi32, #tpu.memory_space<hbm>> -> memref<512xi32, #tpu.memory_space<hbm>>
          %dma_wait3A_941 = arith.constant 0 : i32
          %dma_wait3A_942 = tpu.memref_slice %arg4[%add3A_640, %dma_wait3A_941] : memref<3136x512xi32, #tpu.memory_space<hbm>> -> memref<1x512xi32, #tpu.memory_space<hbm>>
          %dma_wait3A_943 = tpu.memref_squeeze %dma_wait3A_942 : memref<1x512xi32, #tpu.memory_space<hbm>> -> memref<512xi32, #tpu.memory_space<hbm>>
          tpu.wait_dma2 semaphore(%run_scoped3A : memref<!tpu.dma_semaphore, #tpu.memory_space<semaphore_mem>>) src(%dma_wait3A_943 : memref<512xi32, #tpu.memory_space<hbm>>) dst(%arg7 : memref<512xi32, #tpu.memory_space<vmem>>)
          tpu.yield
        }) : () -> ()
        %get3A_641 = arith.constant 0 : index
        %get3A_642 = tpu.vector_load %arg6[%get3A_641] {strides = array<i32>} : memref<512xi32, #tpu.memory_space<vmem>>, vector<16xi32>,
        %get3A_643 = vector.shape_cast %get3A_642 : vector<16xi32> to vector<16xi32>
        %add3A_644 = vector.broadcast %mul3A_13 : i32 to vector<16xi32>
        %add3A_645 = arith.addi %get3A_643, %add3A_644 : vector<16xi32>
        %swap3A_646 = arith.constant 0 : index
        %swap3A_647 = tpu.vector_load %arg6[%swap3A_646] {strides = array<i32>} : memref<512xi32, #tpu.memory_space<vmem>>, vector<16xi32>,
        %swap3A_648 = vector.shape_cast %swap3A_647 : vector<16xi32> to vector<16xi32>
        %swap3A_649 = vector.shape_cast %add3A_645 : vector<16xi32> to vector<16xi32>
        tpu.vector_store %arg6[%swap3A_646], %swap3A_649 {strides = array<i32>} : memref<512xi32, #tpu.memory_space<vmem>>, vector<16xi32>,
        %get3A_650 = arith.constant 16 : index
        %get3A_651 = tpu.vector_load %arg6[%get3A_650] {strides = array<i32>} : memref<512xi32, #tpu.memory_space<vmem>>, vector<16xi32>,
        %get3A_652 = vector.shape_cast %get3A_651 : vector<16xi32> to vector<16xi32>
        %add3A_653 = vector.broadcast %mul3A_13 : i32 to vector<16xi32>
        %add3A_654 = arith.addi %get3A_652, %add3A_653 : vector<16xi32>
        %swap3A_655 = arith.constant 16 : index
        %swap3A_656 = tpu.vector_load %arg6[%swap3A_655] {strides = array<i32>} : memref<512xi32, #tpu.memory_space<vmem>>, vector<16xi32>,
        %swap3A_657 = vector.shape_cast %swap3A_656 : vector<16xi32> to vector<16xi32>
        %swap3A_658 = vector.shape_cast %add3A_654 : vector<16xi32> to vector<16xi32>
        tpu.vector_store %arg6[%swap3A_655], %swap3A_658 {strides = array<i32>} : memref<512xi32, #tpu.memory_space<vmem>>, vector<16xi32>,
        %get3A_659 = arith.constant 32 : index
        %get3A_660 = tpu.vector_load %arg6[%get3A_659] {strides = array<i32>} : memref<512xi32, #tpu.memory_space<vmem>>, vector<16xi32>,
        %get3A_661 = vector.shape_cast %get3A_660 : vector<16xi32> to vector<16xi32>
        %add3A_662 = vector.broadcast %mul3A_13 : i32 to vector<16xi32>
        %add3A_663 = arith.addi %get3A_661, %add3A_662 : vector<16xi32>
        %swap3A_664 = arith.constant 32 : index
        %swap3A_665 = tpu.vector_load %arg6[%swap3A_664] {strides = array<i32>} : memref<512xi32, #tpu.memory_space<vmem>>, vector<16xi32>,
        %swap3A_666 = vector.shape_cast %swap3A_665 : vector<16xi32> to vector<16xi32>
        %swap3A_667 = vector.shape_cast %add3A_663 : vector<16xi32> to vector<16xi32>
        tpu.vector_store %arg6[%swap3A_664], %swap3A_667 {strides = array<i32>} : memref<512xi32, #tpu.memory_space<vmem>>, vector<16xi32>,
        %get3A_668 = arith.constant 48 : index
        %get3A_669 = tpu.vector_load %arg6[%get3A_668] {strides = array<i32>} : memref<512xi32, #tpu.memory_space<vmem>>, vector<16xi32>,
        %get3A_670 = vector.shape_cast %get3A_669 : vector<16xi32> to vector<16xi32>
        %add3A_671 = vector.broadcast %mul3A_13 : i32 to vector<16xi32>
        %add3A_672 = arith.addi %get3A_670, %add3A_671 : vector<16xi32>
        %swap3A_673 = arith.constant 48 : index
        %swap3A_674 = tpu.vector_load %arg6[%swap3A_673] {strides = array<i32>} : memref<512xi32, #tpu.memory_space<vmem>>, vector<16xi32>,
        %swap3A_675 = vector.shape_cast %swap3A_674 : vector<16xi32> to vector<16xi32>
        %swap3A_676 = vector.shape_cast %add3A_672 : vector<16xi32> to vector<16xi32>
        tpu.vector_store %arg6[%swap3A_673], %swap3A_676 {strides = array<i32>} : memref<512xi32, #tpu.memory_space<vmem>>, vector<16xi32>,
        %get3A_677 = arith.constant 64 : index
        %get3A_678 = tpu.vector_load %arg6[%get3A_677] {strides = array<i32>} : memref<512xi32, #tpu.memory_space<vmem>>, vector<16xi32>,
        %get3A_679 = vector.shape_cast %get3A_678 : vector<16xi32> to vector<16xi32>
        %add3A_680 = vector.broadcast %mul3A_13 : i32 to vector<16xi32>
        %add3A_681 = arith.addi %get3A_679, %add3A_680 : vector<16xi32>
        %swap3A_682 = arith.constant 64 : index
        %swap3A_683 = tpu.vector_load %arg6[%swap3A_682] {strides = array<i32>} : memref<512xi32, #tpu.memory_space<vmem>>, vector<16xi32>,
        %swap3A_684 = vector.shape_cast %swap3A_683 : vector<16xi32> to vector<16xi32>
        %swap3A_685 = vector.shape_cast %add3A_681 : vector<16xi32> to vector<16xi32>
        tpu.vector_store %arg6[%swap3A_682], %swap3A_685 {strides = array<i32>} : memref<512xi32, #tpu.memory_space<vmem>>, vector<16xi32>,
        %get3A_686 = arith.constant 80 : index
        %get3A_687 = tpu.vector_load %arg6[%get3A_686] {strides = array<i32>} : memref<512xi32, #tpu.memory_space<vmem>>, vector<16xi32>,
        %get3A_688 = vector.shape_cast %get3A_687 : vector<16xi32> to vector<16xi32>
        %add3A_689 = vector.broadcast %mul3A_13 : i32 to vector<16xi32>
        %add3A_690 = arith.addi %get3A_688, %add3A_689 : vector<16xi32>
        %swap3A_691 = arith.constant 80 : index
        %swap3A_692 = tpu.vector_load %arg6[%swap3A_691] {strides = array<i32>} : memref<512xi32, #tpu.memory_space<vmem>>, vector<16xi32>,
        %swap3A_693 = vector.shape_cast %swap3A_692 : vector<16xi32> to vector<16xi32>
        %swap3A_694 = vector.shape_cast %add3A_690 : vector<16xi32> to vector<16xi32>
        tpu.vector_store %arg6[%swap3A_691], %swap3A_694 {strides = array<i32>} : memref<512xi32, #tpu.memory_space<vmem>>, vector<16xi32>,
        %get3A_695 = arith.constant 96 : index
        %get3A_696 = tpu.vector_load %arg6[%get3A_695] {strides = array<i32>} : memref<512xi32, #tpu.memory_space<vmem>>, vector<16xi32>,
        %get3A_697 = vector.shape_cast %get3A_696 : vector<16xi32> to vector<16xi32>
        %add3A_698 = vector.broadcast %mul3A_13 : i32 to vector<16xi32>
        %add3A_699 = arith.addi %get3A_697, %add3A_698 : vector<16xi32>
        %swap3A_700 = arith.constant 96 : index
        %swap3A_701 = tpu.vector_load %arg6[%swap3A_700] {strides = array<i32>} : memref<512xi32, #tpu.memory_space<vmem>>, vector<16xi32>,
        %swap3A_702 = vector.shape_cast %swap3A_701 : vector<16xi32> to vector<16xi32>
        %swap3A_703 = vector.shape_cast %add3A_699 : vector<16xi32> to vector<16xi32>
        tpu.vector_store %arg6[%swap3A_700], %swap3A_703 {strides = array<i32>} : memref<512xi32, #tpu.memory_space<vmem>>, vector<16xi32>,
        %get3A_704 = arith.constant 112 : index
        %get3A_705 = tpu.vector_load %arg6[%get3A_704] {strides = array<i32>} : memref<512xi32, #tpu.memory_space<vmem>>, vector<16xi32>,
        %get3A_706 = vector.shape_cast %get3A_705 : vector<16xi32> to vector<16xi32>
        %add3A_707 = vector.broadcast %mul3A_13 : i32 to vector<16xi32>
        %add3A_708 = arith.addi %get3A_706, %add3A_707 : vector<16xi32>
        %swap3A_709 = arith.constant 112 : index
        %swap3A_710 = tpu.vector_load %arg6[%swap3A_709] {strides = array<i32>} : memref<512xi32, #tpu.memory_space<vmem>>, vector<16xi32>,
        %swap3A_711 = vector.shape_cast %swap3A_710 : vector<16xi32> to vector<16xi32>
        %swap3A_712 = vector.shape_cast %add3A_708 : vector<16xi32> to vector<16xi32>
        tpu.vector_store %arg6[%swap3A_709], %swap3A_712 {strides = array<i32>} : memref<512xi32, #tpu.memory_space<vmem>>, vector<16xi32>,
        %get3A_713 = arith.constant 128 : index
        %get3A_714 = tpu.vector_load %arg6[%get3A_713] {strides = array<i32>} : memref<512xi32, #tpu.memory_space<vmem>>, vector<16xi32>,
        %get3A_715 = vector.shape_cast %get3A_714 : vector<16xi32> to vector<16xi32>
        %add3A_716 = vector.broadcast %mul3A_13 : i32 to vector<16xi32>
        %add3A_717 = arith.addi %get3A_715, %add3A_716 : vector<16xi32>
        %swap3A_718 = arith.constant 128 : index
        %swap3A_719 = tpu.vector_load %arg6[%swap3A_718] {strides = array<i32>} : memref<512xi32, #tpu.memory_space<vmem>>, vector<16xi32>,
        %swap3A_720 = vector.shape_cast %swap3A_719 : vector<16xi32> to vector<16xi32>
        %swap3A_721 = vector.shape_cast %add3A_717 : vector<16xi32> to vector<16xi32>
        tpu.vector_store %arg6[%swap3A_718], %swap3A_721 {strides = array<i32>} : memref<512xi32, #tpu.memory_space<vmem>>, vector<16xi32>,
        %get3A_722 = arith.constant 144 : index
        %get3A_723 = tpu.vector_load %arg6[%get3A_722] {strides = array<i32>} : memref<512xi32, #tpu.memory_space<vmem>>, vector<16xi32>,
        %get3A_724 = vector.shape_cast %get3A_723 : vector<16xi32> to vector<16xi32>
        %add3A_725 = vector.broadcast %mul3A_13 : i32 to vector<16xi32>
        %add3A_726 = arith.addi %get3A_724, %add3A_725 : vector<16xi32>
        %swap3A_727 = arith.constant 144 : index
        %swap3A_728 = tpu.vector_load %arg6[%swap3A_727] {strides = array<i32>} : memref<512xi32, #tpu.memory_space<vmem>>, vector<16xi32>,
        %swap3A_729 = vector.shape_cast %swap3A_728 : vector<16xi32> to vector<16xi32>
        %swap3A_730 = vector.shape_cast %add3A_726 : vector<16xi32> to vector<16xi32>
        tpu.vector_store %arg6[%swap3A_727], %swap3A_730 {strides = array<i32>} : memref<512xi32, #tpu.memory_space<vmem>>, vector<16xi32>,
        %get3A_731 = arith.constant 160 : index
        %get3A_732 = tpu.vector_load %arg6[%get3A_731] {strides = array<i32>} : memref<512xi32, #tpu.memory_space<vmem>>, vector<16xi32>,
        %get3A_733 = vector.shape_cast %get3A_732 : vector<16xi32> to vector<16xi32>
        %add3A_734 = vector.broadcast %mul3A_13 : i32 to vector<16xi32>
        %add3A_735 = arith.addi %get3A_733, %add3A_734 : vector<16xi32>
        %swap3A_736 = arith.constant 160 : index
        %swap3A_737 = tpu.vector_load %arg6[%swap3A_736] {strides = array<i32>} : memref<512xi32, #tpu.memory_space<vmem>>, vector<16xi32>,
        %swap3A_738 = vector.shape_cast %swap3A_737 : vector<16xi32> to vector<16xi32>
        %swap3A_739 = vector.shape_cast %add3A_735 : vector<16xi32> to vector<16xi32>
        tpu.vector_store %arg6[%swap3A_736], %swap3A_739 {strides = array<i32>} : memref<512xi32, #tpu.memory_space<vmem>>, vector<16xi32>,
        %get3A_740 = arith.constant 176 : index
        %get3A_741 = tpu.vector_load %arg6[%get3A_740] {strides = array<i32>} : memref<512xi32, #tpu.memory_space<vmem>>, vector<16xi32>,
        %get3A_742 = vector.shape_cast %get3A_741 : vector<16xi32> to vector<16xi32>
        %add3A_743 = vector.broadcast %mul3A_13 : i32 to vector<16xi32>
        %add3A_744 = arith.addi %get3A_742, %add3A_743 : vector<16xi32>
        %swap3A_745 = arith.constant 176 : index
        %swap3A_746 = tpu.vector_load %arg6[%swap3A_745] {strides = array<i32>} : memref<512xi32, #tpu.memory_space<vmem>>, vector<16xi32>,
        %swap3A_747 = vector.shape_cast %swap3A_746 : vector<16xi32> to vector<16xi32>
        %swap3A_748 = vector.shape_cast %add3A_744 : vector<16xi32> to vector<16xi32>
        tpu.vector_store %arg6[%swap3A_745], %swap3A_748 {strides = array<i32>} : memref<512xi32, #tpu.memory_space<vmem>>, vector<16xi32>,
        %get3A_749 = arith.constant 192 : index
        %get3A_750 = tpu.vector_load %arg6[%get3A_749] {strides = array<i32>} : memref<512xi32, #tpu.memory_space<vmem>>, vector<16xi32>,
        %get3A_751 = vector.shape_cast %get3A_750 : vector<16xi32> to vector<16xi32>
        %add3A_752 = vector.broadcast %mul3A_13 : i32 to vector<16xi32>
        %add3A_753 = arith.addi %get3A_751, %add3A_752 : vector<16xi32>
        %swap3A_754 = arith.constant 192 : index
        %swap3A_755 = tpu.vector_load %arg6[%swap3A_754] {strides = array<i32>} : memref<512xi32, #tpu.memory_space<vmem>>, vector<16xi32>,
        %swap3A_756 = vector.shape_cast %swap3A_755 : vector<16xi32> to vector<16xi32>
        %swap3A_757 = vector.shape_cast %add3A_753 : vector<16xi32> to vector<16xi32>
        tpu.vector_store %arg6[%swap3A_754], %swap3A_757 {strides = array<i32>} : memref<512xi32, #tpu.memory_space<vmem>>, vector<16xi32>,
        %get3A_758 = arith.constant 208 : index
        %get3A_759 = tpu.vector_load %arg6[%get3A_758] {strides = array<i32>} : memref<512xi32, #tpu.memory_space<vmem>>, vector<16xi32>,
        %get3A_760 = vector.shape_cast %get3A_759 : vector<16xi32> to vector<16xi32>
        %add3A_761 = vector.broadcast %mul3A_13 : i32 to vector<16xi32>
        %add3A_762 = arith.addi %get3A_760, %add3A_761 : vector<16xi32>
        %swap3A_763 = arith.constant 208 : index
        %swap3A_764 = tpu.vector_load %arg6[%swap3A_763] {strides = array<i32>} : memref<512xi32, #tpu.memory_space<vmem>>, vector<16xi32>,
        %swap3A_765 = vector.shape_cast %swap3A_764 : vector<16xi32> to vector<16xi32>
        %swap3A_766 = vector.shape_cast %add3A_762 : vector<16xi32> to vector<16xi32>
        tpu.vector_store %arg6[%swap3A_763], %swap3A_766 {strides = array<i32>} : memref<512xi32, #tpu.memory_space<vmem>>, vector<16xi32>,
        %get3A_767 = arith.constant 224 : index
        %get3A_768 = tpu.vector_load %arg6[%get3A_767] {strides = array<i32>} : memref<512xi32, #tpu.memory_space<vmem>>, vector<16xi32>,
        %get3A_769 = vector.shape_cast %get3A_768 : vector<16xi32> to vector<16xi32>
        %add3A_770 = vector.broadcast %mul3A_13 : i32 to vector<16xi32>
        %add3A_771 = arith.addi %get3A_769, %add3A_770 : vector<16xi32>
        %swap3A_772 = arith.constant 224 : index
        %swap3A_773 = tpu.vector_load %arg6[%swap3A_772] {strides = array<i32>} : memref<512xi32, #tpu.memory_space<vmem>>, vector<16xi32>,
        %swap3A_774 = vector.shape_cast %swap3A_773 : vector<16xi32> to vector<16xi32>
        %swap3A_775 = vector.shape_cast %add3A_771 : vector<16xi32> to vector<16xi32>
        tpu.vector_store %arg6[%swap3A_772], %swap3A_775 {strides = array<i32>} : memref<512xi32, #tpu.memory_space<vmem>>, vector<16xi32>,
        %get3A_776 = arith.constant 240 : index
        %get3A_777 = tpu.vector_load %arg6[%get3A_776] {strides = array<i32>} : memref<512xi32, #tpu.memory_space<vmem>>, vector<16xi32>,
        %get3A_778 = vector.shape_cast %get3A_777 : vector<16xi32> to vector<16xi32>
        %add3A_779 = vector.broadcast %mul3A_13 : i32 to vector<16xi32>
        %add3A_780 = arith.addi %get3A_778, %add3A_779 : vector<16xi32>
        %swap3A_781 = arith.constant 240 : index
        %swap3A_782 = tpu.vector_load %arg6[%swap3A_781] {strides = array<i32>} : memref<512xi32, #tpu.memory_space<vmem>>, vector<16xi32>,
        %swap3A_783 = vector.shape_cast %swap3A_782 : vector<16xi32> to vector<16xi32>
        %swap3A_784 = vector.shape_cast %add3A_780 : vector<16xi32> to vector<16xi32>
        tpu.vector_store %arg6[%swap3A_781], %swap3A_784 {strides = array<i32>} : memref<512xi32, #tpu.memory_space<vmem>>, vector<16xi32>,
        %get3A_785 = arith.constant 256 : index
        %get3A_786 = tpu.vector_load %arg6[%get3A_785] {strides = array<i32>} : memref<512xi32, #tpu.memory_space<vmem>>, vector<16xi32>,
        %get3A_787 = vector.shape_cast %get3A_786 : vector<16xi32> to vector<16xi32>
        %add3A_788 = vector.broadcast %mul3A_13 : i32 to vector<16xi32>
        %add3A_789 = arith.addi %get3A_787, %add3A_788 : vector<16xi32>
        %swap3A_790 = arith.constant 256 : index
        %swap3A_791 = tpu.vector_load %arg6[%swap3A_790] {strides = array<i32>} : memref<512xi32, #tpu.memory_space<vmem>>, vector<16xi32>,
        %swap3A_792 = vector.shape_cast %swap3A_791 : vector<16xi32> to vector<16xi32>
        %swap3A_793 = vector.shape_cast %add3A_789 : vector<16xi32> to vector<16xi32>
        tpu.vector_store %arg6[%swap3A_790], %swap3A_793 {strides = array<i32>} : memref<512xi32, #tpu.memory_space<vmem>>, vector<16xi32>,
        %get3A_794 = arith.constant 272 : index
        %get3A_795 = tpu.vector_load %arg6[%get3A_794] {strides = array<i32>} : memref<512xi32, #tpu.memory_space<vmem>>, vector<16xi32>,
        %get3A_796 = vector.shape_cast %get3A_795 : vector<16xi32> to vector<16xi32>
        %add3A_797 = vector.broadcast %mul3A_13 : i32 to vector<16xi32>
        %add3A_798 = arith.addi %get3A_796, %add3A_797 : vector<16xi32>
        %swap3A_799 = arith.constant 272 : index
        %swap3A_800 = tpu.vector_load %arg6[%swap3A_799] {strides = array<i32>} : memref<512xi32, #tpu.memory_space<vmem>>, vector<16xi32>,
        %swap3A_801 = vector.shape_cast %swap3A_800 : vector<16xi32> to vector<16xi32>
        %swap3A_802 = vector.shape_cast %add3A_798 : vector<16xi32> to vector<16xi32>
        tpu.vector_store %arg6[%swap3A_799], %swap3A_802 {strides = array<i32>} : memref<512xi32, #tpu.memory_space<vmem>>, vector<16xi32>,
        %get3A_803 = arith.constant 288 : index
        %get3A_804 = tpu.vector_load %arg6[%get3A_803] {strides = array<i32>} : memref<512xi32, #tpu.memory_space<vmem>>, vector<16xi32>,
        %get3A_805 = vector.shape_cast %get3A_804 : vector<16xi32> to vector<16xi32>
        %add3A_806 = vector.broadcast %mul3A_13 : i32 to vector<16xi32>
        %add3A_807 = arith.addi %get3A_805, %add3A_806 : vector<16xi32>
        %swap3A_808 = arith.constant 288 : index
        %swap3A_809 = tpu.vector_load %arg6[%swap3A_808] {strides = array<i32>} : memref<512xi32, #tpu.memory_space<vmem>>, vector<16xi32>,
        %swap3A_810 = vector.shape_cast %swap3A_809 : vector<16xi32> to vector<16xi32>
        %swap3A_811 = vector.shape_cast %add3A_807 : vector<16xi32> to vector<16xi32>
        tpu.vector_store %arg6[%swap3A_808], %swap3A_811 {strides = array<i32>} : memref<512xi32, #tpu.memory_space<vmem>>, vector<16xi32>,
        %get3A_812 = arith.constant 304 : index
        %get3A_813 = tpu.vector_load %arg6[%get3A_812] {strides = array<i32>} : memref<512xi32, #tpu.memory_space<vmem>>, vector<16xi32>,
        %get3A_814 = vector.shape_cast %get3A_813 : vector<16xi32> to vector<16xi32>
        %add3A_815 = vector.broadcast %mul3A_13 : i32 to vector<16xi32>
        %add3A_816 = arith.addi %get3A_814, %add3A_815 : vector<16xi32>
        %swap3A_817 = arith.constant 304 : index
        %swap3A_818 = tpu.vector_load %arg6[%swap3A_817] {strides = array<i32>} : memref<512xi32, #tpu.memory_space<vmem>>, vector<16xi32>,
        %swap3A_819 = vector.shape_cast %swap3A_818 : vector<16xi32> to vector<16xi32>
        %swap3A_820 = vector.shape_cast %add3A_816 : vector<16xi32> to vector<16xi32>
        tpu.vector_store %arg6[%swap3A_817], %swap3A_820 {strides = array<i32>} : memref<512xi32, #tpu.memory_space<vmem>>, vector<16xi32>,
        %get3A_821 = arith.constant 320 : index
        %get3A_822 = tpu.vector_load %arg6[%get3A_821] {strides = array<i32>} : memref<512xi32, #tpu.memory_space<vmem>>, vector<16xi32>,
        %get3A_823 = vector.shape_cast %get3A_822 : vector<16xi32> to vector<16xi32>
        %add3A_824 = vector.broadcast %mul3A_13 : i32 to vector<16xi32>
        %add3A_825 = arith.addi %get3A_823, %add3A_824 : vector<16xi32>
        %swap3A_826 = arith.constant 320 : index
        %swap3A_827 = tpu.vector_load %arg6[%swap3A_826] {strides = array<i32>} : memref<512xi32, #tpu.memory_space<vmem>>, vector<16xi32>,
        %swap3A_828 = vector.shape_cast %swap3A_827 : vector<16xi32> to vector<16xi32>
        %swap3A_829 = vector.shape_cast %add3A_825 : vector<16xi32> to vector<16xi32>
        tpu.vector_store %arg6[%swap3A_826], %swap3A_829 {strides = array<i32>} : memref<512xi32, #tpu.memory_space<vmem>>, vector<16xi32>,
        %get3A_830 = arith.constant 336 : index
        %get3A_831 = tpu.vector_load %arg6[%get3A_830] {strides = array<i32>} : memref<512xi32, #tpu.memory_space<vmem>>, vector<16xi32>,
        %get3A_832 = vector.shape_cast %get3A_831 : vector<16xi32> to vector<16xi32>
        %add3A_833 = vector.broadcast %mul3A_13 : i32 to vector<16xi32>
        %add3A_834 = arith.addi %get3A_832, %add3A_833 : vector<16xi32>
        %swap3A_835 = arith.constant 336 : index
        %swap3A_836 = tpu.vector_load %arg6[%swap3A_835] {strides = array<i32>} : memref<512xi32, #tpu.memory_space<vmem>>, vector<16xi32>,
        %swap3A_837 = vector.shape_cast %swap3A_836 : vector<16xi32> to vector<16xi32>
        %swap3A_838 = vector.shape_cast %add3A_834 : vector<16xi32> to vector<16xi32>
        tpu.vector_store %arg6[%swap3A_835], %swap3A_838 {strides = array<i32>} : memref<512xi32, #tpu.memory_space<vmem>>, vector<16xi32>,
        %get3A_839 = arith.constant 352 : index
        %get3A_840 = tpu.vector_load %arg6[%get3A_839] {strides = array<i32>} : memref<512xi32, #tpu.memory_space<vmem>>, vector<16xi32>,
        %get3A_841 = vector.shape_cast %get3A_840 : vector<16xi32> to vector<16xi32>
        %add3A_842 = vector.broadcast %mul3A_13 : i32 to vector<16xi32>
        %add3A_843 = arith.addi %get3A_841, %add3A_842 : vector<16xi32>
        %swap3A_844 = arith.constant 352 : index
        %swap3A_845 = tpu.vector_load %arg6[%swap3A_844] {strides = array<i32>} : memref<512xi32, #tpu.memory_space<vmem>>, vector<16xi32>,
        %swap3A_846 = vector.shape_cast %swap3A_845 : vector<16xi32> to vector<16xi32>
        %swap3A_847 = vector.shape_cast %add3A_843 : vector<16xi32> to vector<16xi32>
        tpu.vector_store %arg6[%swap3A_844], %swap3A_847 {strides = array<i32>} : memref<512xi32, #tpu.memory_space<vmem>>, vector<16xi32>,
        %get3A_848 = arith.constant 368 : index
        %get3A_849 = tpu.vector_load %arg6[%get3A_848] {strides = array<i32>} : memref<512xi32, #tpu.memory_space<vmem>>, vector<16xi32>,
        %get3A_850 = vector.shape_cast %get3A_849 : vector<16xi32> to vector<16xi32>
        %add3A_851 = vector.broadcast %mul3A_13 : i32 to vector<16xi32>
        %add3A_852 = arith.addi %get3A_850, %add3A_851 : vector<16xi32>
        %swap3A_853 = arith.constant 368 : index
        %swap3A_854 = tpu.vector_load %arg6[%swap3A_853] {strides = array<i32>} : memref<512xi32, #tpu.memory_space<vmem>>, vector<16xi32>,
        %swap3A_855 = vector.shape_cast %swap3A_854 : vector<16xi32> to vector<16xi32>
        %swap3A_856 = vector.shape_cast %add3A_852 : vector<16xi32> to vector<16xi32>
        tpu.vector_store %arg6[%swap3A_853], %swap3A_856 {strides = array<i32>} : memref<512xi32, #tpu.memory_space<vmem>>, vector<16xi32>,
        %get3A_857 = arith.constant 384 : index
        %get3A_858 = tpu.vector_load %arg6[%get3A_857] {strides = array<i32>} : memref<512xi32, #tpu.memory_space<vmem>>, vector<16xi32>,
        %get3A_859 = vector.shape_cast %get3A_858 : vector<16xi32> to vector<16xi32>
        %add3A_860 = vector.broadcast %mul3A_13 : i32 to vector<16xi32>
        %add3A_861 = arith.addi %get3A_859, %add3A_860 : vector<16xi32>
        %swap3A_862 = arith.constant 384 : index
        %swap3A_863 = tpu.vector_load %arg6[%swap3A_862] {strides = array<i32>} : memref<512xi32, #tpu.memory_space<vmem>>, vector<16xi32>,
        %swap3A_864 = vector.shape_cast %swap3A_863 : vector<16xi32> to vector<16xi32>
        %swap3A_865 = vector.shape_cast %add3A_861 : vector<16xi32> to vector<16xi32>
        tpu.vector_store %arg6[%swap3A_862], %swap3A_865 {strides = array<i32>} : memref<512xi32, #tpu.memory_space<vmem>>, vector<16xi32>,
        %get3A_866 = arith.constant 400 : index
        %get3A_867 = tpu.vector_load %arg6[%get3A_866] {strides = array<i32>} : memref<512xi32, #tpu.memory_space<vmem>>, vector<16xi32>,
        %get3A_868 = vector.shape_cast %get3A_867 : vector<16xi32> to vector<16xi32>
        %add3A_869 = vector.broadcast %mul3A_13 : i32 to vector<16xi32>
        %add3A_870 = arith.addi %get3A_868, %add3A_869 : vector<16xi32>
        %swap3A_871 = arith.constant 400 : index
        %swap3A_872 = tpu.vector_load %arg6[%swap3A_871] {strides = array<i32>} : memref<512xi32, #tpu.memory_space<vmem>>, vector<16xi32>,
        %swap3A_873 = vector.shape_cast %swap3A_872 : vector<16xi32> to vector<16xi32>
        %swap3A_874 = vector.shape_cast %add3A_870 : vector<16xi32> to vector<16xi32>
        tpu.vector_store %arg6[%swap3A_871], %swap3A_874 {strides = array<i32>} : memref<512xi32, #tpu.memory_space<vmem>>, vector<16xi32>,
        %get3A_875 = arith.constant 416 : index
        %get3A_876 = tpu.vector_load %arg6[%get3A_875] {strides = array<i32>} : memref<512xi32, #tpu.memory_space<vmem>>, vector<16xi32>,
        %get3A_877 = vector.shape_cast %get3A_876 : vector<16xi32> to vector<16xi32>
        %add3A_878 = vector.broadcast %mul3A_13 : i32 to vector<16xi32>
        %add3A_879 = arith.addi %get3A_877, %add3A_878 : vector<16xi32>
        %swap3A_880 = arith.constant 416 : index
        %swap3A_881 = tpu.vector_load %arg6[%swap3A_880] {strides = array<i32>} : memref<512xi32, #tpu.memory_space<vmem>>, vector<16xi32>,
        %swap3A_882 = vector.shape_cast %swap3A_881 : vector<16xi32> to vector<16xi32>
        %swap3A_883 = vector.shape_cast %add3A_879 : vector<16xi32> to vector<16xi32>
        tpu.vector_store %arg6[%swap3A_880], %swap3A_883 {strides = array<i32>} : memref<512xi32, #tpu.memory_space<vmem>>, vector<16xi32>,
        %get3A_884 = arith.constant 432 : index
        %get3A_885 = tpu.vector_load %arg6[%get3A_884] {strides = array<i32>} : memref<512xi32, #tpu.memory_space<vmem>>, vector<16xi32>,
        %get3A_886 = vector.shape_cast %get3A_885 : vector<16xi32> to vector<16xi32>
        %add3A_887 = vector.broadcast %mul3A_13 : i32 to vector<16xi32>
        %add3A_888 = arith.addi %get3A_886, %add3A_887 : vector<16xi32>
        %swap3A_889 = arith.constant 432 : index
        %swap3A_890 = tpu.vector_load %arg6[%swap3A_889] {strides = array<i32>} : memref<512xi32, #tpu.memory_space<vmem>>, vector<16xi32>,
        %swap3A_891 = vector.shape_cast %swap3A_890 : vector<16xi32> to vector<16xi32>
        %swap3A_892 = vector.shape_cast %add3A_888 : vector<16xi32> to vector<16xi32>
        tpu.vector_store %arg6[%swap3A_889], %swap3A_892 {strides = array<i32>} : memref<512xi32, #tpu.memory_space<vmem>>, vector<16xi32>,
        %get3A_893 = arith.constant 448 : index
        %get3A_894 = tpu.vector_load %arg6[%get3A_893] {strides = array<i32>} : memref<512xi32, #tpu.memory_space<vmem>>, vector<16xi32>,
        %get3A_895 = vector.shape_cast %get3A_894 : vector<16xi32> to vector<16xi32>
        %add3A_896 = vector.broadcast %mul3A_13 : i32 to vector<16xi32>
        %add3A_897 = arith.addi %get3A_895, %add3A_896 : vector<16xi32>
        %swap3A_898 = arith.constant 448 : index
        %swap3A_899 = tpu.vector_load %arg6[%swap3A_898] {strides = array<i32>} : memref<512xi32, #tpu.memory_space<vmem>>, vector<16xi32>,
        %swap3A_900 = vector.shape_cast %swap3A_899 : vector<16xi32> to vector<16xi32>
        %swap3A_901 = vector.shape_cast %add3A_897 : vector<16xi32> to vector<16xi32>
        tpu.vector_store %arg6[%swap3A_898], %swap3A_901 {strides = array<i32>} : memref<512xi32, #tpu.memory_space<vmem>>, vector<16xi32>,
        %get3A_902 = arith.constant 464 : index
        %get3A_903 = tpu.vector_load %arg6[%get3A_902] {strides = array<i32>} : memref<512xi32, #tpu.memory_space<vmem>>, vector<16xi32>,
        %get3A_904 = vector.shape_cast %get3A_903 : vector<16xi32> to vector<16xi32>
        %add3A_905 = vector.broadcast %mul3A_13 : i32 to vector<16xi32>
        %add3A_906 = arith.addi %get3A_904, %add3A_905 : vector<16xi32>
        %swap3A_907 = arith.constant 464 : index
        %swap3A_908 = tpu.vector_load %arg6[%swap3A_907] {strides = array<i32>} : memref<512xi32, #tpu.memory_space<vmem>>, vector<16xi32>,
        %swap3A_909 = vector.shape_cast %swap3A_908 : vector<16xi32> to vector<16xi32>
        %swap3A_910 = vector.shape_cast %add3A_906 : vector<16xi32> to vector<16xi32>
        tpu.vector_store %arg6[%swap3A_907], %swap3A_910 {strides = array<i32>} : memref<512xi32, #tpu.memory_space<vmem>>, vector<16xi32>,
        %get3A_911 = arith.constant 480 : index
        %get3A_912 = tpu.vector_load %arg6[%get3A_911] {strides = array<i32>} : memref<512xi32, #tpu.memory_space<vmem>>, vector<16xi32>,
        %get3A_913 = vector.shape_cast %get3A_912 : vector<16xi32> to vector<16xi32>
        %add3A_914 = vector.broadcast %mul3A_13 : i32 to vector<16xi32>
        %add3A_915 = arith.addi %get3A_913, %add3A_914 : vector<16xi32>
        %swap3A_916 = arith.constant 480 : index
        %swap3A_917 = tpu.vector_load %arg6[%swap3A_916] {strides = array<i32>} : memref<512xi32, #tpu.memory_space<vmem>>, vector<16xi32>,
        %swap3A_918 = vector.shape_cast %swap3A_917 : vector<16xi32> to vector<16xi32>
        %swap3A_919 = vector.shape_cast %add3A_915 : vector<16xi32> to vector<16xi32>
        tpu.vector_store %arg6[%swap3A_916], %swap3A_919 {strides = array<i32>} : memref<512xi32, #tpu.memory_space<vmem>>, vector<16xi32>,
        %get3A_920 = arith.constant 496 : index
        %get3A_921 = tpu.vector_load %arg6[%get3A_920] {strides = array<i32>} : memref<512xi32, #tpu.memory_space<vmem>>, vector<16xi32>,
        %get3A_922 = vector.shape_cast %get3A_921 : vector<16xi32> to vector<16xi32>
        %add3A_923 = vector.broadcast %mul3A_13 : i32 to vector<16xi32>
        %add3A_924 = arith.addi %get3A_922, %add3A_923 : vector<16xi32>
        %swap3A_925 = arith.constant 496 : index
        %swap3A_926 = tpu.vector_load %arg6[%swap3A_925] {strides = array<i32>} : memref<512xi32, #tpu.memory_space<vmem>>, vector<16xi32>,
        %swap3A_927 = vector.shape_cast %swap3A_926 : vector<16xi32> to vector<16xi32>
        %swap3A_928 = vector.shape_cast %add3A_924 : vector<16xi32> to vector<16xi32>
        tpu.vector_store %arg6[%swap3A_925], %swap3A_928 {strides = array<i32>} : memref<512xi32, #tpu.memory_space<vmem>>, vector<16xi32>,
        %dma_start3A_929 = arith.constant 0 : i32
        %dma_start3A_930 = arith.constant 0 : i32
        %dma_start3A_931 = tpu.memref_slice %arg2[%dma_start3A_929, %dma_start3A_930] : memref<200704x16xf32, #tpu.memory_space<hbm>> -> memref<200704x16xf32, #tpu.memory_space<hbm>>
        tpu.enqueue_indirect_dma source(%dma_start3A_931 : memref<200704x16xf32, #tpu.memory_space<hbm>>) target(%arg10 : memref<512x16xf32, #tpu.memory_space<vmem>>) offsets(%arg6 : memref<512xi32, #tpu.memory_space<vmem>>) semaphore(%arg14 : memref<!tpu.dma_semaphore, #tpu.memory_space<semaphore_mem>>)
      } else {
      }
      %dma_wait3A_632 = arith.constant 0 : i32
      %dma_wait3A_633 = arith.constant 0 : i32
      %dma_wait3A_634 = tpu.memref_slice %arg2[%dma_wait3A_632, %dma_wait3A_633] : memref<200704x16xf32, #tpu.memory_space<hbm>> -> memref<200704x16xf32, #tpu.memory_space<hbm>>
      tpu.wait_indirect_dma semaphore(%arg15 : memref<!tpu.dma_semaphore, #tpu.memory_space<semaphore_mem>>) src(%dma_wait3A_634 : memref<200704x16xf32, #tpu.memory_space<hbm>>) dst(%arg11 : memref<512x16xf32, #tpu.memory_space<vmem>>)
      %dma_start3A_635 = arith.constant 0 : i32
      %dma_start3A_636 = arith.constant 0 : i32
      %dma_start3A_637 = tpu.memref_slice %arg13[%dma_start3A_635, %dma_start3A_636] : memref<100352x16xf32, #tpu.memory_space<vmem_shared>> -> memref<100352x16xf32, #tpu.memory_space<vmem_shared>>
      tpu.enqueue_indirect_dma source(%arg11 : memref<512x16xf32, #tpu.memory_space<vmem>>) target(%dma_start3A_637 : memref<100352x16xf32, #tpu.memory_space<vmem_shared>>) offsets(%arg9 : memref<512xi32, #tpu.memory_space<vmem>>) semaphore(%arg17 : memref<!tpu.dma_semaphore, #tpu.memory_space<semaphore_mem>>) {add = true}
    }
    %scan3A_305 = arith.constant 98 : i32
    %dma_wait3A = arith.constant 0 : i32
    %dma_wait3A_306 = arith.constant 0 : i32
    %dma_wait3A_307 = tpu.memref_slice %arg13[%dma_wait3A, %dma_wait3A_306] : memref<100352x16xf32, #tpu.memory_space<vmem_shared>> -> memref<100352x16xf32, #tpu.memory_space<vmem_shared>>
    tpu.wait_indirect_dma semaphore(%arg17 : memref<!tpu.dma_semaphore, #tpu.memory_space<semaphore_mem>>) src(%arg11 : memref<512x16xf32, #tpu.memory_space<vmem>>) dst(%dma_wait3A_307 : memref<100352x16xf32, #tpu.memory_space<vmem_shared>>)
    %barrier3A_308 = arith.constant 0 : index
    tpu.barrier barrier_id(%barrier3A_308)
    %scan3A_309 = arith.constant 0 : i32
    %scan3A_310 = arith.constant 14 : i32
    %scan3A_311 = arith.addi %scan3A_309, %scan3A_310 : i32
    %scan3A_312 = arith.constant 1 : i32
    scf.for %scan3A_314 = %scan3A_309 to %scan3A_311 step %scan3A_312  : i32 {
      %mul3A_315 = arith.constant 1 : i32
      %mul3A_316 = arith.muli %scan3A_314, %mul3A_315 : i32
      %add3A_317 = arith.constant 0 : i32
      %add3A_318 = arith.addi %add3A_317, %mul3A_316 : i32
      %mul3A_319 = arith.constant 448 : i32
      %mul3A_320 = arith.muli %add3A_318, %mul3A_319 : i32
      %add3A_321 = arith.addi %mul3A_0, %mul3A_320 : i32
      "tpu.region"() ({
        %run_scoped3A = tpu.sem_alloc : memref<!tpu.dma_semaphore, #tpu.memory_space<semaphore_mem>>
        %dma_start3A_325 = arith.constant 0 : i32
        %dma_start3A_326 = tpu.memref_slice %arg13[%add3A_321, %dma_start3A_325] : memref<100352x16xf32, #tpu.memory_space<vmem_shared>> -> memref<448x16xf32, #tpu.memory_space<vmem_shared>>
        %dma_start3A_327 = arith.constant 0 : i32
        %dma_start3A_328 = tpu.memref_slice %arg13[%add3A_321, %dma_start3A_327] : memref<100352x16xf32, #tpu.memory_space<vmem_shared>> -> memref<448x16xf32, #tpu.memory_space<vmem_shared>>
        tpu.enqueue_dma source(%dma_start3A_328 : memref<448x16xf32, #tpu.memory_space<vmem_shared>>) target(%arg12 : memref<448x16xf32, #tpu.memory_space<vmem>>) target_semaphore(%run_scoped3A : memref<!tpu.dma_semaphore, #tpu.memory_space<semaphore_mem>>)
        %dma_wait3A_329 = arith.constant 0 : i32
        %dma_wait3A_330 = tpu.memref_slice %arg13[%add3A_321, %dma_wait3A_329] : memref<100352x16xf32, #tpu.memory_space<vmem_shared>> -> memref<448x16xf32, #tpu.memory_space<vmem_shared>>
        %dma_wait3A_331 = arith.constant 0 : i32
        %dma_wait3A_332 = tpu.memref_slice %arg13[%add3A_321, %dma_wait3A_331] : memref<100352x16xf32, #tpu.memory_space<vmem_shared>> -> memref<448x16xf32, #tpu.memory_space<vmem_shared>>
        tpu.wait_dma2 semaphore(%run_scoped3A : memref<!tpu.dma_semaphore, #tpu.memory_space<semaphore_mem>>) src(%dma_wait3A_332 : memref<448x16xf32, #tpu.memory_space<vmem_shared>>) dst(%arg12 : memref<448x16xf32, #tpu.memory_space<vmem>>)
        tpu.yield
      }) : () -> ()
      %mul3A_322 = arith.constant 448 : i32
      %mul3A_323 = arith.muli %add3A_318, %mul3A_322 : i32
      %add3A_324 = arith.addi %mul3A_0, %mul3A_323 : i32
      "tpu.region"() ({
        %run_scoped3A = tpu.sem_alloc : memref<!tpu.dma_semaphore, #tpu.memory_space<semaphore_mem>>
        %dma_start3A_325 = arith.constant 0 : i32
        %dma_start3A_326 = tpu.memref_slice %arg5[%arg0, %add3A_324, %dma_start3A_325] : memref<2x100352x16xf32, #tpu.memory_space<hbm>> -> memref<1x448x16xf32, #tpu.memory_space<hbm>>
        %dma_start3A_327 = tpu.memref_squeeze %dma_start3A_326 : memref<1x448x16xf32, #tpu.memory_space<hbm>> -> memref<448x16xf32, #tpu.memory_space<hbm>>
        %dma_start3A_328 = arith.constant 0 : i32
        %dma_start3A_329 = tpu.memref_slice %arg5[%arg0, %add3A_324, %dma_start3A_328] : memref<2x100352x16xf32, #tpu.memory_space<hbm>> -> memref<1x448x16xf32, #tpu.memory_space<hbm>>
        %dma_start3A_330 = tpu.memref_squeeze %dma_start3A_329 : memref<1x448x16xf32, #tpu.memory_space<hbm>> -> memref<448x16xf32, #tpu.memory_space<hbm>>
        tpu.enqueue_dma source(%arg12 : memref<448x16xf32, #tpu.memory_space<vmem>>) target(%dma_start3A_330 : memref<448x16xf32, #tpu.memory_space<hbm>>) target_semaphore(%run_scoped3A : memref<!tpu.dma_semaphore, #tpu.memory_space<semaphore_mem>>)
        %dma_wait3A_331 = arith.constant 0 : i32
        %dma_wait3A_332 = tpu.memref_slice %arg5[%arg0, %add3A_324, %dma_wait3A_331] : memref<2x100352x16xf32, #tpu.memory_space<hbm>> -> memref<1x448x16xf32, #tpu.memory_space<hbm>>
        %dma_wait3A_333 = tpu.memref_squeeze %dma_wait3A_332 : memref<1x448x16xf32, #tpu.memory_space<hbm>> -> memref<448x16xf32, #tpu.memory_space<hbm>>
        %dma_wait3A_334 = arith.constant 0 : i32
        %dma_wait3A_335 = tpu.memref_slice %arg5[%arg0, %add3A_324, %dma_wait3A_334] : memref<2x100352x16xf32, #tpu.memory_space<hbm>> -> memref<1x448x16xf32, #tpu.memory_space<hbm>>
        %dma_wait3A_336 = tpu.memref_squeeze %dma_wait3A_335 : memref<1x448x16xf32, #tpu.memory_space<hbm>> -> memref<448x16xf32, #tpu.memory_space<hbm>>
        tpu.wait_dma2 semaphore(%run_scoped3A : memref<!tpu.dma_semaphore, #tpu.memory_space<semaphore_mem>>) src(%arg12 : memref<448x16xf32, #tpu.memory_space<vmem>>) dst(%dma_wait3A_336 : memref<448x16xf32, #tpu.memory_space<hbm>>)
        tpu.yield
      }) : () -> ()
    }
    %scan3A_313 = arith.constant 14 : i32
    return
  }
}

#map = affine_map<(d0, d1) -> (0, 0)>
#map1 = affine_map<(d0, d1) -> (0, 0, 0)>
module attributes {stable_mosaic.version = 14 : i64} {
  func.func @body(%arg0: i32, %arg1: i32, %arg2: memref<100352x8xf32, #tpu.memory_space<hbm>>, %arg3: memref<3136x512xi32, #tpu.memory_space<hbm>>, %arg4: memref<3136x512xi32, #tpu.memory_space<hbm>>, %arg5: memref<100352x8xf32, #tpu.memory_space<hbm>>, %arg6: memref<2x100352x8xf32, #tpu.memory_space<hbm>>, %arg7: memref<512xi32, #tpu.memory_space<vmem>>, %arg8: memref<512xi32, #tpu.memory_space<vmem>>, %arg9: memref<512xi32, #tpu.memory_space<vmem>>, %arg10: memref<512xi32, #tpu.memory_space<vmem>>, %arg11: memref<512x8xf32, #tpu.memory_space<vmem>>, %arg12: memref<512x8xf32, #tpu.memory_space<vmem>>, %arg13: memref<448x8xf32, #tpu.memory_space<vmem>>, %arg14: memref<100352x8xf32, #tpu.memory_space<vmem_shared>>, %arg15: memref<!tpu.dma_semaphore, #tpu.memory_space<semaphore_mem>>, %arg16: memref<!tpu.dma_semaphore, #tpu.memory_space<semaphore_mem>>, %arg17: memref<!tpu.dma_semaphore, #tpu.memory_space<semaphore_mem>>, %arg18: memref<!tpu.dma_semaphore, #tpu.memory_space<semaphore_mem>>) attributes {dimension_semantics = [#tpu.dimension_semantics<core_parallel>, #tpu.dimension_semantics<subcore_parallel>], iteration_bounds = array<i64: 2, 16>, scalar_prefetch = 0 : i64, scratch_operands = 12 : i64, tpu.core_type = #tpu.core_type<sc_vector_subcore>, window_params = [{transform_indices = #map}, {transform_indices = #map}, {transform_indices = #map}, {transform_indices = #map}, {transform_indices = #map1}]} {
    %mul3A = arith.constant 6272 : i32
    %mul3A_0 = arith.muli %arg1, %mul3A : i32
    %scan3A = arith.constant 0 : i32
    %scan3A_1 = arith.constant 14 : i32
    %scan3A_2 = arith.addi %scan3A, %scan3A_1 : i32
    %scan3A_3 = arith.constant 1 : i32
    scf.for %scan3A_24 = %scan3A to %scan3A_2 step %scan3A_3  : i32 {
      %mul3A_25 = arith.constant 1 : i32
      %mul3A_26 = arith.muli %scan3A_24, %mul3A_25 : i32
      %add3A_27 = arith.constant 0 : i32
      %add3A_28 = arith.addi %add3A_27, %mul3A_26 : i32
      %mul3A_29 = arith.constant 448 : i32
      %mul3A_30 = arith.muli %add3A_28, %mul3A_29 : i32
      %add3A_31 = arith.addi %mul3A_0, %mul3A_30 : i32
      "tpu.region"() ({
        %run_scoped3A = tpu.sem_alloc : memref<!tpu.dma_semaphore, #tpu.memory_space<semaphore_mem>>
        %dma_start3A_35 = arith.constant 0 : i32
        %dma_start3A_36 = tpu.memref_slice %arg5[%add3A_31, %dma_start3A_35] : memref<100352x8xf32, #tpu.memory_space<hbm>> -> memref<448x8xf32, #tpu.memory_space<hbm>>
        %dma_start3A_37 = arith.constant 0 : i32
        %dma_start3A_38 = tpu.memref_slice %arg5[%add3A_31, %dma_start3A_37] : memref<100352x8xf32, #tpu.memory_space<hbm>> -> memref<448x8xf32, #tpu.memory_space<hbm>>
        tpu.enqueue_dma source(%dma_start3A_38 : memref<448x8xf32, #tpu.memory_space<hbm>>) target(%arg13 : memref<448x8xf32, #tpu.memory_space<vmem>>) target_semaphore(%run_scoped3A : memref<!tpu.dma_semaphore, #tpu.memory_space<semaphore_mem>>)
        %dma_wait3A_39 = arith.constant 0 : i32
        %dma_wait3A_40 = tpu.memref_slice %arg5[%add3A_31, %dma_wait3A_39] : memref<100352x8xf32, #tpu.memory_space<hbm>> -> memref<448x8xf32, #tpu.memory_space<hbm>>
        %dma_wait3A_41 = arith.constant 0 : i32
        %dma_wait3A_42 = tpu.memref_slice %arg5[%add3A_31, %dma_wait3A_41] : memref<100352x8xf32, #tpu.memory_space<hbm>> -> memref<448x8xf32, #tpu.memory_space<hbm>>
        tpu.wait_dma2 semaphore(%run_scoped3A : memref<!tpu.dma_semaphore, #tpu.memory_space<semaphore_mem>>) src(%dma_wait3A_42 : memref<448x8xf32, #tpu.memory_space<hbm>>) dst(%arg13 : memref<448x8xf32, #tpu.memory_space<vmem>>)
        tpu.yield
      }) : () -> ()
      %mul3A_32 = arith.constant 448 : i32
      %mul3A_33 = arith.muli %add3A_28, %mul3A_32 : i32
      %add3A_34 = arith.addi %mul3A_0, %mul3A_33 : i32
      "tpu.region"() ({
        %run_scoped3A = tpu.sem_alloc : memref<!tpu.dma_semaphore, #tpu.memory_space<semaphore_mem>>
        %dma_start3A_35 = arith.constant 0 : i32
        %dma_start3A_36 = tpu.memref_slice %arg14[%add3A_34, %dma_start3A_35] : memref<100352x8xf32, #tpu.memory_space<vmem_shared>> -> memref<448x8xf32, #tpu.memory_space<vmem_shared>>
        %dma_start3A_37 = arith.constant 0 : i32
        %dma_start3A_38 = tpu.memref_slice %arg14[%add3A_34, %dma_start3A_37] : memref<100352x8xf32, #tpu.memory_space<vmem_shared>> -> memref<448x8xf32, #tpu.memory_space<vmem_shared>>
        tpu.enqueue_dma source(%arg13 : memref<448x8xf32, #tpu.memory_space<vmem>>) target(%dma_start3A_38 : memref<448x8xf32, #tpu.memory_space<vmem_shared>>) target_semaphore(%run_scoped3A : memref<!tpu.dma_semaphore, #tpu.memory_space<semaphore_mem>>)
        %dma_wait3A_39 = arith.constant 0 : i32
        %dma_wait3A_40 = tpu.memref_slice %arg14[%add3A_34, %dma_wait3A_39] : memref<100352x8xf32, #tpu.memory_space<vmem_shared>> -> memref<448x8xf32, #tpu.memory_space<vmem_shared>>
        %dma_wait3A_41 = arith.constant 0 : i32
        %dma_wait3A_42 = tpu.memref_slice %arg14[%add3A_34, %dma_wait3A_41] : memref<100352x8xf32, #tpu.memory_space<vmem_shared>> -> memref<448x8xf32, #tpu.memory_space<vmem_shared>>
        tpu.wait_dma2 semaphore(%run_scoped3A : memref<!tpu.dma_semaphore, #tpu.memory_space<semaphore_mem>>) src(%arg13 : memref<448x8xf32, #tpu.memory_space<vmem>>) dst(%dma_wait3A_42 : memref<448x8xf32, #tpu.memory_space<vmem_shared>>)
        tpu.yield
      }) : () -> ()
    }
    %scan3A_4 = arith.constant 14 : i32
    %barrier3A = arith.constant 0 : index
    tpu.barrier barrier_id(%barrier3A)
    %mul3A_5 = arith.constant 1568 : i32
    %mul3A_6 = arith.muli %arg0, %mul3A_5 : i32
    %mul3A_7 = arith.constant 98 : i32
    %mul3A_8 = arith.muli %arg1, %mul3A_7 : i32
    %add3A = arith.addi %mul3A_6, %mul3A_8 : i32
    "tpu.region"() ({
      %run_scoped3A = tpu.sem_alloc : memref<!tpu.dma_semaphore, #tpu.memory_space<semaphore_mem>>
      %dma_start3A_24 = arith.constant 0 : i32
      %dma_start3A_25 = tpu.memref_slice %arg3[%add3A, %dma_start3A_24] : memref<3136x512xi32, #tpu.memory_space<hbm>> -> memref<1x512xi32, #tpu.memory_space<hbm>>
      %dma_start3A_26 = tpu.memref_squeeze %dma_start3A_25 : memref<1x512xi32, #tpu.memory_space<hbm>> -> memref<512xi32, #tpu.memory_space<hbm>>
      %dma_start3A_27 = arith.constant 0 : i32
      %dma_start3A_28 = tpu.memref_slice %arg3[%add3A, %dma_start3A_27] : memref<3136x512xi32, #tpu.memory_space<hbm>> -> memref<1x512xi32, #tpu.memory_space<hbm>>
      %dma_start3A_29 = tpu.memref_squeeze %dma_start3A_28 : memref<1x512xi32, #tpu.memory_space<hbm>> -> memref<512xi32, #tpu.memory_space<hbm>>
      tpu.enqueue_dma source(%dma_start3A_29 : memref<512xi32, #tpu.memory_space<hbm>>) target(%arg7 : memref<512xi32, #tpu.memory_space<vmem>>) target_semaphore(%run_scoped3A : memref<!tpu.dma_semaphore, #tpu.memory_space<semaphore_mem>>)
      %dma_wait3A_30 = arith.constant 0 : i32
      %dma_wait3A_31 = tpu.memref_slice %arg3[%add3A, %dma_wait3A_30] : memref<3136x512xi32, #tpu.memory_space<hbm>> -> memref<1x512xi32, #tpu.memory_space<hbm>>
      %dma_wait3A_32 = tpu.memref_squeeze %dma_wait3A_31 : memref<1x512xi32, #tpu.memory_space<hbm>> -> memref<512xi32, #tpu.memory_space<hbm>>
      %dma_wait3A_33 = arith.constant 0 : i32
      %dma_wait3A_34 = tpu.memref_slice %arg3[%add3A, %dma_wait3A_33] : memref<3136x512xi32, #tpu.memory_space<hbm>> -> memref<1x512xi32, #tpu.memory_space<hbm>>
      %dma_wait3A_35 = tpu.memref_squeeze %dma_wait3A_34 : memref<1x512xi32, #tpu.memory_space<hbm>> -> memref<512xi32, #tpu.memory_space<hbm>>
      tpu.wait_dma2 semaphore(%run_scoped3A : memref<!tpu.dma_semaphore, #tpu.memory_space<semaphore_mem>>) src(%dma_wait3A_35 : memref<512xi32, #tpu.memory_space<hbm>>) dst(%arg7 : memref<512xi32, #tpu.memory_space<vmem>>)
      tpu.yield
    }) : () -> ()
    "tpu.region"() ({
      %run_scoped3A = tpu.sem_alloc : memref<!tpu.dma_semaphore, #tpu.memory_space<semaphore_mem>>
      %dma_start3A_24 = arith.constant 0 : i32
      %dma_start3A_25 = tpu.memref_slice %arg4[%add3A, %dma_start3A_24] : memref<3136x512xi32, #tpu.memory_space<hbm>> -> memref<1x512xi32, #tpu.memory_space<hbm>>
      %dma_start3A_26 = tpu.memref_squeeze %dma_start3A_25 : memref<1x512xi32, #tpu.memory_space<hbm>> -> memref<512xi32, #tpu.memory_space<hbm>>
      %dma_start3A_27 = arith.constant 0 : i32
      %dma_start3A_28 = tpu.memref_slice %arg4[%add3A, %dma_start3A_27] : memref<3136x512xi32, #tpu.memory_space<hbm>> -> memref<1x512xi32, #tpu.memory_space<hbm>>
      %dma_start3A_29 = tpu.memref_squeeze %dma_start3A_28 : memref<1x512xi32, #tpu.memory_space<hbm>> -> memref<512xi32, #tpu.memory_space<hbm>>
      tpu.enqueue_dma source(%dma_start3A_29 : memref<512xi32, #tpu.memory_space<hbm>>) target(%arg8 : memref<512xi32, #tpu.memory_space<vmem>>) target_semaphore(%run_scoped3A : memref<!tpu.dma_semaphore, #tpu.memory_space<semaphore_mem>>)
      %dma_wait3A_30 = arith.constant 0 : i32
      %dma_wait3A_31 = tpu.memref_slice %arg4[%add3A, %dma_wait3A_30] : memref<3136x512xi32, #tpu.memory_space<hbm>> -> memref<1x512xi32, #tpu.memory_space<hbm>>
      %dma_wait3A_32 = tpu.memref_squeeze %dma_wait3A_31 : memref<1x512xi32, #tpu.memory_space<hbm>> -> memref<512xi32, #tpu.memory_space<hbm>>
      %dma_wait3A_33 = arith.constant 0 : i32
      %dma_wait3A_34 = tpu.memref_slice %arg4[%add3A, %dma_wait3A_33] : memref<3136x512xi32, #tpu.memory_space<hbm>> -> memref<1x512xi32, #tpu.memory_space<hbm>>
      %dma_wait3A_35 = tpu.memref_squeeze %dma_wait3A_34 : memref<1x512xi32, #tpu.memory_space<hbm>> -> memref<512xi32, #tpu.memory_space<hbm>>
      tpu.wait_dma2 semaphore(%run_scoped3A : memref<!tpu.dma_semaphore, #tpu.memory_space<semaphore_mem>>) src(%dma_wait3A_35 : memref<512xi32, #tpu.memory_space<hbm>>) dst(%arg8 : memref<512xi32, #tpu.memory_space<vmem>>)
      tpu.yield
    }) : () -> ()
    %dma_start3A = arith.constant 0 : i32
    %dma_start3A_9 = arith.constant 0 : i32
    %dma_start3A_10 = tpu.memref_slice %arg2[%dma_start3A, %dma_start3A_9] : memref<100352x8xf32, #tpu.memory_space<hbm>> -> memref<100352x8xf32, #tpu.memory_space<hbm>>
    tpu.enqueue_indirect_dma source(%dma_start3A_10 : memref<100352x8xf32, #tpu.memory_space<hbm>>) target(%arg11 : memref<512x8xf32, #tpu.memory_space<vmem>>) offsets(%arg7 : memref<512xi32, #tpu.memory_space<vmem>>) semaphore(%arg15 : memref<!tpu.dma_semaphore, #tpu.memory_space<semaphore_mem>>)
    %scan3A_11 = arith.constant 0 : i32
    %scan3A_12 = arith.constant 49 : i32
    %scan3A_13 = arith.addi %scan3A_11, %scan3A_12 : i32
    %scan3A_14 = arith.constant 1 : i32
    scf.for %scan3A_24 = %scan3A_11 to %scan3A_13 step %scan3A_14  : i32 {
      %mul3A_25 = arith.constant 1 : i32
      %mul3A_26 = arith.muli %scan3A_24, %mul3A_25 : i32
      %add3A_27 = arith.constant 0 : i32
      %add3A_28 = arith.addi %add3A_27, %mul3A_26 : i32
      %mul3A_29 = arith.constant 2 : i32
      %mul3A_30 = arith.muli %mul3A_29, %add3A_28 : i32
      %add3A_31 = arith.addi %add3A, %mul3A_30 : i32
      %add3A_32 = arith.constant 1 : i32
      %add3A_33 = arith.addi %add3A_31, %add3A_32 : i32
      "tpu.region"() ({
        %run_scoped3A = tpu.sem_alloc : memref<!tpu.dma_semaphore, #tpu.memory_space<semaphore_mem>>
        %dma_start3A_60 = arith.constant 0 : i32
        %dma_start3A_61 = tpu.memref_slice %arg3[%add3A_33, %dma_start3A_60] : memref<3136x512xi32, #tpu.memory_space<hbm>> -> memref<1x512xi32, #tpu.memory_space<hbm>>
        %dma_start3A_62 = tpu.memref_squeeze %dma_start3A_61 : memref<1x512xi32, #tpu.memory_space<hbm>> -> memref<512xi32, #tpu.memory_space<hbm>>
        %dma_start3A_63 = arith.constant 0 : i32
        %dma_start3A_64 = tpu.memref_slice %arg3[%add3A_33, %dma_start3A_63] : memref<3136x512xi32, #tpu.memory_space<hbm>> -> memref<1x512xi32, #tpu.memory_space<hbm>>
        %dma_start3A_65 = tpu.memref_squeeze %dma_start3A_64 : memref<1x512xi32, #tpu.memory_space<hbm>> -> memref<512xi32, #tpu.memory_space<hbm>>
        tpu.enqueue_dma source(%dma_start3A_65 : memref<512xi32, #tpu.memory_space<hbm>>) target(%arg9 : memref<512xi32, #tpu.memory_space<vmem>>) target_semaphore(%run_scoped3A : memref<!tpu.dma_semaphore, #tpu.memory_space<semaphore_mem>>)
        %dma_wait3A_66 = arith.constant 0 : i32
        %dma_wait3A_67 = tpu.memref_slice %arg3[%add3A_33, %dma_wait3A_66] : memref<3136x512xi32, #tpu.memory_space<hbm>> -> memref<1x512xi32, #tpu.memory_space<hbm>>
        %dma_wait3A_68 = tpu.memref_squeeze %dma_wait3A_67 : memref<1x512xi32, #tpu.memory_space<hbm>> -> memref<512xi32, #tpu.memory_space<hbm>>
        %dma_wait3A_69 = arith.constant 0 : i32
        %dma_wait3A_70 = tpu.memref_slice %arg3[%add3A_33, %dma_wait3A_69] : memref<3136x512xi32, #tpu.memory_space<hbm>> -> memref<1x512xi32, #tpu.memory_space<hbm>>
        %dma_wait3A_71 = tpu.memref_squeeze %dma_wait3A_70 : memref<1x512xi32, #tpu.memory_space<hbm>> -> memref<512xi32, #tpu.memory_space<hbm>>
        tpu.wait_dma2 semaphore(%run_scoped3A : memref<!tpu.dma_semaphore, #tpu.memory_space<semaphore_mem>>) src(%dma_wait3A_71 : memref<512xi32, #tpu.memory_space<hbm>>) dst(%arg9 : memref<512xi32, #tpu.memory_space<vmem>>)
        tpu.yield
      }) : () -> ()
      "tpu.region"() ({
        %run_scoped3A = tpu.sem_alloc : memref<!tpu.dma_semaphore, #tpu.memory_space<semaphore_mem>>
        %dma_start3A_60 = arith.constant 0 : i32
        %dma_start3A_61 = tpu.memref_slice %arg4[%add3A_33, %dma_start3A_60] : memref<3136x512xi32, #tpu.memory_space<hbm>> -> memref<1x512xi32, #tpu.memory_space<hbm>>
        %dma_start3A_62 = tpu.memref_squeeze %dma_start3A_61 : memref<1x512xi32, #tpu.memory_space<hbm>> -> memref<512xi32, #tpu.memory_space<hbm>>
        %dma_start3A_63 = arith.constant 0 : i32
        %dma_start3A_64 = tpu.memref_slice %arg4[%add3A_33, %dma_start3A_63] : memref<3136x512xi32, #tpu.memory_space<hbm>> -> memref<1x512xi32, #tpu.memory_space<hbm>>
        %dma_start3A_65 = tpu.memref_squeeze %dma_start3A_64 : memref<1x512xi32, #tpu.memory_space<hbm>> -> memref<512xi32, #tpu.memory_space<hbm>>
        tpu.enqueue_dma source(%dma_start3A_65 : memref<512xi32, #tpu.memory_space<hbm>>) target(%arg10 : memref<512xi32, #tpu.memory_space<vmem>>) target_semaphore(%run_scoped3A : memref<!tpu.dma_semaphore, #tpu.memory_space<semaphore_mem>>)
        %dma_wait3A_66 = arith.constant 0 : i32
        %dma_wait3A_67 = tpu.memref_slice %arg4[%add3A_33, %dma_wait3A_66] : memref<3136x512xi32, #tpu.memory_space<hbm>> -> memref<1x512xi32, #tpu.memory_space<hbm>>
        %dma_wait3A_68 = tpu.memref_squeeze %dma_wait3A_67 : memref<1x512xi32, #tpu.memory_space<hbm>> -> memref<512xi32, #tpu.memory_space<hbm>>
        %dma_wait3A_69 = arith.constant 0 : i32
        %dma_wait3A_70 = tpu.memref_slice %arg4[%add3A_33, %dma_wait3A_69] : memref<3136x512xi32, #tpu.memory_space<hbm>> -> memref<1x512xi32, #tpu.memory_space<hbm>>
        %dma_wait3A_71 = tpu.memref_squeeze %dma_wait3A_70 : memref<1x512xi32, #tpu.memory_space<hbm>> -> memref<512xi32, #tpu.memory_space<hbm>>
        tpu.wait_dma2 semaphore(%run_scoped3A : memref<!tpu.dma_semaphore, #tpu.memory_space<semaphore_mem>>) src(%dma_wait3A_71 : memref<512xi32, #tpu.memory_space<hbm>>) dst(%arg10 : memref<512xi32, #tpu.memory_space<vmem>>)
        tpu.yield
      }) : () -> ()
      %gt3A = arith.constant 0 : i32
      %gt3A_34 = arith.cmpi sgt, %add3A_28, %gt3A : i32
      %convert_element_type3A = arith.extui %gt3A_34 : i1 to i32
      %cond3A = arith.constant 0 : i32
      %cond3A_35 = arith.cmpi ne, %convert_element_type3A, %cond3A : i32
      scf.if %cond3A_35 {
        %dma_wait3A_60 = arith.constant 0 : i32
        %dma_wait3A_61 = arith.constant 0 : i32
        %dma_wait3A_62 = tpu.memref_slice %arg14[%dma_wait3A_60, %dma_wait3A_61] : memref<100352x8xf32, #tpu.memory_space<vmem_shared>> -> memref<100352x8xf32, #tpu.memory_space<vmem_shared>>
        tpu.wait_indirect_dma semaphore(%arg18 : memref<!tpu.dma_semaphore, #tpu.memory_space<semaphore_mem>>) src(%arg12 : memref<512x8xf32, #tpu.memory_space<vmem>>) dst(%dma_wait3A_62 : memref<100352x8xf32, #tpu.memory_space<vmem_shared>>)
      } else {
      }
      %dma_wait3A_36 = arith.constant 0 : i32
      %dma_wait3A_37 = arith.constant 0 : i32
      %dma_wait3A_38 = tpu.memref_slice %arg2[%dma_wait3A_36, %dma_wait3A_37] : memref<100352x8xf32, #tpu.memory_space<hbm>> -> memref<100352x8xf32, #tpu.memory_space<hbm>>
      tpu.wait_indirect_dma semaphore(%arg15 : memref<!tpu.dma_semaphore, #tpu.memory_space<semaphore_mem>>) src(%dma_wait3A_38 : memref<100352x8xf32, #tpu.memory_space<hbm>>) dst(%arg11 : memref<512x8xf32, #tpu.memory_space<vmem>>)
      %dma_start3A_39 = arith.constant 0 : i32
      %dma_start3A_40 = arith.constant 0 : i32
      %dma_start3A_41 = tpu.memref_slice %arg14[%dma_start3A_39, %dma_start3A_40] : memref<100352x8xf32, #tpu.memory_space<vmem_shared>> -> memref<100352x8xf32, #tpu.memory_space<vmem_shared>>
      tpu.enqueue_indirect_dma source(%arg11 : memref<512x8xf32, #tpu.memory_space<vmem>>) target(%dma_start3A_41 : memref<100352x8xf32, #tpu.memory_space<vmem_shared>>) offsets(%arg8 : memref<512xi32, #tpu.memory_space<vmem>>) semaphore(%arg17 : memref<!tpu.dma_semaphore, #tpu.memory_space<semaphore_mem>>) {add = true}
      %dma_start3A_42 = arith.constant 0 : i32
      %dma_start3A_43 = arith.constant 0 : i32
      %dma_start3A_44 = tpu.memref_slice %arg2[%dma_start3A_42, %dma_start3A_43] : memref<100352x8xf32, #tpu.memory_space<hbm>> -> memref<100352x8xf32, #tpu.memory_space<hbm>>
      tpu.enqueue_indirect_dma source(%dma_start3A_44 : memref<100352x8xf32, #tpu.memory_space<hbm>>) target(%arg12 : memref<512x8xf32, #tpu.memory_space<vmem>>) offsets(%arg9 : memref<512xi32, #tpu.memory_space<vmem>>) semaphore(%arg16 : memref<!tpu.dma_semaphore, #tpu.memory_space<semaphore_mem>>)
      %dma_wait3A_45 = arith.constant 0 : i32
      %dma_wait3A_46 = arith.constant 0 : i32
      %dma_wait3A_47 = tpu.memref_slice %arg14[%dma_wait3A_45, %dma_wait3A_46] : memref<100352x8xf32, #tpu.memory_space<vmem_shared>> -> memref<100352x8xf32, #tpu.memory_space<vmem_shared>>
      tpu.wait_indirect_dma semaphore(%arg17 : memref<!tpu.dma_semaphore, #tpu.memory_space<semaphore_mem>>) src(%arg11 : memref<512x8xf32, #tpu.memory_space<vmem>>) dst(%dma_wait3A_47 : memref<100352x8xf32, #tpu.memory_space<vmem_shared>>)
      %add3A_48 = arith.constant 2 : i32
      %add3A_49 = arith.addi %mul3A_30, %add3A_48 : i32
      %lt3A = arith.constant 98 : i32
      %lt3A_50 = arith.cmpi slt, %add3A_49, %lt3A : i32
      %convert_element_type3A_51 = arith.extui %lt3A_50 : i1 to i32
      %cond3A_52 = arith.constant 0 : i32
      %cond3A_53 = arith.cmpi ne, %convert_element_type3A_51, %cond3A_52 : i32
      scf.if %cond3A_53 {
        %add3A_60 = arith.addi %add3A, %mul3A_30 : i32
        %add3A_61 = arith.constant 2 : i32
        %add3A_62 = arith.addi %add3A_60, %add3A_61 : i32
        "tpu.region"() ({
          %run_scoped3A = tpu.sem_alloc : memref<!tpu.dma_semaphore, #tpu.memory_space<semaphore_mem>>
          %dma_start3A_66 = arith.constant 0 : i32
          %dma_start3A_67 = tpu.memref_slice %arg3[%add3A_62, %dma_start3A_66] : memref<3136x512xi32, #tpu.memory_space<hbm>> -> memref<1x512xi32, #tpu.memory_space<hbm>>
          %dma_start3A_68 = tpu.memref_squeeze %dma_start3A_67 : memref<1x512xi32, #tpu.memory_space<hbm>> -> memref<512xi32, #tpu.memory_space<hbm>>
          %dma_start3A_69 = arith.constant 0 : i32
          %dma_start3A_70 = tpu.memref_slice %arg3[%add3A_62, %dma_start3A_69] : memref<3136x512xi32, #tpu.memory_space<hbm>> -> memref<1x512xi32, #tpu.memory_space<hbm>>
          %dma_start3A_71 = tpu.memref_squeeze %dma_start3A_70 : memref<1x512xi32, #tpu.memory_space<hbm>> -> memref<512xi32, #tpu.memory_space<hbm>>
          tpu.enqueue_dma source(%dma_start3A_71 : memref<512xi32, #tpu.memory_space<hbm>>) target(%arg7 : memref<512xi32, #tpu.memory_space<vmem>>) target_semaphore(%run_scoped3A : memref<!tpu.dma_semaphore, #tpu.memory_space<semaphore_mem>>)
          %dma_wait3A_72 = arith.constant 0 : i32
          %dma_wait3A_73 = tpu.memref_slice %arg3[%add3A_62, %dma_wait3A_72] : memref<3136x512xi32, #tpu.memory_space<hbm>> -> memref<1x512xi32, #tpu.memory_space<hbm>>
          %dma_wait3A_74 = tpu.memref_squeeze %dma_wait3A_73 : memref<1x512xi32, #tpu.memory_space<hbm>> -> memref<512xi32, #tpu.memory_space<hbm>>
          %dma_wait3A_75 = arith.constant 0 : i32
          %dma_wait3A_76 = tpu.memref_slice %arg3[%add3A_62, %dma_wait3A_75] : memref<3136x512xi32, #tpu.memory_space<hbm>> -> memref<1x512xi32, #tpu.memory_space<hbm>>
          %dma_wait3A_77 = tpu.memref_squeeze %dma_wait3A_76 : memref<1x512xi32, #tpu.memory_space<hbm>> -> memref<512xi32, #tpu.memory_space<hbm>>
          tpu.wait_dma2 semaphore(%run_scoped3A : memref<!tpu.dma_semaphore, #tpu.memory_space<semaphore_mem>>) src(%dma_wait3A_77 : memref<512xi32, #tpu.memory_space<hbm>>) dst(%arg7 : memref<512xi32, #tpu.memory_space<vmem>>)
          tpu.yield
        }) : () -> ()
        "tpu.region"() ({
          %run_scoped3A = tpu.sem_alloc : memref<!tpu.dma_semaphore, #tpu.memory_space<semaphore_mem>>
          %dma_start3A_66 = arith.constant 0 : i32
          %dma_start3A_67 = tpu.memref_slice %arg4[%add3A_62, %dma_start3A_66] : memref<3136x512xi32, #tpu.memory_space<hbm>> -> memref<1x512xi32, #tpu.memory_space<hbm>>
          %dma_start3A_68 = tpu.memref_squeeze %dma_start3A_67 : memref<1x512xi32, #tpu.memory_space<hbm>> -> memref<512xi32, #tpu.memory_space<hbm>>
          %dma_start3A_69 = arith.constant 0 : i32
          %dma_start3A_70 = tpu.memref_slice %arg4[%add3A_62, %dma_start3A_69] : memref<3136x512xi32, #tpu.memory_space<hbm>> -> memref<1x512xi32, #tpu.memory_space<hbm>>
          %dma_start3A_71 = tpu.memref_squeeze %dma_start3A_70 : memref<1x512xi32, #tpu.memory_space<hbm>> -> memref<512xi32, #tpu.memory_space<hbm>>
          tpu.enqueue_dma source(%dma_start3A_71 : memref<512xi32, #tpu.memory_space<hbm>>) target(%arg8 : memref<512xi32, #tpu.memory_space<vmem>>) target_semaphore(%run_scoped3A : memref<!tpu.dma_semaphore, #tpu.memory_space<semaphore_mem>>)
          %dma_wait3A_72 = arith.constant 0 : i32
          %dma_wait3A_73 = tpu.memref_slice %arg4[%add3A_62, %dma_wait3A_72] : memref<3136x512xi32, #tpu.memory_space<hbm>> -> memref<1x512xi32, #tpu.memory_space<hbm>>
          %dma_wait3A_74 = tpu.memref_squeeze %dma_wait3A_73 : memref<1x512xi32, #tpu.memory_space<hbm>> -> memref<512xi32, #tpu.memory_space<hbm>>
          %dma_wait3A_75 = arith.constant 0 : i32
          %dma_wait3A_76 = tpu.memref_slice %arg4[%add3A_62, %dma_wait3A_75] : memref<3136x512xi32, #tpu.memory_space<hbm>> -> memref<1x512xi32, #tpu.memory_space<hbm>>
          %dma_wait3A_77 = tpu.memref_squeeze %dma_wait3A_76 : memref<1x512xi32, #tpu.memory_space<hbm>> -> memref<512xi32, #tpu.memory_space<hbm>>
          tpu.wait_dma2 semaphore(%run_scoped3A : memref<!tpu.dma_semaphore, #tpu.memory_space<semaphore_mem>>) src(%dma_wait3A_77 : memref<512xi32, #tpu.memory_space<hbm>>) dst(%arg8 : memref<512xi32, #tpu.memory_space<vmem>>)
          tpu.yield
        }) : () -> ()
        %dma_start3A_63 = arith.constant 0 : i32
        %dma_start3A_64 = arith.constant 0 : i32
        %dma_start3A_65 = tpu.memref_slice %arg2[%dma_start3A_63, %dma_start3A_64] : memref<100352x8xf32, #tpu.memory_space<hbm>> -> memref<100352x8xf32, #tpu.memory_space<hbm>>
        tpu.enqueue_indirect_dma source(%dma_start3A_65 : memref<100352x8xf32, #tpu.memory_space<hbm>>) target(%arg11 : memref<512x8xf32, #tpu.memory_space<vmem>>) offsets(%arg7 : memref<512xi32, #tpu.memory_space<vmem>>) semaphore(%arg15 : memref<!tpu.dma_semaphore, #tpu.memory_space<semaphore_mem>>)
      } else {
      }
      %dma_wait3A_54 = arith.constant 0 : i32
      %dma_wait3A_55 = arith.constant 0 : i32
      %dma_wait3A_56 = tpu.memref_slice %arg2[%dma_wait3A_54, %dma_wait3A_55] : memref<100352x8xf32, #tpu.memory_space<hbm>> -> memref<100352x8xf32, #tpu.memory_space<hbm>>
      tpu.wait_indirect_dma semaphore(%arg16 : memref<!tpu.dma_semaphore, #tpu.memory_space<semaphore_mem>>) src(%dma_wait3A_56 : memref<100352x8xf32, #tpu.memory_space<hbm>>) dst(%arg12 : memref<512x8xf32, #tpu.memory_space<vmem>>)
      %dma_start3A_57 = arith.constant 0 : i32
      %dma_start3A_58 = arith.constant 0 : i32
      %dma_start3A_59 = tpu.memref_slice %arg14[%dma_start3A_57, %dma_start3A_58] : memref<100352x8xf32, #tpu.memory_space<vmem_shared>> -> memref<100352x8xf32, #tpu.memory_space<vmem_shared>>
      tpu.enqueue_indirect_dma source(%arg12 : memref<512x8xf32, #tpu.memory_space<vmem>>) target(%dma_start3A_59 : memref<100352x8xf32, #tpu.memory_space<vmem_shared>>) offsets(%arg10 : memref<512xi32, #tpu.memory_space<vmem>>) semaphore(%arg18 : memref<!tpu.dma_semaphore, #tpu.memory_space<semaphore_mem>>) {add = true}
    }
    %scan3A_15 = arith.constant 49 : i32
    %dma_wait3A = arith.constant 0 : i32
    %dma_wait3A_16 = arith.constant 0 : i32
    %dma_wait3A_17 = tpu.memref_slice %arg14[%dma_wait3A, %dma_wait3A_16] : memref<100352x8xf32, #tpu.memory_space<vmem_shared>> -> memref<100352x8xf32, #tpu.memory_space<vmem_shared>>
    tpu.wait_indirect_dma semaphore(%arg18 : memref<!tpu.dma_semaphore, #tpu.memory_space<semaphore_mem>>) src(%arg12 : memref<512x8xf32, #tpu.memory_space<vmem>>) dst(%dma_wait3A_17 : memref<100352x8xf32, #tpu.memory_space<vmem_shared>>)
    %barrier3A_18 = arith.constant 0 : index
    tpu.barrier barrier_id(%barrier3A_18)
    %scan3A_19 = arith.constant 0 : i32
    %scan3A_20 = arith.constant 14 : i32
    %scan3A_21 = arith.addi %scan3A_19, %scan3A_20 : i32
    %scan3A_22 = arith.constant 1 : i32
    scf.for %scan3A_24 = %scan3A_19 to %scan3A_21 step %scan3A_22  : i32 {
      %mul3A_25 = arith.constant 1 : i32
      %mul3A_26 = arith.muli %scan3A_24, %mul3A_25 : i32
      %add3A_27 = arith.constant 0 : i32
      %add3A_28 = arith.addi %add3A_27, %mul3A_26 : i32
      %mul3A_29 = arith.constant 448 : i32
      %mul3A_30 = arith.muli %add3A_28, %mul3A_29 : i32
      %add3A_31 = arith.addi %mul3A_0, %mul3A_30 : i32
      "tpu.region"() ({
        %run_scoped3A = tpu.sem_alloc : memref<!tpu.dma_semaphore, #tpu.memory_space<semaphore_mem>>
        %dma_start3A_35 = arith.constant 0 : i32
        %dma_start3A_36 = tpu.memref_slice %arg14[%add3A_31, %dma_start3A_35] : memref<100352x8xf32, #tpu.memory_space<vmem_shared>> -> memref<448x8xf32, #tpu.memory_space<vmem_shared>>
        %dma_start3A_37 = arith.constant 0 : i32
        %dma_start3A_38 = tpu.memref_slice %arg14[%add3A_31, %dma_start3A_37] : memref<100352x8xf32, #tpu.memory_space<vmem_shared>> -> memref<448x8xf32, #tpu.memory_space<vmem_shared>>
        tpu.enqueue_dma source(%dma_start3A_38 : memref<448x8xf32, #tpu.memory_space<vmem_shared>>) target(%arg13 : memref<448x8xf32, #tpu.memory_space<vmem>>) target_semaphore(%run_scoped3A : memref<!tpu.dma_semaphore, #tpu.memory_space<semaphore_mem>>)
        %dma_wait3A_39 = arith.constant 0 : i32
        %dma_wait3A_40 = tpu.memref_slice %arg14[%add3A_31, %dma_wait3A_39] : memref<100352x8xf32, #tpu.memory_space<vmem_shared>> -> memref<448x8xf32, #tpu.memory_space<vmem_shared>>
        %dma_wait3A_41 = arith.constant 0 : i32
        %dma_wait3A_42 = tpu.memref_slice %arg14[%add3A_31, %dma_wait3A_41] : memref<100352x8xf32, #tpu.memory_space<vmem_shared>> -> memref<448x8xf32, #tpu.memory_space<vmem_shared>>
        tpu.wait_dma2 semaphore(%run_scoped3A : memref<!tpu.dma_semaphore, #tpu.memory_space<semaphore_mem>>) src(%dma_wait3A_42 : memref<448x8xf32, #tpu.memory_space<vmem_shared>>) dst(%arg13 : memref<448x8xf32, #tpu.memory_space<vmem>>)
        tpu.yield
      }) : () -> ()
      %mul3A_32 = arith.constant 448 : i32
      %mul3A_33 = arith.muli %add3A_28, %mul3A_32 : i32
      %add3A_34 = arith.addi %mul3A_0, %mul3A_33 : i32
      "tpu.region"() ({
        %run_scoped3A = tpu.sem_alloc : memref<!tpu.dma_semaphore, #tpu.memory_space<semaphore_mem>>
        %dma_start3A_35 = arith.constant 0 : i32
        %dma_start3A_36 = tpu.memref_slice %arg6[%arg0, %add3A_34, %dma_start3A_35] : memref<2x100352x8xf32, #tpu.memory_space<hbm>> -> memref<1x448x8xf32, #tpu.memory_space<hbm>>
        %dma_start3A_37 = tpu.memref_squeeze %dma_start3A_36 : memref<1x448x8xf32, #tpu.memory_space<hbm>> -> memref<448x8xf32, #tpu.memory_space<hbm>>
        %dma_start3A_38 = arith.constant 0 : i32
        %dma_start3A_39 = tpu.memref_slice %arg6[%arg0, %add3A_34, %dma_start3A_38] : memref<2x100352x8xf32, #tpu.memory_space<hbm>> -> memref<1x448x8xf32, #tpu.memory_space<hbm>>
        %dma_start3A_40 = tpu.memref_squeeze %dma_start3A_39 : memref<1x448x8xf32, #tpu.memory_space<hbm>> -> memref<448x8xf32, #tpu.memory_space<hbm>>
        tpu.enqueue_dma source(%arg13 : memref<448x8xf32, #tpu.memory_space<vmem>>) target(%dma_start3A_40 : memref<448x8xf32, #tpu.memory_space<hbm>>) target_semaphore(%run_scoped3A : memref<!tpu.dma_semaphore, #tpu.memory_space<semaphore_mem>>)
        %dma_wait3A_41 = arith.constant 0 : i32
        %dma_wait3A_42 = tpu.memref_slice %arg6[%arg0, %add3A_34, %dma_wait3A_41] : memref<2x100352x8xf32, #tpu.memory_space<hbm>> -> memref<1x448x8xf32, #tpu.memory_space<hbm>>
        %dma_wait3A_43 = tpu.memref_squeeze %dma_wait3A_42 : memref<1x448x8xf32, #tpu.memory_space<hbm>> -> memref<448x8xf32, #tpu.memory_space<hbm>>
        %dma_wait3A_44 = arith.constant 0 : i32
        %dma_wait3A_45 = tpu.memref_slice %arg6[%arg0, %add3A_34, %dma_wait3A_44] : memref<2x100352x8xf32, #tpu.memory_space<hbm>> -> memref<1x448x8xf32, #tpu.memory_space<hbm>>
        %dma_wait3A_46 = tpu.memref_squeeze %dma_wait3A_45 : memref<1x448x8xf32, #tpu.memory_space<hbm>> -> memref<448x8xf32, #tpu.memory_space<hbm>>
        tpu.wait_dma2 semaphore(%run_scoped3A : memref<!tpu.dma_semaphore, #tpu.memory_space<semaphore_mem>>) src(%arg13 : memref<448x8xf32, #tpu.memory_space<vmem>>) dst(%dma_wait3A_46 : memref<448x8xf32, #tpu.memory_space<hbm>>)
        tpu.yield
      }) : () -> ()
    }
    %scan3A_23 = arith.constant 14 : i32
    return
  }
}

module attributes {stable_mosaic.version = 14 : i64} {
  func.func @body(%arg0: memref<2x784x128xf32, #tpu.memory_space<vmem>>, %arg1: memref<784x128xf32, #tpu.memory_space<vmem>>) attributes {dimension_semantics = [], scalar_prefetch = 0 : i64, scratch_operands = 0 : i64, tpu.core_type = #tpu.core_type<tc>} {
    %get3A = arith.constant 0 : index
    %get3A_0 = arith.constant 0 : index
    %get3A_1 = arith.constant 0 : index
    %get3A_2 = vector.load %arg0[%get3A, %get3A_0, %get3A_1] : memref<2x784x128xf32, #tpu.memory_space<vmem>>, vector<1x784x128xf32>
    %get3A_3 = vector.shape_cast %get3A_2 : vector<1x784x128xf32> to vector<784x128xf32>
    %get3A_4 = arith.constant 1 : index
    %get3A_5 = arith.constant 0 : index
    %get3A_6 = arith.constant 0 : index
    %get3A_7 = vector.load %arg0[%get3A_4, %get3A_5, %get3A_6] : memref<2x784x128xf32, #tpu.memory_space<vmem>>, vector<1x784x128xf32>
    %get3A_8 = vector.shape_cast %get3A_7 : vector<1x784x128xf32> to vector<784x128xf32>
    %add3A = arith.addf %get3A_3, %get3A_8 : vector<784x128xf32>
    %add3A_9 = arith.constant 1.000000e+00 : f32
    %add3A_10 = vector.broadcast %add3A_9 : f32 to vector<784x128xf32>
    %add3A_11 = arith.addf %add3A, %add3A_10 : vector<784x128xf32>
    %rsqrt3A = math.rsqrt %add3A_11 : vector<784x128xf32>
    %swap3A = arith.constant 0 : index
    %swap3A_12 = arith.constant 0 : index
    %swap3A_13 = vector.load %arg1[%swap3A, %swap3A_12] : memref<784x128xf32, #tpu.memory_space<vmem>>, vector<784x128xf32>
    tpu.vector_store %arg1[%swap3A, %swap3A_12], %rsqrt3A {strides = array<i32>} : memref<784x128xf32, #tpu.memory_space<vmem>>, vector<784x128xf32>,
    return
  }
}

module attributes {stable_mosaic.version = 14 : i64} {
  func.func @body(%arg0: i32, %arg1: memref<2048x8xf32, #tpu.memory_space<vmem>>, %arg2: memref<2048x1xf32, #tpu.memory_space<vmem>>, %arg3: memref<2048x8xf32, #tpu.memory_space<vmem>>) attributes {dimension_semantics = [#tpu.dimension_semantics<arbitrary>], iteration_bounds = array<i64: 49>, scalar_prefetch = 0 : i64, scratch_operands = 0 : i64, tpu.core_type = #tpu.core_type<tc>, window_params = [{transform_indices = @transform_0, window_bounds = array<i64: 2048, 8>}, {transform_indices = @transform_1, window_bounds = array<i64: 2048, 1>}, {transform_indices = @transform_2, window_bounds = array<i64: 2048, 8>}]} {
    %get3A = arith.constant 0 : index
    %get3A_0 = arith.constant 0 : index
    %get3A_1 = vector.load %arg1[%get3A, %get3A_0] : memref<2048x8xf32, #tpu.memory_space<vmem>>, vector<2048x8xf32>
    %get3A_2 = arith.constant 0 : index
    %get3A_3 = arith.constant 0 : index
    %get3A_4 = vector.load %arg2[%get3A_2, %get3A_3] : memref<2048x1xf32, #tpu.memory_space<vmem>>, vector<2048x1xf32>
    %broadcast_in_dim3A = vector.shape_cast %get3A_4 : vector<2048x1xf32> to vector<2048x1xf32>
    %broadcast_in_dim3A_5 = vector.broadcast %broadcast_in_dim3A : vector<2048x1xf32> to vector<2048x8xf32>
    %mul3A = arith.mulf %get3A_1, %broadcast_in_dim3A_5 : vector<2048x8xf32>
    %swap3A = arith.constant 0 : index
    %swap3A_6 = arith.constant 0 : index
    %swap3A_7 = vector.load %arg3[%swap3A, %swap3A_6] : memref<2048x8xf32, #tpu.memory_space<vmem>>, vector<2048x8xf32>
    tpu.vector_store %arg3[%swap3A, %swap3A_6], %mul3A {strides = array<i32>} : memref<2048x8xf32, #tpu.memory_space<vmem>>, vector<2048x8xf32>,
    return
  }
  func.func @transform_0(%arg0: i32) -> (i32, i32) {
    %c0_i32 = arith.constant 0 : i32
    %c0_i32_0 = arith.constant 0 : i32
    return %arg0, %c0_i32 : i32, i32
  }
  func.func @transform_1(%arg0: i32) -> (i32, i32) {
    %c0_i32 = arith.constant 0 : i32
    %c0_i32_0 = arith.constant 0 : i32
    return %arg0, %c0_i32 : i32, i32
  }
  func.func @transform_2(%arg0: i32) -> (i32, i32) {
    %c0_i32 = arith.constant 0 : i32
    %c0_i32_0 = arith.constant 0 : i32
    return %arg0, %c0_i32 : i32, i32
  }
}

module attributes {stable_mosaic.version = 14 : i64} {
  func.func @body(%arg0: i32, %arg1: memref<2x2048x8xf32, #tpu.memory_space<vmem>>, %arg2: memref<2048x8xf32, #tpu.memory_space<vmem>>, %arg3: memref<2048x1xf32, #tpu.memory_space<vmem>>, %arg4: memref<8x32xf32, #tpu.memory_space<vmem>>, %arg5: memref<1x32xf32, #tpu.memory_space<vmem>>, %arg6: memref<2x2048x16xf32, #tpu.memory_space<vmem>>) attributes {dimension_semantics = [#tpu.dimension_semantics<arbitrary>], iteration_bounds = array<i64: 49>, scalar_prefetch = 0 : i64, scratch_operands = 0 : i64, tpu.core_type = #tpu.core_type<tc>, window_params = [{transform_indices = @transform_0, window_bounds = array<i64: 2, 2048, 8>}, {transform_indices = @transform_1, window_bounds = array<i64: 2048, 8>}, {transform_indices = @transform_2, window_bounds = array<i64: 2048, 1>}, {pipeline_mode = #tpu.pipeline_mode<synchronous>, transform_indices = @transform_3, window_bounds = array<i64: 8, 32>}, {pipeline_mode = #tpu.pipeline_mode<synchronous>, transform_indices = @transform_4, window_bounds = array<i64: 1, 32>}, {transform_indices = @transform_5, window_bounds = array<i64: 2, 2048, 16>}]} {
    %get3A = arith.constant 0 : index
    %get3A_0 = arith.constant 0 : index
    %get3A_1 = vector.load %arg3[%get3A, %get3A_0] : memref<2048x1xf32, #tpu.memory_space<vmem>>, vector<2048x1xf32>
    %broadcast_in_dim3A = vector.shape_cast %get3A_1 : vector<2048x1xf32> to vector<2048x1xf32>
    %broadcast_in_dim3A_2 = vector.broadcast %broadcast_in_dim3A : vector<2048x1xf32> to vector<2048x8xf32>
    %get3A_3 = arith.constant 0 : index
    %get3A_4 = arith.constant 0 : index
    %get3A_5 = arith.constant 0 : index
    %get3A_6 = vector.load %arg1[%get3A_3, %get3A_4, %get3A_5] : memref<2x2048x8xf32, #tpu.memory_space<vmem>>, vector<1x2048x8xf32>
    %get3A_7 = vector.shape_cast %get3A_6 : vector<1x2048x8xf32> to vector<2048x8xf32>
    %get3A_8 = arith.constant 1 : index
    %get3A_9 = arith.constant 0 : index
    %get3A_10 = arith.constant 0 : index
    %get3A_11 = vector.load %arg1[%get3A_8, %get3A_9, %get3A_10] : memref<2x2048x8xf32, #tpu.memory_space<vmem>>, vector<1x2048x8xf32>
    %get3A_12 = vector.shape_cast %get3A_11 : vector<1x2048x8xf32> to vector<2048x8xf32>
    %add3A = arith.addf %get3A_7, %get3A_12 : vector<2048x8xf32>
    %get3A_13 = arith.constant 0 : index
    %get3A_14 = arith.constant 0 : index
    %get3A_15 = vector.load %arg2[%get3A_13, %get3A_14] : memref<2048x8xf32, #tpu.memory_space<vmem>>, vector<2048x8xf32>
    %add3A_16 = arith.addf %add3A, %get3A_15 : vector<2048x8xf32>
    %mul3A = arith.mulf %broadcast_in_dim3A_2, %add3A_16 : vector<2048x8xf32>
    %get3A_17 = arith.constant 0 : index
    %get3A_18 = arith.constant 0 : index
    %get3A_19 = vector.load %arg4[%get3A_17, %get3A_18] : memref<8x32xf32, #tpu.memory_space<vmem>>, vector<8x32xf32>
    %dot_general3A = arith.constant dense<0.000000e+00> : vector<2048x32xf32>
    %dot_general3A_20 = tpu.matmul %mul3A, %get3A_19, %dot_general3A {dimension_numbers = #tpu.dot_dimension_numbers<[1], [0], [0], [1], [0, 0, 1, 1], [], []>, transpose_lhs_hint = false} : vector<2048x8xf32>, vector<8x32xf32>, vector<2048x32xf32> -> vector<2048x32xf32>
    %get3A_21 = arith.constant 0 : index
    %get3A_22 = arith.constant 0 : index
    %get3A_23 = vector.load %arg5[%get3A_21, %get3A_22] : memref<1x32xf32, #tpu.memory_space<vmem>>, vector<1x32xf32>
    %add3A_24 = vector.broadcast %get3A_23 : vector<1x32xf32> to vector<2048x32xf32>
    %add3A_25 = arith.addf %dot_general3A_20, %add3A_24 : vector<2048x32xf32>
    %max3A = arith.constant 0.000000e+00 : f32
    %max3A_26 = vector.broadcast %max3A : f32 to vector<2048x32xf32>
    %max3A_27 = arith.maximumf %add3A_25, %max3A_26 : vector<2048x32xf32>
    %broadcast_in_dim3A_28 = vector.shape_cast %get3A_1 : vector<2048x1xf32> to vector<2048x1xf32>
    %broadcast_in_dim3A_29 = vector.broadcast %broadcast_in_dim3A_28 : vector<2048x1xf32> to vector<2048x32xf32>
    %mul3A_30 = arith.mulf %max3A_27, %broadcast_in_dim3A_29 : vector<2048x32xf32>
    %slice3A = vector.extract_strided_slice %mul3A_30 {offsets = [0, 0], sizes = [2048, 16], strides = [1, 1]} : vector<2048x32xf32> to vector<2048x16xf32>
    %swap3A = arith.constant 0 : index
    %swap3A_31 = arith.constant 0 : index
    %swap3A_32 = arith.constant 0 : index
    %swap3A_33 = vector.load %arg6[%swap3A, %swap3A_31, %swap3A_32] : memref<2x2048x16xf32, #tpu.memory_space<vmem>>, vector<1x2048x16xf32>
    %swap3A_34 = vector.shape_cast %swap3A_33 : vector<1x2048x16xf32> to vector<2048x16xf32>
    %swap3A_35 = vector.shape_cast %slice3A : vector<2048x16xf32> to vector<1x2048x16xf32>
    tpu.vector_store %arg6[%swap3A, %swap3A_31, %swap3A_32], %swap3A_35 {strides = array<i32>} : memref<2x2048x16xf32, #tpu.memory_space<vmem>>, vector<1x2048x16xf32>,
    %slice3A_36 = vector.extract_strided_slice %mul3A_30 {offsets = [0, 16], sizes = [2048, 16], strides = [1, 1]} : vector<2048x32xf32> to vector<2048x16xf32>
    %swap3A_37 = arith.constant 1 : index
    %swap3A_38 = arith.constant 0 : index
    %swap3A_39 = arith.constant 0 : index
    %swap3A_40 = vector.load %arg6[%swap3A_37, %swap3A_38, %swap3A_39] : memref<2x2048x16xf32, #tpu.memory_space<vmem>>, vector<1x2048x16xf32>
    %swap3A_41 = vector.shape_cast %swap3A_40 : vector<1x2048x16xf32> to vector<2048x16xf32>
    %swap3A_42 = vector.shape_cast %slice3A_36 : vector<2048x16xf32> to vector<1x2048x16xf32>
    tpu.vector_store %arg6[%swap3A_37, %swap3A_38, %swap3A_39], %swap3A_42 {strides = array<i32>} : memref<2x2048x16xf32, #tpu.memory_space<vmem>>, vector<1x2048x16xf32>,
    return
  }
  func.func @transform_0(%arg0: i32) -> (i32, i32, i32) {
    %c0_i32 = arith.constant 0 : i32
    %c0_i32_0 = arith.constant 0 : i32
    %c0_i32_1 = arith.constant 0 : i32
    return %c0_i32, %arg0, %c0_i32_0 : i32, i32, i32
  }
  func.func @transform_1(%arg0: i32) -> (i32, i32) {
    %c0_i32 = arith.constant 0 : i32
    %c0_i32_0 = arith.constant 0 : i32
    return %arg0, %c0_i32 : i32, i32
  }
  func.func @transform_2(%arg0: i32) -> (i32, i32) {
    %c0_i32 = arith.constant 0 : i32
    %c0_i32_0 = arith.constant 0 : i32
    return %arg0, %c0_i32 : i32, i32
  }
  func.func @transform_3(%arg0: i32) -> (i32, i32) {
    %c0_i32 = arith.constant 0 : i32
    %c0_i32_0 = arith.constant 0 : i32
    %c0_i32_1 = arith.constant 0 : i32
    return %c0_i32, %c0_i32_0 : i32, i32
  }
  func.func @transform_4(%arg0: i32) -> (i32, i32) {
    %c0_i32 = arith.constant 0 : i32
    %c0_i32_0 = arith.constant 0 : i32
    %c0_i32_1 = arith.constant 0 : i32
    return %c0_i32, %c0_i32_0 : i32, i32
  }
  func.func @transform_5(%arg0: i32) -> (i32, i32, i32) {
    %c0_i32 = arith.constant 0 : i32
    %c0_i32_0 = arith.constant 0 : i32
    %c0_i32_1 = arith.constant 0 : i32
    return %c0_i32, %arg0, %c0_i32_0 : i32, i32, i32
  }
}

module attributes {stable_mosaic.version = 14 : i64} {
  func.func @body(%arg0: i32, %arg1: memref<2x2048x16xf32, #tpu.memory_space<vmem>>, %arg2: memref<2x2048x16xf32, #tpu.memory_space<vmem>>, %arg3: memref<2048x1xf32, #tpu.memory_space<vmem>>, %arg4: memref<32x32xf32, #tpu.memory_space<vmem>>, %arg5: memref<1x32xf32, #tpu.memory_space<vmem>>, %arg6: memref<32x1xf32, #tpu.memory_space<vmem>>, %arg7: memref<2048x8xf32, #tpu.memory_space<vmem>>) attributes {dimension_semantics = [#tpu.dimension_semantics<arbitrary>], iteration_bounds = array<i64: 49>, scalar_prefetch = 0 : i64, scratch_operands = 0 : i64, tpu.core_type = #tpu.core_type<tc>, window_params = [{transform_indices = @transform_0, window_bounds = array<i64: 2, 2048, 16>}, {transform_indices = @transform_1, window_bounds = array<i64: 2, 2048, 16>}, {transform_indices = @transform_2, window_bounds = array<i64: 2048, 1>}, {pipeline_mode = #tpu.pipeline_mode<synchronous>, transform_indices = @transform_3, window_bounds = array<i64: 32, 32>}, {pipeline_mode = #tpu.pipeline_mode<synchronous>, transform_indices = @transform_4, window_bounds = array<i64: 1, 32>}, {pipeline_mode = #tpu.pipeline_mode<synchronous>, transform_indices = @transform_5, window_bounds = array<i64: 32, 1>}, {transform_indices = @transform_6, window_bounds = array<i64: 2048, 8>}]} {
    %get3A = arith.constant 0 : index
    %get3A_0 = arith.constant 0 : index
    %get3A_1 = vector.load %arg3[%get3A, %get3A_0] : memref<2048x1xf32, #tpu.memory_space<vmem>>, vector<2048x1xf32>
    %get3A_2 = arith.constant 0 : index
    %get3A_3 = arith.constant 0 : index
    %get3A_4 = arith.constant 0 : index
    %get3A_5 = vector.load %arg1[%get3A_2, %get3A_3, %get3A_4] : memref<2x2048x16xf32, #tpu.memory_space<vmem>>, vector<1x2048x16xf32>
    %get3A_6 = vector.shape_cast %get3A_5 : vector<1x2048x16xf32> to vector<2048x16xf32>
    %get3A_7 = arith.constant 1 : index
    %get3A_8 = arith.constant 0 : index
    %get3A_9 = arith.constant 0 : index
    %get3A_10 = vector.load %arg1[%get3A_7, %get3A_8, %get3A_9] : memref<2x2048x16xf32, #tpu.memory_space<vmem>>, vector<1x2048x16xf32>
    %get3A_11 = vector.shape_cast %get3A_10 : vector<1x2048x16xf32> to vector<2048x16xf32>
    %concatenate3A = tpu.concatenate %get3A_6, %get3A_11 in 1 : vector<2048x16xf32>, vector<2048x16xf32> -> vector<2048x32xf32>
    %get3A_12 = arith.constant 0 : index
    %get3A_13 = arith.constant 0 : index
    %get3A_14 = arith.constant 0 : index
    %get3A_15 = vector.load %arg2[%get3A_12, %get3A_13, %get3A_14] : memref<2x2048x16xf32, #tpu.memory_space<vmem>>, vector<1x2048x16xf32>
    %get3A_16 = vector.shape_cast %get3A_15 : vector<1x2048x16xf32> to vector<2048x16xf32>
    %get3A_17 = arith.constant 1 : index
    %get3A_18 = arith.constant 0 : index
    %get3A_19 = arith.constant 0 : index
    %get3A_20 = vector.load %arg2[%get3A_17, %get3A_18, %get3A_19] : memref<2x2048x16xf32, #tpu.memory_space<vmem>>, vector<1x2048x16xf32>
    %get3A_21 = vector.shape_cast %get3A_20 : vector<1x2048x16xf32> to vector<2048x16xf32>
    %concatenate3A_22 = tpu.concatenate %get3A_16, %get3A_21 in 1 : vector<2048x16xf32>, vector<2048x16xf32> -> vector<2048x32xf32>
    %broadcast_in_dim3A = vector.shape_cast %get3A_1 : vector<2048x1xf32> to vector<2048x1xf32>
    %broadcast_in_dim3A_23 = vector.broadcast %broadcast_in_dim3A : vector<2048x1xf32> to vector<2048x32xf32>
    %add3A = arith.addf %concatenate3A, %concatenate3A_22 : vector<2048x32xf32>
    %mul3A = arith.mulf %broadcast_in_dim3A_23, %add3A : vector<2048x32xf32>
    %get3A_24 = arith.constant 0 : index
    %get3A_25 = arith.constant 0 : index
    %get3A_26 = vector.load %arg4[%get3A_24, %get3A_25] : memref<32x32xf32, #tpu.memory_space<vmem>>, vector<32x32xf32>
    %dot_general3A = arith.constant dense<0.000000e+00> : vector<2048x32xf32>
    %dot_general3A_27 = tpu.matmul %mul3A, %get3A_26, %dot_general3A {dimension_numbers = #tpu.dot_dimension_numbers<[1], [0], [0], [1], [0, 0, 1, 1], [], []>, transpose_lhs_hint = false} : vector<2048x32xf32>, vector<32x32xf32>, vector<2048x32xf32> -> vector<2048x32xf32>
    %get3A_28 = arith.constant 0 : index
    %get3A_29 = arith.constant 0 : index
    %get3A_30 = vector.load %arg5[%get3A_28, %get3A_29] : memref<1x32xf32, #tpu.memory_space<vmem>>, vector<1x32xf32>
    %add3A_31 = vector.broadcast %get3A_30 : vector<1x32xf32> to vector<2048x32xf32>
    %add3A_32 = arith.addf %dot_general3A_27, %add3A_31 : vector<2048x32xf32>
    %max3A = arith.constant 0.000000e+00 : f32
    %max3A_33 = vector.broadcast %max3A : f32 to vector<2048x32xf32>
    %max3A_34 = arith.maximumf %add3A_32, %max3A_33 : vector<2048x32xf32>
    %get3A_35 = arith.constant 0 : index
    %get3A_36 = arith.constant 0 : index
    %get3A_37 = vector.load %arg6[%get3A_35, %get3A_36] : memref<32x1xf32, #tpu.memory_space<vmem>>, vector<32x1xf32>
    %dot_general3A_38 = arith.constant dense<0.000000e+00> : vector<2048x1xf32>
    %dot_general3A_39 = tpu.matmul %max3A_34, %get3A_37, %dot_general3A_38 {dimension_numbers = #tpu.dot_dimension_numbers<[1], [0], [0], [1], [0, 0, 1, 1], [], []>, transpose_lhs_hint = false} : vector<2048x32xf32>, vector<32x1xf32>, vector<2048x1xf32> -> vector<2048x1xf32>
    %iota3A = tpu.iota {dimensions = array<i32: 1>} : vector<2048x8xi32>
    %eq3A = arith.constant 0 : i32
    %eq3A_40 = vector.broadcast %eq3A : i32 to vector<2048x8xi32>
    %eq3A_41 = arith.cmpi eq, %iota3A, %eq3A_40 : vector<2048x8xi32>
    %mul3A_42 = arith.mulf %dot_general3A_39, %get3A_1 : vector<2048x1xf32>
    %jit3A = arith.constant 0.000000e+00 : f32
    %broadcast_in_dim3A_43 = vector.shape_cast %mul3A_42 : vector<2048x1xf32> to vector<2048x1xf32>
    %broadcast_in_dim3A_44 = vector.broadcast %broadcast_in_dim3A_43 : vector<2048x1xf32> to vector<2048x8xf32>
    %broadcast_in_dim3A_45 = vector.broadcast %jit3A : f32 to vector<2048x8xf32>
    %select_n3A = arith.select %eq3A_41, %broadcast_in_dim3A_44, %broadcast_in_dim3A_45 : vector<2048x8xi1>, vector<2048x8xf32>
    %swap3A = arith.constant 0 : index
    %swap3A_46 = arith.constant 0 : index
    %swap3A_47 = vector.load %arg7[%swap3A, %swap3A_46] : memref<2048x8xf32, #tpu.memory_space<vmem>>, vector<2048x8xf32>
    tpu.vector_store %arg7[%swap3A, %swap3A_46], %select_n3A {strides = array<i32>} : memref<2048x8xf32, #tpu.memory_space<vmem>>, vector<2048x8xf32>,
    return
  }
  func.func @transform_0(%arg0: i32) -> (i32, i32, i32) {
    %c0_i32 = arith.constant 0 : i32
    %c0_i32_0 = arith.constant 0 : i32
    %c0_i32_1 = arith.constant 0 : i32
    return %c0_i32, %arg0, %c0_i32_0 : i32, i32, i32
  }
  func.func @transform_1(%arg0: i32) -> (i32, i32, i32) {
    %c0_i32 = arith.constant 0 : i32
    %c0_i32_0 = arith.constant 0 : i32
    %c0_i32_1 = arith.constant 0 : i32
    return %c0_i32, %arg0, %c0_i32_0 : i32, i32, i32
  }
  func.func @transform_2(%arg0: i32) -> (i32, i32) {
    %c0_i32 = arith.constant 0 : i32
    %c0_i32_0 = arith.constant 0 : i32
    return %arg0, %c0_i32 : i32, i32
  }
  func.func @transform_3(%arg0: i32) -> (i32, i32) {
    %c0_i32 = arith.constant 0 : i32
    %c0_i32_0 = arith.constant 0 : i32
    %c0_i32_1 = arith.constant 0 : i32
    return %c0_i32, %c0_i32_0 : i32, i32
  }
  func.func @transform_4(%arg0: i32) -> (i32, i32) {
    %c0_i32 = arith.constant 0 : i32
    %c0_i32_0 = arith.constant 0 : i32
    %c0_i32_1 = arith.constant 0 : i32
    return %c0_i32, %c0_i32_0 : i32, i32
  }
  func.func @transform_5(%arg0: i32) -> (i32, i32) {
    %c0_i32 = arith.constant 0 : i32
    %c0_i32_0 = arith.constant 0 : i32
    %c0_i32_1 = arith.constant 0 : i32
    return %c0_i32, %c0_i32_0 : i32, i32
  }
  func.func @transform_6(%arg0: i32) -> (i32, i32) {
    %c0_i32 = arith.constant 0 : i32
    %c0_i32_0 = arith.constant 0 : i32
    return %arg0, %c0_i32 : i32, i32
  }
}

module attributes {stable_mosaic.version = 14 : i64} {
  func.func @body(%arg0: i32, %arg1: memref<2x2048x8xf32, #tpu.memory_space<vmem>>, %arg2: memref<2048x8xf32, #tpu.memory_space<vmem>>, %arg3: memref<2048x1xf32, #tpu.memory_space<vmem>>, %arg4: memref<1x1xf32, #tpu.memory_space<vmem>>, %arg5: memref<2048x1xf32, #tpu.memory_space<vmem>>) attributes {dimension_semantics = [#tpu.dimension_semantics<arbitrary>], iteration_bounds = array<i64: 49>, scalar_prefetch = 0 : i64, scratch_operands = 0 : i64, tpu.core_type = #tpu.core_type<tc>, window_params = [{transform_indices = @transform_0, window_bounds = array<i64: 2, 2048, 8>}, {transform_indices = @transform_1, window_bounds = array<i64: 2048, 8>}, {transform_indices = @transform_2, window_bounds = array<i64: 2048, 1>}, {pipeline_mode = #tpu.pipeline_mode<synchronous>, transform_indices = @transform_3, window_bounds = array<i64: 1, 1>}, {transform_indices = @transform_4, window_bounds = array<i64: 2048, 1>}]} {
    %get3A = arith.constant 0 : index
    %get3A_0 = arith.constant 0 : index
    %get3A_1 = vector.load %arg3[%get3A, %get3A_0] : memref<2048x1xf32, #tpu.memory_space<vmem>>, vector<2048x1xf32>
    %get3A_2 = arith.constant 0 : index
    %get3A_3 = arith.constant 0 : index
    %get3A_4 = arith.constant 0 : index
    %get3A_5 = vector.load %arg1[%get3A_2, %get3A_3, %get3A_4] : memref<2x2048x8xf32, #tpu.memory_space<vmem>>, vector<1x2048x1xf32>
    %get3A_6 = vector.shape_cast %get3A_5 : vector<1x2048x1xf32> to vector<2048x1xf32>
    %get3A_7 = arith.constant 1 : index
    %get3A_8 = arith.constant 0 : index
    %get3A_9 = arith.constant 0 : index
    %get3A_10 = vector.load %arg1[%get3A_7, %get3A_8, %get3A_9] : memref<2x2048x8xf32, #tpu.memory_space<vmem>>, vector<1x2048x1xf32>
    %get3A_11 = vector.shape_cast %get3A_10 : vector<1x2048x1xf32> to vector<2048x1xf32>
    %add3A = arith.addf %get3A_6, %get3A_11 : vector<2048x1xf32>
    %get3A_12 = arith.constant 0 : index
    %get3A_13 = arith.constant 0 : index
    %get3A_14 = vector.load %arg2[%get3A_12, %get3A_13] : memref<2048x8xf32, #tpu.memory_space<vmem>>, vector<2048x1xf32>
    %add3A_15 = arith.addf %add3A, %get3A_14 : vector<2048x1xf32>
    %mul3A = arith.mulf %get3A_1, %add3A_15 : vector<2048x1xf32>
    %get3A_16 = arith.constant 0 : index
    %get3A_17 = arith.constant 0 : index
    %get3A_18 = vector.load %arg4[%get3A_16, %get3A_17] : memref<1x1xf32, #tpu.memory_space<vmem>>, vector<1x1xf32>
    %get3A_19 = vector.extract %get3A_18[0, 0] : f32 from vector<1x1xf32>
    %add3A_20 = vector.broadcast %get3A_19 : f32 to vector<2048x1xf32>
    %add3A_21 = arith.addf %mul3A, %add3A_20 : vector<2048x1xf32>
    %swap3A = arith.constant 0 : index
    %swap3A_22 = arith.constant 0 : index
    %swap3A_23 = vector.load %arg5[%swap3A, %swap3A_22] : memref<2048x1xf32, #tpu.memory_space<vmem>>, vector<2048x1xf32>
    tpu.vector_store %arg5[%swap3A, %swap3A_22], %add3A_21 {strides = array<i32>} : memref<2048x1xf32, #tpu.memory_space<vmem>>, vector<2048x1xf32>,
    return
  }
  func.func @transform_0(%arg0: i32) -> (i32, i32, i32) {
    %c0_i32 = arith.constant 0 : i32
    %c0_i32_0 = arith.constant 0 : i32
    %c0_i32_1 = arith.constant 0 : i32
    return %c0_i32, %arg0, %c0_i32_0 : i32, i32, i32
  }
  func.func @transform_1(%arg0: i32) -> (i32, i32) {
    %c0_i32 = arith.constant 0 : i32
    %c0_i32_0 = arith.constant 0 : i32
    return %arg0, %c0_i32 : i32, i32
  }
  func.func @transform_2(%arg0: i32) -> (i32, i32) {
    %c0_i32 = arith.constant 0 : i32
    %c0_i32_0 = arith.constant 0 : i32
    return %arg0, %c0_i32 : i32, i32
  }
  func.func @transform_3(%arg0: i32) -> (i32, i32) {
    %c0_i32 = arith.constant 0 : i32
    %c0_i32_0 = arith.constant 0 : i32
    %c0_i32_1 = arith.constant 0 : i32
    return %c0_i32, %c0_i32_0 : i32, i32
  }
  func.func @transform_4(%arg0: i32) -> (i32, i32) {
    %c0_i32 = arith.constant 0 : i32
    %c0_i32_0 = arith.constant 0 : i32
    return %arg0, %c0_i32 : i32, i32
  }
}

</mosaic_0001>

<sc_bundles>
// kernel: kernel.11.cloned.1.call-start
scs
__scs_entry_jumppad:
0x0: {  	(pc) =	sbr.rel $0x88, $3  }
0x1: {  	(tag) =	ssettag $0x0;
	lr =	simm.s32 $0x1  }
0x2: {  	[smem:$0x3F98] =	sst lr;
	_ =	strace $0xD0000000  }
0x3: {  	_ = 	snop  }
0x4: {  	_ = 	snop  }
0x5: {  	_ = 	snop  }
0x6: {  	_ = 	snop  }
0x7: {  	_ = 	snop  }
__scs_overlays_trampoline_lowered:
0x8: {  	[smem:$0x3FA7] =	sst s0  }
0x9: {  	[smem:$0x3FA8] =	sst s1  }
0xa: {  	[smem:$0x3FA9] =	sst s2  }
0xb: {  	[smem:$0x3FAA] =	sst s3  }
0xc: {  	[smem:$0x3FAB] =	sst s4  }
0xd: {  	[smem:$0x3FAC] =	sst s5  }
0xe: {  	[smem:$0x3FAD] =	sst s6  }
0xf: {  	[smem:$0x3FAE] =	sst s7  }
0x10: {  	[smem:$0x3FAF] =	sst s8  }
0x11: {  	[smem:$0x3FB0] =	sst s9;
	s0 =	simm.s32 @!p0 $0x0  }
0x12: {  	s1 =	sld [smem:$0x3F96];
	s0 =	simm.s32 @p0 $0x1  }
0x13: {  	[smem:$0x3FB1] =	sst s0;
	s0 =	simm.s32 @!p1 $0x0  }
0x14: {  	s2 =	sld [smem:$0x3F95];
	s0 =	simm.s32 @p1 $0x1  }
0x15: {  	[smem:$0x3FB2] =	sst s0;
	s0 =	simm.s32 @!p2 $0x0  }
0x16: {  	s3 =	sld [smem:$0x3FDB];
	s0 =	simm.s32 @p2 $0x1  }
0x17: {  	s4 =	simm.s32 $0x1BF5;
	[smem:$0x3FB4] =	sst s0  }
0x18: {  	s0 =	sld [smem:$0x3F97];
	_ =	swait.ge [sflag:s4], $0x0  }
0x19: {  	s7 =	sld [smem:$0x3F98]  }
0x1a: {  	s8 =	sadd.s32 $0xFFFFE003, lr  }
0x1b: {  	s9 =	sadd.s32 $0xFFFFFEF7, lr;
	s5 =	simm.s32 $0xFFFFFFFF;
	p2 =	slt.u32 s8, $0xFFFFF086  }
0x1c: {  	p1 =	slt.u32 s9, $0xF7A;
	s5 =	simm.s32 @!p2 $0x0  }
0x1d: {  	s5 =	simm.s32 @p1 $0x1;
	p0 =	seq.s32 s7, s2  }
0x1e: {  	s7 =	smul.u32 @!p0 $0xF7A, s2;
	p2 =	seq.s32 @!p0 s5, $0x0  }
0x1f: {  	s9 =	smul.u32 $0xF7A, s1;
	s8 =	simm.s32 @!p0 $0x1BF5;
	p2 =	por !p2, p0  }
0x20: {  	[sflag:s8] =	ssyncset.s32 @!p0 $0xFFFFF086;
	s6 =	sadd.s32 @!p0 s3, s7;
	s7 =	simm.s32 @!p0 $0x108  }
0x21: {  	s3 =	sadd.s32 s3, s9;
	s6 =	sadd.s32 @!p0 $0x88, s6;
	s7 =	simm.s32 @p2 $0x1082  }
0x22: {  	[simem:s7], [sflag:s8] =	dma.local @!p0 [hbm:s6], $0xF7A  }
0x23: {  	s9 =	sor.u32 $0xD0000000, s2;
	s6 =	simm.s32 $0x108;
	_ =	swait.ge @!p0 [sflag:s8], $0x0  }
0x24: {  	s3 =	sadd.s32 $0x88, s3;
	s6 =	simm.s32 @!p1 $0x1082;
	[sflag:s4] =	ssyncset.s32 $0xFFFFF086  }
0x25: {  	[simem:s6], [sflag:s4] =	dma.local [hbm:s3], $0xF7A  }
0x26: {  	[smem:$0x3F98] =	sst s1;
	(tag) =	ssettag s2;
	_ =	strace s9  }
0x27: {  	s1 =	sld [smem:$0x3FA8]  }
0x28: {  	s2 =	sld [smem:$0x3FA9]  }
0x29: {  	s4 =	sld [smem:$0x3FAB]  }
0x2a: {  	p0 =	seq.s32 s5, $0x0;
	s5 =	sld [smem:$0x3FAC]  }
0x2b: {  	s6 =	sld [smem:$0x3FAD]  }
0x2c: {  	s7 =	sld [smem:$0x3FAE]  }
0x2d: {  	s3 =	simm.s32 $0x108;
	s8 =	sld [smem:$0x3FAF]  }
0x2e: {  	s3 =	simm.s32 @!p0 $0x1082;
	s9 =	sld [smem:$0x3FB0]  }
0x2f: {  	lr =	sadd.s32 s0, s3;
	s0 =	sld [smem:$0x3FA7]  }
0x30: {  	s3 =	sld [smem:$0x3FAA]  }
0x31: {  	[smem:$0x3FB3] =	sst s10  }
0x32: {  	s10 =	sld [smem:$0x3FB1];
	_ =	sdelay $0x3  }
0x33: {  	p0 =	seq.s32 s10, $0x1;
	s10 =	sld [smem:$0x3FB3];
	_ =	sdelay $0x3  }
0x34: {  	[smem:$0x3FB3] =	sst s10  }
0x35: {  	s10 =	sld [smem:$0x3FB2];
	_ =	sdelay $0x3  }
0x36: {  	p1 =	seq.s32 s10, $0x1;
	s10 =	sld [smem:$0x3FB3];
	_ =	sdelay $0x3  }
0x37: {  	[smem:$0x3FB3] =	sst s10  }
0x38: {  	s10 =	sld [smem:$0x3FB4]  }
0x39: {  	_ = 	snop;
	(pc) =	sbr.ind lr, $3  }
0x3a: {  	_ = 	snop  }
0x3b: {  	_ = 	snop  }
0x3c: {  	p2 =	seq.s32 s10, $0x1;
	s10 =	sld [smem:$0x3FB3]  }
0x3d: {  	_ =	shalt  }
0x3e: {  	_ =	shalt  }
0x3f: {  	_ =	shalt  }
0x40: {  	_ =	shalt  }
0x41: {  	_ =	shalt  }
0x42: {  	_ =	shalt  }
0x43: {  	_ =	shalt  }
0x44: {  	_ =	shalt  }
0x45: {  	_ =	shalt  }
0x46: {  	_ =	shalt  }
0x47: {  	_ =	shalt  }
0x48: {  	_ =	shalt  }
0x49: {  	_ =	shalt  }
0x4a: {  	_ =	shalt  }
0x4b: {  	_ =	shalt  }
0x4c: {  	_ =	shalt  }
0x4d: {  	_ =	shalt  }
0x4e: {  	_ =	shalt  }
0x4f: {  	_ =	shalt  }
0x50: {  	_ =	shalt  }
0x51: {  	_ =	shalt  }
0x52: {  	_ =	shalt  }
0x53: {  	_ =	shalt  }
0x54: {  	_ =	shalt  }
0x55: {  	_ =	shalt  }
0x56: {  	_ =	shalt  }
0x57: {  	_ =	shalt  }
0x58: {  	_ =	shalt  }
0x59: {  	_ =	shalt  }
0x5a: {  	_ =	shalt  }
0x5b: {  	_ =	shalt  }
0x5c: {  	_ =	shalt  }
0x5d: {  	_ =	shalt  }
0x5e: {  	_ =	shalt  }
0x5f: {  	_ =	shalt  }
0x60: {  	_ =	shalt  }
0x61: {  	_ =	shalt  }
0x62: {  	_ =	shalt  }
0x63: {  	_ =	shalt  }
0x64: {  	_ =	shalt  }
0x65: {  	_ =	shalt  }
0x66: {  	_ =	shalt  }
0x67: {  	_ =	shalt  }
0x68: {  	_ =	shalt  }
0x69: {  	_ =	shalt  }
0x6a: {  	_ =	shalt  }
0x6b: {  	_ =	shalt  }
0x6c: {  	_ =	shalt  }
0x6d: {  	_ =	shalt  }
0x6e: {  	_ =	shalt  }
0x6f: {  	_ =	shalt  }
0x70: {  	_ =	shalt  }
0x71: {  	_ =	shalt  }
0x72: {  	_ =	shalt  }
0x73: {  	_ =	shalt  }
0x74: {  	_ =	shalt  }
0x75: {  	_ =	shalt  }
0x76: {  	_ =	shalt  }
0x77: {  	_ =	shalt  }
0x78: {  	_ =	shalt  }
0x79: {  	_ =	shalt  }
0x7a: {  	_ =	shalt  }
0x7b: {  	_ =	shalt  }
0x7c: {  	_ =	shalt  }
0x7d: {  	_ =	shalt  }
0x7e: {  	_ =	shalt  }
0x7f: {  	_ =	shalt  }
0x80: {  	_ =	shalt  }
0x81: {  	_ =	shalt  }
0x82: {  	_ =	shalt  }
0x83: {  	_ =	shalt  }
0x84: {  	_ =	shalt  }
0x85: {  	_ =	shalt  }
0x86: {  	_ =	shalt  }
0x87: {  	_ =	shalt  }
.Lfunc_end0:
.L_simem_size_0:
called_computation_lowered:
.L_overlay_start_0:
0x88: {  	s2 =	sld [smem:$0x3FD9]  }
0x89: {  	s3 =	sld [smem:$0x3FFE];
	_ =	sdelay $0x1  }
0x8a: {  	s1 =	srdreg.scid  }
0x8b: {  	s0 =	sand.u32 $0x1, s1  }
0x8c: {  	s16 =	sshll.u32 s0, $0xA;
	s2 =	sadd.s32 s3, s2  }
0x8d: {  	s2 =	sadd.s32 s2, s16  }
0x8e: {  	[smem:$0x3FBF] =	sst s2  }
0x8f: {  	_ = 	snop  }
0x90: {  	(tm) =	ssettm $0x1  }
0x91: {  	s17 =	sld [smem:$0x3FFB];
	_ =	sdelay $0x3  }
0x92: {  	_ =	strace s17  }
0x93: {  	s2 =	sld [smem:$0x3FFC];
	_ =	sdelay $0x3  }
0x94: {  	_ =	strace s2  }
0x95: {  	s2 =	sld [smem:$0x3FFD];
	_ =	sdelay $0x3  }
0x96: {  	_ =	strace s2  }
0x97: {  	_ =	strace $0x8FFFFFFF  }
0x98: {  	s18 =	sld [smem:$0x3FDB];
	_ =	sdelay $0x1  }
0x99: {  	s19 =	simm.s32 $_scs_section_size  }
0x9a: {  	s4 =	simm.s32 $_size__tile_overlayer_lowered;
	s5 =	simm.s32 $_tile_overlayer_lowered  }
0x9b: {  	s22 =	simm.s32 $0x1BFF;
	s21 =	sshll.u32 s5, $0x1;
	s2 =	sadd.s32 s19, s18  }
0x9c: {  	s6 =	simm.s32 $0x0;
	s20 =	sshll.u32 s4, $0x1;
	s4 =	sadd.s32 s21, s2  }
0x9d: {  	[timem:s6], [sflag:s22] =	dma.local [hbm:s4], s20  }
0x9e: {  	_ =	swait.ge [sflag:s22], s20  }
0x9f: {  	s3 =	ssub.s32 $0x0, s20;
	[sflag:s22] =	ssyncset.done $0x0  }
0xa0: {  	[sflag:s22] =	ssyncadd.s32 s3;
	_ =	sdelay $0x1  }
0xa1: {  	s23 =	simm.s32 $0x1B8B  }
0xa2: {  	_ =	swait.ge [sflag:s23], $0x1  }
0xa3: {  	[sflag:s23] =	ssyncset.done $0x0  }
0xa4: {  	s25 =	simm.s32 $0x1B8E;
	s24 =	sld [smem:$0x3FFE];
	[sflag:s23] =	ssyncadd.s32 $0xFFFFFFFF  }
0xa5: {  	s26 =	simm.s32 $execute0_lowered;
	[smem:$0x3FD2] =	sst s25  }
0xa6: {  	s4 =	sshll.u32 s26, $0x1;
	_ =	strace $0x80000046;
	[dreg:$0x1] =	wrdreg $0xFFFFFFFF  }
0xa7: {  	s28 =	simm.s32 $_size_execute0_lowered;
	s2 =	sadd.s32 s2, s4;
	[dreg:$0x0] =	wrdreg $0x0  }
0xa8: {  	s4 =	sshll.u32 s28, $0x1;
	[dreg:$0x2] =	wrdreg s2  }
0xa9: {  	[dreg:$0x3] =	wrdreg s4  }
0xaa: {  	[dreg:$0x4] =	wrdreg $0xC0  }
0xab: {  	_ =	task [dreg:s6], $0x5FFFF  }
0xac: {  	[dreg:$0x1] =	wrdreg $0xFFFFFFFF  }
0xad: {  	[dreg:$0x0] =	wrdreg $0x60  }
0xae: {  	[dreg:$0x2] =	wrdreg s24  }
0xaf: {  	[dreg:$0x3] =	wrdreg $0x1C800  }
0xb0: {  	[dreg:$0x4] =	wrdreg $0x9  }
0xb1: {  	_ =	task.clear_ibuf [dreg:s6], $0x5FFFF;
	_ =	strace $0x90000046  }
0xb2: {  	s29 =	simm.s32 $0x9;
	_ =	strace $0x80000048  }
0xb3: {  	_ =	swait.ge [sflag:s29], $0x1  }
0xb4: {  	[sflag:s29] =	ssyncadd.s32 $0xFFFFFFFF  }
0xb5: {  	_ =	strace $0x90000048  }
0xb6: {  	_ =	sfence  }
0xb7: {  	s30 =	sld [smem:$0x0];
	_ =	sdelay $0x2  }
0xb8: {  	s31 =	sshll.u32 s1, $0xD;
	s1 =	sshrl.u32 s1, $0x2  }
0xb9: {  	s3 =	sand.u32 $0x4000, s31;
	s1 =	sadd.s32 s1, s30  }
0xba: {  	s0 =	sor.u32 s3, s0;
	s1 =	sshll.u32 s1, $0x11  }
0xbb: {  	s0 =	sor.u32 s1, s0  }
0xbc: {  	s0 =	sadd.s32 $0x8F2B, s0  }
0xbd: {  	[sflag:s0] =	ssyncadd.remote.s32 $0x1  }
0xbe: {  	_ =	sfence.sel $0xFFFF  }
0xbf: {  	[dreg:$0x0] =	wrdreg $0xFFFFFFFF;
	(pc) =	sbr.abs _section_cstart, $3  }
0xc0: {  	[dreg:$0x1] =	wrdreg $0xFFFFFFFF  }
0xc1: {  	_ =	task.clear_ibuf [dreg:s6], $0x2FFFF;
	_ =	strace $0x9FFFFFFF  }
0xc2: {  	(tm) =	ssettm $0x7FFFFFFF  }
0xc3: {  	_ =	shalt  }
tec
execute0_lowered:
.L_overlay_start_1:
0x0: {  	(tag) =	ssettag $0x1  }
0x1: {  	s1 =	srdreg.scid  }
0x2: {  	s0 =	stileid.u32;
	s4 =	rddreg [dreg:$0x0]  }
0x3: {  	s2 =	rddreg [dreg:$0x1];
	s5 =	sand.u32 $0x1, s1;
	s6 =	smul.u32 $0x1880, s0  }
0x4: {  	s3 =	simm.s32 $0x0;
	s10 =	simm.s32 $0x200;
	s7 =	smul.u32 $0x18800, s5  }
0x5: {  	s11 =	simm.s32 $0x1;
	s12 =	simm.s32 $0x0;
	s1 =	rddreg [dreg:$0x2]  }
0x6: {  	[smem:$0x7FF] =	sst s3;
	s5 =	ssub.s32 $0x2, s5;
	s7 =	sadd.s32 s6, s7  }
0x7: {  	_ =	strace $0x80000047;
	s9 =	sshrl.u32 s5, $0x1;
	s8 =	sshrl.u32 s7, $0x3  }
0x8: {  	s9 =	ssub.s32 s5, s9;
	s7 =	sadd.s32 s7, s4;
	s8 =	sadd.s32 s8, s4  }
0x9: {  	s4 =	sadd.s32 s6, s2;
	s6 =	smax.u32 s9, $0x1;
	s7 =	sadd.s32 $0x1200, s7  }
0xa: {  	v0 =	vimm.f32 $1.000000000e+00;
	v1 =	vimm.f32 $0.0e+00;
	s9 =	simm.s32 $0x2;
	s5 =	sadd.s32 $0x32200, s8;
	s8 =	simm.s32 $0x400  }
.LBB2_1:
0xb: {  	[tilespmem:$0x200] =	vst v0  }
0xc: {  	[tilespmem:$0x210] =	vst v0  }
0xd: {  	[tilespmem:$0x220] =	vst v0  }
0xe: {  	[tilespmem:$0x230] =	vst v0  }
0xf: {  	[tilespmem:$0x240] =	vst v0  }
0x10: {  	[tilespmem:$0x250] =	vst v0  }
0x11: {  	[tilespmem:$0x260] =	vst v0  }
0x12: {  	[tilespmem:$0x270] =	vst v0  }
0x13: {  	[tilespmem:$0x280] =	vst v0  }
0x14: {  	[tilespmem:$0x290] =	vst v0  }
0x15: {  	[tilespmem:$0x2A0] =	vst v0  }
0x16: {  	[tilespmem:$0x2B0] =	vst v0  }
0x17: {  	[tilespmem:$0x2C0] =	vst v0  }
0x18: {  	[tilespmem:$0x2D0] =	vst v0  }
0x19: {  	[tilespmem:$0x2E0] =	vst v0  }
0x1a: {  	[tilespmem:$0x2F0] =	vst v0  }
0x1b: {  	[tilespmem:$0x300] =	vst v0  }
0x1c: {  	[tilespmem:$0x310] =	vst v0  }
0x1d: {  	[tilespmem:$0x320] =	vst v0  }
0x1e: {  	[tilespmem:$0x330] =	vst v0  }
0x1f: {  	[tilespmem:$0x340] =	vst v0  }
0x20: {  	[tilespmem:$0x350] =	vst v0  }
0x21: {  	[tilespmem:$0x360] =	vst v0  }
0x22: {  	[tilespmem:$0x370] =	vst v0  }
0x23: {  	[tilespmem:$0x380] =	vst v0  }
0x24: {  	[tilespmem:$0x390] =	vst v0  }
0x25: {  	[tilespmem:$0x3A0] =	vst v0  }
0x26: {  	[tilespmem:$0x3B0] =	vst v0  }
0x27: {  	[tilespmem:$0x3C0] =	vst v0  }
0x28: {  	[tilespmem:$0x3D0] =	vst v0  }
0x29: {  	[tilespmem:$0x3E0] =	vst v0  }
0x2a: {  	[tilespmem:$0x3F0] =	vst v0;
	s13 =	simm.s32 $0x40;
	s14 =	simm.s32 $0x0  }
.LBB2_2:
0x2b: {  	p0 =	sne.s32 s13, $0x61C0;
	[tilespmem:s14+$0x400] =	vst v1;
	s14 =	smov.u32 s13;
	s13 =	sadd.s32 $0x40, s13  }
.Ltmp0:
0x2c: {  	(pc) =	sbr.rel @p0 .LBB2_2-.Ltmp0, $2  }
0x2d: {  	_ =	sdelay $0x2  }
0x2e: {  	s14 =	sshra.s32 s14, $0x2  }
0x2f: {  	[tilespmem:s14+$0x400] =	vst v1  }
0x30: {  	[spmem:s4] =	stream.linear.scatter [tilespmem:s8], [sflag:$0x2], $0x1880, $0x38;
	[tilespmem:$0x3500] =	vst v63  }
0x31: {  	_ =	swait.ge [sflag:s9], $0x1880  }
0x32: {  	[sflag:s9] =	ssyncset.done $0x0  }
0x33: {  	[sflag:s9] =	ssyncadd.s32 $0xFFFFE780  }
0x34: {  	s13 =	sadd.s32 $0x0, s7;
	[bflag:$0x0] =	sbarrier.arrive $0xFFFF  }
0x35: {  	[tilespmem:s3], [sflag:$0x2] =	stream.linear.gather [hbm4b:s13+s3], $0x200, $0x38;
	[tilespmem:$0x3500] =	vst v63  }
0x36: {  	_ =	swait.ge [sflag:s9], $0x200  }
0x37: {  	[sflag:s9] =	ssyncset.done $0x0  }
0x38: {  	[sflag:s9] =	ssyncadd.s32 $0xFFFFFE00  }
0x39: {  	[spmem:s2] =	stream.indirect.scatter.add.f32 [tilespmem:s10], [sflag:$0x1], $0x1, s3, s10, $0xb8;
	[tilespmem:$0x3500] =	vst v63  }
0x3a: {  	_ =	swait.ge [sflag:s11], $0x200  }
0x3b: {  	s14 =	simm.s32 $0x80;
	s13 =	simm.s32 $0x40;
	[sflag:s11] =	ssyncset.done $0x0  }
.LBB2_4:
0x3c: {  	s15 =	sadd.s32 s13, s7  }
0x3d: {  	[sflag:s11] =	ssyncadd.s32 $0xFFFFFE00;
	s13 =	smov.u32 s14;
	s16 =	sadd.s32 $0x40, s14  }
0x3e: {  	[tilespmem:s3], [sflag:$0x2] =	stream.linear.gather [hbm4b:s15+s3], $0x200, $0x38;
	[tilespmem:$0x3500] =	vst v63  }
0x3f: {  	p0 =	sne.s32 s14, $0x1840;
	_ =	swait.ge [sflag:s9], $0x200  }
.Ltmp1:
0x40: {  	[sflag:s9] =	ssyncset.done $0x0;
	(pc) =	sbr.rel @p0 .LBB2_4-.Ltmp1, $4  }
0x41: {  	[sflag:s9] =	ssyncadd.s32 $0xFFFFFE00  }
0x42: {  	[spmem:s2] =	stream.indirect.scatter.add.f32 [tilespmem:s10], [sflag:$0x1], $0x1, s3, s10, $0xb8;
	[tilespmem:$0x3500] =	vst v63  }
0x43: {  	_ =	swait.ge [sflag:s11], $0x200  }
0x44: {  	s14 =	smov.u32 s16;
	[sflag:s11] =	ssyncset.done $0x0  }
0x45: {  	s13 =	sadd.s32 s13, s7;
	[sflag:s11] =	ssyncadd.s32 $0xFFFFFE00  }
0x46: {  	[tilespmem:s3], [sflag:$0x2] =	stream.linear.gather [hbm4b:s13+s3], $0x200, $0x38;
	[tilespmem:$0x3500] =	vst v63  }
0x47: {  	_ =	swait.ge [sflag:s9], $0x200  }
0x48: {  	[sflag:s9] =	ssyncset.done $0x0  }
0x49: {  	[sflag:s9] =	ssyncadd.s32 $0xFFFFFE00  }
0x4a: {  	[spmem:s2] =	stream.indirect.scatter.add.f32 [tilespmem:s10], [sflag:$0x1], $0x1, s3, s10, $0xb8;
	[tilespmem:$0x3500] =	vst v63  }
0x4b: {  	_ =	swait.ge [sflag:s11], $0x200  }
0x4c: {  	[sflag:s11] =	ssyncset.done $0x0  }
0x4d: {  	[sflag:s11] =	ssyncadd.s32 $0xFFFFFE00  }
0x4e: {  	[bflag:$0x0] =	sbarrier.arrive $0xFFFF  }
0x4f: {  	[tilespmem:s8], [sflag:$0x2] =	stream.linear.gather [spmem:s4], $0x1880, $0x38;
	[tilespmem:$0x3500] =	vst v63  }
0x50: {  	s12 =	sadd.s32 $0x1, s12;
	_ =	swait.ge [sflag:s9], $0x1880  }
0x51: {  	p0 =	sne.s32 s12, s6;
	[sflag:s9] =	ssyncset.done $0x0  }
.Ltmp2:
0x52: {  	[sflag:s9] =	ssyncadd.s32 $0xFFFFE780;
	(pc) =	sbr.rel @p0 .LBB2_1-.Ltmp2, $4  }
0x53: {  	[hbm4b:s5+s3] =	stream.linear.scatter [tilespmem:s8], [sflag:$0x2], $0x1880, $0x38;
	[tilespmem:$0x3500] =	vst v63  }
0x54: {  	_ =	swait.ge [sflag:s9], $0x1880  }
0x55: {  	[sflag:s9] =	ssyncset.done $0x0  }
0x56: {  	[sflag:s9] =	ssyncadd.s32 $0xFFFFE780  }
0x57: {  	_ =	sfence.sel $0x180000  }
0x58: {  	[bflag:$0x0] =	sbarrier.arrive $0xFFFF  }
0x59: {  	p0 =	sne.s32 s0, $0x0;
	_ =	strace $0x90000047  }
0x5a: {  	s0 =	sadd.s32 @!p0 $0x100000, s1;
	[bflag:$0x2] =	sbarrier.arrive $0xFFFF  }
0x5b: {  	[sflag:s0] =	ssyncadd.tile.s32 @!p0 $0x1;
	_ =	shalt  }
.Lfunc_end2:
_tile_overlayer_lowered:
.L_overlay_start_2:
0x5c: {  	(tag) =	ssettag $0x2  }
0x5d: {  	s0 =	rddreg [dreg:$0x0];
	s2 =	stileid.u32  }
0x5e: {  	s1 =	rddreg [dreg:$0x1];
	p0 =	sne.s32 s2, $0x0  }
0x5f: {  	s3 =	rddreg [dreg:$0x2];
	[bflag:$0x3] =	sbarrier.arrive $0xFFFF;
	s2 =	simm.s32 @!p0 $0x1C02  }
0x60: {  	[timem:s3], [sflag:s2] =	dma.local @!p0 [hbm:s0], s1  }
0x61: {  	s0 =	simm.s32 @!p0 $0x2  }
0x62: {  	_ =	swait.ge @!p0 [sflag:s0], s1  }
0x63: {  	s1 =	ssub.s32 @!p0 $0x0, s1;
	[sflag:s0] =	ssyncset.done @!p0 $0x0  }
0x64: {  	[sflag:s0] =	ssyncadd.s32 @!p0 s1  }
0x65: {  	[bflag:$0x3] =	sbarrier.arrive $0xFFFF  }
0x66: {  	_ =	shalt  }

// kernel: kernel.14.cloned.1.call-start
scs
__scs_entry_jumppad:
0x0: {  	(pc) =	sbr.rel $0x88, $3  }
0x1: {  	(tag) =	ssettag $0x0;
	lr =	simm.s32 $0x1  }
0x2: {  	[smem:$0x3F98] =	sst lr;
	_ =	strace $0xD0000000  }
0x3: {  	_ = 	snop  }
0x4: {  	_ = 	snop  }
0x5: {  	_ = 	snop  }
0x6: {  	_ = 	snop  }
0x7: {  	_ = 	snop  }
__scs_overlays_trampoline_lowered:
0x8: {  	[smem:$0x3FA7] =	sst s0  }
0x9: {  	[smem:$0x3FA8] =	sst s1  }
0xa: {  	[smem:$0x3FA9] =	sst s2  }
0xb: {  	[smem:$0x3FAA] =	sst s3  }
0xc: {  	[smem:$0x3FAB] =	sst s4  }
0xd: {  	[smem:$0x3FAC] =	sst s5  }
0xe: {  	[smem:$0x3FAD] =	sst s6  }
0xf: {  	[smem:$0x3FAE] =	sst s7  }
0x10: {  	[smem:$0x3FAF] =	sst s8  }
0x11: {  	[smem:$0x3FB0] =	sst s9;
	s0 =	simm.s32 @!p0 $0x0  }
0x12: {  	s1 =	sld [smem:$0x3F96];
	s0 =	simm.s32 @p0 $0x1  }
0x13: {  	[smem:$0x3FB1] =	sst s0;
	s0 =	simm.s32 @!p1 $0x0  }
0x14: {  	s2 =	sld [smem:$0x3F95];
	s0 =	simm.s32 @p1 $0x1  }
0x15: {  	[smem:$0x3FB2] =	sst s0;
	s0 =	simm.s32 @!p2 $0x0  }
0x16: {  	s3 =	sld [smem:$0x3FDB];
	s0 =	simm.s32 @p2 $0x1  }
0x17: {  	s4 =	simm.s32 $0x1BF5;
	[smem:$0x3FB4] =	sst s0  }
0x18: {  	s0 =	sld [smem:$0x3F97];
	_ =	swait.ge [sflag:s4], $0x0  }
0x19: {  	s7 =	sld [smem:$0x3F98]  }
0x1a: {  	s8 =	sadd.s32 $0xFFFFE003, lr  }
0x1b: {  	s9 =	sadd.s32 $0xFFFFFEF7, lr;
	s5 =	simm.s32 $0xFFFFFFFF;
	p2 =	slt.u32 s8, $0xFFFFF086  }
0x1c: {  	p1 =	slt.u32 s9, $0xF7A;
	s5 =	simm.s32 @!p2 $0x0  }
0x1d: {  	s5 =	simm.s32 @p1 $0x1;
	p0 =	seq.s32 s7, s2  }
0x1e: {  	s7 =	smul.u32 @!p0 $0xF7A, s2;
	p2 =	seq.s32 @!p0 s5, $0x0  }
0x1f: {  	s9 =	smul.u32 $0xF7A, s1;
	s8 =	simm.s32 @!p0 $0x1BF5;
	p2 =	por !p2, p0  }
0x20: {  	[sflag:s8] =	ssyncset.s32 @!p0 $0xFFFFF086;
	s6 =	sadd.s32 @!p0 s3, s7;
	s7 =	simm.s32 @!p0 $0x108  }
0x21: {  	s3 =	sadd.s32 s3, s9;
	s6 =	sadd.s32 @!p0 $0x88, s6;
	s7 =	simm.s32 @p2 $0x1082  }
0x22: {  	[simem:s7], [sflag:s8] =	dma.local @!p0 [hbm:s6], $0xF7A  }
0x23: {  	s9 =	sor.u32 $0xD0000000, s2;
	s6 =	simm.s32 $0x108;
	_ =	swait.ge @!p0 [sflag:s8], $0x0  }
0x24: {  	s3 =	sadd.s32 $0x88, s3;
	s6 =	simm.s32 @!p1 $0x1082;
	[sflag:s4] =	ssyncset.s32 $0xFFFFF086  }
0x25: {  	[simem:s6], [sflag:s4] =	dma.local [hbm:s3], $0xF7A  }
0x26: {  	[smem:$0x3F98] =	sst s1;
	(tag) =	ssettag s2;
	_ =	strace s9  }
0x27: {  	s1 =	sld [smem:$0x3FA8]  }
0x28: {  	s2 =	sld [smem:$0x3FA9]  }
0x29: {  	s4 =	sld [smem:$0x3FAB]  }
0x2a: {  	p0 =	seq.s32 s5, $0x0;
	s5 =	sld [smem:$0x3FAC]  }
0x2b: {  	s6 =	sld [smem:$0x3FAD]  }
0x2c: {  	s7 =	sld [smem:$0x3FAE]  }
0x2d: {  	s3 =	simm.s32 $0x108;
	s8 =	sld [smem:$0x3FAF]  }
0x2e: {  	s3 =	simm.s32 @!p0 $0x1082;
	s9 =	sld [smem:$0x3FB0]  }
0x2f: {  	lr =	sadd.s32 s0, s3;
	s0 =	sld [smem:$0x3FA7]  }
0x30: {  	s3 =	sld [smem:$0x3FAA]  }
0x31: {  	[smem:$0x3FB3] =	sst s10  }
0x32: {  	s10 =	sld [smem:$0x3FB1];
	_ =	sdelay $0x3  }
0x33: {  	p0 =	seq.s32 s10, $0x1;
	s10 =	sld [smem:$0x3FB3];
	_ =	sdelay $0x3  }
0x34: {  	[smem:$0x3FB3] =	sst s10  }
0x35: {  	s10 =	sld [smem:$0x3FB2];
	_ =	sdelay $0x3  }
0x36: {  	p1 =	seq.s32 s10, $0x1;
	s10 =	sld [smem:$0x3FB3];
	_ =	sdelay $0x3  }
0x37: {  	[smem:$0x3FB3] =	sst s10  }
0x38: {  	s10 =	sld [smem:$0x3FB4]  }
0x39: {  	_ = 	snop;
	(pc) =	sbr.ind lr, $3  }
0x3a: {  	_ = 	snop  }
0x3b: {  	_ = 	snop  }
0x3c: {  	p2 =	seq.s32 s10, $0x1;
	s10 =	sld [smem:$0x3FB3]  }
0x3d: {  	_ =	shalt  }
0x3e: {  	_ =	shalt  }
0x3f: {  	_ =	shalt  }
0x40: {  	_ =	shalt  }
0x41: {  	_ =	shalt  }
0x42: {  	_ =	shalt  }
0x43: {  	_ =	shalt  }
0x44: {  	_ =	shalt  }
0x45: {  	_ =	shalt  }
0x46: {  	_ =	shalt  }
0x47: {  	_ =	shalt  }
0x48: {  	_ =	shalt  }
0x49: {  	_ =	shalt  }
0x4a: {  	_ =	shalt  }
0x4b: {  	_ =	shalt  }
0x4c: {  	_ =	shalt  }
0x4d: {  	_ =	shalt  }
0x4e: {  	_ =	shalt  }
0x4f: {  	_ =	shalt  }
0x50: {  	_ =	shalt  }
0x51: {  	_ =	shalt  }
0x52: {  	_ =	shalt  }
0x53: {  	_ =	shalt  }
0x54: {  	_ =	shalt  }
0x55: {  	_ =	shalt  }
0x56: {  	_ =	shalt  }
0x57: {  	_ =	shalt  }
0x58: {  	_ =	shalt  }
0x59: {  	_ =	shalt  }
0x5a: {  	_ =	shalt  }
0x5b: {  	_ =	shalt  }
0x5c: {  	_ =	shalt  }
0x5d: {  	_ =	shalt  }
0x5e: {  	_ =	shalt  }
0x5f: {  	_ =	shalt  }
0x60: {  	_ =	shalt  }
0x61: {  	_ =	shalt  }
0x62: {  	_ =	shalt  }
0x63: {  	_ =	shalt  }
0x64: {  	_ =	shalt  }
0x65: {  	_ =	shalt  }
0x66: {  	_ =	shalt  }
0x67: {  	_ =	shalt  }
0x68: {  	_ =	shalt  }
0x69: {  	_ =	shalt  }
0x6a: {  	_ =	shalt  }
0x6b: {  	_ =	shalt  }
0x6c: {  	_ =	shalt  }
0x6d: {  	_ =	shalt  }
0x6e: {  	_ =	shalt  }
0x6f: {  	_ =	shalt  }
0x70: {  	_ =	shalt  }
0x71: {  	_ =	shalt  }
0x72: {  	_ =	shalt  }
0x73: {  	_ =	shalt  }
0x74: {  	_ =	shalt  }
0x75: {  	_ =	shalt  }
0x76: {  	_ =	shalt  }
0x77: {  	_ =	shalt  }
0x78: {  	_ =	shalt  }
0x79: {  	_ =	shalt  }
0x7a: {  	_ =	shalt  }
0x7b: {  	_ =	shalt  }
0x7c: {  	_ =	shalt  }
0x7d: {  	_ =	shalt  }
0x7e: {  	_ =	shalt  }
0x7f: {  	_ =	shalt  }
0x80: {  	_ =	shalt  }
0x81: {  	_ =	shalt  }
0x82: {  	_ =	shalt  }
0x83: {  	_ =	shalt  }
0x84: {  	_ =	shalt  }
0x85: {  	_ =	shalt  }
0x86: {  	_ =	shalt  }
0x87: {  	_ =	shalt  }
.Lfunc_end0:
.L_simem_size_0:
called_computation.1_lowered:
.L_overlay_start_0:
0x88: {  	s2 =	sld [smem:$0x3FD9]  }
0x89: {  	s3 =	sld [smem:$0x3FFE];
	_ =	sdelay $0x1  }
0x8a: {  	s1 =	srdreg.scid  }
0x8b: {  	s0 =	sand.u32 $0x1, s1  }
0x8c: {  	s16 =	sshll.u32 s0, $0xA;
	s2 =	sadd.s32 s3, s2  }
0x8d: {  	s2 =	sadd.s32 s2, s16  }
0x8e: {  	[smem:$0x3FBF] =	sst s2  }
0x8f: {  	_ = 	snop  }
0x90: {  	(tm) =	ssettm $0x1  }
0x91: {  	s17 =	sld [smem:$0x3FFB];
	_ =	sdelay $0x3  }
0x92: {  	_ =	strace s17  }
0x93: {  	s2 =	sld [smem:$0x3FFC];
	_ =	sdelay $0x3  }
0x94: {  	_ =	strace s2  }
0x95: {  	s2 =	sld [smem:$0x3FFD];
	_ =	sdelay $0x3  }
0x96: {  	_ =	strace s2  }
0x97: {  	_ =	strace $0x8FFFFFFF  }
0x98: {  	s18 =	sld [smem:$0x3FDB];
	_ =	sdelay $0x1  }
0x99: {  	s19 =	simm.s32 $_scs_section_size  }
0x9a: {  	s4 =	simm.s32 $_size__tile_overlayer_lowered;
	s5 =	simm.s32 $_tile_overlayer_lowered  }
0x9b: {  	s22 =	simm.s32 $0x1BFF;
	s21 =	sshll.u32 s5, $0x1;
	s2 =	sadd.s32 s19, s18  }
0x9c: {  	s6 =	simm.s32 $0x0;
	s20 =	sshll.u32 s4, $0x1;
	s4 =	sadd.s32 s21, s2  }
0x9d: {  	[timem:s6], [sflag:s22] =	dma.local [hbm:s4], s20  }
0x9e: {  	_ =	swait.ge [sflag:s22], s20  }
0x9f: {  	s3 =	ssub.s32 $0x0, s20;
	[sflag:s22] =	ssyncset.done $0x0  }
0xa0: {  	[sflag:s22] =	ssyncadd.s32 s3;
	_ =	sdelay $0x1  }
0xa1: {  	s23 =	simm.s32 $0x1B8B  }
0xa2: {  	_ =	swait.ge [sflag:s23], $0x1  }
0xa3: {  	[sflag:s23] =	ssyncset.done $0x0  }
0xa4: {  	s25 =	simm.s32 $0x1B8E;
	s24 =	sld [smem:$0x3FFE];
	[sflag:s23] =	ssyncadd.s32 $0xFFFFFFFF  }
0xa5: {  	s26 =	simm.s32 $execute0_lowered;
	[smem:$0x3FD2] =	sst s25  }
0xa6: {  	s4 =	sshll.u32 s26, $0x1;
	_ =	strace $0x80000049;
	[dreg:$0x1] =	wrdreg $0xFFFFFFFF  }
0xa7: {  	s28 =	simm.s32 $_size_execute0_lowered;
	s2 =	sadd.s32 s2, s4;
	[dreg:$0x0] =	wrdreg $0x0  }
0xa8: {  	s4 =	sshll.u32 s28, $0x1;
	[dreg:$0x2] =	wrdreg s2  }
0xa9: {  	[dreg:$0x3] =	wrdreg s4  }
0xaa: {  	[dreg:$0x4] =	wrdreg $0xC0  }
0xab: {  	_ =	task [dreg:s6], $0x5FFFF  }
0xac: {  	[dreg:$0x1] =	wrdreg $0xFFFFFFFF  }
0xad: {  	[dreg:$0x0] =	wrdreg $0x60  }
0xae: {  	[dreg:$0x2] =	wrdreg s24  }
0xaf: {  	[dreg:$0x3] =	wrdreg $0x36000  }
0xb0: {  	[dreg:$0x4] =	wrdreg $0x9  }
0xb1: {  	_ =	task.clear_ibuf [dreg:s6], $0x5FFFF;
	_ =	strace $0x90000049  }
0xb2: {  	s29 =	simm.s32 $0x9;
	_ =	strace $0x8000004B  }
0xb3: {  	_ =	swait.ge [sflag:s29], $0x1  }
0xb4: {  	[sflag:s29] =	ssyncadd.s32 $0xFFFFFFFF  }
0xb5: {  	_ =	strace $0x9000004B  }
0xb6: {  	_ =	sfence  }
0xb7: {  	s30 =	sld [smem:$0x0];
	_ =	sdelay $0x2  }
0xb8: {  	s31 =	sshll.u32 s1, $0xD;
	s1 =	sshrl.u32 s1, $0x2  }
0xb9: {  	s3 =	sand.u32 $0x4000, s31;
	s1 =	sadd.s32 s1, s30  }
0xba: {  	s0 =	sor.u32 s3, s0;
	s1 =	sshll.u32 s1, $0x11  }
0xbb: {  	s0 =	sor.u32 s1, s0  }
0xbc: {  	s0 =	sadd.s32 $0x8F2B, s0  }
0xbd: {  	[sflag:s0] =	ssyncadd.remote.s32 $0x1  }
0xbe: {  	_ =	sfence.sel $0xFFFF  }
0xbf: {  	[dreg:$0x0] =	wrdreg $0xFFFFFFFF;
	(pc) =	sbr.abs _section_cstart, $3  }
0xc0: {  	[dreg:$0x1] =	wrdreg $0xFFFFFFFF  }
0xc1: {  	_ =	task.clear_ibuf [dreg:s6], $0x2FFFF;
	_ =	strace $0x9FFFFFFF  }
0xc2: {  	(tm) =	ssettm $0x7FFFFFFF  }
0xc3: {  	_ =	shalt  }
tec
execute0_lowered:
.L_overlay_start_1:
0x0: {  	(tag) =	ssettag $0x1  }
0x1: {  	s0 =	rddreg [dreg:$0x0]  }
0x2: {  	s1 =	rddreg [dreg:$0x1];
	s2 =	simm.s32 $0x0  }
0x3: {  	s3 =	srdreg.scid;
	s8 =	stileid.u32;
	s28 =	simm.s32 $0x3  }
0x4: {  	s29 =	simm.s32 $0x2;
	s30 =	simm.s32 $0x4;
	s6 =	smul.u32 $0x62, s8  }
0x5: {  	s31 =	simm.s32 $0x0;
	[smem:$0x7FF] =	sst s2;
	s17 =	smul.u32 $0x1880, s8  }
0x6: {  	s3 =	sand.u32 $0x1, s3;
	s4 =	sadd.s32 $0x1EFE00, s0;
	s13 =	smul.u32 $0x31000, s8  }
0x7: {  	s16 =	sadd.s32 $0x1BEE00, s0;
	s18 =	sadd.s32 $0x1200, s0;
	s5 =	smul.u32 $0x620, s3  }
0x8: {  	_ =	strace $0x8000004A;
	s7 =	ssub.s32 $0x2, s3;
	s3 =	smul.u32 $0x18800, s3  }
0x9: {  	s0 =	sadd.s32 s17, s0;
	s19 =	sshrl.u32 s7, $0x1;
	s24 =	sshrl.u32 s13, $0x2  }
0xa: {  	s5 =	sadd.s32 s6, s5;
	s6 =	ssub.s32 s7, s19;
	s14 =	sadd.s32 $0x208600, s0  }
0xb: {  	s15 =	sadd.s32 s24, s1;
	s25 =	sadd.s32 s3, s16;
	s26 =	sadd.s32 s3, s18  }
0xc: {  	s0 =	sadd.s32 s3, s0;
	s19 =	simm.s32 $0x2800;
	s5 =	sshll.u32 s5, $0x6  }
0xd: {  	s24 =	simm.s32 $0x600;
	s6 =	smax.u32 s6, $0x1;
	s20 =	sadd.s32 s16, s5  }
0xe: {  	s21 =	sadd.s32 s18, s5;
	[dreg:$0x5] =	wrdreg s6;
	s22 =	sor.u32 $0x40, s5  }
0xf: {  	s11 =	sadd.s32 $0x80, s5;
	s5 =	sadd.s32 $0x1840, s5;
	[dreg:$0x3] =	wrdreg s20  }
0x10: {  	[dreg:$0x4] =	wrdreg s21;
	s23 =	sadd.s32 s16, s22;
	s6 =	sadd.s32 s18, s22  }
0x11: {  	s10 =	sadd.s32 s16, s11;
	s11 =	sadd.s32 s18, s11;
	s12 =	sadd.s32 s16, s5  }
0x12: {  	s13 =	sadd.s32 s18, s5;
	s16 =	sadd.s32 s17, s25;
	s17 =	sadd.s32 s17, s26  }
0x13: {  	s18 =	sadd.s32 $0x220E00, s0;
	s20 =	simm.s32 $0x5;
	s21 =	simm.s32 $0x200  }
0x14: {  	s22 =	simm.s32 $0x800;
	s25 =	simm.s32 $0x1;
	[dreg:$0x6] =	wrdreg s23  }
0x15: {  	s26 =	simm.s32 $0x1800;
	[dreg:$0x7] =	wrdreg s6;
	s23 =	simm.s32 $0x400  }
.LBB2_1:
0x16: {  	s0 =	sadd.s32 $0x0, s14  }
0x17: {  	[tilespmem:s19], [sflag:$0x5] =	stream.linear.gather [hbm4b:s0+s2], $0xE00, $0x38;
	[tilespmem:$0xFA00] =	vst v63  }
0x18: {  	_ =	swait.ge [sflag:s20], $0xE00  }
0x19: {  	[sflag:s20] =	ssyncset.done $0x0  }
0x1a: {  	[sflag:s20] =	ssyncadd.s32 $0xFFFFF200  }
0x1b: {  	[spmem:s15] =	stream.linear.scatter [tilespmem:s19], [sflag:$0x5], $0xE00, $0x38;
	[tilespmem:$0xFA00] =	vst v63  }
0x1c: {  	s3 =	simm.s32 $0x1C0;
	_ =	swait.ge [sflag:s20], $0xE00  }
0x1d: {  	s5 =	simm.s32 $0x380;
	s0 =	sadd.s32 $0xE00, s15;
	[sflag:s20] =	ssyncset.done $0x0  }
.LBB2_2:
0x1e: {  	s6 =	sadd.s32 s3, s14  }
0x1f: {  	[sflag:s20] =	ssyncadd.s32 $0xFFFFF200;
	s3 =	smov.u32 s5;
	s7 =	sadd.s32 $0x1C0, s5  }
0x20: {  	[tilespmem:s19], [sflag:$0x5] =	stream.linear.gather [hbm4b:s6+s2], $0xE00, $0x38;
	[tilespmem:$0xFA00] =	vst v63  }
0x21: {  	p0 =	sne.s32 s5, $0x16C0;
	_ =	swait.ge [sflag:s20], $0xE00  }
.Ltmp0:
0x22: {  	[sflag:s20] =	ssyncset.done $0x0;
	(pc) =	sbr.rel @p0 .LBB2_2-.Ltmp0, $4  }
0x23: {  	[sflag:s20] =	ssyncadd.s32 $0xFFFFF200  }
0x24: {  	[spmem:s0] =	stream.linear.scatter [tilespmem:s19], [sflag:$0x5], $0xE00, $0x38;
	[tilespmem:$0xFA00] =	vst v63  }
0x25: {  	_ =	swait.ge [sflag:s20], $0xE00  }
0x26: {  	s5 =	smov.u32 s7;
	s0 =	sadd.s32 $0xE00, s0;
	[sflag:s20] =	ssyncset.done $0x0  }
0x27: {  	s3 =	sadd.s32 s3, s14;
	[sflag:s20] =	ssyncadd.s32 $0xFFFFF200  }
0x28: {  	[tilespmem:s19], [sflag:$0x5] =	stream.linear.gather [hbm4b:s3+s2], $0xE00, $0x38;
	[tilespmem:$0xFA00] =	vst v63  }
0x29: {  	_ =	swait.ge [sflag:s20], $0xE00  }
0x2a: {  	[sflag:s20] =	ssyncset.done $0x0  }
0x2b: {  	[sflag:s20] =	ssyncadd.s32 $0xFFFFF200  }
0x2c: {  	[spmem:s0] =	stream.linear.scatter [tilespmem:s19], [sflag:$0x5], $0xE00, $0x38;
	[tilespmem:$0xFA00] =	vst v63  }
0x2d: {  	_ =	swait.ge [sflag:s20], $0xE00  }
0x2e: {  	[sflag:s20] =	ssyncset.done $0x0  }
0x2f: {  	[sflag:s20] =	ssyncadd.s32 $0xFFFFF200  }
0x30: {  	[bflag:$0x0] =	sbarrier.arrive $0xFFFF  }
0x31: {  	s6 =	simm.s32 $0x0;
	s7 =	rddreg [dreg:$0x3]  }
0x32: {  	[tilespmem:s6], [sflag:$0x5] =	stream.linear.gather [hbm4b:s7+s6], $0x200, $0x38;
	[tilespmem:$0xFA00] =	vst v63  }
0x33: {  	_ =	swait.ge [sflag:s20], $0x200  }
0x34: {  	[sflag:s20] =	ssyncset.done $0x0  }
0x35: {  	s8 =	rddreg [dreg:$0x4];
	[sflag:s20] =	ssyncadd.s32 $0xFFFFFE00  }
0x36: {  	[tilespmem:s21], [sflag:$0x5] =	stream.linear.gather [hbm4b:s8+s6], $0x200, $0x38;
	[tilespmem:$0xFA00] =	vst v63  }
0x37: {  	_ =	swait.ge [sflag:s20], $0x200  }
0x38: {  	[sflag:s20] =	ssyncset.done $0x0  }
0x39: {  	[sflag:s20] =	ssyncadd.s32 $0xFFFFFE00  }
0x3a: {  	[tilespmem:s22], [sflag:$0x1] =	stream.indirect.gather [hbm4b:s4+s21], $0x8, s6, s21, $0xb8;
	[tilespmem:$0xFA00] =	vst v63  }
0x3b: {  	s9 =	rddreg [dreg:$0x6]  }
0x3c: {  	[tilespmem:s23], [sflag:$0x5] =	stream.linear.gather [hbm4b:s9+s6], $0x200, $0x38;
	[tilespmem:$0xFA00] =	vst v63  }
0x3d: {  	_ =	swait.ge [sflag:s20], $0x200  }
0x3e: {  	[sflag:s20] =	ssyncset.done $0x0  }
0x3f: {  	s5 =	rddreg [dreg:$0x7];
	[sflag:s20] =	ssyncadd.s32 $0xFFFFFE00  }
0x40: {  	[tilespmem:s24], [sflag:$0x5] =	stream.linear.gather [hbm4b:s5+s6], $0x200, $0x38;
	[tilespmem:$0xFA00] =	vst v63  }
0x41: {  	_ =	swait.ge [sflag:s20], $0x200  }
0x42: {  	[sflag:s20] =	ssyncset.done $0x0  }
0x43: {  	[sflag:s20] =	ssyncadd.s32 $0xFFFFFE00  }
0x44: {  	_ =	swait.ge [sflag:s25], $0x1000  }
0x45: {  	[sflag:s25] =	ssyncset.done $0x0  }
0x46: {  	[sflag:s25] =	ssyncadd.s32 $0xFFFFF000  }
0x47: {  	[spmem:s1] =	stream.indirect.scatter.add.f32 [tilespmem:s22], [sflag:$0x3], $0x8, s21, s21, $0xb8;
	[tilespmem:$0xFA00] =	vst v63  }
0x48: {  	_ = 	snop  }
0x49: {  	[tilespmem:s26], [sflag:$0x2] =	stream.indirect.gather [hbm4b:s4+s21], $0x8, s23, s21, $0xb8;
	[tilespmem:$0xFA00] =	vst v63  }
0x4a: {  	_ =	swait.ge [sflag:s28], $0x1000  }
0x4b: {  	[sflag:s28] =	ssyncset.done $0x0  }
0x4c: {  	[sflag:s28] =	ssyncadd.s32 $0xFFFFF000  }
0x4d: {  	[tilespmem:s6], [sflag:$0x5] =	stream.linear.gather [hbm4b:s10+s6], $0x200, $0x38;
	[tilespmem:$0xFA00] =	vst v63  }
0x4e: {  	_ =	swait.ge [sflag:s20], $0x200  }
0x4f: {  	[sflag:s20] =	ssyncset.done $0x0  }
0x50: {  	[sflag:s20] =	ssyncadd.s32 $0xFFFFFE00  }
0x51: {  	[tilespmem:s21], [sflag:$0x5] =	stream.linear.gather [hbm4b:s11+s6], $0x200, $0x38;
	[tilespmem:$0xFA00] =	vst v63  }
0x52: {  	_ =	swait.ge [sflag:s20], $0x200  }
0x53: {  	[sflag:s20] =	ssyncset.done $0x0  }
0x54: {  	[sflag:s20] =	ssyncadd.s32 $0xFFFFFE00  }
0x55: {  	[tilespmem:s22], [sflag:$0x1] =	stream.indirect.gather [hbm4b:s4+s21], $0x8, s6, s21, $0xb8;
	[tilespmem:$0xFA00] =	vst v63  }
0x56: {  	_ =	swait.ge [sflag:s29], $0x1000  }
0x57: {  	[sflag:s29] =	ssyncset.done $0x0  }
0x58: {  	s6 =	sadd.s32 $0x0, s16;
	[sflag:s29] =	ssyncadd.s32 $0xFFFFF000  }
0x59: {  	[spmem:s1] =	stream.indirect.scatter.add.f32 [tilespmem:s26], [sflag:$0x4], $0x8, s24, s21, $0xb8;
	[tilespmem:$0xFA00] =	vst v63  }
0x5a: {  	s7 =	sadd.s32 $0xC0, s6  }
0x5b: {  	[tilespmem:s23], [sflag:$0x5] =	stream.linear.gather [hbm4b:s7+s2], $0x200, $0x38;
	[tilespmem:$0xFA00] =	vst v63  }
0x5c: {  	_ =	swait.ge [sflag:s20], $0x200  }
0x5d: {  	s8 =	sadd.s32 $0x0, s17;
	[sflag:s20] =	ssyncset.done $0x0  }
0x5e: {  	s5 =	sadd.s32 $0xC0, s8;
	[sflag:s20] =	ssyncadd.s32 $0xFFFFFE00  }
0x5f: {  	[tilespmem:s24], [sflag:$0x5] =	stream.linear.gather [hbm4b:s5+s2], $0x200, $0x38;
	[tilespmem:$0xFA00] =	vst v63  }
0x60: {  	_ =	swait.ge [sflag:s20], $0x200  }
0x61: {  	[sflag:s20] =	ssyncset.done $0x0  }
0x62: {  	[sflag:s20] =	ssyncadd.s32 $0xFFFFFE00  }
0x63: {  	_ =	swait.ge [sflag:s30], $0x1000  }
0x64: {  	[sflag:s30] =	ssyncset.done $0x0  }
0x65: {  	[sflag:s30] =	ssyncadd.s32 $0xFFFFF000  }
0x66: {  	_ =	swait.ge [sflag:s25], $0x1000  }
0x67: {  	[sflag:s25] =	ssyncset.done $0x0  }
0x68: {  	[sflag:s25] =	ssyncadd.s32 $0xFFFFF000  }
0x69: {  	[spmem:s1] =	stream.indirect.scatter.add.f32 [tilespmem:s22], [sflag:$0x3], $0x8, s21, s21, $0xb8;
	[tilespmem:$0xFA00] =	vst v63  }
0x6a: {  	_ = 	snop  }
0x6b: {  	[tilespmem:s26], [sflag:$0x2] =	stream.indirect.gather [hbm4b:s4+s21], $0x8, s23, s21, $0xb8;
	[tilespmem:$0xFA00] =	vst v63  }
0x6c: {  	_ =	swait.ge [sflag:s28], $0x1000  }
0x6d: {  	[sflag:s28] =	ssyncset.done $0x0  }
0x6e: {  	s0 =	sadd.s32 $0x100, s6;
	[sflag:s28] =	ssyncadd.s32 $0xFFFFF000  }
0x6f: {  	[tilespmem:s2], [sflag:$0x5] =	stream.linear.gather [hbm4b:s0+s2], $0x200, $0x38;
	[tilespmem:$0xFA00] =	vst v63  }
0x70: {  	_ =	swait.ge [sflag:s20], $0x200  }
0x71: {  	[sflag:s20] =	ssyncset.done $0x0  }
0x72: {  	s9 =	sadd.s32 $0x100, s8;
	[sflag:s20] =	ssyncadd.s32 $0xFFFFFE00  }
0x73: {  	[tilespmem:s21], [sflag:$0x5] =	stream.linear.gather [hbm4b:s9+s2], $0x200, $0x38;
	[tilespmem:$0xFA00] =	vst v63  }
0x74: {  	_ =	swait.ge [sflag:s20], $0x200  }
0x75: {  	[sflag:s20] =	ssyncset.done $0x0  }
0x76: {  	[sflag:s20] =	ssyncadd.s32 $0xFFFFFE00  }
0x77: {  	[tilespmem:s22], [sflag:$0x1] =	stream.indirect.gather [hbm4b:s4+s21], $0x8, s2, s21, $0xb8;
	[tilespmem:$0xFA00] =	vst v63  }
0x78: {  	_ =	swait.ge [sflag:s29], $0x1000  }
0x79: {  	s3 =	simm.s32 $0x80;
	[sflag:s29] =	ssyncset.done $0x0  }
0x7a: {  	s5 =	simm.s32 $0x100;
	s0 =	sadd.s32 $0x80, s16;
	[sflag:s29] =	ssyncadd.s32 $0xFFFFF000  }
.LBB2_4:
0x7b: {  	[spmem:s1] =	stream.indirect.scatter.add.f32 [tilespmem:s26], [sflag:$0x4], $0x8, s24, s21, $0xb8;
	[tilespmem:$0xFA00] =	vst v63  }
0x7c: {  	s7 =	smov.u32 s5  }
0x7d: {  	s6 =	sadd.s32 $0x80, s5;
	s9 =	sadd.s32 $0xC0, s0;
	s8 =	sadd.s32 s7, s16  }
0x7e: {  	[tilespmem:s23], [sflag:$0x5] =	stream.linear.gather [hbm4b:s9+s2], $0x200, $0x38;
	[tilespmem:$0xFA00] =	vst v63  }
0x7f: {  	p0 =	sne.s32 s5, $0x1700;
	_ =	swait.ge [sflag:s20], $0x200  }
0x80: {  	s5 =	sadd.s32 s3, s17;
	s3 =	smov.u32 s7;
	[sflag:s20] =	ssyncset.done $0x0  }
0x81: {  	s7 =	sadd.s32 $0xC0, s5;
	[sflag:s20] =	ssyncadd.s32 $0xFFFFFE00  }
0x82: {  	[tilespmem:s24], [sflag:$0x5] =	stream.linear.gather [hbm4b:s7+s2], $0x200, $0x38;
	[tilespmem:$0xFA00] =	vst v63  }
0x83: {  	_ =	swait.ge [sflag:s20], $0x200  }
0x84: {  	[sflag:s20] =	ssyncset.done $0x0  }
0x85: {  	[sflag:s20] =	ssyncadd.s32 $0xFFFFFE00  }
0x86: {  	_ =	swait.ge [sflag:s30], $0x1000  }
0x87: {  	[sflag:s30] =	ssyncset.done $0x0  }
0x88: {  	[sflag:s30] =	ssyncadd.s32 $0xFFFFF000  }
0x89: {  	_ =	swait.ge [sflag:s25], $0x1000  }
0x8a: {  	[sflag:s25] =	ssyncset.done $0x0  }
0x8b: {  	[sflag:s25] =	ssyncadd.s32 $0xFFFFF000  }
0x8c: {  	[spmem:s1] =	stream.indirect.scatter.add.f32 [tilespmem:s22], [sflag:$0x3], $0x8, s21, s21, $0xb8;
	[tilespmem:$0xFA00] =	vst v63  }
0x8d: {  	_ = 	snop  }
0x8e: {  	[tilespmem:s26], [sflag:$0x2] =	stream.indirect.gather [hbm4b:s4+s21], $0x8, s23, s21, $0xb8;
	[tilespmem:$0xFA00] =	vst v63  }
0x8f: {  	_ =	swait.ge [sflag:s28], $0x1000  }
0x90: {  	[sflag:s28] =	ssyncset.done $0x0  }
0x91: {  	s7 =	sadd.s32 $0x100, s0;
	s0 =	smov.u32 s8;
	[sflag:s28] =	ssyncadd.s32 $0xFFFFF000  }
0x92: {  	[tilespmem:s2], [sflag:$0x5] =	stream.linear.gather [hbm4b:s7+s2], $0x200, $0x38;
	[tilespmem:$0xFA00] =	vst v63  }
0x93: {  	_ =	swait.ge [sflag:s20], $0x200  }
0x94: {  	[sflag:s20] =	ssyncset.done $0x0  }
0x95: {  	s5 =	sadd.s32 $0x100, s5;
	[sflag:s20] =	ssyncadd.s32 $0xFFFFFE00  }
0x96: {  	[tilespmem:s21], [sflag:$0x5] =	stream.linear.gather [hbm4b:s5+s2], $0x200, $0x38;
	[tilespmem:$0xFA00] =	vst v63  }
0x97: {  	_ =	swait.ge [sflag:s20], $0x200  }
0x98: {  	[sflag:s20] =	ssyncset.done $0x0  }
.Ltmp1:
0x99: {  	[sflag:s20] =	ssyncadd.s32 $0xFFFFFE00;
	(pc) =	sbr.rel @p0 .LBB2_4-.Ltmp1, $4  }
0x9a: {  	[tilespmem:s22], [sflag:$0x1] =	stream.indirect.gather [hbm4b:s4+s21], $0x8, s2, s21, $0xb8;
	[tilespmem:$0xFA00] =	vst v63  }
0x9b: {  	_ =	swait.ge [sflag:s29], $0x1000  }
0x9c: {  	[sflag:s29] =	ssyncset.done $0x0  }
0x9d: {  	s5 =	smov.u32 s6;
	[sflag:s29] =	ssyncadd.s32 $0xFFFFF000  }
0x9e: {  	[spmem:s1] =	stream.indirect.scatter.add.f32 [tilespmem:s26], [sflag:$0x4], $0x8, s24, s21, $0xb8;
	[tilespmem:$0xFA00] =	vst v63  }
0x9f: {  	s5 =	sadd.s32 $0xC0, s0  }
0xa0: {  	[tilespmem:s23], [sflag:$0x5] =	stream.linear.gather [hbm4b:s5+s2], $0x200, $0x38;
	[tilespmem:$0xFA00] =	vst v63  }
0xa1: {  	_ =	swait.ge [sflag:s20], $0x200  }
0xa2: {  	s3 =	sadd.s32 s3, s17;
	[sflag:s20] =	ssyncset.done $0x0  }
0xa3: {  	s9 =	sadd.s32 $0xC0, s3;
	[sflag:s20] =	ssyncadd.s32 $0xFFFFFE00  }
0xa4: {  	[tilespmem:s24], [sflag:$0x5] =	stream.linear.gather [hbm4b:s9+s2], $0x200, $0x38;
	[tilespmem:$0xFA00] =	vst v63  }
0xa5: {  	_ =	swait.ge [sflag:s20], $0x200  }
0xa6: {  	[sflag:s20] =	ssyncset.done $0x0  }
0xa7: {  	[sflag:s20] =	ssyncadd.s32 $0xFFFFFE00  }
0xa8: {  	_ =	swait.ge [sflag:s30], $0x1000  }
0xa9: {  	[sflag:s30] =	ssyncset.done $0x0  }
0xaa: {  	[sflag:s30] =	ssyncadd.s32 $0xFFFFF000  }
0xab: {  	_ =	swait.ge [sflag:s25], $0x1000  }
0xac: {  	[sflag:s25] =	ssyncset.done $0x0  }
0xad: {  	[sflag:s25] =	ssyncadd.s32 $0xFFFFF000  }
0xae: {  	[spmem:s1] =	stream.indirect.scatter.add.f32 [tilespmem:s22], [sflag:$0x3], $0x8, s21, s21, $0xb8;
	[tilespmem:$0xFA00] =	vst v63  }
0xaf: {  	_ = 	snop  }
0xb0: {  	[tilespmem:s26], [sflag:$0x2] =	stream.indirect.gather [hbm4b:s4+s21], $0x8, s23, s21, $0xb8;
	[tilespmem:$0xFA00] =	vst v63  }
0xb1: {  	_ =	swait.ge [sflag:s28], $0x1000  }
0xb2: {  	[sflag:s28] =	ssyncset.done $0x0  }
0xb3: {  	s6 =	sadd.s32 $0x100, s0;
	[sflag:s28] =	ssyncadd.s32 $0xFFFFF000  }
0xb4: {  	[tilespmem:s2], [sflag:$0x5] =	stream.linear.gather [hbm4b:s6+s2], $0x200, $0x38;
	[tilespmem:$0xFA00] =	vst v63  }
0xb5: {  	_ =	swait.ge [sflag:s20], $0x200  }
0xb6: {  	[sflag:s20] =	ssyncset.done $0x0  }
0xb7: {  	s7 =	sadd.s32 $0x100, s3;
	[sflag:s20] =	ssyncadd.s32 $0xFFFFFE00  }
0xb8: {  	[tilespmem:s21], [sflag:$0x5] =	stream.linear.gather [hbm4b:s7+s2], $0x200, $0x38;
	[tilespmem:$0xFA00] =	vst v63  }
0xb9: {  	_ =	swait.ge [sflag:s20], $0x200  }
0xba: {  	[sflag:s20] =	ssyncset.done $0x0  }
0xbb: {  	[sflag:s20] =	ssyncadd.s32 $0xFFFFFE00  }
0xbc: {  	[tilespmem:s22], [sflag:$0x1] =	stream.indirect.gather [hbm4b:s4+s21], $0x8, s2, s21, $0xb8;
	[tilespmem:$0xFA00] =	vst v63  }
0xbd: {  	_ =	swait.ge [sflag:s29], $0x1000  }
0xbe: {  	[sflag:s29] =	ssyncset.done $0x0  }
0xbf: {  	[sflag:s29] =	ssyncadd.s32 $0xFFFFF000  }
0xc0: {  	[spmem:s1] =	stream.indirect.scatter.add.f32 [tilespmem:s26], [sflag:$0x4], $0x8, s24, s21, $0xb8;
	[tilespmem:$0xFA00] =	vst v63  }
0xc1: {  	s8 =	simm.s32 $0x0  }
0xc2: {  	[tilespmem:s23], [sflag:$0x5] =	stream.linear.gather [hbm4b:s12+s8], $0x200, $0x38;
	[tilespmem:$0xFA00] =	vst v63  }
0xc3: {  	_ =	swait.ge [sflag:s20], $0x200  }
0xc4: {  	[sflag:s20] =	ssyncset.done $0x0  }
0xc5: {  	[sflag:s20] =	ssyncadd.s32 $0xFFFFFE00  }
0xc6: {  	[tilespmem:s24], [sflag:$0x5] =	stream.linear.gather [hbm4b:s13+s8], $0x200, $0x38;
	[tilespmem:$0xFA00] =	vst v63  }
0xc7: {  	_ =	swait.ge [sflag:s20], $0x200  }
0xc8: {  	[sflag:s20] =	ssyncset.done $0x0  }
0xc9: {  	[sflag:s20] =	ssyncadd.s32 $0xFFFFFE00  }
0xca: {  	_ =	swait.ge [sflag:s30], $0x1000  }
0xcb: {  	[sflag:s30] =	ssyncset.done $0x0  }
0xcc: {  	[sflag:s30] =	ssyncadd.s32 $0xFFFFF000  }
0xcd: {  	_ =	swait.ge [sflag:s25], $0x1000  }
0xce: {  	[sflag:s25] =	ssyncset.done $0x0  }
0xcf: {  	[sflag:s25] =	ssyncadd.s32 $0xFFFFF000  }
0xd0: {  	[spmem:s1] =	stream.indirect.scatter.add.f32 [tilespmem:s22], [sflag:$0x3], $0x8, s21, s21, $0xb8;
	[tilespmem:$0xFA00] =	vst v63  }
0xd1: {  	_ = 	snop  }
0xd2: {  	[tilespmem:s26], [sflag:$0x2] =	stream.indirect.gather [hbm4b:s4+s21], $0x8, s23, s21, $0xb8;
	[tilespmem:$0xFA00] =	vst v63  }
0xd3: {  	_ =	swait.ge [sflag:s28], $0x1000  }
0xd4: {  	[sflag:s28] =	ssyncset.done $0x0  }
0xd5: {  	[sflag:s28] =	ssyncadd.s32 $0xFFFFF000  }
0xd6: {  	_ =	swait.ge [sflag:s29], $0x1000  }
0xd7: {  	[sflag:s29] =	ssyncset.done $0x0  }
0xd8: {  	[sflag:s29] =	ssyncadd.s32 $0xFFFFF000  }
0xd9: {  	[spmem:s1] =	stream.indirect.scatter.add.f32 [tilespmem:s26], [sflag:$0x4], $0x8, s24, s21, $0xb8;
	[tilespmem:$0xFA00] =	vst v63  }
0xda: {  	_ =	swait.ge [sflag:s30], $0x1000  }
0xdb: {  	[sflag:s30] =	ssyncset.done $0x0  }
0xdc: {  	[sflag:s30] =	ssyncadd.s32 $0xFFFFF000  }
0xdd: {  	[bflag:$0x0] =	sbarrier.arrive $0xFFFF  }
0xde: {  	[tilespmem:s19], [sflag:$0x5] =	stream.linear.gather [spmem:s15], $0xE00, $0x38;
	[tilespmem:$0xFA00] =	vst v63  }
0xdf: {  	_ =	swait.ge [sflag:s20], $0xE00  }
0xe0: {  	[sflag:s20] =	ssyncset.done $0x0  }
0xe1: {  	s9 =	sadd.s32 $0x0, s18;
	[sflag:s20] =	ssyncadd.s32 $0xFFFFF200  }
0xe2: {  	[hbm4b:s9+s2] =	stream.linear.scatter [tilespmem:s19], [sflag:$0x5], $0xE00, $0x38;
	[tilespmem:$0xFA00] =	vst v63  }
0xe3: {  	_ =	swait.ge [sflag:s20], $0xE00  }
0xe4: {  	s0 =	simm.s32 $0x1C0;
	s3 =	smov.u32 s15;
	[sflag:s20] =	ssyncset.done $0x0  }
.LBB2_6:
0xe5: {  	p0 =	sne.s32 s0, $0x16C0;
	[sflag:s20] =	ssyncadd.s32 $0xFFFFF200;
	s3 =	sadd.s32 $0xE00, s3  }
0xe6: {  	[tilespmem:s19], [sflag:$0x5] =	stream.linear.gather [spmem:s3], $0xE00, $0x38;
	[tilespmem:$0xFA00] =	vst v63  }
0xe7: {  	s5 =	smov.u32 s0;
	s0 =	sadd.s32 $0x1C0, s0;
	_ =	swait.ge [sflag:s20], $0xE00  }
.Ltmp2:
0xe8: {  	[sflag:s20] =	ssyncset.done $0x0;
	(pc) =	sbr.rel @p0 .LBB2_6-.Ltmp2, $4  }
0xe9: {  	s5 =	sadd.s32 s5, s18;
	[sflag:s20] =	ssyncadd.s32 $0xFFFFF200  }
0xea: {  	[hbm4b:s5+s2] =	stream.linear.scatter [tilespmem:s19], [sflag:$0x5], $0xE00, $0x38;
	[tilespmem:$0xFA00] =	vst v63  }
0xeb: {  	_ =	swait.ge [sflag:s20], $0xE00  }
0xec: {  	[sflag:s20] =	ssyncset.done $0x0  }
0xed: {  	s31 =	sadd.s32 $0x1, s31;
	s0 =	rddreg [dreg:$0x5]  }
0xee: {  	p0 =	sne.s32 s31, s0  }
.Ltmp3:
0xef: {  	_ = 	snop;
	(pc) =	sbr.rel @p0 .LBB2_1-.Ltmp3, $2  }
0xf0: {  	_ =	sdelay $0x2  }
0xf1: {  	[sflag:s20] =	ssyncadd.s32 $0xFFFFF200  }
0xf2: {  	_ =	sfence.sel $0x180000  }
0xf3: {  	[bflag:$0x0] =	sbarrier.arrive $0xFFFF  }
0xf4: {  	_ =	strace $0x9000004A  }
0xf5: {  	s0 =	stileid.u32;
	[bflag:$0x2] =	sbarrier.arrive $0xFFFF  }
0xf6: {  	p0 =	sne.s32 s0, $0x0;
	s0 =	rddreg [dreg:$0x2]  }
0xf7: {  	s0 =	sadd.s32 @!p0 $0x100000, s0  }
0xf8: {  	[sflag:s0] =	ssyncadd.tile.s32 @!p0 $0x1;
	_ =	shalt  }
.Lfunc_end2:
_tile_overlayer_lowered:
.L_overlay_start_2:
0xf9: {  	(tag) =	ssettag $0x2  }
0xfa: {  	s0 =	rddreg [dreg:$0x0];
	s2 =	stileid.u32  }
0xfb: {  	s1 =	rddreg [dreg:$0x1];
	p0 =	sne.s32 s2, $0x0  }
0xfc: {  	s3 =	rddreg [dreg:$0x2];
	[bflag:$0x3] =	sbarrier.arrive $0xFFFF;
	s2 =	simm.s32 @!p0 $0x1C05  }
0xfd: {  	[timem:s3], [sflag:s2] =	dma.local @!p0 [hbm:s0], s1  }
0xfe: {  	s0 =	simm.s32 @!p0 $0x5  }
0xff: {  	_ =	swait.ge @!p0 [sflag:s0], s1  }
0x100: {  	s1 =	ssub.s32 @!p0 $0x0, s1;
	[sflag:s0] =	ssyncset.done @!p0 $0x0  }
0x101: {  	[sflag:s0] =	ssyncadd.s32 @!p0 s1  }
0x102: {  	[bflag:$0x3] =	sbarrier.arrive $0xFFFF  }
0x103: {  	_ =	shalt  }

// kernel: kernel.17.cloned.1.call-start
scs
__scs_entry_jumppad:
0x0: {  	(pc) =	sbr.rel $0x88, $3  }
0x1: {  	(tag) =	ssettag $0x0;
	lr =	simm.s32 $0x1  }
0x2: {  	[smem:$0x3F98] =	sst lr;
	_ =	strace $0xD0000000  }
0x3: {  	_ = 	snop  }
0x4: {  	_ = 	snop  }
0x5: {  	_ = 	snop  }
0x6: {  	_ = 	snop  }
0x7: {  	_ = 	snop  }
__scs_overlays_trampoline_lowered:
0x8: {  	[smem:$0x3FA7] =	sst s0  }
0x9: {  	[smem:$0x3FA8] =	sst s1  }
0xa: {  	[smem:$0x3FA9] =	sst s2  }
0xb: {  	[smem:$0x3FAA] =	sst s3  }
0xc: {  	[smem:$0x3FAB] =	sst s4  }
0xd: {  	[smem:$0x3FAC] =	sst s5  }
0xe: {  	[smem:$0x3FAD] =	sst s6  }
0xf: {  	[smem:$0x3FAE] =	sst s7  }
0x10: {  	[smem:$0x3FAF] =	sst s8  }
0x11: {  	[smem:$0x3FB0] =	sst s9;
	s0 =	simm.s32 @!p0 $0x0  }
0x12: {  	s1 =	sld [smem:$0x3F96];
	s0 =	simm.s32 @p0 $0x1  }
0x13: {  	[smem:$0x3FB1] =	sst s0;
	s0 =	simm.s32 @!p1 $0x0  }
0x14: {  	s2 =	sld [smem:$0x3F95];
	s0 =	simm.s32 @p1 $0x1  }
0x15: {  	[smem:$0x3FB2] =	sst s0;
	s0 =	simm.s32 @!p2 $0x0  }
0x16: {  	s3 =	sld [smem:$0x3FDB];
	s0 =	simm.s32 @p2 $0x1  }
0x17: {  	s4 =	simm.s32 $0x1BF5;
	[smem:$0x3FB4] =	sst s0  }
0x18: {  	s0 =	sld [smem:$0x3F97];
	_ =	swait.ge [sflag:s4], $0x0  }
0x19: {  	s7 =	sld [smem:$0x3F98]  }
0x1a: {  	s8 =	sadd.s32 $0xFFFFE003, lr  }
0x1b: {  	s9 =	sadd.s32 $0xFFFFFEF7, lr;
	s5 =	simm.s32 $0xFFFFFFFF;
	p2 =	slt.u32 s8, $0xFFFFF086  }
0x1c: {  	p1 =	slt.u32 s9, $0xF7A;
	s5 =	simm.s32 @!p2 $0x0  }
0x1d: {  	s5 =	simm.s32 @p1 $0x1;
	p0 =	seq.s32 s7, s2  }
0x1e: {  	s7 =	smul.u32 @!p0 $0xF7A, s2;
	p2 =	seq.s32 @!p0 s5, $0x0  }
0x1f: {  	s9 =	smul.u32 $0xF7A, s1;
	s8 =	simm.s32 @!p0 $0x1BF5;
	p2 =	por !p2, p0  }
0x20: {  	[sflag:s8] =	ssyncset.s32 @!p0 $0xFFFFF086;
	s6 =	sadd.s32 @!p0 s3, s7;
	s7 =	simm.s32 @!p0 $0x108  }
0x21: {  	s3 =	sadd.s32 s3, s9;
	s6 =	sadd.s32 @!p0 $0x88, s6;
	s7 =	simm.s32 @p2 $0x1082  }
0x22: {  	[simem:s7], [sflag:s8] =	dma.local @!p0 [hbm:s6], $0xF7A  }
0x23: {  	s9 =	sor.u32 $0xD0000000, s2;
	s6 =	simm.s32 $0x108;
	_ =	swait.ge @!p0 [sflag:s8], $0x0  }
0x24: {  	s3 =	sadd.s32 $0x88, s3;
	s6 =	simm.s32 @!p1 $0x1082;
	[sflag:s4] =	ssyncset.s32 $0xFFFFF086  }
0x25: {  	[simem:s6], [sflag:s4] =	dma.local [hbm:s3], $0xF7A  }
0x26: {  	[smem:$0x3F98] =	sst s1;
	(tag) =	ssettag s2;
	_ =	strace s9  }
0x27: {  	s1 =	sld [smem:$0x3FA8]  }
0x28: {  	s2 =	sld [smem:$0x3FA9]  }
0x29: {  	s4 =	sld [smem:$0x3FAB]  }
0x2a: {  	p0 =	seq.s32 s5, $0x0;
	s5 =	sld [smem:$0x3FAC]  }
0x2b: {  	s6 =	sld [smem:$0x3FAD]  }
0x2c: {  	s7 =	sld [smem:$0x3FAE]  }
0x2d: {  	s3 =	simm.s32 $0x108;
	s8 =	sld [smem:$0x3FAF]  }
0x2e: {  	s3 =	simm.s32 @!p0 $0x1082;
	s9 =	sld [smem:$0x3FB0]  }
0x2f: {  	lr =	sadd.s32 s0, s3;
	s0 =	sld [smem:$0x3FA7]  }
0x30: {  	s3 =	sld [smem:$0x3FAA]  }
0x31: {  	[smem:$0x3FB3] =	sst s10  }
0x32: {  	s10 =	sld [smem:$0x3FB1];
	_ =	sdelay $0x3  }
0x33: {  	p0 =	seq.s32 s10, $0x1;
	s10 =	sld [smem:$0x3FB3];
	_ =	sdelay $0x3  }
0x34: {  	[smem:$0x3FB3] =	sst s10  }
0x35: {  	s10 =	sld [smem:$0x3FB2];
	_ =	sdelay $0x3  }
0x36: {  	p1 =	seq.s32 s10, $0x1;
	s10 =	sld [smem:$0x3FB3];
	_ =	sdelay $0x3  }
0x37: {  	[smem:$0x3FB3] =	sst s10  }
0x38: {  	s10 =	sld [smem:$0x3FB4]  }
0x39: {  	_ = 	snop;
	(pc) =	sbr.ind lr, $3  }
0x3a: {  	_ = 	snop  }
0x3b: {  	_ = 	snop  }
0x3c: {  	p2 =	seq.s32 s10, $0x1;
	s10 =	sld [smem:$0x3FB3]  }
0x3d: {  	_ =	shalt  }
0x3e: {  	_ =	shalt  }
0x3f: {  	_ =	shalt  }
0x40: {  	_ =	shalt  }
0x41: {  	_ =	shalt  }
0x42: {  	_ =	shalt  }
0x43: {  	_ =	shalt  }
0x44: {  	_ =	shalt  }
0x45: {  	_ =	shalt  }
0x46: {  	_ =	shalt  }
0x47: {  	_ =	shalt  }
0x48: {  	_ =	shalt  }
0x49: {  	_ =	shalt  }
0x4a: {  	_ =	shalt  }
0x4b: {  	_ =	shalt  }
0x4c: {  	_ =	shalt  }
0x4d: {  	_ =	shalt  }
0x4e: {  	_ =	shalt  }
0x4f: {  	_ =	shalt  }
0x50: {  	_ =	shalt  }
0x51: {  	_ =	shalt  }
0x52: {  	_ =	shalt  }
0x53: {  	_ =	shalt  }
0x54: {  	_ =	shalt  }
0x55: {  	_ =	shalt  }
0x56: {  	_ =	shalt  }
0x57: {  	_ =	shalt  }
0x58: {  	_ =	shalt  }
0x59: {  	_ =	shalt  }
0x5a: {  	_ =	shalt  }
0x5b: {  	_ =	shalt  }
0x5c: {  	_ =	shalt  }
0x5d: {  	_ =	shalt  }
0x5e: {  	_ =	shalt  }
0x5f: {  	_ =	shalt  }
0x60: {  	_ =	shalt  }
0x61: {  	_ =	shalt  }
0x62: {  	_ =	shalt  }
0x63: {  	_ =	shalt  }
0x64: {  	_ =	shalt  }
0x65: {  	_ =	shalt  }
0x66: {  	_ =	shalt  }
0x67: {  	_ =	shalt  }
0x68: {  	_ =	shalt  }
0x69: {  	_ =	shalt  }
0x6a: {  	_ =	shalt  }
0x6b: {  	_ =	shalt  }
0x6c: {  	_ =	shalt  }
0x6d: {  	_ =	shalt  }
0x6e: {  	_ =	shalt  }
0x6f: {  	_ =	shalt  }
0x70: {  	_ =	shalt  }
0x71: {  	_ =	shalt  }
0x72: {  	_ =	shalt  }
0x73: {  	_ =	shalt  }
0x74: {  	_ =	shalt  }
0x75: {  	_ =	shalt  }
0x76: {  	_ =	shalt  }
0x77: {  	_ =	shalt  }
0x78: {  	_ =	shalt  }
0x79: {  	_ =	shalt  }
0x7a: {  	_ =	shalt  }
0x7b: {  	_ =	shalt  }
0x7c: {  	_ =	shalt  }
0x7d: {  	_ =	shalt  }
0x7e: {  	_ =	shalt  }
0x7f: {  	_ =	shalt  }
0x80: {  	_ =	shalt  }
0x81: {  	_ =	shalt  }
0x82: {  	_ =	shalt  }
0x83: {  	_ =	shalt  }
0x84: {  	_ =	shalt  }
0x85: {  	_ =	shalt  }
0x86: {  	_ =	shalt  }
0x87: {  	_ =	shalt  }
.Lfunc_end0:
.L_simem_size_0:
called_computation.2_lowered:
.L_overlay_start_0:
0x88: {  	s2 =	sld [smem:$0x3FD9]  }
0x89: {  	s3 =	sld [smem:$0x3FFE];
	_ =	sdelay $0x1  }
0x8a: {  	s1 =	srdreg.scid  }
0x8b: {  	s0 =	sand.u32 $0x1, s1  }
0x8c: {  	s16 =	sshll.u32 s0, $0xA;
	s2 =	sadd.s32 s3, s2  }
0x8d: {  	s2 =	sadd.s32 s2, s16  }
0x8e: {  	[smem:$0x3FBF] =	sst s2  }
0x8f: {  	_ = 	snop  }
0x90: {  	(tm) =	ssettm $0x1  }
0x91: {  	s17 =	sld [smem:$0x3FFB];
	_ =	sdelay $0x3  }
0x92: {  	_ =	strace s17  }
0x93: {  	s2 =	sld [smem:$0x3FFC];
	_ =	sdelay $0x3  }
0x94: {  	_ =	strace s2  }
0x95: {  	s2 =	sld [smem:$0x3FFD];
	_ =	sdelay $0x3  }
0x96: {  	_ =	strace s2  }
0x97: {  	_ =	strace $0x8FFFFFFF  }
0x98: {  	s18 =	sld [smem:$0x3FDB];
	_ =	sdelay $0x1  }
0x99: {  	s19 =	simm.s32 $_scs_section_size  }
0x9a: {  	s4 =	simm.s32 $_size__tile_overlayer_lowered;
	s5 =	simm.s32 $_tile_overlayer_lowered  }
0x9b: {  	s22 =	simm.s32 $0x1BFF;
	s21 =	sshll.u32 s5, $0x1;
	s2 =	sadd.s32 s19, s18  }
0x9c: {  	s6 =	simm.s32 $0x0;
	s20 =	sshll.u32 s4, $0x1;
	s4 =	sadd.s32 s21, s2  }
0x9d: {  	[timem:s6], [sflag:s22] =	dma.local [hbm:s4], s20  }
0x9e: {  	_ =	swait.ge [sflag:s22], s20  }
0x9f: {  	s3 =	ssub.s32 $0x0, s20;
	[sflag:s22] =	ssyncset.done $0x0  }
0xa0: {  	[sflag:s22] =	ssyncadd.s32 s3;
	_ =	sdelay $0x1  }
0xa1: {  	s23 =	simm.s32 $0x1B8B  }
0xa2: {  	_ =	swait.ge [sflag:s23], $0x1  }
0xa3: {  	[sflag:s23] =	ssyncset.done $0x0  }
0xa4: {  	s25 =	simm.s32 $0x1B8E;
	s24 =	sld [smem:$0x3FFE];
	[sflag:s23] =	ssyncadd.s32 $0xFFFFFFFF  }
0xa5: {  	s26 =	simm.s32 $execute0_lowered;
	[smem:$0x3FD2] =	sst s25  }
0xa6: {  	s4 =	sshll.u32 s26, $0x1;
	_ =	strace $0x8000004C;
	[dreg:$0x1] =	wrdreg $0xFFFFFFFF  }
0xa7: {  	s28 =	simm.s32 $_size_execute0_lowered;
	s2 =	sadd.s32 s2, s4;
	[dreg:$0x0] =	wrdreg $0x0  }
0xa8: {  	s4 =	sshll.u32 s28, $0x1;
	[dreg:$0x2] =	wrdreg s2  }
0xa9: {  	[dreg:$0x3] =	wrdreg s4  }
0xaa: {  	[dreg:$0x4] =	wrdreg $0xC0  }
0xab: {  	_ =	task [dreg:s6], $0x5FFFF  }
0xac: {  	[dreg:$0x1] =	wrdreg $0xFFFFFFFF  }
0xad: {  	[dreg:$0x0] =	wrdreg $0x60  }
0xae: {  	[dreg:$0x2] =	wrdreg s24  }
0xaf: {  	[dreg:$0x3] =	wrdreg $0x64000  }
0xb0: {  	[dreg:$0x4] =	wrdreg $0x9  }
0xb1: {  	_ =	task.clear_ibuf [dreg:s6], $0x5FFFF;
	_ =	strace $0x9000004C  }
0xb2: {  	s29 =	simm.s32 $0x9;
	_ =	strace $0x8000004E  }
0xb3: {  	_ =	swait.ge [sflag:s29], $0x1  }
0xb4: {  	[sflag:s29] =	ssyncadd.s32 $0xFFFFFFFF  }
0xb5: {  	_ =	strace $0x9000004E  }
0xb6: {  	_ =	sfence  }
0xb7: {  	s30 =	sld [smem:$0x0];
	_ =	sdelay $0x2  }
0xb8: {  	s31 =	sshll.u32 s1, $0xD;
	s1 =	sshrl.u32 s1, $0x2  }
0xb9: {  	s3 =	sand.u32 $0x4000, s31;
	s1 =	sadd.s32 s1, s30  }
0xba: {  	s0 =	sor.u32 s3, s0;
	s1 =	sshll.u32 s1, $0x11  }
0xbb: {  	s0 =	sor.u32 s1, s0  }
0xbc: {  	s0 =	sadd.s32 $0x8F2B, s0  }
0xbd: {  	[sflag:s0] =	ssyncadd.remote.s32 $0x1  }
0xbe: {  	_ =	sfence.sel $0xFFFF  }
0xbf: {  	[dreg:$0x0] =	wrdreg $0xFFFFFFFF;
	(pc) =	sbr.abs _section_cstart, $3  }
0xc0: {  	[dreg:$0x1] =	wrdreg $0xFFFFFFFF  }
0xc1: {  	_ =	task.clear_ibuf [dreg:s6], $0x2FFFF;
	_ =	strace $0x9FFFFFFF  }
0xc2: {  	(tm) =	ssettm $0x7FFFFFFF  }
0xc3: {  	_ =	shalt  }
tec
execute0_lowered:
.L_overlay_start_1:
0x0: {  	(tag) =	ssettag $0x1  }
0x1: {  	s0 =	rddreg [dreg:$0x0]  }
0x2: {  	s1 =	rddreg [dreg:$0x1]  }
0x3: {  	s2 =	srdreg.scid;
	s8 =	stileid.u32  }
0x4: {  	s3 =	simm.s32 $0x0;
	s28 =	simm.s32 $0x400;
	s6 =	smul.u32 $0x18800, s8  }
0x5: {  	s29 =	simm.s32 $0x600;
	s30 =	simm.s32 $0x1;
	s7 =	smul.u32 $0x3100, s8  }
0x6: {  	s31 =	simm.s32 $0x2800;
	s2 =	sand.u32 $0x1, s2;
	s8 =	smul.u32 $0x62000, s8  }
0x7: {  	[smem:$0x7FF] =	sst s3;
	s4 =	sadd.s32 $0x220E00, s0;
	s5 =	smul.u32 $0x188000, s2  }
0x8: {  	_ =	strace $0x8000004D;
	s19 =	ssub.s32 $0x2, s2;
	s2 =	smul.u32 $0x18800, s2  }
0x9: {  	s7 =	sadd.s32 s7, s0;
	s20 =	sshrl.u32 s19, $0x1;
	s8 =	sshrl.u32 s8, $0x2  }
0xa: {  	s5 =	sadd.s32 s6, s5;
	s9 =	ssub.s32 s19, s20;
	s6 =	sadd.s32 $0x1200, s7  }
0xb: {  	v0 =	vmov s2;
	s2 =	simm.s32 $0x2;
	s5 =	sshrl.u32 s5, $0x3;
	s21 =	smax.u32 s9, $0x1  }
0xc: {  	s9 =	simm.s32 $0x0;
	s0 =	sadd.s32 s5, s0;
	s5 =	sadd.s32 $0x1BEE00, s7  }
0xd: {  	s7 =	sadd.s32 s8, s1;
	[dreg:$0x3] =	wrdreg s21;
	s8 =	simm.s32 $0x4  }
0xe: {  	s22 =	sadd.s32 $0x1C00, s7;
	s23 =	sadd.s32 $0x3800, s7;
	s24 =	sadd.s32 $0x5400, s7  }
0xf: {  	s25 =	sadd.s32 $0x7000, s7;
	s26 =	sadd.s32 $0x8C00, s7;
	[dreg:$0x4] =	wrdreg s22  }
0x10: {  	s14 =	sadd.s32 $0xA800, s7;
	s15 =	sadd.s32 $0xC400, s7;
	[dreg:$0x5] =	wrdreg s23  }
0x11: {  	s16 =	sadd.s32 $0xE000, s7;
	s17 =	sadd.s32 $0xFC00, s7;
	[dreg:$0x6] =	wrdreg s24  }
0x12: {  	s18 =	sadd.s32 $0x11800, s7;
	s19 =	sadd.s32 $0x13400, s7;
	[dreg:$0x7] =	wrdreg s25  }
0x13: {  	s20 =	sadd.s32 $0x15000, s7;
	s21 =	sadd.s32 $0x16C00, s7;
	[dreg:$0x8] =	wrdreg s26  }
0x14: {  	s22 =	sadd.s32 $0x282E00, s0;
	s23 =	simm.s32 $0x4800;
	s24 =	simm.s32 $0x5  }
0x15: {  	v1 =	vimm.f32 $0.0e+00;
	s25 =	simm.s32 $0x200;
	s26 =	simm.s32 $0x800;
	s0 =	simm.s32 $0x3  }
.LBB2_1:
0x16: {  	s10 =	simm.s32 $0x40;
	s11 =	simm.s32 $0x0  }
.LBB2_2:
0x17: {  	p0 =	sne.s32 s10, $0x6FC0;
	[tilespmem:s11+$0x4800] =	vst v1;
	s11 =	smov.u32 s10;
	s10 =	sadd.s32 $0x40, s10  }
.Ltmp0:
0x18: {  	(pc) =	sbr.rel @p0 .LBB2_2-.Ltmp0, $2  }
0x19: {  	_ =	sdelay $0x2  }
0x1a: {  	s11 =	sshra.s32 s11, $0x2  }
0x1b: {  	[tilespmem:s11+$0x4800] =	vst v1  }
0x1c: {  	[spmem:s7] =	stream.linear.scatter [tilespmem:s23], [sflag:$0x5], $0x1C00, $0x38;
	[tilespmem:$0x1EC00] =	vst v63  }
0x1d: {  	_ =	swait.ge [sflag:s24], $0x1C00  }
0x1e: {  	[sflag:s24] =	ssyncset.done $0x0  }
0x1f: {  	s10 =	rddreg [dreg:$0x4];
	[sflag:s24] =	ssyncadd.s32 $0xFFFFE400  }
0x20: {  	[spmem:s10] =	stream.linear.scatter [tilespmem:s23], [sflag:$0x5], $0x1C00, $0x38;
	[tilespmem:$0x1EC00] =	vst v63  }
0x21: {  	_ =	swait.ge [sflag:s24], $0x1C00  }
0x22: {  	[sflag:s24] =	ssyncset.done $0x0  }
0x23: {  	s13 =	rddreg [dreg:$0x5];
	[sflag:s24] =	ssyncadd.s32 $0xFFFFE400  }
0x24: {  	[spmem:s13] =	stream.linear.scatter [tilespmem:s23], [sflag:$0x5], $0x1C00, $0x38;
	[tilespmem:$0x1EC00] =	vst v63  }
0x25: {  	_ =	swait.ge [sflag:s24], $0x1C00  }
0x26: {  	[sflag:s24] =	ssyncset.done $0x0  }
0x27: {  	s11 =	rddreg [dreg:$0x6];
	[sflag:s24] =	ssyncadd.s32 $0xFFFFE400  }
0x28: {  	[spmem:s11] =	stream.linear.scatter [tilespmem:s23], [sflag:$0x5], $0x1C00, $0x38;
	[tilespmem:$0x1EC00] =	vst v63  }
0x29: {  	_ =	swait.ge [sflag:s24], $0x1C00  }
0x2a: {  	[sflag:s24] =	ssyncset.done $0x0  }
0x2b: {  	s12 =	rddreg [dreg:$0x7];
	[sflag:s24] =	ssyncadd.s32 $0xFFFFE400  }
0x2c: {  	[spmem:s12] =	stream.linear.scatter [tilespmem:s23], [sflag:$0x5], $0x1C00, $0x38;
	[tilespmem:$0x1EC00] =	vst v63  }
0x2d: {  	_ =	swait.ge [sflag:s24], $0x1C00  }
0x2e: {  	[sflag:s24] =	ssyncset.done $0x0  }
0x2f: {  	s13 =	rddreg [dreg:$0x8];
	[sflag:s24] =	ssyncadd.s32 $0xFFFFE400  }
0x30: {  	[spmem:s13] =	stream.linear.scatter [tilespmem:s23], [sflag:$0x5], $0x1C00, $0x38;
	[tilespmem:$0x1EC00] =	vst v63  }
0x31: {  	_ =	swait.ge [sflag:s24], $0x1C00  }
0x32: {  	[sflag:s24] =	ssyncset.done $0x0  }
0x33: {  	[sflag:s24] =	ssyncadd.s32 $0xFFFFE400  }
0x34: {  	[spmem:s14] =	stream.linear.scatter [tilespmem:s23], [sflag:$0x5], $0x1C00, $0x38;
	[tilespmem:$0x1EC00] =	vst v63  }
0x35: {  	_ =	swait.ge [sflag:s24], $0x1C00  }
0x36: {  	[sflag:s24] =	ssyncset.done $0x0  }
0x37: {  	[sflag:s24] =	ssyncadd.s32 $0xFFFFE400  }
0x38: {  	[spmem:s15] =	stream.linear.scatter [tilespmem:s23], [sflag:$0x5], $0x1C00, $0x38;
	[tilespmem:$0x1EC00] =	vst v63  }
0x39: {  	_ =	swait.ge [sflag:s24], $0x1C00  }
0x3a: {  	[sflag:s24] =	ssyncset.done $0x0  }
0x3b: {  	[sflag:s24] =	ssyncadd.s32 $0xFFFFE400  }
0x3c: {  	[spmem:s16] =	stream.linear.scatter [tilespmem:s23], [sflag:$0x5], $0x1C00, $0x38;
	[tilespmem:$0x1EC00] =	vst v63  }
0x3d: {  	_ =	swait.ge [sflag:s24], $0x1C00  }
0x3e: {  	[sflag:s24] =	ssyncset.done $0x0  }
0x3f: {  	[sflag:s24] =	ssyncadd.s32 $0xFFFFE400  }
0x40: {  	[spmem:s17] =	stream.linear.scatter [tilespmem:s23], [sflag:$0x5], $0x1C00, $0x38;
	[tilespmem:$0x1EC00] =	vst v63  }
0x41: {  	_ =	swait.ge [sflag:s24], $0x1C00  }
0x42: {  	[sflag:s24] =	ssyncset.done $0x0  }
0x43: {  	[sflag:s24] =	ssyncadd.s32 $0xFFFFE400  }
0x44: {  	[spmem:s18] =	stream.linear.scatter [tilespmem:s23], [sflag:$0x5], $0x1C00, $0x38;
	[tilespmem:$0x1EC00] =	vst v63  }
0x45: {  	_ =	swait.ge [sflag:s24], $0x1C00  }
0x46: {  	[sflag:s24] =	ssyncset.done $0x0  }
0x47: {  	[sflag:s24] =	ssyncadd.s32 $0xFFFFE400  }
0x48: {  	[spmem:s19] =	stream.linear.scatter [tilespmem:s23], [sflag:$0x5], $0x1C00, $0x38;
	[tilespmem:$0x1EC00] =	vst v63  }
0x49: {  	_ =	swait.ge [sflag:s24], $0x1C00  }
0x4a: {  	[sflag:s24] =	ssyncset.done $0x0  }
0x4b: {  	[sflag:s24] =	ssyncadd.s32 $0xFFFFE400  }
0x4c: {  	[spmem:s20] =	stream.linear.scatter [tilespmem:s23], [sflag:$0x5], $0x1C00, $0x38;
	[tilespmem:$0x1EC00] =	vst v63  }
0x4d: {  	_ =	swait.ge [sflag:s24], $0x1C00  }
0x4e: {  	[sflag:s24] =	ssyncset.done $0x0  }
0x4f: {  	[sflag:s24] =	ssyncadd.s32 $0xFFFFE400  }
0x50: {  	[spmem:s21] =	stream.linear.scatter [tilespmem:s23], [sflag:$0x5], $0x1C00, $0x38;
	[tilespmem:$0x1EC00] =	vst v63  }
0x51: {  	_ =	swait.ge [sflag:s24], $0x1C00  }
0x52: {  	[sflag:s24] =	ssyncset.done $0x0  }
0x53: {  	[sflag:s24] =	ssyncadd.s32 $0xFFFFE400  }
0x54: {  	s10 =	simm.s32 $0x0;
	[bflag:$0x0] =	sbarrier.arrive $0xFFFF  }
0x55: {  	[tilespmem:s10], [sflag:$0x5] =	stream.linear.gather [hbm4b:s5+s10], $0x200, $0x38;
	[tilespmem:$0x1EC00] =	vst v63  }
0x56: {  	_ =	swait.ge [sflag:s24], $0x200  }
0x57: {  	[sflag:s24] =	ssyncset.done $0x0  }
0x58: {  	[sflag:s24] =	ssyncadd.s32 $0xFFFFFE00  }
0x59: {  	[tilespmem:s25], [sflag:$0x5] =	stream.linear.gather [hbm4b:s6+s10], $0x200, $0x38;
	[tilespmem:$0x1EC00] =	vst v63  }
0x5a: {  	_ =	swait.ge [sflag:s24], $0x200  }
0x5b: {  	[sflag:s24] =	ssyncset.done $0x0  }
0x5c: {  	[sflag:s24] =	ssyncadd.s32 $0xFFFFFE00  }
0x5d: {  	v2 =	vld [tilespmem:$0x0]  }
0x5e: {  	v3 =	vld [tilespmem:$0x10]  }
0x5f: {  	v4 =	vld [tilespmem:$0x20]  }
0x60: {  	v5 =	vld [tilespmem:$0x30]  }
0x61: {  	v6 =	vld [tilespmem:$0x40]  }
0x62: {  	v7 =	vld [tilespmem:$0x50];
	v2 =	vadd.s32 v0, v2  }
0x63: {  	[tilespmem:$0x0] =	vst v2;
	v2 =	vadd.s32 v0, v3;
	v3 =	vld [tilespmem:$0x60]  }
0x64: {  	v44 =	vld [tilespmem:$0x70];
	[tilespmem:$0x10] =	vst v2;
	v2 =	vadd.s32 v0, v4  }
0x65: {  	v45 =	vld [tilespmem:$0x80];
	[tilespmem:$0x20] =	vst v2;
	v2 =	vadd.s32 v0, v5  }
0x66: {  	v46 =	vld [tilespmem:$0x90];
	[tilespmem:$0x30] =	vst v2;
	v2 =	vadd.s32 v0, v6  }
0x67: {  	v47 =	vld [tilespmem:$0xA0];
	[tilespmem:$0x40] =	vst v2;
	v2 =	vadd.s32 v0, v7  }
0x68: {  	[tilespmem:$0x50] =	vst v2;
	v2 =	vadd.s32 v0, v3;
	v3 =	vld [tilespmem:$0xB0]  }
0x69: {  	v48 =	vld [tilespmem:$0xC0];
	[tilespmem:$0x60] =	vst v2;
	v2 =	vadd.s32 v0, v44  }
0x6a: {  	v49 =	vld [tilespmem:$0xD0];
	[tilespmem:$0x70] =	vst v2;
	v2 =	vadd.s32 v0, v45  }
0x6b: {  	v50 =	vld [tilespmem:$0xE0];
	[tilespmem:$0x80] =	vst v2;
	v2 =	vadd.s32 v0, v46  }
0x6c: {  	v51 =	vld [tilespmem:$0xF0];
	[tilespmem:$0x90] =	vst v2;
	v2 =	vadd.s32 v0, v47  }
0x6d: {  	[tilespmem:$0xA0] =	vst v2;
	v2 =	vadd.s32 v0, v3;
	v3 =	vld [tilespmem:$0x100]  }
0x6e: {  	v52 =	vld [tilespmem:$0x110];
	[tilespmem:$0xB0] =	vst v2;
	v2 =	vadd.s32 v0, v48  }
0x6f: {  	v53 =	vld [tilespmem:$0x120];
	[tilespmem:$0xC0] =	vst v2;
	v2 =	vadd.s32 v0, v49  }
0x70: {  	v54 =	vld [tilespmem:$0x130];
	[tilespmem:$0xD0] =	vst v2;
	v2 =	vadd.s32 v0, v50  }
0x71: {  	v55 =	vld [tilespmem:$0x140];
	[tilespmem:$0xE0] =	vst v2;
	v2 =	vadd.s32 v0, v51  }
0x72: {  	[tilespmem:$0xF0] =	vst v2;
	v2 =	vadd.s32 v0, v3;
	v3 =	vld [tilespmem:$0x150]  }
0x73: {  	v56 =	vld [tilespmem:$0x160];
	[tilespmem:$0x100] =	vst v2;
	v2 =	vadd.s32 v0, v52  }
0x74: {  	v57 =	vld [tilespmem:$0x170];
	[tilespmem:$0x110] =	vst v2;
	v2 =	vadd.s32 v0, v53  }
0x75: {  	v58 =	vld [tilespmem:$0x180];
	[tilespmem:$0x120] =	vst v2;
	v2 =	vadd.s32 v0, v54  }
0x76: {  	v59 =	vld [tilespmem:$0x190];
	[tilespmem:$0x130] =	vst v2;
	v2 =	vadd.s32 v0, v55  }
0x77: {  	[tilespmem:$0x140] =	vst v2;
	v2 =	vadd.s32 v0, v3;
	v3 =	vld [tilespmem:$0x1A0]  }
0x78: {  	v60 =	vld [tilespmem:$0x1B0];
	[tilespmem:$0x150] =	vst v2;
	v2 =	vadd.s32 v0, v56  }
0x79: {  	v61 =	vld [tilespmem:$0x1C0];
	[tilespmem:$0x160] =	vst v2;
	v2 =	vadd.s32 v0, v57  }
0x7a: {  	v62 =	vld [tilespmem:$0x1D0];
	[tilespmem:$0x170] =	vst v2;
	v2 =	vadd.s32 v0, v58  }
0x7b: {  	v63 =	vld [tilespmem:$0x1E0];
	[tilespmem:$0x180] =	vst v2;
	v2 =	vadd.s32 v0, v59  }
0x7c: {  	[tilespmem:$0x190] =	vst v2;
	v2 =	vadd.s32 v0, v3;
	v3 =	vld [tilespmem:$0x1F0]  }
0x7d: {  	[tilespmem:$0x1A0] =	vst v2;
	v2 =	vadd.s32 v0, v60  }
0x7e: {  	[tilespmem:$0x1B0] =	vst v2;
	v2 =	vadd.s32 v0, v61  }
.Ltmp1:
0x7f: {  	[tilespmem:$0x1C0] =	vst v2;
	v2 =	vadd.s32 v0, v62;
	(pc) =	sbr.rel .LBB2_4-.Ltmp1, $4  }
0x80: {  	[tilespmem:$0x1D0] =	vst v2;
	v2 =	vadd.s32 v0, v63  }
0x81: {  	[tilespmem:$0x1E0] =	vst v2;
	v2 =	vadd.s32 v0, v3  }
0x82: {  	[tilespmem:$0x1F0] =	vst v2  }
0x83: {  	[tilespmem:s26], [sflag:$0x1] =	stream.indirect.gather [hbm4b:s4+s25], $0x10, s10, s25, $0xb8;
	[tilespmem:$0x1EC00] =	vst v63  }
.LBB2_6:
0x84: {  	s10 =	sadd.s32 $0x80, s10  }
0x85: {  	p0 =	sne.s32 s10, $0x3100  }
.Ltmp2:
0x86: {  	_ = 	snop;
	(pc) =	sbr.rel @!p0 .LBB2_7-.Ltmp2, $4  }
0x87: {  	_ =	swait.ge [sflag:s2], $0x2000  }
0x88: {  	[sflag:s2] =	ssyncset.done $0x0  }
0x89: {  	[sflag:s2] =	ssyncadd.s32 $0xFFFFE000  }
0x8a: {  	[spmem:s1] =	stream.indirect.scatter.add.f32 [tilespmem:s31], [sflag:$0x4], $0x10, s29, s25, $0xb8;
	[tilespmem:$0x1EC00] =	vst v63  }
.LBB2_4:
0x8b: {  	s11 =	sadd.s32 s10, s5  }
0x8c: {  	s12 =	sadd.s32 $0x40, s11  }
0x8d: {  	[tilespmem:s28], [sflag:$0x5] =	stream.linear.gather [hbm4b:s12+s3], $0x200, $0x38;
	[tilespmem:$0x1EC00] =	vst v63  }
0x8e: {  	_ =	swait.ge [sflag:s24], $0x200  }
0x8f: {  	s12 =	sadd.s32 s10, s6;
	[sflag:s24] =	ssyncset.done $0x0  }
0x90: {  	s13 =	sadd.s32 $0x40, s12;
	[sflag:s24] =	ssyncadd.s32 $0xFFFFFE00  }
0x91: {  	[tilespmem:s29], [sflag:$0x5] =	stream.linear.gather [hbm4b:s13+s3], $0x200, $0x38;
	[tilespmem:$0x1EC00] =	vst v63  }
0x92: {  	_ =	swait.ge [sflag:s24], $0x200  }
0x93: {  	[sflag:s24] =	ssyncset.done $0x0  }
0x94: {  	[sflag:s24] =	ssyncadd.s32 $0xFFFFFE00  }
0x95: {  	v2 =	vld [tilespmem:$0x400]  }
0x96: {  	v3 =	vld [tilespmem:$0x410]  }
0x97: {  	v4 =	vld [tilespmem:$0x420]  }
0x98: {  	v5 =	vld [tilespmem:$0x430]  }
0x99: {  	v6 =	vld [tilespmem:$0x440]  }
0x9a: {  	v7 =	vld [tilespmem:$0x450];
	v2 =	vadd.s32 v0, v2  }
0x9b: {  	[tilespmem:$0x400] =	vst v2;
	v2 =	vadd.s32 v0, v3;
	v3 =	vld [tilespmem:$0x460]  }
0x9c: {  	v44 =	vld [tilespmem:$0x470];
	[tilespmem:$0x410] =	vst v2;
	v2 =	vadd.s32 v0, v4  }
0x9d: {  	v45 =	vld [tilespmem:$0x480];
	[tilespmem:$0x420] =	vst v2;
	v2 =	vadd.s32 v0, v5  }
0x9e: {  	v46 =	vld [tilespmem:$0x490];
	[tilespmem:$0x430] =	vst v2;
	v2 =	vadd.s32 v0, v6  }
0x9f: {  	v47 =	vld [tilespmem:$0x4A0];
	[tilespmem:$0x440] =	vst v2;
	v2 =	vadd.s32 v0, v7  }
0xa0: {  	[tilespmem:$0x450] =	vst v2;
	v2 =	vadd.s32 v0, v3;
	v3 =	vld [tilespmem:$0x4B0]  }
0xa1: {  	v48 =	vld [tilespmem:$0x4C0];
	[tilespmem:$0x460] =	vst v2;
	v2 =	vadd.s32 v0, v44  }
0xa2: {  	v49 =	vld [tilespmem:$0x4D0];
	[tilespmem:$0x470] =	vst v2;
	v2 =	vadd.s32 v0, v45  }
0xa3: {  	v50 =	vld [tilespmem:$0x4E0];
	[tilespmem:$0x480] =	vst v2;
	v2 =	vadd.s32 v0, v46  }
0xa4: {  	v51 =	vld [tilespmem:$0x4F0];
	[tilespmem:$0x490] =	vst v2;
	v2 =	vadd.s32 v0, v47  }
0xa5: {  	[tilespmem:$0x4A0] =	vst v2;
	v2 =	vadd.s32 v0, v3;
	v3 =	vld [tilespmem:$0x500]  }
0xa6: {  	v52 =	vld [tilespmem:$0x510];
	[tilespmem:$0x4B0] =	vst v2;
	v2 =	vadd.s32 v0, v48  }
0xa7: {  	v53 =	vld [tilespmem:$0x520];
	[tilespmem:$0x4C0] =	vst v2;
	v2 =	vadd.s32 v0, v49  }
0xa8: {  	v54 =	vld [tilespmem:$0x530];
	[tilespmem:$0x4D0] =	vst v2;
	v2 =	vadd.s32 v0, v50  }
0xa9: {  	v55 =	vld [tilespmem:$0x540];
	[tilespmem:$0x4E0] =	vst v2;
	v2 =	vadd.s32 v0, v51  }
0xaa: {  	[tilespmem:$0x4F0] =	vst v2;
	v2 =	vadd.s32 v0, v3;
	v3 =	vld [tilespmem:$0x550]  }
0xab: {  	v56 =	vld [tilespmem:$0x560];
	[tilespmem:$0x500] =	vst v2;
	v2 =	vadd.s32 v0, v52  }
0xac: {  	v57 =	vld [tilespmem:$0x570];
	[tilespmem:$0x510] =	vst v2;
	v2 =	vadd.s32 v0, v53  }
0xad: {  	v58 =	vld [tilespmem:$0x580];
	[tilespmem:$0x520] =	vst v2;
	v2 =	vadd.s32 v0, v54  }
0xae: {  	v59 =	vld [tilespmem:$0x590];
	[tilespmem:$0x530] =	vst v2;
	v2 =	vadd.s32 v0, v55  }
0xaf: {  	[tilespmem:$0x540] =	vst v2;
	v2 =	vadd.s32 v0, v3;
	v3 =	vld [tilespmem:$0x5A0]  }
0xb0: {  	v60 =	vld [tilespmem:$0x5B0];
	[tilespmem:$0x550] =	vst v2;
	v2 =	vadd.s32 v0, v56  }
0xb1: {  	v61 =	vld [tilespmem:$0x5C0];
	[tilespmem:$0x560] =	vst v2;
	v2 =	vadd.s32 v0, v57  }
0xb2: {  	v62 =	vld [tilespmem:$0x5D0];
	[tilespmem:$0x570] =	vst v2;
	v2 =	vadd.s32 v0, v58  }
0xb3: {  	v63 =	vld [tilespmem:$0x5E0];
	[tilespmem:$0x580] =	vst v2;
	v2 =	vadd.s32 v0, v59  }
0xb4: {  	[tilespmem:$0x590] =	vst v2;
	v2 =	vadd.s32 v0, v3;
	v3 =	vld [tilespmem:$0x5F0]  }
0xb5: {  	[tilespmem:$0x5A0] =	vst v2;
	v2 =	vadd.s32 v0, v60  }
0xb6: {  	[tilespmem:$0x5B0] =	vst v2;
	v2 =	vadd.s32 v0, v61  }
0xb7: {  	[tilespmem:$0x5C0] =	vst v2;
	v2 =	vadd.s32 v0, v62  }
0xb8: {  	[tilespmem:$0x5D0] =	vst v2;
	v2 =	vadd.s32 v0, v63  }
0xb9: {  	p0 =	seq.s32 s10, $0x0;
	[tilespmem:$0x5E0] =	vst v2;
	v2 =	vadd.s32 v0, v3  }
0xba: {  	s13 =	simm.s32 @!p0 $0x4;
	[tilespmem:$0x5F0] =	vst v2  }
0xbb: {  	_ =	swait.ge @!p0 [sflag:s13], $0x2000  }
0xbc: {  	[sflag:s13] =	ssyncset.done @!p0 $0x0  }
0xbd: {  	[sflag:s13] =	ssyncadd.s32 @!p0 $0xFFFFE000  }
0xbe: {  	_ =	swait.ge [sflag:s30], $0x2000  }
0xbf: {  	[sflag:s30] =	ssyncset.done $0x0  }
0xc0: {  	p0 =	seq.s32 s10, $0x3080;
	[sflag:s30] =	ssyncadd.s32 $0xFFFFE000  }
0xc1: {  	[spmem:s1] =	stream.indirect.scatter.add.f32 [tilespmem:s26], [sflag:$0x3], $0x10, s25, s25, $0xb8;
	[tilespmem:$0x1EC00] =	vst v63  }
.Ltmp3:
0xc2: {  	_ = 	snop;
	(pc) =	sbr.rel @p0 .LBB2_6-.Ltmp3, $4  }
0xc3: {  	[tilespmem:s31], [sflag:$0x2] =	stream.indirect.gather [hbm4b:s4+s25], $0x10, s28, s25, $0xb8;
	[tilespmem:$0x1EC00] =	vst v63  }
0xc4: {  	_ =	swait.ge [sflag:s0], $0x2000  }
0xc5: {  	[sflag:s0] =	ssyncset.done $0x0  }
0xc6: {  	[sflag:s0] =	ssyncadd.s32 $0xFFFFE000  }
0xc7: {  	s11 =	sadd.s32 $0x80, s11  }
0xc8: {  	[tilespmem:s3], [sflag:$0x5] =	stream.linear.gather [hbm4b:s11+s3], $0x200, $0x38;
	[tilespmem:$0x1EC00] =	vst v63  }
0xc9: {  	_ =	swait.ge [sflag:s24], $0x200  }
0xca: {  	[sflag:s24] =	ssyncset.done $0x0  }
0xcb: {  	s13 =	sadd.s32 $0x80, s12;
	[sflag:s24] =	ssyncadd.s32 $0xFFFFFE00  }
0xcc: {  	[tilespmem:s25], [sflag:$0x5] =	stream.linear.gather [hbm4b:s13+s3], $0x200, $0x38;
	[tilespmem:$0x1EC00] =	vst v63  }
0xcd: {  	_ =	swait.ge [sflag:s24], $0x200  }
0xce: {  	[sflag:s24] =	ssyncset.done $0x0  }
0xcf: {  	[sflag:s24] =	ssyncadd.s32 $0xFFFFFE00  }
0xd0: {  	v2 =	vld [tilespmem:$0x0]  }
0xd1: {  	v3 =	vld [tilespmem:$0x10]  }
0xd2: {  	v4 =	vld [tilespmem:$0x20]  }
0xd3: {  	v5 =	vld [tilespmem:$0x30]  }
0xd4: {  	v6 =	vld [tilespmem:$0x40]  }
0xd5: {  	v7 =	vld [tilespmem:$0x50];
	v2 =	vadd.s32 v0, v2  }
0xd6: {  	[tilespmem:$0x0] =	vst v2;
	v2 =	vadd.s32 v0, v3;
	v3 =	vld [tilespmem:$0x60]  }
0xd7: {  	v44 =	vld [tilespmem:$0x70];
	[tilespmem:$0x10] =	vst v2;
	v2 =	vadd.s32 v0, v4  }
0xd8: {  	v45 =	vld [tilespmem:$0x80];
	[tilespmem:$0x20] =	vst v2;
	v2 =	vadd.s32 v0, v5  }
0xd9: {  	v46 =	vld [tilespmem:$0x90];
	[tilespmem:$0x30] =	vst v2;
	v2 =	vadd.s32 v0, v6  }
0xda: {  	v47 =	vld [tilespmem:$0xA0];
	[tilespmem:$0x40] =	vst v2;
	v2 =	vadd.s32 v0, v7  }
0xdb: {  	[tilespmem:$0x50] =	vst v2;
	v2 =	vadd.s32 v0, v3;
	v3 =	vld [tilespmem:$0xB0]  }
0xdc: {  	v48 =	vld [tilespmem:$0xC0];
	[tilespmem:$0x60] =	vst v2;
	v2 =	vadd.s32 v0, v44  }
0xdd: {  	v49 =	vld [tilespmem:$0xD0];
	[tilespmem:$0x70] =	vst v2;
	v2 =	vadd.s32 v0, v45  }
0xde: {  	v50 =	vld [tilespmem:$0xE0];
	[tilespmem:$0x80] =	vst v2;
	v2 =	vadd.s32 v0, v46  }
0xdf: {  	v51 =	vld [tilespmem:$0xF0];
	[tilespmem:$0x90] =	vst v2;
	v2 =	vadd.s32 v0, v47  }
0xe0: {  	[tilespmem:$0xA0] =	vst v2;
	v2 =	vadd.s32 v0, v3;
	v3 =	vld [tilespmem:$0x100]  }
0xe1: {  	v52 =	vld [tilespmem:$0x110];
	[tilespmem:$0xB0] =	vst v2;
	v2 =	vadd.s32 v0, v48  }
0xe2: {  	v53 =	vld [tilespmem:$0x120];
	[tilespmem:$0xC0] =	vst v2;
	v2 =	vadd.s32 v0, v49  }
0xe3: {  	v54 =	vld [tilespmem:$0x130];
	[tilespmem:$0xD0] =	vst v2;
	v2 =	vadd.s32 v0, v50  }
0xe4: {  	v55 =	vld [tilespmem:$0x140];
	[tilespmem:$0xE0] =	vst v2;
	v2 =	vadd.s32 v0, v51  }
0xe5: {  	[tilespmem:$0xF0] =	vst v2;
	v2 =	vadd.s32 v0, v3;
	v3 =	vld [tilespmem:$0x150]  }
0xe6: {  	v56 =	vld [tilespmem:$0x160];
	[tilespmem:$0x100] =	vst v2;
	v2 =	vadd.s32 v0, v52  }
0xe7: {  	v57 =	vld [tilespmem:$0x170];
	[tilespmem:$0x110] =	vst v2;
	v2 =	vadd.s32 v0, v53  }
0xe8: {  	v58 =	vld [tilespmem:$0x180];
	[tilespmem:$0x120] =	vst v2;
	v2 =	vadd.s32 v0, v54  }
0xe9: {  	v59 =	vld [tilespmem:$0x190];
	[tilespmem:$0x130] =	vst v2;
	v2 =	vadd.s32 v0, v55  }
0xea: {  	[tilespmem:$0x140] =	vst v2;
	v2 =	vadd.s32 v0, v3;
	v3 =	vld [tilespmem:$0x1A0]  }
0xeb: {  	v60 =	vld [tilespmem:$0x1B0];
	[tilespmem:$0x150] =	vst v2;
	v2 =	vadd.s32 v0, v56  }
0xec: {  	v61 =	vld [tilespmem:$0x1C0];
	[tilespmem:$0x160] =	vst v2;
	v2 =	vadd.s32 v0, v57  }
0xed: {  	v62 =	vld [tilespmem:$0x1D0];
	[tilespmem:$0x170] =	vst v2;
	v2 =	vadd.s32 v0, v58  }
0xee: {  	v63 =	vld [tilespmem:$0x1E0];
	[tilespmem:$0x180] =	vst v2;
	v2 =	vadd.s32 v0, v59  }
0xef: {  	[tilespmem:$0x190] =	vst v2;
	v2 =	vadd.s32 v0, v3;
	v3 =	vld [tilespmem:$0x1F0]  }
0xf0: {  	[tilespmem:$0x1A0] =	vst v2;
	v2 =	vadd.s32 v0, v60  }
0xf1: {  	[tilespmem:$0x1B0] =	vst v2;
	v2 =	vadd.s32 v0, v61  }
.Ltmp4:
0xf2: {  	[tilespmem:$0x1C0] =	vst v2;
	v2 =	vadd.s32 v0, v62;
	(pc) =	sbr.rel .LBB2_6-.Ltmp4, $4  }
0xf3: {  	[tilespmem:$0x1D0] =	vst v2;
	v2 =	vadd.s32 v0, v63  }
0xf4: {  	[tilespmem:$0x1E0] =	vst v2;
	v2 =	vadd.s32 v0, v3  }
0xf5: {  	[tilespmem:$0x1F0] =	vst v2  }
0xf6: {  	[tilespmem:s26], [sflag:$0x1] =	stream.indirect.gather [hbm4b:s4+s25], $0x10, s3, s25, $0xb8;
	[tilespmem:$0x1EC00] =	vst v63  }
.LBB2_7:
0xf7: {  	_ =	swait.ge [sflag:s8], $0x2000  }
0xf8: {  	[sflag:s8] =	ssyncset.done $0x0  }
0xf9: {  	[sflag:s8] =	ssyncadd.s32 $0xFFFFE000  }
0xfa: {  	[bflag:$0x0] =	sbarrier.arrive $0xFFFF  }
0xfb: {  	[tilespmem:s23], [sflag:$0x5] =	stream.linear.gather [spmem:s7], $0x1C00, $0x38;
	[tilespmem:$0x1EC00] =	vst v63  }
0xfc: {  	_ =	swait.ge [sflag:s24], $0x1C00  }
0xfd: {  	[sflag:s24] =	ssyncset.done $0x0  }
0xfe: {  	s10 =	sadd.s32 $0x0, s22;
	[sflag:s24] =	ssyncadd.s32 $0xFFFFE400  }
0xff: {  	[hbm4b:s10+s3] =	stream.linear.scatter [tilespmem:s23], [sflag:$0x5], $0x1C00, $0x38;
	[tilespmem:$0x1EC00] =	vst v63  }
0x100: {  	_ =	swait.ge [sflag:s24], $0x1C00  }
0x101: {  	s11 =	smov.u32 s7;
	s10 =	simm.s32 $0x380;
	[sflag:s24] =	ssyncset.done $0x0  }
.LBB2_8:
0x102: {  	p0 =	sne.s32 s10, $0x2D80;
	[sflag:s24] =	ssyncadd.s32 $0xFFFFE400;
	s11 =	sadd.s32 $0x1C00, s11  }
0x103: {  	[tilespmem:s23], [sflag:$0x5] =	stream.linear.gather [spmem:s11], $0x1C00, $0x38;
	[tilespmem:$0x1EC00] =	vst v63  }
0x104: {  	s12 =	smov.u32 s10;
	s10 =	sadd.s32 $0x380, s10;
	_ =	swait.ge [sflag:s24], $0x1C00  }
.Ltmp5:
0x105: {  	[sflag:s24] =	ssyncset.done $0x0;
	(pc) =	sbr.rel @p0 .LBB2_8-.Ltmp5, $4  }
0x106: {  	s12 =	sadd.s32 s12, s22;
	[sflag:s24] =	ssyncadd.s32 $0xFFFFE400  }
0x107: {  	[hbm4b:s12+s3] =	stream.linear.scatter [tilespmem:s23], [sflag:$0x5], $0x1C00, $0x38;
	[tilespmem:$0x1EC00] =	vst v63  }
0x108: {  	_ =	swait.ge [sflag:s24], $0x1C00  }
0x109: {  	[sflag:s24] =	ssyncset.done $0x0  }
0x10a: {  	s9 =	sadd.s32 $0x1, s9;
	s10 =	rddreg [dreg:$0x3]  }
0x10b: {  	p0 =	sne.s32 s9, s10  }
.Ltmp6:
0x10c: {  	_ = 	snop;
	(pc) =	sbr.rel @p0 .LBB2_1-.Ltmp6, $2  }
0x10d: {  	_ =	sdelay $0x2  }
0x10e: {  	[sflag:s24] =	ssyncadd.s32 $0xFFFFE400  }
0x10f: {  	_ =	sfence.sel $0x180000  }
0x110: {  	[bflag:$0x0] =	sbarrier.arrive $0xFFFF  }
0x111: {  	_ =	strace $0x9000004D  }
0x112: {  	s0 =	stileid.u32;
	[bflag:$0x2] =	sbarrier.arrive $0xFFFF  }
0x113: {  	p0 =	sne.s32 s0, $0x0;
	s0 =	rddreg [dreg:$0x2]  }
0x114: {  	s0 =	sadd.s32 @!p0 $0x100000, s0  }
0x115: {  	[sflag:s0] =	ssyncadd.tile.s32 @!p0 $0x1;
	_ =	shalt  }
.Lfunc_end2:
_tile_overlayer_lowered:
.L_overlay_start_2:
0x116: {  	(tag) =	ssettag $0x2  }
0x117: {  	s0 =	rddreg [dreg:$0x0];
	s2 =	stileid.u32  }
0x118: {  	s1 =	rddreg [dreg:$0x1];
	p0 =	sne.s32 s2, $0x0  }
0x119: {  	s3 =	rddreg [dreg:$0x2];
	[bflag:$0x3] =	sbarrier.arrive $0xFFFF;
	s2 =	simm.s32 @!p0 $0x1C05  }
0x11a: {  	[timem:s3], [sflag:s2] =	dma.local @!p0 [hbm:s0], s1  }
0x11b: {  	s0 =	simm.s32 @!p0 $0x5  }
0x11c: {  	_ =	swait.ge @!p0 [sflag:s0], s1  }
0x11d: {  	s1 =	ssub.s32 @!p0 $0x0, s1;
	[sflag:s0] =	ssyncset.done @!p0 $0x0  }
0x11e: {  	[sflag:s0] =	ssyncadd.s32 @!p0 s1  }
0x11f: {  	[bflag:$0x3] =	sbarrier.arrive $0xFFFF  }
0x120: {  	_ =	shalt  }

// kernel: kernel.20.cloned.1.call-start
scs
__scs_entry_jumppad:
0x0: {  	(pc) =	sbr.rel $0x88, $3  }
0x1: {  	(tag) =	ssettag $0x0;
	lr =	simm.s32 $0x1  }
0x2: {  	[smem:$0x3F98] =	sst lr;
	_ =	strace $0xD0000000  }
0x3: {  	_ = 	snop  }
0x4: {  	_ = 	snop  }
0x5: {  	_ = 	snop  }
0x6: {  	_ = 	snop  }
0x7: {  	_ = 	snop  }
__scs_overlays_trampoline_lowered:
0x8: {  	[smem:$0x3FA7] =	sst s0  }
0x9: {  	[smem:$0x3FA8] =	sst s1  }
0xa: {  	[smem:$0x3FA9] =	sst s2  }
0xb: {  	[smem:$0x3FAA] =	sst s3  }
0xc: {  	[smem:$0x3FAB] =	sst s4  }
0xd: {  	[smem:$0x3FAC] =	sst s5  }
0xe: {  	[smem:$0x3FAD] =	sst s6  }
0xf: {  	[smem:$0x3FAE] =	sst s7  }
0x10: {  	[smem:$0x3FAF] =	sst s8  }
0x11: {  	[smem:$0x3FB0] =	sst s9;
	s0 =	simm.s32 @!p0 $0x0  }
0x12: {  	s1 =	sld [smem:$0x3F96];
	s0 =	simm.s32 @p0 $0x1  }
0x13: {  	[smem:$0x3FB1] =	sst s0;
	s0 =	simm.s32 @!p1 $0x0  }
0x14: {  	s2 =	sld [smem:$0x3F95];
	s0 =	simm.s32 @p1 $0x1  }
0x15: {  	[smem:$0x3FB2] =	sst s0;
	s0 =	simm.s32 @!p2 $0x0  }
0x16: {  	s3 =	sld [smem:$0x3FDB];
	s0 =	simm.s32 @p2 $0x1  }
0x17: {  	s4 =	simm.s32 $0x1BF5;
	[smem:$0x3FB4] =	sst s0  }
0x18: {  	s0 =	sld [smem:$0x3F97];
	_ =	swait.ge [sflag:s4], $0x0  }
0x19: {  	s7 =	sld [smem:$0x3F98]  }
0x1a: {  	s8 =	sadd.s32 $0xFFFFE003, lr  }
0x1b: {  	s9 =	sadd.s32 $0xFFFFFEF7, lr;
	s5 =	simm.s32 $0xFFFFFFFF;
	p2 =	slt.u32 s8, $0xFFFFF086  }
0x1c: {  	p1 =	slt.u32 s9, $0xF7A;
	s5 =	simm.s32 @!p2 $0x0  }
0x1d: {  	s5 =	simm.s32 @p1 $0x1;
	p0 =	seq.s32 s7, s2  }
0x1e: {  	s7 =	smul.u32 @!p0 $0xF7A, s2;
	p2 =	seq.s32 @!p0 s5, $0x0  }
0x1f: {  	s9 =	smul.u32 $0xF7A, s1;
	s8 =	simm.s32 @!p0 $0x1BF5;
	p2 =	por !p2, p0  }
0x20: {  	[sflag:s8] =	ssyncset.s32 @!p0 $0xFFFFF086;
	s6 =	sadd.s32 @!p0 s3, s7;
	s7 =	simm.s32 @!p0 $0x108  }
0x21: {  	s3 =	sadd.s32 s3, s9;
	s6 =	sadd.s32 @!p0 $0x88, s6;
	s7 =	simm.s32 @p2 $0x1082  }
0x22: {  	[simem:s7], [sflag:s8] =	dma.local @!p0 [hbm:s6], $0xF7A  }
0x23: {  	s9 =	sor.u32 $0xD0000000, s2;
	s6 =	simm.s32 $0x108;
	_ =	swait.ge @!p0 [sflag:s8], $0x0  }
0x24: {  	s3 =	sadd.s32 $0x88, s3;
	s6 =	simm.s32 @!p1 $0x1082;
	[sflag:s4] =	ssyncset.s32 $0xFFFFF086  }
0x25: {  	[simem:s6], [sflag:s4] =	dma.local [hbm:s3], $0xF7A  }
0x26: {  	[smem:$0x3F98] =	sst s1;
	(tag) =	ssettag s2;
	_ =	strace s9  }
0x27: {  	s1 =	sld [smem:$0x3FA8]  }
0x28: {  	s2 =	sld [smem:$0x3FA9]  }
0x29: {  	s4 =	sld [smem:$0x3FAB]  }
0x2a: {  	p0 =	seq.s32 s5, $0x0;
	s5 =	sld [smem:$0x3FAC]  }
0x2b: {  	s6 =	sld [smem:$0x3FAD]  }
0x2c: {  	s7 =	sld [smem:$0x3FAE]  }
0x2d: {  	s3 =	simm.s32 $0x108;
	s8 =	sld [smem:$0x3FAF]  }
0x2e: {  	s3 =	simm.s32 @!p0 $0x1082;
	s9 =	sld [smem:$0x3FB0]  }
0x2f: {  	lr =	sadd.s32 s0, s3;
	s0 =	sld [smem:$0x3FA7]  }
0x30: {  	s3 =	sld [smem:$0x3FAA]  }
0x31: {  	[smem:$0x3FB3] =	sst s10  }
0x32: {  	s10 =	sld [smem:$0x3FB1];
	_ =	sdelay $0x3  }
0x33: {  	p0 =	seq.s32 s10, $0x1;
	s10 =	sld [smem:$0x3FB3];
	_ =	sdelay $0x3  }
0x34: {  	[smem:$0x3FB3] =	sst s10  }
0x35: {  	s10 =	sld [smem:$0x3FB2];
	_ =	sdelay $0x3  }
0x36: {  	p1 =	seq.s32 s10, $0x1;
	s10 =	sld [smem:$0x3FB3];
	_ =	sdelay $0x3  }
0x37: {  	[smem:$0x3FB3] =	sst s10  }
0x38: {  	s10 =	sld [smem:$0x3FB4]  }
0x39: {  	_ = 	snop;
	(pc) =	sbr.ind lr, $3  }
0x3a: {  	_ = 	snop  }
0x3b: {  	_ = 	snop  }
0x3c: {  	p2 =	seq.s32 s10, $0x1;
	s10 =	sld [smem:$0x3FB3]  }
0x3d: {  	_ =	shalt  }
0x3e: {  	_ =	shalt  }
0x3f: {  	_ =	shalt  }
0x40: {  	_ =	shalt  }
0x41: {  	_ =	shalt  }
0x42: {  	_ =	shalt  }
0x43: {  	_ =	shalt  }
0x44: {  	_ =	shalt  }
0x45: {  	_ =	shalt  }
0x46: {  	_ =	shalt  }
0x47: {  	_ =	shalt  }
0x48: {  	_ =	shalt  }
0x49: {  	_ =	shalt  }
0x4a: {  	_ =	shalt  }
0x4b: {  	_ =	shalt  }
0x4c: {  	_ =	shalt  }
0x4d: {  	_ =	shalt  }
0x4e: {  	_ =	shalt  }
0x4f: {  	_ =	shalt  }
0x50: {  	_ =	shalt  }
0x51: {  	_ =	shalt  }
0x52: {  	_ =	shalt  }
0x53: {  	_ =	shalt  }
0x54: {  	_ =	shalt  }
0x55: {  	_ =	shalt  }
0x56: {  	_ =	shalt  }
0x57: {  	_ =	shalt  }
0x58: {  	_ =	shalt  }
0x59: {  	_ =	shalt  }
0x5a: {  	_ =	shalt  }
0x5b: {  	_ =	shalt  }
0x5c: {  	_ =	shalt  }
0x5d: {  	_ =	shalt  }
0x5e: {  	_ =	shalt  }
0x5f: {  	_ =	shalt  }
0x60: {  	_ =	shalt  }
0x61: {  	_ =	shalt  }
0x62: {  	_ =	shalt  }
0x63: {  	_ =	shalt  }
0x64: {  	_ =	shalt  }
0x65: {  	_ =	shalt  }
0x66: {  	_ =	shalt  }
0x67: {  	_ =	shalt  }
0x68: {  	_ =	shalt  }
0x69: {  	_ =	shalt  }
0x6a: {  	_ =	shalt  }
0x6b: {  	_ =	shalt  }
0x6c: {  	_ =	shalt  }
0x6d: {  	_ =	shalt  }
0x6e: {  	_ =	shalt  }
0x6f: {  	_ =	shalt  }
0x70: {  	_ =	shalt  }
0x71: {  	_ =	shalt  }
0x72: {  	_ =	shalt  }
0x73: {  	_ =	shalt  }
0x74: {  	_ =	shalt  }
0x75: {  	_ =	shalt  }
0x76: {  	_ =	shalt  }
0x77: {  	_ =	shalt  }
0x78: {  	_ =	shalt  }
0x79: {  	_ =	shalt  }
0x7a: {  	_ =	shalt  }
0x7b: {  	_ =	shalt  }
0x7c: {  	_ =	shalt  }
0x7d: {  	_ =	shalt  }
0x7e: {  	_ =	shalt  }
0x7f: {  	_ =	shalt  }
0x80: {  	_ =	shalt  }
0x81: {  	_ =	shalt  }
0x82: {  	_ =	shalt  }
0x83: {  	_ =	shalt  }
0x84: {  	_ =	shalt  }
0x85: {  	_ =	shalt  }
0x86: {  	_ =	shalt  }
0x87: {  	_ =	shalt  }
.Lfunc_end0:
.L_simem_size_0:
called_computation.3_lowered:
.L_overlay_start_0:
0x88: {  	s2 =	sld [smem:$0x3FD9]  }
0x89: {  	s3 =	sld [smem:$0x3FFE];
	_ =	sdelay $0x1  }
0x8a: {  	s1 =	srdreg.scid  }
0x8b: {  	s0 =	sand.u32 $0x1, s1  }
0x8c: {  	s16 =	sshll.u32 s0, $0xA;
	s2 =	sadd.s32 s3, s2  }
0x8d: {  	s2 =	sadd.s32 s2, s16  }
0x8e: {  	[smem:$0x3FBF] =	sst s2  }
0x8f: {  	_ = 	snop  }
0x90: {  	(tm) =	ssettm $0x1  }
0x91: {  	s17 =	sld [smem:$0x3FFB];
	_ =	sdelay $0x3  }
0x92: {  	_ =	strace s17  }
0x93: {  	s2 =	sld [smem:$0x3FFC];
	_ =	sdelay $0x3  }
0x94: {  	_ =	strace s2  }
0x95: {  	s2 =	sld [smem:$0x3FFD];
	_ =	sdelay $0x3  }
0x96: {  	_ =	strace s2  }
0x97: {  	_ =	strace $0x8FFFFFFF  }
0x98: {  	s18 =	sld [smem:$0x3FDB];
	_ =	sdelay $0x1  }
0x99: {  	s19 =	simm.s32 $_scs_section_size  }
0x9a: {  	s4 =	simm.s32 $_size__tile_overlayer_lowered;
	s5 =	simm.s32 $_tile_overlayer_lowered  }
0x9b: {  	s22 =	simm.s32 $0x1BFF;
	s21 =	sshll.u32 s5, $0x1;
	s2 =	sadd.s32 s19, s18  }
0x9c: {  	s6 =	simm.s32 $0x0;
	s20 =	sshll.u32 s4, $0x1;
	s4 =	sadd.s32 s21, s2  }
0x9d: {  	[timem:s6], [sflag:s22] =	dma.local [hbm:s4], s20  }
0x9e: {  	_ =	swait.ge [sflag:s22], s20  }
0x9f: {  	s3 =	ssub.s32 $0x0, s20;
	[sflag:s22] =	ssyncset.done $0x0  }
0xa0: {  	[sflag:s22] =	ssyncadd.s32 s3;
	_ =	sdelay $0x1  }
0xa1: {  	s23 =	simm.s32 $0x1B8B  }
0xa2: {  	_ =	swait.ge [sflag:s23], $0x1  }
0xa3: {  	[sflag:s23] =	ssyncset.done $0x0  }
0xa4: {  	s25 =	simm.s32 $0x1B8E;
	s24 =	sld [smem:$0x3FFE];
	[sflag:s23] =	ssyncadd.s32 $0xFFFFFFFF  }
0xa5: {  	s26 =	simm.s32 $execute0_lowered;
	[smem:$0x3FD2] =	sst s25  }
0xa6: {  	s4 =	sshll.u32 s26, $0x1;
	_ =	strace $0x8000004F;
	[dreg:$0x1] =	wrdreg $0xFFFFFFFF  }
0xa7: {  	s28 =	simm.s32 $_size_execute0_lowered;
	s2 =	sadd.s32 s2, s4;
	[dreg:$0x0] =	wrdreg $0x0  }
0xa8: {  	s4 =	sshll.u32 s28, $0x1;
	[dreg:$0x2] =	wrdreg s2  }
0xa9: {  	[dreg:$0x3] =	wrdreg s4  }
0xaa: {  	[dreg:$0x4] =	wrdreg $0xC0  }
0xab: {  	_ =	task [dreg:s6], $0x5FFFF  }
0xac: {  	[dreg:$0x1] =	wrdreg $0xFFFFFFFF  }
0xad: {  	[dreg:$0x0] =	wrdreg $0x60  }
0xae: {  	[dreg:$0x2] =	wrdreg s24  }
0xaf: {  	[dreg:$0x3] =	wrdreg $0x36000  }
0xb0: {  	[dreg:$0x4] =	wrdreg $0x9  }
0xb1: {  	_ =	task.clear_ibuf [dreg:s6], $0x5FFFF;
	_ =	strace $0x9000004F  }
0xb2: {  	s29 =	simm.s32 $0x9;
	_ =	strace $0x80000051  }
0xb3: {  	_ =	swait.ge [sflag:s29], $0x1  }
0xb4: {  	[sflag:s29] =	ssyncadd.s32 $0xFFFFFFFF  }
0xb5: {  	_ =	strace $0x90000051  }
0xb6: {  	_ =	sfence  }
0xb7: {  	s30 =	sld [smem:$0x0];
	_ =	sdelay $0x2  }
0xb8: {  	s31 =	sshll.u32 s1, $0xD;
	s1 =	sshrl.u32 s1, $0x2  }
0xb9: {  	s3 =	sand.u32 $0x4000, s31;
	s1 =	sadd.s32 s1, s30  }
0xba: {  	s0 =	sor.u32 s3, s0;
	s1 =	sshll.u32 s1, $0x11  }
0xbb: {  	s0 =	sor.u32 s1, s0  }
0xbc: {  	s0 =	sadd.s32 $0x8F2B, s0  }
0xbd: {  	[sflag:s0] =	ssyncadd.remote.s32 $0x1  }
0xbe: {  	_ =	sfence.sel $0xFFFF  }
0xbf: {  	[dreg:$0x0] =	wrdreg $0xFFFFFFFF;
	(pc) =	sbr.abs _section_cstart, $3  }
0xc0: {  	[dreg:$0x1] =	wrdreg $0xFFFFFFFF  }
0xc1: {  	_ =	task.clear_ibuf [dreg:s6], $0x2FFFF;
	_ =	strace $0x9FFFFFFF  }
0xc2: {  	(tm) =	ssettm $0x7FFFFFFF  }
0xc3: {  	_ =	shalt  }
tec
execute0_lowered:
.L_overlay_start_1:
0x0: {  	(tag) =	ssettag $0x1  }
0x1: {  	s0 =	rddreg [dreg:$0x0]  }
0x2: {  	s1 =	rddreg [dreg:$0x1];
	s2 =	simm.s32 $0x0  }
0x3: {  	s3 =	srdreg.scid;
	s8 =	stileid.u32;
	s28 =	simm.s32 $0x3  }
0x4: {  	s29 =	simm.s32 $0x2;
	s30 =	simm.s32 $0x4;
	s6 =	smul.u32 $0x62, s8  }
0x5: {  	s31 =	simm.s32 $0x0;
	[smem:$0x7FF] =	sst s2;
	s17 =	smul.u32 $0x1880, s8  }
0x6: {  	s3 =	sand.u32 $0x1, s3;
	s4 =	sadd.s32 $0x1EFE00, s0;
	s13 =	smul.u32 $0x31000, s8  }
0x7: {  	s16 =	sadd.s32 $0x1BEE00, s0;
	s18 =	sadd.s32 $0x1200, s0;
	s5 =	smul.u32 $0x620, s3  }
0x8: {  	_ =	strace $0x80000050;
	s7 =	ssub.s32 $0x2, s3;
	s3 =	smul.u32 $0x18800, s3  }
0x9: {  	s0 =	sadd.s32 s17, s0;
	s19 =	sshrl.u32 s7, $0x1;
	s24 =	sshrl.u32 s13, $0x2  }
0xa: {  	s5 =	sadd.s32 s6, s5;
	s6 =	ssub.s32 s7, s19;
	s14 =	sadd.s32 $0x208600, s0  }
0xb: {  	s15 =	sadd.s32 s24, s1;
	s25 =	sadd.s32 s3, s16;
	s26 =	sadd.s32 s3, s18  }
0xc: {  	s0 =	sadd.s32 s3, s0;
	s19 =	simm.s32 $0x2800;
	s5 =	sshll.u32 s5, $0x6  }
0xd: {  	s24 =	simm.s32 $0x600;
	s6 =	smax.u32 s6, $0x1;
	s20 =	sadd.s32 s16, s5  }
0xe: {  	s21 =	sadd.s32 s18, s5;
	[dreg:$0x5] =	wrdreg s6;
	s22 =	sor.u32 $0x40, s5  }
0xf: {  	s11 =	sadd.s32 $0x80, s5;
	s5 =	sadd.s32 $0x1840, s5;
	[dreg:$0x3] =	wrdreg s20  }
0x10: {  	[dreg:$0x4] =	wrdreg s21;
	s23 =	sadd.s32 s16, s22;
	s6 =	sadd.s32 s18, s22  }
0x11: {  	s10 =	sadd.s32 s16, s11;
	s11 =	sadd.s32 s18, s11;
	s12 =	sadd.s32 s16, s5  }
0x12: {  	s13 =	sadd.s32 s18, s5;
	s16 =	sadd.s32 s17, s25;
	s17 =	sadd.s32 s17, s26  }
0x13: {  	s18 =	sadd.s32 $0x220E00, s0;
	s20 =	simm.s32 $0x5;
	s21 =	simm.s32 $0x200  }
0x14: {  	s22 =	simm.s32 $0x800;
	s25 =	simm.s32 $0x1;
	[dreg:$0x6] =	wrdreg s23  }
0x15: {  	s26 =	simm.s32 $0x1800;
	[dreg:$0x7] =	wrdreg s6;
	s23 =	simm.s32 $0x400  }
.LBB2_1:
0x16: {  	s0 =	sadd.s32 $0x0, s14  }
0x17: {  	[tilespmem:s19], [sflag:$0x5] =	stream.linear.gather [hbm4b:s0+s2], $0xE00, $0x38;
	[tilespmem:$0xFA00] =	vst v63  }
0x18: {  	_ =	swait.ge [sflag:s20], $0xE00  }
0x19: {  	[sflag:s20] =	ssyncset.done $0x0  }
0x1a: {  	[sflag:s20] =	ssyncadd.s32 $0xFFFFF200  }
0x1b: {  	[spmem:s15] =	stream.linear.scatter [tilespmem:s19], [sflag:$0x5], $0xE00, $0x38;
	[tilespmem:$0xFA00] =	vst v63  }
0x1c: {  	s3 =	simm.s32 $0x1C0;
	_ =	swait.ge [sflag:s20], $0xE00  }
0x1d: {  	s5 =	simm.s32 $0x380;
	s0 =	sadd.s32 $0xE00, s15;
	[sflag:s20] =	ssyncset.done $0x0  }
.LBB2_2:
0x1e: {  	s6 =	sadd.s32 s3, s14  }
0x1f: {  	[sflag:s20] =	ssyncadd.s32 $0xFFFFF200;
	s3 =	smov.u32 s5;
	s7 =	sadd.s32 $0x1C0, s5  }
0x20: {  	[tilespmem:s19], [sflag:$0x5] =	stream.linear.gather [hbm4b:s6+s2], $0xE00, $0x38;
	[tilespmem:$0xFA00] =	vst v63  }
0x21: {  	p0 =	sne.s32 s5, $0x16C0;
	_ =	swait.ge [sflag:s20], $0xE00  }
.Ltmp0:
0x22: {  	[sflag:s20] =	ssyncset.done $0x0;
	(pc) =	sbr.rel @p0 .LBB2_2-.Ltmp0, $4  }
0x23: {  	[sflag:s20] =	ssyncadd.s32 $0xFFFFF200  }
0x24: {  	[spmem:s0] =	stream.linear.scatter [tilespmem:s19], [sflag:$0x5], $0xE00, $0x38;
	[tilespmem:$0xFA00] =	vst v63  }
0x25: {  	_ =	swait.ge [sflag:s20], $0xE00  }
0x26: {  	s5 =	smov.u32 s7;
	s0 =	sadd.s32 $0xE00, s0;
	[sflag:s20] =	ssyncset.done $0x0  }
0x27: {  	s3 =	sadd.s32 s3, s14;
	[sflag:s20] =	ssyncadd.s32 $0xFFFFF200  }
0x28: {  	[tilespmem:s19], [sflag:$0x5] =	stream.linear.gather [hbm4b:s3+s2], $0xE00, $0x38;
	[tilespmem:$0xFA00] =	vst v63  }
0x29: {  	_ =	swait.ge [sflag:s20], $0xE00  }
0x2a: {  	[sflag:s20] =	ssyncset.done $0x0  }
0x2b: {  	[sflag:s20] =	ssyncadd.s32 $0xFFFFF200  }
0x2c: {  	[spmem:s0] =	stream.linear.scatter [tilespmem:s19], [sflag:$0x5], $0xE00, $0x38;
	[tilespmem:$0xFA00] =	vst v63  }
0x2d: {  	_ =	swait.ge [sflag:s20], $0xE00  }
0x2e: {  	[sflag:s20] =	ssyncset.done $0x0  }
0x2f: {  	[sflag:s20] =	ssyncadd.s32 $0xFFFFF200  }
0x30: {  	[bflag:$0x0] =	sbarrier.arrive $0xFFFF  }
0x31: {  	s6 =	simm.s32 $0x0;
	s7 =	rddreg [dreg:$0x3]  }
0x32: {  	[tilespmem:s6], [sflag:$0x5] =	stream.linear.gather [hbm4b:s7+s6], $0x200, $0x38;
	[tilespmem:$0xFA00] =	vst v63  }
0x33: {  	_ =	swait.ge [sflag:s20], $0x200  }
0x34: {  	[sflag:s20] =	ssyncset.done $0x0  }
0x35: {  	s8 =	rddreg [dreg:$0x4];
	[sflag:s20] =	ssyncadd.s32 $0xFFFFFE00  }
0x36: {  	[tilespmem:s21], [sflag:$0x5] =	stream.linear.gather [hbm4b:s8+s6], $0x200, $0x38;
	[tilespmem:$0xFA00] =	vst v63  }
0x37: {  	_ =	swait.ge [sflag:s20], $0x200  }
0x38: {  	[sflag:s20] =	ssyncset.done $0x0  }
0x39: {  	[sflag:s20] =	ssyncadd.s32 $0xFFFFFE00  }
0x3a: {  	[tilespmem:s22], [sflag:$0x1] =	stream.indirect.gather [hbm4b:s4+s21], $0x8, s6, s21, $0xb8;
	[tilespmem:$0xFA00] =	vst v63  }
0x3b: {  	s9 =	rddreg [dreg:$0x6]  }
0x3c: {  	[tilespmem:s23], [sflag:$0x5] =	stream.linear.gather [hbm4b:s9+s6], $0x200, $0x38;
	[tilespmem:$0xFA00] =	vst v63  }
0x3d: {  	_ =	swait.ge [sflag:s20], $0x200  }
0x3e: {  	[sflag:s20] =	ssyncset.done $0x0  }
0x3f: {  	s5 =	rddreg [dreg:$0x7];
	[sflag:s20] =	ssyncadd.s32 $0xFFFFFE00  }
0x40: {  	[tilespmem:s24], [sflag:$0x5] =	stream.linear.gather [hbm4b:s5+s6], $0x200, $0x38;
	[tilespmem:$0xFA00] =	vst v63  }
0x41: {  	_ =	swait.ge [sflag:s20], $0x200  }
0x42: {  	[sflag:s20] =	ssyncset.done $0x0  }
0x43: {  	[sflag:s20] =	ssyncadd.s32 $0xFFFFFE00  }
0x44: {  	_ =	swait.ge [sflag:s25], $0x1000  }
0x45: {  	[sflag:s25] =	ssyncset.done $0x0  }
0x46: {  	[sflag:s25] =	ssyncadd.s32 $0xFFFFF000  }
0x47: {  	[spmem:s1] =	stream.indirect.scatter.add.f32 [tilespmem:s22], [sflag:$0x3], $0x8, s21, s21, $0xb8;
	[tilespmem:$0xFA00] =	vst v63  }
0x48: {  	_ = 	snop  }
0x49: {  	[tilespmem:s26], [sflag:$0x2] =	stream.indirect.gather [hbm4b:s4+s21], $0x8, s23, s21, $0xb8;
	[tilespmem:$0xFA00] =	vst v63  }
0x4a: {  	_ =	swait.ge [sflag:s28], $0x1000  }
0x4b: {  	[sflag:s28] =	ssyncset.done $0x0  }
0x4c: {  	[sflag:s28] =	ssyncadd.s32 $0xFFFFF000  }
0x4d: {  	[tilespmem:s6], [sflag:$0x5] =	stream.linear.gather [hbm4b:s10+s6], $0x200, $0x38;
	[tilespmem:$0xFA00] =	vst v63  }
0x4e: {  	_ =	swait.ge [sflag:s20], $0x200  }
0x4f: {  	[sflag:s20] =	ssyncset.done $0x0  }
0x50: {  	[sflag:s20] =	ssyncadd.s32 $0xFFFFFE00  }
0x51: {  	[tilespmem:s21], [sflag:$0x5] =	stream.linear.gather [hbm4b:s11+s6], $0x200, $0x38;
	[tilespmem:$0xFA00] =	vst v63  }
0x52: {  	_ =	swait.ge [sflag:s20], $0x200  }
0x53: {  	[sflag:s20] =	ssyncset.done $0x0  }
0x54: {  	[sflag:s20] =	ssyncadd.s32 $0xFFFFFE00  }
0x55: {  	[tilespmem:s22], [sflag:$0x1] =	stream.indirect.gather [hbm4b:s4+s21], $0x8, s6, s21, $0xb8;
	[tilespmem:$0xFA00] =	vst v63  }
0x56: {  	_ =	swait.ge [sflag:s29], $0x1000  }
0x57: {  	[sflag:s29] =	ssyncset.done $0x0  }
0x58: {  	s6 =	sadd.s32 $0x0, s16;
	[sflag:s29] =	ssyncadd.s32 $0xFFFFF000  }
0x59: {  	[spmem:s1] =	stream.indirect.scatter.add.f32 [tilespmem:s26], [sflag:$0x4], $0x8, s24, s21, $0xb8;
	[tilespmem:$0xFA00] =	vst v63  }
0x5a: {  	s7 =	sadd.s32 $0xC0, s6  }
0x5b: {  	[tilespmem:s23], [sflag:$0x5] =	stream.linear.gather [hbm4b:s7+s2], $0x200, $0x38;
	[tilespmem:$0xFA00] =	vst v63  }
0x5c: {  	_ =	swait.ge [sflag:s20], $0x200  }
0x5d: {  	s8 =	sadd.s32 $0x0, s17;
	[sflag:s20] =	ssyncset.done $0x0  }
0x5e: {  	s5 =	sadd.s32 $0xC0, s8;
	[sflag:s20] =	ssyncadd.s32 $0xFFFFFE00  }
0x5f: {  	[tilespmem:s24], [sflag:$0x5] =	stream.linear.gather [hbm4b:s5+s2], $0x200, $0x38;
	[tilespmem:$0xFA00] =	vst v63  }
0x60: {  	_ =	swait.ge [sflag:s20], $0x200  }
0x61: {  	[sflag:s20] =	ssyncset.done $0x0  }
0x62: {  	[sflag:s20] =	ssyncadd.s32 $0xFFFFFE00  }
0x63: {  	_ =	swait.ge [sflag:s30], $0x1000  }
0x64: {  	[sflag:s30] =	ssyncset.done $0x0  }
0x65: {  	[sflag:s30] =	ssyncadd.s32 $0xFFFFF000  }
0x66: {  	_ =	swait.ge [sflag:s25], $0x1000  }
0x67: {  	[sflag:s25] =	ssyncset.done $0x0  }
0x68: {  	[sflag:s25] =	ssyncadd.s32 $0xFFFFF000  }
0x69: {  	[spmem:s1] =	stream.indirect.scatter.add.f32 [tilespmem:s22], [sflag:$0x3], $0x8, s21, s21, $0xb8;
	[tilespmem:$0xFA00] =	vst v63  }
0x6a: {  	_ = 	snop  }
0x6b: {  	[tilespmem:s26], [sflag:$0x2] =	stream.indirect.gather [hbm4b:s4+s21], $0x8, s23, s21, $0xb8;
	[tilespmem:$0xFA00] =	vst v63  }
0x6c: {  	_ =	swait.ge [sflag:s28], $0x1000  }
0x6d: {  	[sflag:s28] =	ssyncset.done $0x0  }
0x6e: {  	s0 =	sadd.s32 $0x100, s6;
	[sflag:s28] =	ssyncadd.s32 $0xFFFFF000  }
0x6f: {  	[tilespmem:s2], [sflag:$0x5] =	stream.linear.gather [hbm4b:s0+s2], $0x200, $0x38;
	[tilespmem:$0xFA00] =	vst v63  }
0x70: {  	_ =	swait.ge [sflag:s20], $0x200  }
0x71: {  	[sflag:s20] =	ssyncset.done $0x0  }
0x72: {  	s9 =	sadd.s32 $0x100, s8;
	[sflag:s20] =	ssyncadd.s32 $0xFFFFFE00  }
0x73: {  	[tilespmem:s21], [sflag:$0x5] =	stream.linear.gather [hbm4b:s9+s2], $0x200, $0x38;
	[tilespmem:$0xFA00] =	vst v63  }
0x74: {  	_ =	swait.ge [sflag:s20], $0x200  }
0x75: {  	[sflag:s20] =	ssyncset.done $0x0  }
0x76: {  	[sflag:s20] =	ssyncadd.s32 $0xFFFFFE00  }
0x77: {  	[tilespmem:s22], [sflag:$0x1] =	stream.indirect.gather [hbm4b:s4+s21], $0x8, s2, s21, $0xb8;
	[tilespmem:$0xFA00] =	vst v63  }
0x78: {  	_ =	swait.ge [sflag:s29], $0x1000  }
0x79: {  	s3 =	simm.s32 $0x80;
	[sflag:s29] =	ssyncset.done $0x0  }
0x7a: {  	s5 =	simm.s32 $0x100;
	s0 =	sadd.s32 $0x80, s16;
	[sflag:s29] =	ssyncadd.s32 $0xFFFFF000  }
.LBB2_4:
0x7b: {  	[spmem:s1] =	stream.indirect.scatter.add.f32 [tilespmem:s26], [sflag:$0x4], $0x8, s24, s21, $0xb8;
	[tilespmem:$0xFA00] =	vst v63  }
0x7c: {  	s7 =	smov.u32 s5  }
0x7d: {  	s6 =	sadd.s32 $0x80, s5;
	s9 =	sadd.s32 $0xC0, s0;
	s8 =	sadd.s32 s7, s16  }
0x7e: {  	[tilespmem:s23], [sflag:$0x5] =	stream.linear.gather [hbm4b:s9+s2], $0x200, $0x38;
	[tilespmem:$0xFA00] =	vst v63  }
0x7f: {  	p0 =	sne.s32 s5, $0x1700;
	_ =	swait.ge [sflag:s20], $0x200  }
0x80: {  	s5 =	sadd.s32 s3, s17;
	s3 =	smov.u32 s7;
	[sflag:s20] =	ssyncset.done $0x0  }
0x81: {  	s7 =	sadd.s32 $0xC0, s5;
	[sflag:s20] =	ssyncadd.s32 $0xFFFFFE00  }
0x82: {  	[tilespmem:s24], [sflag:$0x5] =	stream.linear.gather [hbm4b:s7+s2], $0x200, $0x38;
	[tilespmem:$0xFA00] =	vst v63  }
0x83: {  	_ =	swait.ge [sflag:s20], $0x200  }
0x84: {  	[sflag:s20] =	ssyncset.done $0x0  }
0x85: {  	[sflag:s20] =	ssyncadd.s32 $0xFFFFFE00  }
0x86: {  	_ =	swait.ge [sflag:s30], $0x1000  }
0x87: {  	[sflag:s30] =	ssyncset.done $0x0  }
0x88: {  	[sflag:s30] =	ssyncadd.s32 $0xFFFFF000  }
0x89: {  	_ =	swait.ge [sflag:s25], $0x1000  }
0x8a: {  	[sflag:s25] =	ssyncset.done $0x0  }
0x8b: {  	[sflag:s25] =	ssyncadd.s32 $0xFFFFF000  }
0x8c: {  	[spmem:s1] =	stream.indirect.scatter.add.f32 [tilespmem:s22], [sflag:$0x3], $0x8, s21, s21, $0xb8;
	[tilespmem:$0xFA00] =	vst v63  }
0x8d: {  	_ = 	snop  }
0x8e: {  	[tilespmem:s26], [sflag:$0x2] =	stream.indirect.gather [hbm4b:s4+s21], $0x8, s23, s21, $0xb8;
	[tilespmem:$0xFA00] =	vst v63  }
0x8f: {  	_ =	swait.ge [sflag:s28], $0x1000  }
0x90: {  	[sflag:s28] =	ssyncset.done $0x0  }
0x91: {  	s7 =	sadd.s32 $0x100, s0;
	s0 =	smov.u32 s8;
	[sflag:s28] =	ssyncadd.s32 $0xFFFFF000  }
0x92: {  	[tilespmem:s2], [sflag:$0x5] =	stream.linear.gather [hbm4b:s7+s2], $0x200, $0x38;
	[tilespmem:$0xFA00] =	vst v63  }
0x93: {  	_ =	swait.ge [sflag:s20], $0x200  }
0x94: {  	[sflag:s20] =	ssyncset.done $0x0  }
0x95: {  	s5 =	sadd.s32 $0x100, s5;
	[sflag:s20] =	ssyncadd.s32 $0xFFFFFE00  }
0x96: {  	[tilespmem:s21], [sflag:$0x5] =	stream.linear.gather [hbm4b:s5+s2], $0x200, $0x38;
	[tilespmem:$0xFA00] =	vst v63  }
0x97: {  	_ =	swait.ge [sflag:s20], $0x200  }
0x98: {  	[sflag:s20] =	ssyncset.done $0x0  }
.Ltmp1:
0x99: {  	[sflag:s20] =	ssyncadd.s32 $0xFFFFFE00;
	(pc) =	sbr.rel @p0 .LBB2_4-.Ltmp1, $4  }
0x9a: {  	[tilespmem:s22], [sflag:$0x1] =	stream.indirect.gather [hbm4b:s4+s21], $0x8, s2, s21, $0xb8;
	[tilespmem:$0xFA00] =	vst v63  }
0x9b: {  	_ =	swait.ge [sflag:s29], $0x1000  }
0x9c: {  	[sflag:s29] =	ssyncset.done $0x0  }
0x9d: {  	s5 =	smov.u32 s6;
	[sflag:s29] =	ssyncadd.s32 $0xFFFFF000  }
0x9e: {  	[spmem:s1] =	stream.indirect.scatter.add.f32 [tilespmem:s26], [sflag:$0x4], $0x8, s24, s21, $0xb8;
	[tilespmem:$0xFA00] =	vst v63  }
0x9f: {  	s5 =	sadd.s32 $0xC0, s0  }
0xa0: {  	[tilespmem:s23], [sflag:$0x5] =	stream.linear.gather [hbm4b:s5+s2], $0x200, $0x38;
	[tilespmem:$0xFA00] =	vst v63  }
0xa1: {  	_ =	swait.ge [sflag:s20], $0x200  }
0xa2: {  	s3 =	sadd.s32 s3, s17;
	[sflag:s20] =	ssyncset.done $0x0  }
0xa3: {  	s9 =	sadd.s32 $0xC0, s3;
	[sflag:s20] =	ssyncadd.s32 $0xFFFFFE00  }
0xa4: {  	[tilespmem:s24], [sflag:$0x5] =	stream.linear.gather [hbm4b:s9+s2], $0x200, $0x38;
	[tilespmem:$0xFA00] =	vst v63  }
0xa5: {  	_ =	swait.ge [sflag:s20], $0x200  }
0xa6: {  	[sflag:s20] =	ssyncset.done $0x0  }
0xa7: {  	[sflag:s20] =	ssyncadd.s32 $0xFFFFFE00  }
0xa8: {  	_ =	swait.ge [sflag:s30], $0x1000  }
0xa9: {  	[sflag:s30] =	ssyncset.done $0x0  }
0xaa: {  	[sflag:s30] =	ssyncadd.s32 $0xFFFFF000  }
0xab: {  	_ =	swait.ge [sflag:s25], $0x1000  }
0xac: {  	[sflag:s25] =	ssyncset.done $0x0  }
0xad: {  	[sflag:s25] =	ssyncadd.s32 $0xFFFFF000  }
0xae: {  	[spmem:s1] =	stream.indirect.scatter.add.f32 [tilespmem:s22], [sflag:$0x3], $0x8, s21, s21, $0xb8;
	[tilespmem:$0xFA00] =	vst v63  }
0xaf: {  	_ = 	snop  }
0xb0: {  	[tilespmem:s26], [sflag:$0x2] =	stream.indirect.gather [hbm4b:s4+s21], $0x8, s23, s21, $0xb8;
	[tilespmem:$0xFA00] =	vst v63  }
0xb1: {  	_ =	swait.ge [sflag:s28], $0x1000  }
0xb2: {  	[sflag:s28] =	ssyncset.done $0x0  }
0xb3: {  	s6 =	sadd.s32 $0x100, s0;
	[sflag:s28] =	ssyncadd.s32 $0xFFFFF000  }
0xb4: {  	[tilespmem:s2], [sflag:$0x5] =	stream.linear.gather [hbm4b:s6+s2], $0x200, $0x38;
	[tilespmem:$0xFA00] =	vst v63  }
0xb5: {  	_ =	swait.ge [sflag:s20], $0x200  }
0xb6: {  	[sflag:s20] =	ssyncset.done $0x0  }
0xb7: {  	s7 =	sadd.s32 $0x100, s3;
	[sflag:s20] =	ssyncadd.s32 $0xFFFFFE00  }
0xb8: {  	[tilespmem:s21], [sflag:$0x5] =	stream.linear.gather [hbm4b:s7+s2], $0x200, $0x38;
	[tilespmem:$0xFA00] =	vst v63  }
0xb9: {  	_ =	swait.ge [sflag:s20], $0x200  }
0xba: {  	[sflag:s20] =	ssyncset.done $0x0  }
0xbb: {  	[sflag:s20] =	ssyncadd.s32 $0xFFFFFE00  }
0xbc: {  	[tilespmem:s22], [sflag:$0x1] =	stream.indirect.gather [hbm4b:s4+s21], $0x8, s2, s21, $0xb8;
	[tilespmem:$0xFA00] =	vst v63  }
0xbd: {  	_ =	swait.ge [sflag:s29], $0x1000  }
0xbe: {  	[sflag:s29] =	ssyncset.done $0x0  }
0xbf: {  	[sflag:s29] =	ssyncadd.s32 $0xFFFFF000  }
0xc0: {  	[spmem:s1] =	stream.indirect.scatter.add.f32 [tilespmem:s26], [sflag:$0x4], $0x8, s24, s21, $0xb8;
	[tilespmem:$0xFA00] =	vst v63  }
0xc1: {  	s8 =	simm.s32 $0x0  }
0xc2: {  	[tilespmem:s23], [sflag:$0x5] =	stream.linear.gather [hbm4b:s12+s8], $0x200, $0x38;
	[tilespmem:$0xFA00] =	vst v63  }
0xc3: {  	_ =	swait.ge [sflag:s20], $0x200  }
0xc4: {  	[sflag:s20] =	ssyncset.done $0x0  }
0xc5: {  	[sflag:s20] =	ssyncadd.s32 $0xFFFFFE00  }
0xc6: {  	[tilespmem:s24], [sflag:$0x5] =	stream.linear.gather [hbm4b:s13+s8], $0x200, $0x38;
	[tilespmem:$0xFA00] =	vst v63  }
0xc7: {  	_ =	swait.ge [sflag:s20], $0x200  }
0xc8: {  	[sflag:s20] =	ssyncset.done $0x0  }
0xc9: {  	[sflag:s20] =	ssyncadd.s32 $0xFFFFFE00  }
0xca: {  	_ =	swait.ge [sflag:s30], $0x1000  }
0xcb: {  	[sflag:s30] =	ssyncset.done $0x0  }
0xcc: {  	[sflag:s30] =	ssyncadd.s32 $0xFFFFF000  }
0xcd: {  	_ =	swait.ge [sflag:s25], $0x1000  }
0xce: {  	[sflag:s25] =	ssyncset.done $0x0  }
0xcf: {  	[sflag:s25] =	ssyncadd.s32 $0xFFFFF000  }
0xd0: {  	[spmem:s1] =	stream.indirect.scatter.add.f32 [tilespmem:s22], [sflag:$0x3], $0x8, s21, s21, $0xb8;
	[tilespmem:$0xFA00] =	vst v63  }
0xd1: {  	_ = 	snop  }
0xd2: {  	[tilespmem:s26], [sflag:$0x2] =	stream.indirect.gather [hbm4b:s4+s21], $0x8, s23, s21, $0xb8;
	[tilespmem:$0xFA00] =	vst v63  }
0xd3: {  	_ =	swait.ge [sflag:s28], $0x1000  }
0xd4: {  	[sflag:s28] =	ssyncset.done $0x0  }
0xd5: {  	[sflag:s28] =	ssyncadd.s32 $0xFFFFF000  }
0xd6: {  	_ =	swait.ge [sflag:s29], $0x1000  }
0xd7: {  	[sflag:s29] =	ssyncset.done $0x0  }
0xd8: {  	[sflag:s29] =	ssyncadd.s32 $0xFFFFF000  }
0xd9: {  	[spmem:s1] =	stream.indirect.scatter.add.f32 [tilespmem:s26], [sflag:$0x4], $0x8, s24, s21, $0xb8;
	[tilespmem:$0xFA00] =	vst v63  }
0xda: {  	_ =	swait.ge [sflag:s30], $0x1000  }
0xdb: {  	[sflag:s30] =	ssyncset.done $0x0  }
0xdc: {  	[sflag:s30] =	ssyncadd.s32 $0xFFFFF000  }
0xdd: {  	[bflag:$0x0] =	sbarrier.arrive $0xFFFF  }
0xde: {  	[tilespmem:s19], [sflag:$0x5] =	stream.linear.gather [spmem:s15], $0xE00, $0x38;
	[tilespmem:$0xFA00] =	vst v63  }
0xdf: {  	_ =	swait.ge [sflag:s20], $0xE00  }
0xe0: {  	[sflag:s20] =	ssyncset.done $0x0  }
0xe1: {  	s9 =	sadd.s32 $0x0, s18;
	[sflag:s20] =	ssyncadd.s32 $0xFFFFF200  }
0xe2: {  	[hbm4b:s9+s2] =	stream.linear.scatter [tilespmem:s19], [sflag:$0x5], $0xE00, $0x38;
	[tilespmem:$0xFA00] =	vst v63  }
0xe3: {  	_ =	swait.ge [sflag:s20], $0xE00  }
0xe4: {  	s0 =	simm.s32 $0x1C0;
	s3 =	smov.u32 s15;
	[sflag:s20] =	ssyncset.done $0x0  }
.LBB2_6:
0xe5: {  	p0 =	sne.s32 s0, $0x16C0;
	[sflag:s20] =	ssyncadd.s32 $0xFFFFF200;
	s3 =	sadd.s32 $0xE00, s3  }
0xe6: {  	[tilespmem:s19], [sflag:$0x5] =	stream.linear.gather [spmem:s3], $0xE00, $0x38;
	[tilespmem:$0xFA00] =	vst v63  }
0xe7: {  	s5 =	smov.u32 s0;
	s0 =	sadd.s32 $0x1C0, s0;
	_ =	swait.ge [sflag:s20], $0xE00  }
.Ltmp2:
0xe8: {  	[sflag:s20] =	ssyncset.done $0x0;
	(pc) =	sbr.rel @p0 .LBB2_6-.Ltmp2, $4  }
0xe9: {  	s5 =	sadd.s32 s5, s18;
	[sflag:s20] =	ssyncadd.s32 $0xFFFFF200  }
0xea: {  	[hbm4b:s5+s2] =	stream.linear.scatter [tilespmem:s19], [sflag:$0x5], $0xE00, $0x38;
	[tilespmem:$0xFA00] =	vst v63  }
0xeb: {  	_ =	swait.ge [sflag:s20], $0xE00  }
0xec: {  	[sflag:s20] =	ssyncset.done $0x0  }
0xed: {  	s31 =	sadd.s32 $0x1, s31;
	s0 =	rddreg [dreg:$0x5]  }
0xee: {  	p0 =	sne.s32 s31, s0  }
.Ltmp3:
0xef: {  	_ = 	snop;
	(pc) =	sbr.rel @p0 .LBB2_1-.Ltmp3, $2  }
0xf0: {  	_ =	sdelay $0x2  }
0xf1: {  	[sflag:s20] =	ssyncadd.s32 $0xFFFFF200  }
0xf2: {  	_ =	sfence.sel $0x180000  }
0xf3: {  	[bflag:$0x0] =	sbarrier.arrive $0xFFFF  }
0xf4: {  	_ =	strace $0x90000050  }
0xf5: {  	s0 =	stileid.u32;
	[bflag:$0x2] =	sbarrier.arrive $0xFFFF  }
0xf6: {  	p0 =	sne.s32 s0, $0x0;
	s0 =	rddreg [dreg:$0x2]  }
0xf7: {  	s0 =	sadd.s32 @!p0 $0x100000, s0  }
0xf8: {  	[sflag:s0] =	ssyncadd.tile.s32 @!p0 $0x1;
	_ =	shalt  }
.Lfunc_end2:
_tile_overlayer_lowered:
.L_overlay_start_2:
0xf9: {  	(tag) =	ssettag $0x2  }
0xfa: {  	s0 =	rddreg [dreg:$0x0];
	s2 =	stileid.u32  }
0xfb: {  	s1 =	rddreg [dreg:$0x1];
	p0 =	sne.s32 s2, $0x0  }
0xfc: {  	s3 =	rddreg [dreg:$0x2];
	[bflag:$0x3] =	sbarrier.arrive $0xFFFF;
	s2 =	simm.s32 @!p0 $0x1C05  }
0xfd: {  	[timem:s3], [sflag:s2] =	dma.local @!p0 [hbm:s0], s1  }
0xfe: {  	s0 =	simm.s32 @!p0 $0x5  }
0xff: {  	_ =	swait.ge @!p0 [sflag:s0], s1  }
0x100: {  	s1 =	ssub.s32 @!p0 $0x0, s1;
	[sflag:s0] =	ssyncset.done @!p0 $0x0  }
0x101: {  	[sflag:s0] =	ssyncadd.s32 @!p0 s1  }
0x102: {  	[bflag:$0x3] =	sbarrier.arrive $0xFFFF  }
0x103: {  	_ =	shalt  }

</sc_bundles>
